<compile_context>
chip_gen: v7x
topology: tpu7x:2x2x1
jax: 0.10.2.dev20260603
libtpu: 0.0.44.dev20260713+nightly
codegen_flags: <defaults>
</compile_context>

<pallas_src>
import functools

import jax
import jax.numpy as jnp
from jax import lax
from jax.experimental import pallas as pl
from jax.experimental.pallas import tpu as pltpu
from jax.experimental.pallas import tpu_sc as plsc

_CHUNK = 32
_NBUF = 3


@functools.lru_cache(maxsize=None)
def _build(V, D, N, chunk, nbuf):
    info = plsc.get_sparse_core_info()
    NC, NS = info.num_cores, info.num_subcores
    NW = NC * NS
    rows_per_w = N // NW
    n_chunks = rows_per_w // chunk
    mesh = plsc.VectorSubcoreMesh(core_axis_name="c", subcore_axis_name="s")

    @functools.partial(
        pl.kernel,
        mesh=mesh,
        out_type=jax.ShapeDtypeStruct((N, D), jnp.float32),
        scratch_types=[pltpu.VMEM((chunk,), jnp.int32)] * nbuf
        + [pltpu.VMEM((nbuf, chunk, D), jnp.float32)]
        + [pltpu.SemaphoreType.DMA] * (3 * nbuf),
    )
    def k(idx_hbm, table_hbm, out_hbm, *refs):
        idx_bufs = refs[:nbuf]
        rows_v = refs[nbuf]
        isem = refs[nbuf + 1:nbuf + 1 + nbuf]
        gsem = refs[nbuf + 1 + nbuf:nbuf + 1 + 2 * nbuf]
        ssem = refs[nbuf + 1 + 2 * nbuf:]
        wid = lax.axis_index("s") * NC + lax.axis_index("c")
        base = wid * rows_per_w
        idx0 = wid * n_chunks
        iloads = [None] * nbuf
        gets = [None] * nbuf
        puts = [None] * nbuf
        for j in range(min(nbuf, n_chunks)):
            iloads[j] = pltpu.async_copy(
                idx_hbm.at[idx0 + j], idx_bufs[j], isem[j])
        for j in range(min(nbuf, n_chunks)):
            iloads[j].wait()
            gets[j] = pltpu.async_copy(
                table_hbm.at[idx_bufs[j]], rows_v.at[j], gsem[j])
        for j in range(n_chunks):
            b = j % nbuf
            jn = j + nbuf
            gets[b].wait()
            puts[b] = pltpu.async_copy(
                rows_v.at[b], out_hbm.at[pl.ds(base + j * chunk, chunk)],
                ssem[b])
            if jn < n_chunks:
                iloads[b] = pltpu.async_copy(
                    idx_hbm.at[idx0 + jn], idx_bufs[b], isem[b])
                puts[b].wait()
                iloads[b].wait()
                gets[b] = pltpu.async_copy(
                    table_hbm.at[idx_bufs[b]], rows_v.at[b], gsem[b])
        for j in range(max(0, n_chunks - nbuf), n_chunks):
            puts[j % nbuf].wait()

    return k


def kernel(positions, embedding):
    B, T = positions.shape
    V, D = embedding.shape
    N = B * T
    idx = positions.reshape(N // _CHUNK, _CHUNK).astype(jnp.int32)
    out = _build(V, D, N, _CHUNK, _NBUF)(idx, embedding)
    return out.reshape(B, T, D)

# --- scband reference (transcript-rebuilt; emitter-appended) ---
"""Pipeline reference for scband-learned-positional-embedding-90795608638315 (READ-ONLY COPY).

The authoritative reference and input builder live on the scoring server;
editing this copy changes nothing except your own understanding.
"""

import jax, jax.numpy as jnp
import numpy as np

DIM = 1024
MAX_SEQ_LEN = 8192
BATCH = 4
SEQ = 8192

def setup_inputs(seed: int = 0) -> dict:
    key = jax.random.key(seed)
    k_pos, k_emb = jax.random.split(key)
    positions = jax.random.randint(k_pos, (BATCH, SEQ), 0, MAX_SEQ_LEN, dtype=jnp.int64 if jax.config.jax_enable_x64 else jnp.int32)
    embedding = jax.random.normal(k_emb, (MAX_SEQ_LEN, DIM), dtype=jnp.float32)
    return {"positions": positions, "embedding": embedding}

def reference(positions, embedding):
    # nn.Embedding lookup: table[positions] -> [B, T, D]
    return jnp.take(embedding, positions, axis=0)

if __name__ == "__main__":
    import jax
    _d = setup_inputs()
    print(jax.jit(kernel)(*tuple(_d.values())))

</pallas_src>

<mosaic_0001>
#map = affine_map<(d0, d1) -> (0, 0)>
module attributes {stable_mosaic.version = 14 : i64} {
  func.func @k(%arg0: i32, %arg1: i32, %arg2: memref<1024x32xi32, #tpu.memory_space<hbm>>, %arg3: memref<8192x1024xf32, #tpu.memory_space<hbm>>, %arg4: memref<32768x1024xf32, #tpu.memory_space<hbm>>, %arg5: memref<32xi32, #tpu.memory_space<vmem>>, %arg6: memref<32xi32, #tpu.memory_space<vmem>>, %arg7: memref<32xi32, #tpu.memory_space<vmem>>, %arg8: memref<3x32x1024xf32, #tpu.memory_space<vmem>>, %arg9: memref<!tpu.dma_semaphore, #tpu.memory_space<semaphore_mem>>, %arg10: memref<!tpu.dma_semaphore, #tpu.memory_space<semaphore_mem>>, %arg11: memref<!tpu.dma_semaphore, #tpu.memory_space<semaphore_mem>>, %arg12: memref<!tpu.dma_semaphore, #tpu.memory_space<semaphore_mem>>, %arg13: memref<!tpu.dma_semaphore, #tpu.memory_space<semaphore_mem>>, %arg14: memref<!tpu.dma_semaphore, #tpu.memory_space<semaphore_mem>>, %arg15: memref<!tpu.dma_semaphore, #tpu.memory_space<semaphore_mem>>, %arg16: memref<!tpu.dma_semaphore, #tpu.memory_space<semaphore_mem>>, %arg17: memref<!tpu.dma_semaphore, #tpu.memory_space<semaphore_mem>>) attributes {dimension_semantics = [#tpu.dimension_semantics<core_parallel>, #tpu.dimension_semantics<subcore_parallel>], iteration_bounds = array<i64: 2, 16>, scalar_prefetch = 0 : i64, scratch_operands = 13 : i64, tpu.core_type = #tpu.core_type<sc_vector_subcore>, window_params = [{transform_indices = #map}, {transform_indices = #map}, {transform_indices = #map}]} {
    %mul3A = arith.constant 2 : i32
    %mul3A_0 = arith.muli %arg1, %mul3A : i32
    %add3A = arith.addi %mul3A_0, %arg0 : i32
    %mul3A_1 = arith.constant 1024 : i32
    %mul3A_2 = arith.muli %add3A, %mul3A_1 : i32
    %mul3A_3 = arith.constant 32 : i32
    %mul3A_4 = arith.muli %add3A, %mul3A_3 : i32
    %add3A_5 = arith.constant 0 : i32
    %add3A_6 = arith.addi %mul3A_4, %add3A_5 : i32
    %dma_start3A = arith.constant 0 : i32
    %dma_start3A_7 = tpu.memref_slice %arg2[%add3A_6, %dma_start3A] : memref<1024x32xi32, #tpu.memory_space<hbm>> -> memref<1x32xi32, #tpu.memory_space<hbm>>
    %dma_start3A_8 = tpu.memref_squeeze %dma_start3A_7 : memref<1x32xi32, #tpu.memory_space<hbm>> -> memref<32xi32, #tpu.memory_space<hbm>>
    %dma_start3A_9 = arith.constant 0 : i32
    %dma_start3A_10 = tpu.memref_slice %arg2[%add3A_6, %dma_start3A_9] : memref<1024x32xi32, #tpu.memory_space<hbm>> -> memref<1x32xi32, #tpu.memory_space<hbm>>
    %dma_start3A_11 = tpu.memref_squeeze %dma_start3A_10 : memref<1x32xi32, #tpu.memory_space<hbm>> -> memref<32xi32, #tpu.memory_space<hbm>>
    tpu.enqueue_dma source(%dma_start3A_11 : memref<32xi32, #tpu.memory_space<hbm>>) target(%arg5 : memref<32xi32, #tpu.memory_space<vmem>>) target_semaphore(%arg9 : memref<!tpu.dma_semaphore, #tpu.memory_space<semaphore_mem>>)
    %add3A_12 = arith.constant 1 : i32
    %add3A_13 = arith.addi %mul3A_4, %add3A_12 : i32
    %dma_start3A_14 = arith.constant 0 : i32
    %dma_start3A_15 = tpu.memref_slice %arg2[%add3A_13, %dma_start3A_14] : memref<1024x32xi32, #tpu.memory_space<hbm>> -> memref<1x32xi32, #tpu.memory_space<hbm>>
    %dma_start3A_16 = tpu.memref_squeeze %dma_start3A_15 : memref<1x32xi32, #tpu.memory_space<hbm>> -> memref<32xi32, #tpu.memory_space<hbm>>
    %dma_start3A_17 = arith.constant 0 : i32
    %dma_start3A_18 = tpu.memref_slice %arg2[%add3A_13, %dma_start3A_17] : memref<1024x32xi32, #tpu.memory_space<hbm>> -> memref<1x32xi32, #tpu.memory_space<hbm>>
    %dma_start3A_19 = tpu.memref_squeeze %dma_start3A_18 : memref<1x32xi32, #tpu.memory_space<hbm>> -> memref<32xi32, #tpu.memory_space<hbm>>
    tpu.enqueue_dma source(%dma_start3A_19 : memref<32xi32, #tpu.memory_space<hbm>>) target(%arg6 : memref<32xi32, #tpu.memory_space<vmem>>) target_semaphore(%arg10 : memref<!tpu.dma_semaphore, #tpu.memory_space<semaphore_mem>>)
    %add3A_20 = arith.constant 2 : i32
    %add3A_21 = arith.addi %mul3A_4, %add3A_20 : i32
    %dma_start3A_22 = arith.constant 0 : i32
    %dma_start3A_23 = tpu.memref_slice %arg2[%add3A_21, %dma_start3A_22] : memref<1024x32xi32, #tpu.memory_space<hbm>> -> memref<1x32xi32, #tpu.memory_space<hbm>>
    %dma_start3A_24 = tpu.memref_squeeze %dma_start3A_23 : memref<1x32xi32, #tpu.memory_space<hbm>> -> memref<32xi32, #tpu.memory_space<hbm>>
    %dma_start3A_25 = arith.constant 0 : i32
    %dma_start3A_26 = tpu.memref_slice %arg2[%add3A_21, %dma_start3A_25] : memref<1024x32xi32, #tpu.memory_space<hbm>> -> memref<1x32xi32, #tpu.memory_space<hbm>>
    %dma_start3A_27 = tpu.memref_squeeze %dma_start3A_26 : memref<1x32xi32, #tpu.memory_space<hbm>> -> memref<32xi32, #tpu.memory_space<hbm>>
    tpu.enqueue_dma source(%dma_start3A_27 : memref<32xi32, #tpu.memory_space<hbm>>) target(%arg7 : memref<32xi32, #tpu.memory_space<vmem>>) target_semaphore(%arg11 : memref<!tpu.dma_semaphore, #tpu.memory_space<semaphore_mem>>)
    %dma_wait3A = arith.constant 0 : i32
    %dma_wait3A_28 = tpu.memref_slice %arg2[%add3A_6, %dma_wait3A] : memref<1024x32xi32, #tpu.memory_space<hbm>> -> memref<1x32xi32, #tpu.memory_space<hbm>>
    %dma_wait3A_29 = tpu.memref_squeeze %dma_wait3A_28 : memref<1x32xi32, #tpu.memory_space<hbm>> -> memref<32xi32, #tpu.memory_space<hbm>>
    %dma_wait3A_30 = arith.constant 0 : i32
    %dma_wait3A_31 = tpu.memref_slice %arg2[%add3A_6, %dma_wait3A_30] : memref<1024x32xi32, #tpu.memory_space<hbm>> -> memref<1x32xi32, #tpu.memory_space<hbm>>
    %dma_wait3A_32 = tpu.memref_squeeze %dma_wait3A_31 : memref<1x32xi32, #tpu.memory_space<hbm>> -> memref<32xi32, #tpu.memory_space<hbm>>
    tpu.wait_dma2 semaphore(%arg9 : memref<!tpu.dma_semaphore, #tpu.memory_space<semaphore_mem>>) src(%dma_wait3A_32 : memref<32xi32, #tpu.memory_space<hbm>>) dst(%arg5 : memref<32xi32, #tpu.memory_space<vmem>>)
    %dma_start3A_33 = arith.constant 0 : i32
    %dma_start3A_34 = arith.constant 0 : i32
    %dma_start3A_35 = arith.constant 0 : i32
    %dma_start3A_36 = tpu.memref_slice %arg8[%dma_start3A_33, %dma_start3A_34, %dma_start3A_35] : memref<3x32x1024xf32, #tpu.memory_space<vmem>> -> memref<1x32x1024xf32, #tpu.memory_space<vmem>>
    %dma_start3A_37 = tpu.memref_squeeze %dma_start3A_36 : memref<1x32x1024xf32, #tpu.memory_space<vmem>> -> memref<32x1024xf32, #tpu.memory_space<vmem>>
    %dma_start3A_38 = arith.constant 0 : i32
    %dma_start3A_39 = arith.constant 0 : i32
    %dma_start3A_40 = tpu.memref_slice %arg3[%dma_start3A_38, %dma_start3A_39] : memref<8192x1024xf32, #tpu.memory_space<hbm>> -> memref<8192x1024xf32, #tpu.memory_space<hbm>>
    tpu.enqueue_indirect_dma source(%dma_start3A_40 : memref<8192x1024xf32, #tpu.memory_space<hbm>>) target(%dma_start3A_37 : memref<32x1024xf32, #tpu.memory_space<vmem>>) offsets(%arg5 : memref<32xi32, #tpu.memory_space<vmem>>) semaphore(%arg12 : memref<!tpu.dma_semaphore, #tpu.memory_space<semaphore_mem>>)
    %dma_wait3A_41 = arith.constant 0 : i32
    %dma_wait3A_42 = tpu.memref_slice %arg2[%add3A_13, %dma_wait3A_41] : memref<1024x32xi32, #tpu.memory_space<hbm>> -> memref<1x32xi32, #tpu.memory_space<hbm>>
    %dma_wait3A_43 = tpu.memref_squeeze %dma_wait3A_42 : memref<1x32xi32, #tpu.memory_space<hbm>> -> memref<32xi32, #tpu.memory_space<hbm>>
    %dma_wait3A_44 = arith.constant 0 : i32
    %dma_wait3A_45 = tpu.memref_slice %arg2[%add3A_13, %dma_wait3A_44] : memref<1024x32xi32, #tpu.memory_space<hbm>> -> memref<1x32xi32, #tpu.memory_space<hbm>>
    %dma_wait3A_46 = tpu.memref_squeeze %dma_wait3A_45 : memref<1x32xi32, #tpu.memory_space<hbm>> -> memref<32xi32, #tpu.memory_space<hbm>>
    tpu.wait_dma2 semaphore(%arg10 : memref<!tpu.dma_semaphore, #tpu.memory_space<semaphore_mem>>) src(%dma_wait3A_46 : memref<32xi32, #tpu.memory_space<hbm>>) dst(%arg6 : memref<32xi32, #tpu.memory_space<vmem>>)
    %dma_start3A_47 = arith.constant 1 : i32
    %dma_start3A_48 = arith.constant 0 : i32
    %dma_start3A_49 = arith.constant 0 : i32
    %dma_start3A_50 = tpu.memref_slice %arg8[%dma_start3A_47, %dma_start3A_48, %dma_start3A_49] : memref<3x32x1024xf32, #tpu.memory_space<vmem>> -> memref<1x32x1024xf32, #tpu.memory_space<vmem>>
    %dma_start3A_51 = tpu.memref_squeeze %dma_start3A_50 : memref<1x32x1024xf32, #tpu.memory_space<vmem>> -> memref<32x1024xf32, #tpu.memory_space<vmem>>
    %dma_start3A_52 = arith.constant 0 : i32
    %dma_start3A_53 = arith.constant 0 : i32
    %dma_start3A_54 = tpu.memref_slice %arg3[%dma_start3A_52, %dma_start3A_53] : memref<8192x1024xf32, #tpu.memory_space<hbm>> -> memref<8192x1024xf32, #tpu.memory_space<hbm>>
    tpu.enqueue_indirect_dma source(%dma_start3A_54 : memref<8192x1024xf32, #tpu.memory_space<hbm>>) target(%dma_start3A_51 : memref<32x1024xf32, #tpu.memory_space<vmem>>) offsets(%arg6 : memref<32xi32, #tpu.memory_space<vmem>>) semaphore(%arg13 : memref<!tpu.dma_semaphore, #tpu.memory_space<semaphore_mem>>)
    %dma_wait3A_55 = arith.constant 0 : i32
    %dma_wait3A_56 = tpu.memref_slice %arg2[%add3A_21, %dma_wait3A_55] : memref<1024x32xi32, #tpu.memory_space<hbm>> -> memref<1x32xi32, #tpu.memory_space<hbm>>
    %dma_wait3A_57 = tpu.memref_squeeze %dma_wait3A_56 : memref<1x32xi32, #tpu.memory_space<hbm>> -> memref<32xi32, #tpu.memory_space<hbm>>
    %dma_wait3A_58 = arith.constant 0 : i32
    %dma_wait3A_59 = tpu.memref_slice %arg2[%add3A_21, %dma_wait3A_58] : memref<1024x32xi32, #tpu.memory_space<hbm>> -> memref<1x32xi32, #tpu.memory_space<hbm>>
    %dma_wait3A_60 = tpu.memref_squeeze %dma_wait3A_59 : memref<1x32xi32, #tpu.memory_space<hbm>> -> memref<32xi32, #tpu.memory_space<hbm>>
    tpu.wait_dma2 semaphore(%arg11 : memref<!tpu.dma_semaphore, #tpu.memory_space<semaphore_mem>>) src(%dma_wait3A_60 : memref<32xi32, #tpu.memory_space<hbm>>) dst(%arg7 : memref<32xi32, #tpu.memory_space<vmem>>)
    %dma_start3A_61 = arith.constant 2 : i32
    %dma_start3A_62 = arith.constant 0 : i32
    %dma_start3A_63 = arith.constant 0 : i32
    %dma_start3A_64 = tpu.memref_slice %arg8[%dma_start3A_61, %dma_start3A_62, %dma_start3A_63] : memref<3x32x1024xf32, #tpu.memory_space<vmem>> -> memref<1x32x1024xf32, #tpu.memory_space<vmem>>
    %dma_start3A_65 = tpu.memref_squeeze %dma_start3A_64 : memref<1x32x1024xf32, #tpu.memory_space<vmem>> -> memref<32x1024xf32, #tpu.memory_space<vmem>>
    %dma_start3A_66 = arith.constant 0 : i32
    %dma_start3A_67 = arith.constant 0 : i32
    %dma_start3A_68 = tpu.memref_slice %arg3[%dma_start3A_66, %dma_start3A_67] : memref<8192x1024xf32, #tpu.memory_space<hbm>> -> memref<8192x1024xf32, #tpu.memory_space<hbm>>
    tpu.enqueue_indirect_dma source(%dma_start3A_68 : memref<8192x1024xf32, #tpu.memory_space<hbm>>) target(%dma_start3A_65 : memref<32x1024xf32, #tpu.memory_space<vmem>>) offsets(%arg7 : memref<32xi32, #tpu.memory_space<vmem>>) semaphore(%arg14 : memref<!tpu.dma_semaphore, #tpu.memory_space<semaphore_mem>>)
    %dma_wait3A_69 = arith.constant 0 : i32
    %dma_wait3A_70 = arith.constant 0 : i32
    %dma_wait3A_71 = arith.constant 0 : i32
    %dma_wait3A_72 = tpu.memref_slice %arg8[%dma_wait3A_69, %dma_wait3A_70, %dma_wait3A_71] : memref<3x32x1024xf32, #tpu.memory_space<vmem>> -> memref<1x32x1024xf32, #tpu.memory_space<vmem>>
    %dma_wait3A_73 = tpu.memref_squeeze %dma_wait3A_72 : memref<1x32x1024xf32, #tpu.memory_space<vmem>> -> memref<32x1024xf32, #tpu.memory_space<vmem>>
    %dma_wait3A_74 = arith.constant 0 : i32
    %dma_wait3A_75 = arith.constant 0 : i32
    %dma_wait3A_76 = tpu.memref_slice %arg3[%dma_wait3A_74, %dma_wait3A_75] : memref<8192x1024xf32, #tpu.memory_space<hbm>> -> memref<8192x1024xf32, #tpu.memory_space<hbm>>
    tpu.wait_indirect_dma semaphore(%arg12 : memref<!tpu.dma_semaphore, #tpu.memory_space<semaphore_mem>>) src(%dma_wait3A_76 : memref<8192x1024xf32, #tpu.memory_space<hbm>>) dst(%dma_wait3A_73 : memref<32x1024xf32, #tpu.memory_space<vmem>>)
    %add3A_77 = arith.constant 0 : i32
    %add3A_78 = arith.addi %mul3A_2, %add3A_77 : i32
    %dma_start3A_79 = arith.constant 0 : i32
    %dma_start3A_80 = arith.constant 0 : i32
    %dma_start3A_81 = arith.constant 0 : i32
    %dma_start3A_82 = tpu.memref_slice %arg8[%dma_start3A_79, %dma_start3A_80, %dma_start3A_81] : memref<3x32x1024xf32, #tpu.memory_space<vmem>> -> memref<1x32x1024xf32, #tpu.memory_space<vmem>>
    %dma_start3A_83 = tpu.memref_squeeze %dma_start3A_82 : memref<1x32x1024xf32, #tpu.memory_space<vmem>> -> memref<32x1024xf32, #tpu.memory_space<vmem>>
    %dma_start3A_84 = arith.constant 0 : i32
    %dma_start3A_85 = tpu.memref_slice %arg4[%add3A_78, %dma_start3A_84] : memref<32768x1024xf32, #tpu.memory_space<hbm>> -> memref<32x1024xf32, #tpu.memory_space<hbm>>
    %dma_start3A_86 = arith.constant 0 : i32
    %dma_start3A_87 = tpu.memref_slice %arg4[%add3A_78, %dma_start3A_86] : memref<32768x1024xf32, #tpu.memory_space<hbm>> -> memref<32x1024xf32, #tpu.memory_space<hbm>>
    %dma_start3A_88 = arith.constant 0 : i32
    %dma_start3A_89 = arith.constant 0 : i32
    %dma_start3A_90 = tpu.memref_slice %arg8[%dma_start3A_79, %dma_start3A_88, %dma_start3A_89] : memref<3x32x1024xf32, #tpu.memory_space<vmem>> -> memref<1x32x1024xf32, #tpu.memory_space<vmem>>
    %dma_start3A_91 = tpu.memref_squeeze %dma_start3A_90 : memref<1x32x1024xf32, #tpu.memory_space<vmem>> -> memref<32x1024xf32, #tpu.memory_space<vmem>>
    tpu.enqueue_dma source(%dma_start3A_91 : memref<32x1024xf32, #tpu.memory_space<vmem>>) target(%dma_start3A_87 : memref<32x1024xf32, #tpu.memory_space<hbm>>) target_semaphore(%arg15 : memref<!tpu.dma_semaphore, #tpu.memory_space<semaphore_mem>>)
    %add3A_92 = arith.constant 3 : i32
    %add3A_93 = arith.addi %mul3A_4, %add3A_92 : i32
    %dma_start3A_94 = arith.constant 0 : i32
    %dma_start3A_95 = tpu.memref_slice %arg2[%add3A_93, %dma_start3A_94] : memref<1024x32xi32, #tpu.memory_space<hbm>> -> memref<1x32xi32, #tpu.memory_space<hbm>>
    %dma_start3A_96 = tpu.memref_squeeze %dma_start3A_95 : memref<1x32xi32, #tpu.memory_space<hbm>> -> memref<32xi32, #tpu.memory_space<hbm>>
    %dma_start3A_97 = arith.constant 0 : i32
    %dma_start3A_98 = tpu.memref_slice %arg2[%add3A_93, %dma_start3A_97] : memref<1024x32xi32, #tpu.memory_space<hbm>> -> memref<1x32xi32, #tpu.memory_space<hbm>>
    %dma_start3A_99 = tpu.memref_squeeze %dma_start3A_98 : memref<1x32xi32, #tpu.memory_space<hbm>> -> memref<32xi32, #tpu.memory_space<hbm>>
    tpu.enqueue_dma source(%dma_start3A_99 : memref<32xi32, #tpu.memory_space<hbm>>) target(%arg5 : memref<32xi32, #tpu.memory_space<vmem>>) target_semaphore(%arg9 : memref<!tpu.dma_semaphore, #tpu.memory_space<semaphore_mem>>)
    %dma_wait3A_100 = arith.constant 0 : i32
    %dma_wait3A_101 = arith.constant 0 : i32
    %dma_wait3A_102 = arith.constant 0 : i32
    %dma_wait3A_103 = tpu.memref_slice %arg8[%dma_wait3A_100, %dma_wait3A_101, %dma_wait3A_102] : memref<3x32x1024xf32, #tpu.memory_space<vmem>> -> memref<1x32x1024xf32, #tpu.memory_space<vmem>>
    %dma_wait3A_104 = tpu.memref_squeeze %dma_wait3A_103 : memref<1x32x1024xf32, #tpu.memory_space<vmem>> -> memref<32x1024xf32, #tpu.memory_space<vmem>>
    %dma_wait3A_105 = arith.constant 0 : i32
    %dma_wait3A_106 = tpu.memref_slice %arg4[%add3A_78, %dma_wait3A_105] : memref<32768x1024xf32, #tpu.memory_space<hbm>> -> memref<32x1024xf32, #tpu.memory_space<hbm>>
    %dma_wait3A_107 = arith.constant 0 : i32
    %dma_wait3A_108 = tpu.memref_slice %arg4[%add3A_78, %dma_wait3A_107] : memref<32768x1024xf32, #tpu.memory_space<hbm>> -> memref<32x1024xf32, #tpu.memory_space<hbm>>
    %dma_wait3A_109 = arith.constant 0 : i32
    %dma_wait3A_110 = arith.constant 0 : i32
    %dma_wait3A_111 = tpu.memref_slice %arg8[%dma_wait3A_100, %dma_wait3A_109, %dma_wait3A_110] : memref<3x32x1024xf32, #tpu.memory_space<vmem>> -> memref<1x32x1024xf32, #tpu.memory_space<vmem>>
    %dma_wait3A_112 = tpu.memref_squeeze %dma_wait3A_111 : memref<1x32x1024xf32, #tpu.memory_space<vmem>> -> memref<32x1024xf32, #tpu.memory_space<vmem>>
    tpu.wait_dma2 semaphore(%arg15 : memref<!tpu.dma_semaphore, #tpu.memory_space<semaphore_mem>>) src(%dma_wait3A_112 : memref<32x1024xf32, #tpu.memory_space<vmem>>) dst(%dma_wait3A_108 : memref<32x1024xf32, #tpu.memory_space<hbm>>)
    %dma_wait3A_113 = arith.constant 0 : i32
    %dma_wait3A_114 = tpu.memref_slice %arg2[%add3A_93, %dma_wait3A_113] : memref<1024x32xi32, #tpu.memory_space<hbm>> -> memref<1x32xi32, #tpu.memory_space<hbm>>
    %dma_wait3A_115 = tpu.memref_squeeze %dma_wait3A_114 : memref<1x32xi32, #tpu.memory_space<hbm>> -> memref<32xi32, #tpu.memory_space<hbm>>
    %dma_wait3A_116 = arith.constant 0 : i32
    %dma_wait3A_117 = tpu.memref_slice %arg2[%add3A_93, %dma_wait3A_116] : memref<1024x32xi32, #tpu.memory_space<hbm>> -> memref<1x32xi32, #tpu.memory_space<hbm>>
    %dma_wait3A_118 = tpu.memref_squeeze %dma_wait3A_117 : memref<1x32xi32, #tpu.memory_space<hbm>> -> memref<32xi32, #tpu.memory_space<hbm>>
    tpu.wait_dma2 semaphore(%arg9 : memref<!tpu.dma_semaphore, #tpu.memory_space<semaphore_mem>>) src(%dma_wait3A_118 : memref<32xi32, #tpu.memory_space<hbm>>) dst(%arg5 : memref<32xi32, #tpu.memory_space<vmem>>)
    %dma_start3A_119 = arith.constant 0 : i32
    %dma_start3A_120 = arith.constant 0 : i32
    %dma_start3A_121 = arith.constant 0 : i32
    %dma_start3A_122 = tpu.memref_slice %arg8[%dma_start3A_119, %dma_start3A_120, %dma_start3A_121] : memref<3x32x1024xf32, #tpu.memory_space<vmem>> -> memref<1x32x1024xf32, #tpu.memory_space<vmem>>
    %dma_start3A_123 = tpu.memref_squeeze %dma_start3A_122 : memref<1x32x1024xf32, #tpu.memory_space<vmem>> -> memref<32x1024xf32, #tpu.memory_space<vmem>>
    %dma_start3A_124 = arith.constant 0 : i32
    %dma_start3A_125 = arith.constant 0 : i32
    %dma_start3A_126 = tpu.memref_slice %arg3[%dma_start3A_124, %dma_start3A_125] : memref<8192x1024xf32, #tpu.memory_space<hbm>> -> memref<8192x1024xf32, #tpu.memory_space<hbm>>
    tpu.enqueue_indirect_dma source(%dma_start3A_126 : memref<8192x1024xf32, #tpu.memory_space<hbm>>) target(%dma_start3A_123 : memref<32x1024xf32, #tpu.memory_space<vmem>>) offsets(%arg5 : memref<32xi32, #tpu.memory_space<vmem>>) semaphore(%arg12 : memref<!tpu.dma_semaphore, #tpu.memory_space<semaphore_mem>>)
    %dma_wait3A_127 = arith.constant 1 : i32
    %dma_wait3A_128 = arith.constant 0 : i32
    %dma_wait3A_129 = arith.constant 0 : i32
    %dma_wait3A_130 = tpu.memref_slice %arg8[%dma_wait3A_127, %dma_wait3A_128, %dma_wait3A_129] : memref<3x32x1024xf32, #tpu.memory_space<vmem>> -> memref<1x32x1024xf32, #tpu.memory_space<vmem>>
    %dma_wait3A_131 = tpu.memref_squeeze %dma_wait3A_130 : memref<1x32x1024xf32, #tpu.memory_space<vmem>> -> memref<32x1024xf32, #tpu.memory_space<vmem>>
    %dma_wait3A_132 = arith.constant 0 : i32
    %dma_wait3A_133 = arith.constant 0 : i32
    %dma_wait3A_134 = tpu.memref_slice %arg3[%dma_wait3A_132, %dma_wait3A_133] : memref<8192x1024xf32, #tpu.memory_space<hbm>> -> memref<8192x1024xf32, #tpu.memory_space<hbm>>
    tpu.wait_indirect_dma semaphore(%arg13 : memref<!tpu.dma_semaphore, #tpu.memory_space<semaphore_mem>>) src(%dma_wait3A_134 : memref<8192x1024xf32, #tpu.memory_space<hbm>>) dst(%dma_wait3A_131 : memref<32x1024xf32, #tpu.memory_space<vmem>>)
    %add3A_135 = arith.constant 32 : i32
    %add3A_136 = arith.addi %mul3A_2, %add3A_135 : i32
    %dma_start3A_137 = arith.constant 1 : i32
    %dma_start3A_138 = arith.constant 0 : i32
    %dma_start3A_139 = arith.constant 0 : i32
    %dma_start3A_140 = tpu.memref_slice %arg8[%dma_start3A_137, %dma_start3A_138, %dma_start3A_139] : memref<3x32x1024xf32, #tpu.memory_space<vmem>> -> memref<1x32x1024xf32, #tpu.memory_space<vmem>>
    %dma_start3A_141 = tpu.memref_squeeze %dma_start3A_140 : memref<1x32x1024xf32, #tpu.memory_space<vmem>> -> memref<32x1024xf32, #tpu.memory_space<vmem>>
    %dma_start3A_142 = arith.constant 0 : i32
    %dma_start3A_143 = tpu.memref_slice %arg4[%add3A_136, %dma_start3A_142] : memref<32768x1024xf32, #tpu.memory_space<hbm>> -> memref<32x1024xf32, #tpu.memory_space<hbm>>
    %dma_start3A_144 = arith.constant 0 : i32
    %dma_start3A_145 = tpu.memref_slice %arg4[%add3A_136, %dma_start3A_144] : memref<32768x1024xf32, #tpu.memory_space<hbm>> -> memref<32x1024xf32, #tpu.memory_space<hbm>>
    %dma_start3A_146 = arith.constant 0 : i32
    %dma_start3A_147 = arith.constant 0 : i32
    %dma_start3A_148 = tpu.memref_slice %arg8[%dma_start3A_137, %dma_start3A_146, %dma_start3A_147] : memref<3x32x1024xf32, #tpu.memory_space<vmem>> -> memref<1x32x1024xf32, #tpu.memory_space<vmem>>
    %dma_start3A_149 = tpu.memref_squeeze %dma_start3A_148 : memref<1x32x1024xf32, #tpu.memory_space<vmem>> -> memref<32x1024xf32, #tpu.memory_space<vmem>>
    tpu.enqueue_dma source(%dma_start3A_149 : memref<32x1024xf32, #tpu.memory_space<vmem>>) target(%dma_start3A_145 : memref<32x1024xf32, #tpu.memory_space<hbm>>) target_semaphore(%arg16 : memref<!tpu.dma_semaphore, #tpu.memory_space<semaphore_mem>>)
    %add3A_150 = arith.constant 4 : i32
    %add3A_151 = arith.addi %mul3A_4, %add3A_150 : i32
    %dma_start3A_152 = arith.constant 0 : i32
    %dma_start3A_153 = tpu.memref_slice %arg2[%add3A_151, %dma_start3A_152] : memref<1024x32xi32, #tpu.memory_space<hbm>> -> memref<1x32xi32, #tpu.memory_space<hbm>>
    %dma_start3A_154 = tpu.memref_squeeze %dma_start3A_153 : memref<1x32xi32, #tpu.memory_space<hbm>> -> memref<32xi32, #tpu.memory_space<hbm>>
    %dma_start3A_155 = arith.constant 0 : i32
    %dma_start3A_156 = tpu.memref_slice %arg2[%add3A_151, %dma_start3A_155] : memref<1024x32xi32, #tpu.memory_space<hbm>> -> memref<1x32xi32, #tpu.memory_space<hbm>>
    %dma_start3A_157 = tpu.memref_squeeze %dma_start3A_156 : memref<1x32xi32, #tpu.memory_space<hbm>> -> memref<32xi32, #tpu.memory_space<hbm>>
    tpu.enqueue_dma source(%dma_start3A_157 : memref<32xi32, #tpu.memory_space<hbm>>) target(%arg6 : memref<32xi32, #tpu.memory_space<vmem>>) target_semaphore(%arg10 : memref<!tpu.dma_semaphore, #tpu.memory_space<semaphore_mem>>)
    %dma_wait3A_158 = arith.constant 1 : i32
    %dma_wait3A_159 = arith.constant 0 : i32
    %dma_wait3A_160 = arith.constant 0 : i32
    %dma_wait3A_161 = tpu.memref_slice %arg8[%dma_wait3A_158, %dma_wait3A_159, %dma_wait3A_160] : memref<3x32x1024xf32, #tpu.memory_space<vmem>> -> memref<1x32x1024xf32, #tpu.memory_space<vmem>>
    %dma_wait3A_162 = tpu.memref_squeeze %dma_wait3A_161 : memref<1x32x1024xf32, #tpu.memory_space<vmem>> -> memref<32x1024xf32, #tpu.memory_space<vmem>>
    %dma_wait3A_163 = arith.constant 0 : i32
    %dma_wait3A_164 = tpu.memref_slice %arg4[%add3A_136, %dma_wait3A_163] : memref<32768x1024xf32, #tpu.memory_space<hbm>> -> memref<32x1024xf32, #tpu.memory_space<hbm>>
    %dma_wait3A_165 = arith.constant 0 : i32
    %dma_wait3A_166 = tpu.memref_slice %arg4[%add3A_136, %dma_wait3A_165] : memref<32768x1024xf32, #tpu.memory_space<hbm>> -> memref<32x1024xf32, #tpu.memory_space<hbm>>
    %dma_wait3A_167 = arith.constant 0 : i32
    %dma_wait3A_168 = arith.constant 0 : i32
    %dma_wait3A_169 = tpu.memref_slice %arg8[%dma_wait3A_158, %dma_wait3A_167, %dma_wait3A_168] : memref<3x32x1024xf32, #tpu.memory_space<vmem>> -> memref<1x32x1024xf32, #tpu.memory_space<vmem>>
    %dma_wait3A_170 = tpu.memref_squeeze %dma_wait3A_169 : memref<1x32x1024xf32, #tpu.memory_space<vmem>> -> memref<32x1024xf32, #tpu.memory_space<vmem>>
    tpu.wait_dma2 semaphore(%arg16 : memref<!tpu.dma_semaphore, #tpu.memory_space<semaphore_mem>>) src(%dma_wait3A_170 : memref<32x1024xf32, #tpu.memory_space<vmem>>) dst(%dma_wait3A_166 : memref<32x1024xf32, #tpu.memory_space<hbm>>)
    %dma_wait3A_171 = arith.constant 0 : i32
    %dma_wait3A_172 = tpu.memref_slice %arg2[%add3A_151, %dma_wait3A_171] : memref<1024x32xi32, #tpu.memory_space<hbm>> -> memref<1x32xi32, #tpu.memory_space<hbm>>
    %dma_wait3A_173 = tpu.memref_squeeze %dma_wait3A_172 : memref<1x32xi32, #tpu.memory_space<hbm>> -> memref<32xi32, #tpu.memory_space<hbm>>
    %dma_wait3A_174 = arith.constant 0 : i32
    %dma_wait3A_175 = tpu.memref_slice %arg2[%add3A_151, %dma_wait3A_174] : memref<1024x32xi32, #tpu.memory_space<hbm>> -> memref<1x32xi32, #tpu.memory_space<hbm>>
    %dma_wait3A_176 = tpu.memref_squeeze %dma_wait3A_175 : memref<1x32xi32, #tpu.memory_space<hbm>> -> memref<32xi32, #tpu.memory_space<hbm>>
    tpu.wait_dma2 semaphore(%arg10 : memref<!tpu.dma_semaphore, #tpu.memory_space<semaphore_mem>>) src(%dma_wait3A_176 : memref<32xi32, #tpu.memory_space<hbm>>) dst(%arg6 : memref<32xi32, #tpu.memory_space<vmem>>)
    %dma_start3A_177 = arith.constant 1 : i32
    %dma_start3A_178 = arith.constant 0 : i32
    %dma_start3A_179 = arith.constant 0 : i32
    %dma_start3A_180 = tpu.memref_slice %arg8[%dma_start3A_177, %dma_start3A_178, %dma_start3A_179] : memref<3x32x1024xf32, #tpu.memory_space<vmem>> -> memref<1x32x1024xf32, #tpu.memory_space<vmem>>
    %dma_start3A_181 = tpu.memref_squeeze %dma_start3A_180 : memref<1x32x1024xf32, #tpu.memory_space<vmem>> -> memref<32x1024xf32, #tpu.memory_space<vmem>>
    %dma_start3A_182 = arith.constant 0 : i32
    %dma_start3A_183 = arith.constant 0 : i32
    %dma_start3A_184 = tpu.memref_slice %arg3[%dma_start3A_182, %dma_start3A_183] : memref<8192x1024xf32, #tpu.memory_space<hbm>> -> memref<8192x1024xf32, #tpu.memory_space<hbm>>
    tpu.enqueue_indirect_dma source(%dma_start3A_184 : memref<8192x1024xf32, #tpu.memory_space<hbm>>) target(%dma_start3A_181 : memref<32x1024xf32, #tpu.memory_space<vmem>>) offsets(%arg6 : memref<32xi32, #tpu.memory_space<vmem>>) semaphore(%arg13 : memref<!tpu.dma_semaphore, #tpu.memory_space<semaphore_mem>>)
    %dma_wait3A_185 = arith.constant 2 : i32
    %dma_wait3A_186 = arith.constant 0 : i32
    %dma_wait3A_187 = arith.constant 0 : i32
    %dma_wait3A_188 = tpu.memref_slice %arg8[%dma_wait3A_185, %dma_wait3A_186, %dma_wait3A_187] : memref<3x32x1024xf32, #tpu.memory_space<vmem>> -> memref<1x32x1024xf32, #tpu.memory_space<vmem>>
    %dma_wait3A_189 = tpu.memref_squeeze %dma_wait3A_188 : memref<1x32x1024xf32, #tpu.memory_space<vmem>> -> memref<32x1024xf32, #tpu.memory_space<vmem>>
    %dma_wait3A_190 = arith.constant 0 : i32
    %dma_wait3A_191 = arith.constant 0 : i32
    %dma_wait3A_192 = tpu.memref_slice %arg3[%dma_wait3A_190, %dma_wait3A_191] : memref<8192x1024xf32, #tpu.memory_space<hbm>> -> memref<8192x1024xf32, #tpu.memory_space<hbm>>
    tpu.wait_indirect_dma semaphore(%arg14 : memref<!tpu.dma_semaphore, #tpu.memory_space<semaphore_mem>>) src(%dma_wait3A_192 : memref<8192x1024xf32, #tpu.memory_space<hbm>>) dst(%dma_wait3A_189 : memref<32x1024xf32, #tpu.memory_space<vmem>>)
    %add3A_193 = arith.constant 64 : i32
    %add3A_194 = arith.addi %mul3A_2, %add3A_193 : i32
    %dma_start3A_195 = arith.constant 2 : i32
    %dma_start3A_196 = arith.constant 0 : i32
    %dma_start3A_197 = arith.constant 0 : i32
    %dma_start3A_198 = tpu.memref_slice %arg8[%dma_start3A_195, %dma_start3A_196, %dma_start3A_197] : memref<3x32x1024xf32, #tpu.memory_space<vmem>> -> memref<1x32x1024xf32, #tpu.memory_space<vmem>>
    %dma_start3A_199 = tpu.memref_squeeze %dma_start3A_198 : memref<1x32x1024xf32, #tpu.memory_space<vmem>> -> memref<32x1024xf32, #tpu.memory_space<vmem>>
    %dma_start3A_200 = arith.constant 0 : i32
    %dma_start3A_201 = tpu.memref_slice %arg4[%add3A_194, %dma_start3A_200] : memref<32768x1024xf32, #tpu.memory_space<hbm>> -> memref<32x1024xf32, #tpu.memory_space<hbm>>
    %dma_start3A_202 = arith.constant 0 : i32
    %dma_start3A_203 = tpu.memref_slice %arg4[%add3A_194, %dma_start3A_202] : memref<32768x1024xf32, #tpu.memory_space<hbm>> -> memref<32x1024xf32, #tpu.memory_space<hbm>>
    %dma_start3A_204 = arith.constant 0 : i32
    %dma_start3A_205 = arith.constant 0 : i32
    %dma_start3A_206 = tpu.memref_slice %arg8[%dma_start3A_195, %dma_start3A_204, %dma_start3A_205] : memref<3x32x1024xf32, #tpu.memory_space<vmem>> -> memref<1x32x1024xf32, #tpu.memory_space<vmem>>
    %dma_start3A_207 = tpu.memref_squeeze %dma_start3A_206 : memref<1x32x1024xf32, #tpu.memory_space<vmem>> -> memref<32x1024xf32, #tpu.memory_space<vmem>>
    tpu.enqueue_dma source(%dma_start3A_207 : memref<32x1024xf32, #tpu.memory_space<vmem>>) target(%dma_start3A_203 : memref<32x1024xf32, #tpu.memory_space<hbm>>) target_semaphore(%arg17 : memref<!tpu.dma_semaphore, #tpu.memory_space<semaphore_mem>>)
    %add3A_208 = arith.constant 5 : i32
    %add3A_209 = arith.addi %mul3A_4, %add3A_208 : i32
    %dma_start3A_210 = arith.constant 0 : i32
    %dma_start3A_211 = tpu.memref_slice %arg2[%add3A_209, %dma_start3A_210] : memref<1024x32xi32, #tpu.memory_space<hbm>> -> memref<1x32xi32, #tpu.memory_space<hbm>>
    %dma_start3A_212 = tpu.memref_squeeze %dma_start3A_211 : memref<1x32xi32, #tpu.memory_space<hbm>> -> memref<32xi32, #tpu.memory_space<hbm>>
    %dma_start3A_213 = arith.constant 0 : i32
    %dma_start3A_214 = tpu.memref_slice %arg2[%add3A_209, %dma_start3A_213] : memref<1024x32xi32, #tpu.memory_space<hbm>> -> memref<1x32xi32, #tpu.memory_space<hbm>>
    %dma_start3A_215 = tpu.memref_squeeze %dma_start3A_214 : memref<1x32xi32, #tpu.memory_space<hbm>> -> memref<32xi32, #tpu.memory_space<hbm>>
    tpu.enqueue_dma source(%dma_start3A_215 : memref<32xi32, #tpu.memory_space<hbm>>) target(%arg7 : memref<32xi32, #tpu.memory_space<vmem>>) target_semaphore(%arg11 : memref<!tpu.dma_semaphore, #tpu.memory_space<semaphore_mem>>)
    %dma_wait3A_216 = arith.constant 2 : i32
    %dma_wait3A_217 = arith.constant 0 : i32
    %dma_wait3A_218 = arith.constant 0 : i32
    %dma_wait3A_219 = tpu.memref_slice %arg8[%dma_wait3A_216, %dma_wait3A_217, %dma_wait3A_218] : memref<3x32x1024xf32, #tpu.memory_space<vmem>> -> memref<1x32x1024xf32, #tpu.memory_space<vmem>>
    %dma_wait3A_220 = tpu.memref_squeeze %dma_wait3A_219 : memref<1x32x1024xf32, #tpu.memory_space<vmem>> -> memref<32x1024xf32, #tpu.memory_space<vmem>>
    %dma_wait3A_221 = arith.constant 0 : i32
    %dma_wait3A_222 = tpu.memref_slice %arg4[%add3A_194, %dma_wait3A_221] : memref<32768x1024xf32, #tpu.memory_space<hbm>> -> memref<32x1024xf32, #tpu.memory_space<hbm>>
    %dma_wait3A_223 = arith.constant 0 : i32
    %dma_wait3A_224 = tpu.memref_slice %arg4[%add3A_194, %dma_wait3A_223] : memref<32768x1024xf32, #tpu.memory_space<hbm>> -> memref<32x1024xf32, #tpu.memory_space<hbm>>
    %dma_wait3A_225 = arith.constant 0 : i32
    %dma_wait3A_226 = arith.constant 0 : i32
    %dma_wait3A_227 = tpu.memref_slice %arg8[%dma_wait3A_216, %dma_wait3A_225, %dma_wait3A_226] : memref<3x32x1024xf32, #tpu.memory_space<vmem>> -> memref<1x32x1024xf32, #tpu.memory_space<vmem>>
    %dma_wait3A_228 = tpu.memref_squeeze %dma_wait3A_227 : memref<1x32x1024xf32, #tpu.memory_space<vmem>> -> memref<32x1024xf32, #tpu.memory_space<vmem>>
    tpu.wait_dma2 semaphore(%arg17 : memref<!tpu.dma_semaphore, #tpu.memory_space<semaphore_mem>>) src(%dma_wait3A_228 : memref<32x1024xf32, #tpu.memory_space<vmem>>) dst(%dma_wait3A_224 : memref<32x1024xf32, #tpu.memory_space<hbm>>)
    %dma_wait3A_229 = arith.constant 0 : i32
    %dma_wait3A_230 = tpu.memref_slice %arg2[%add3A_209, %dma_wait3A_229] : memref<1024x32xi32, #tpu.memory_space<hbm>> -> memref<1x32xi32, #tpu.memory_space<hbm>>
    %dma_wait3A_231 = tpu.memref_squeeze %dma_wait3A_230 : memref<1x32xi32, #tpu.memory_space<hbm>> -> memref<32xi32, #tpu.memory_space<hbm>>
    %dma_wait3A_232 = arith.constant 0 : i32
    %dma_wait3A_233 = tpu.memref_slice %arg2[%add3A_209, %dma_wait3A_232] : memref<1024x32xi32, #tpu.memory_space<hbm>> -> memref<1x32xi32, #tpu.memory_space<hbm>>
    %dma_wait3A_234 = tpu.memref_squeeze %dma_wait3A_233 : memref<1x32xi32, #tpu.memory_space<hbm>> -> memref<32xi32, #tpu.memory_space<hbm>>
    tpu.wait_dma2 semaphore(%arg11 : memref<!tpu.dma_semaphore, #tpu.memory_space<semaphore_mem>>) src(%dma_wait3A_234 : memref<32xi32, #tpu.memory_space<hbm>>) dst(%arg7 : memref<32xi32, #tpu.memory_space<vmem>>)
    %dma_start3A_235 = arith.constant 2 : i32
    %dma_start3A_236 = arith.constant 0 : i32
    %dma_start3A_237 = arith.constant 0 : i32
    %dma_start3A_238 = tpu.memref_slice %arg8[%dma_start3A_235, %dma_start3A_236, %dma_start3A_237] : memref<3x32x1024xf32, #tpu.memory_space<vmem>> -> memref<1x32x1024xf32, #tpu.memory_space<vmem>>
    %dma_start3A_239 = tpu.memref_squeeze %dma_start3A_238 : memref<1x32x1024xf32, #tpu.memory_space<vmem>> -> memref<32x1024xf32, #tpu.memory_space<vmem>>
    %dma_start3A_240 = arith.constant 0 : i32
    %dma_start3A_241 = arith.constant 0 : i32
    %dma_start3A_242 = tpu.memref_slice %arg3[%dma_start3A_240, %dma_start3A_241] : memref<8192x1024xf32, #tpu.memory_space<hbm>> -> memref<8192x1024xf32, #tpu.memory_space<hbm>>
    tpu.enqueue_indirect_dma source(%dma_start3A_242 : memref<8192x1024xf32, #tpu.memory_space<hbm>>) target(%dma_start3A_239 : memref<32x1024xf32, #tpu.memory_space<vmem>>) offsets(%arg7 : memref<32xi32, #tpu.memory_space<vmem>>) semaphore(%arg14 : memref<!tpu.dma_semaphore, #tpu.memory_space<semaphore_mem>>)
    %dma_wait3A_243 = arith.constant 0 : i32
    %dma_wait3A_244 = arith.constant 0 : i32
    %dma_wait3A_245 = arith.constant 0 : i32
    %dma_wait3A_246 = tpu.memref_slice %arg8[%dma_wait3A_243, %dma_wait3A_244, %dma_wait3A_245] : memref<3x32x1024xf32, #tpu.memory_space<vmem>> -> memref<1x32x1024xf32, #tpu.memory_space<vmem>>
    %dma_wait3A_247 = tpu.memref_squeeze %dma_wait3A_246 : memref<1x32x1024xf32, #tpu.memory_space<vmem>> -> memref<32x1024xf32, #tpu.memory_space<vmem>>
    %dma_wait3A_248 = arith.constant 0 : i32
    %dma_wait3A_249 = arith.constant 0 : i32
    %dma_wait3A_250 = tpu.memref_slice %arg3[%dma_wait3A_248, %dma_wait3A_249] : memref<8192x1024xf32, #tpu.memory_space<hbm>> -> memref<8192x1024xf32, #tpu.memory_space<hbm>>
    tpu.wait_indirect_dma semaphore(%arg12 : memref<!tpu.dma_semaphore, #tpu.memory_space<semaphore_mem>>) src(%dma_wait3A_250 : memref<8192x1024xf32, #tpu.memory_space<hbm>>) dst(%dma_wait3A_247 : memref<32x1024xf32, #tpu.memory_space<vmem>>)
    %add3A_251 = arith.constant 96 : i32
    %add3A_252 = arith.addi %mul3A_2, %add3A_251 : i32
    %dma_start3A_253 = arith.constant 0 : i32
    %dma_start3A_254 = arith.constant 0 : i32
    %dma_start3A_255 = arith.constant 0 : i32
    %dma_start3A_256 = tpu.memref_slice %arg8[%dma_start3A_253, %dma_start3A_254, %dma_start3A_255] : memref<3x32x1024xf32, #tpu.memory_space<vmem>> -> memref<1x32x1024xf32, #tpu.memory_space<vmem>>
    %dma_start3A_257 = tpu.memref_squeeze %dma_start3A_256 : memref<1x32x1024xf32, #tpu.memory_space<vmem>> -> memref<32x1024xf32, #tpu.memory_space<vmem>>
    %dma_start3A_258 = arith.constant 0 : i32
    %dma_start3A_259 = tpu.memref_slice %arg4[%add3A_252, %dma_start3A_258] : memref<32768x1024xf32, #tpu.memory_space<hbm>> -> memref<32x1024xf32, #tpu.memory_space<hbm>>
    %dma_start3A_260 = arith.constant 0 : i32
    %dma_start3A_261 = tpu.memref_slice %arg4[%add3A_252, %dma_start3A_260] : memref<32768x1024xf32, #tpu.memory_space<hbm>> -> memref<32x1024xf32, #tpu.memory_space<hbm>>
    %dma_start3A_262 = arith.constant 0 : i32
    %dma_start3A_263 = arith.constant 0 : i32
    %dma_start3A_264 = tpu.memref_slice %arg8[%dma_start3A_253, %dma_start3A_262, %dma_start3A_263] : memref<3x32x1024xf32, #tpu.memory_space<vmem>> -> memref<1x32x1024xf32, #tpu.memory_space<vmem>>
    %dma_start3A_265 = tpu.memref_squeeze %dma_start3A_264 : memref<1x32x1024xf32, #tpu.memory_space<vmem>> -> memref<32x1024xf32, #tpu.memory_space<vmem>>
    tpu.enqueue_dma source(%dma_start3A_265 : memref<32x1024xf32, #tpu.memory_space<vmem>>) target(%dma_start3A_261 : memref<32x1024xf32, #tpu.memory_space<hbm>>) target_semaphore(%arg15 : memref<!tpu.dma_semaphore, #tpu.memory_space<semaphore_mem>>)
    %add3A_266 = arith.constant 6 : i32
    %add3A_267 = arith.addi %mul3A_4, %add3A_266 : i32
    %dma_start3A_268 = arith.constant 0 : i32
    %dma_start3A_269 = tpu.memref_slice %arg2[%add3A_267, %dma_start3A_268] : memref<1024x32xi32, #tpu.memory_space<hbm>> -> memref<1x32xi32, #tpu.memory_space<hbm>>
    %dma_start3A_270 = tpu.memref_squeeze %dma_start3A_269 : memref<1x32xi32, #tpu.memory_space<hbm>> -> memref<32xi32, #tpu.memory_space<hbm>>
    %dma_start3A_271 = arith.constant 0 : i32
    %dma_start3A_272 = tpu.memref_slice %arg2[%add3A_267, %dma_start3A_271] : memref<1024x32xi32, #tpu.memory_space<hbm>> -> memref<1x32xi32, #tpu.memory_space<hbm>>
    %dma_start3A_273 = tpu.memref_squeeze %dma_start3A_272 : memref<1x32xi32, #tpu.memory_space<hbm>> -> memref<32xi32, #tpu.memory_space<hbm>>
    tpu.enqueue_dma source(%dma_start3A_273 : memref<32xi32, #tpu.memory_space<hbm>>) target(%arg5 : memref<32xi32, #tpu.memory_space<vmem>>) target_semaphore(%arg9 : memref<!tpu.dma_semaphore, #tpu.memory_space<semaphore_mem>>)
    %dma_wait3A_274 = arith.constant 0 : i32
    %dma_wait3A_275 = arith.constant 0 : i32
    %dma_wait3A_276 = arith.constant 0 : i32
    %dma_wait3A_277 = tpu.memref_slice %arg8[%dma_wait3A_274, %dma_wait3A_275, %dma_wait3A_276] : memref<3x32x1024xf32, #tpu.memory_space<vmem>> -> memref<1x32x1024xf32, #tpu.memory_space<vmem>>
    %dma_wait3A_278 = tpu.memref_squeeze %dma_wait3A_277 : memref<1x32x1024xf32, #tpu.memory_space<vmem>> -> memref<32x1024xf32, #tpu.memory_space<vmem>>
    %dma_wait3A_279 = arith.constant 0 : i32
    %dma_wait3A_280 = tpu.memref_slice %arg4[%add3A_252, %dma_wait3A_279] : memref<32768x1024xf32, #tpu.memory_space<hbm>> -> memref<32x1024xf32, #tpu.memory_space<hbm>>
    %dma_wait3A_281 = arith.constant 0 : i32
    %dma_wait3A_282 = tpu.memref_slice %arg4[%add3A_252, %dma_wait3A_281] : memref<32768x1024xf32, #tpu.memory_space<hbm>> -> memref<32x1024xf32, #tpu.memory_space<hbm>>
    %dma_wait3A_283 = arith.constant 0 : i32
    %dma_wait3A_284 = arith.constant 0 : i32
    %dma_wait3A_285 = tpu.memref_slice %arg8[%dma_wait3A_274, %dma_wait3A_283, %dma_wait3A_284] : memref<3x32x1024xf32, #tpu.memory_space<vmem>> -> memref<1x32x1024xf32, #tpu.memory_space<vmem>>
    %dma_wait3A_286 = tpu.memref_squeeze %dma_wait3A_285 : memref<1x32x1024xf32, #tpu.memory_space<vmem>> -> memref<32x1024xf32, #tpu.memory_space<vmem>>
    tpu.wait_dma2 semaphore(%arg15 : memref<!tpu.dma_semaphore, #tpu.memory_space<semaphore_mem>>) src(%dma_wait3A_286 : memref<32x1024xf32, #tpu.memory_space<vmem>>) dst(%dma_wait3A_282 : memref<32x1024xf32, #tpu.memory_space<hbm>>)
    %dma_wait3A_287 = arith.constant 0 : i32
    %dma_wait3A_288 = tpu.memref_slice %arg2[%add3A_267, %dma_wait3A_287] : memref<1024x32xi32, #tpu.memory_space<hbm>> -> memref<1x32xi32, #tpu.memory_space<hbm>>
    %dma_wait3A_289 = tpu.memref_squeeze %dma_wait3A_288 : memref<1x32xi32, #tpu.memory_space<hbm>> -> memref<32xi32, #tpu.memory_space<hbm>>
    %dma_wait3A_290 = arith.constant 0 : i32
    %dma_wait3A_291 = tpu.memref_slice %arg2[%add3A_267, %dma_wait3A_290] : memref<1024x32xi32, #tpu.memory_space<hbm>> -> memref<1x32xi32, #tpu.memory_space<hbm>>
    %dma_wait3A_292 = tpu.memref_squeeze %dma_wait3A_291 : memref<1x32xi32, #tpu.memory_space<hbm>> -> memref<32xi32, #tpu.memory_space<hbm>>
    tpu.wait_dma2 semaphore(%arg9 : memref<!tpu.dma_semaphore, #tpu.memory_space<semaphore_mem>>) src(%dma_wait3A_292 : memref<32xi32, #tpu.memory_space<hbm>>) dst(%arg5 : memref<32xi32, #tpu.memory_space<vmem>>)
    %dma_start3A_293 = arith.constant 0 : i32
    %dma_start3A_294 = arith.constant 0 : i32
    %dma_start3A_295 = arith.constant 0 : i32
    %dma_start3A_296 = tpu.memref_slice %arg8[%dma_start3A_293, %dma_start3A_294, %dma_start3A_295] : memref<3x32x1024xf32, #tpu.memory_space<vmem>> -> memref<1x32x1024xf32, #tpu.memory_space<vmem>>
    %dma_start3A_297 = tpu.memref_squeeze %dma_start3A_296 : memref<1x32x1024xf32, #tpu.memory_space<vmem>> -> memref<32x1024xf32, #tpu.memory_space<vmem>>
    %dma_start3A_298 = arith.constant 0 : i32
    %dma_start3A_299 = arith.constant 0 : i32
    %dma_start3A_300 = tpu.memref_slice %arg3[%dma_start3A_298, %dma_start3A_299] : memref<8192x1024xf32, #tpu.memory_space<hbm>> -> memref<8192x1024xf32, #tpu.memory_space<hbm>>
    tpu.enqueue_indirect_dma source(%dma_start3A_300 : memref<8192x1024xf32, #tpu.memory_space<hbm>>) target(%dma_start3A_297 : memref<32x1024xf32, #tpu.memory_space<vmem>>) offsets(%arg5 : memref<32xi32, #tpu.memory_space<vmem>>) semaphore(%arg12 : memref<!tpu.dma_semaphore, #tpu.memory_space<semaphore_mem>>)
    %dma_wait3A_301 = arith.constant 1 : i32
    %dma_wait3A_302 = arith.constant 0 : i32
    %dma_wait3A_303 = arith.constant 0 : i32
    %dma_wait3A_304 = tpu.memref_slice %arg8[%dma_wait3A_301, %dma_wait3A_302, %dma_wait3A_303] : memref<3x32x1024xf32, #tpu.memory_space<vmem>> -> memref<1x32x1024xf32, #tpu.memory_space<vmem>>
    %dma_wait3A_305 = tpu.memref_squeeze %dma_wait3A_304 : memref<1x32x1024xf32, #tpu.memory_space<vmem>> -> memref<32x1024xf32, #tpu.memory_space<vmem>>
    %dma_wait3A_306 = arith.constant 0 : i32
    %dma_wait3A_307 = arith.constant 0 : i32
    %dma_wait3A_308 = tpu.memref_slice %arg3[%dma_wait3A_306, %dma_wait3A_307] : memref<8192x1024xf32, #tpu.memory_space<hbm>> -> memref<8192x1024xf32, #tpu.memory_space<hbm>>
    tpu.wait_indirect_dma semaphore(%arg13 : memref<!tpu.dma_semaphore, #tpu.memory_space<semaphore_mem>>) src(%dma_wait3A_308 : memref<8192x1024xf32, #tpu.memory_space<hbm>>) dst(%dma_wait3A_305 : memref<32x1024xf32, #tpu.memory_space<vmem>>)
    %add3A_309 = arith.constant 128 : i32
    %add3A_310 = arith.addi %mul3A_2, %add3A_309 : i32
    %dma_start3A_311 = arith.constant 1 : i32
    %dma_start3A_312 = arith.constant 0 : i32
    %dma_start3A_313 = arith.constant 0 : i32
    %dma_start3A_314 = tpu.memref_slice %arg8[%dma_start3A_311, %dma_start3A_312, %dma_start3A_313] : memref<3x32x1024xf32, #tpu.memory_space<vmem>> -> memref<1x32x1024xf32, #tpu.memory_space<vmem>>
    %dma_start3A_315 = tpu.memref_squeeze %dma_start3A_314 : memref<1x32x1024xf32, #tpu.memory_space<vmem>> -> memref<32x1024xf32, #tpu.memory_space<vmem>>
    %dma_start3A_316 = arith.constant 0 : i32
    %dma_start3A_317 = tpu.memref_slice %arg4[%add3A_310, %dma_start3A_316] : memref<32768x1024xf32, #tpu.memory_space<hbm>> -> memref<32x1024xf32, #tpu.memory_space<hbm>>
    %dma_start3A_318 = arith.constant 0 : i32
    %dma_start3A_319 = tpu.memref_slice %arg4[%add3A_310, %dma_start3A_318] : memref<32768x1024xf32, #tpu.memory_space<hbm>> -> memref<32x1024xf32, #tpu.memory_space<hbm>>
    %dma_start3A_320 = arith.constant 0 : i32
    %dma_start3A_321 = arith.constant 0 : i32
    %dma_start3A_322 = tpu.memref_slice %arg8[%dma_start3A_311, %dma_start3A_320, %dma_start3A_321] : memref<3x32x1024xf32, #tpu.memory_space<vmem>> -> memref<1x32x1024xf32, #tpu.memory_space<vmem>>
    %dma_start3A_323 = tpu.memref_squeeze %dma_start3A_322 : memref<1x32x1024xf32, #tpu.memory_space<vmem>> -> memref<32x1024xf32, #tpu.memory_space<vmem>>
    tpu.enqueue_dma source(%dma_start3A_323 : memref<32x1024xf32, #tpu.memory_space<vmem>>) target(%dma_start3A_319 : memref<32x1024xf32, #tpu.memory_space<hbm>>) target_semaphore(%arg16 : memref<!tpu.dma_semaphore, #tpu.memory_space<semaphore_mem>>)
    %add3A_324 = arith.constant 7 : i32
    %add3A_325 = arith.addi %mul3A_4, %add3A_324 : i32
    %dma_start3A_326 = arith.constant 0 : i32
    %dma_start3A_327 = tpu.memref_slice %arg2[%add3A_325, %dma_start3A_326] : memref<1024x32xi32, #tpu.memory_space<hbm>> -> memref<1x32xi32, #tpu.memory_space<hbm>>
    %dma_start3A_328 = tpu.memref_squeeze %dma_start3A_327 : memref<1x32xi32, #tpu.memory_space<hbm>> -> memref<32xi32, #tpu.memory_space<hbm>>
    %dma_start3A_329 = arith.constant 0 : i32
    %dma_start3A_330 = tpu.memref_slice %arg2[%add3A_325, %dma_start3A_329] : memref<1024x32xi32, #tpu.memory_space<hbm>> -> memref<1x32xi32, #tpu.memory_space<hbm>>
    %dma_start3A_331 = tpu.memref_squeeze %dma_start3A_330 : memref<1x32xi32, #tpu.memory_space<hbm>> -> memref<32xi32, #tpu.memory_space<hbm>>
    tpu.enqueue_dma source(%dma_start3A_331 : memref<32xi32, #tpu.memory_space<hbm>>) target(%arg6 : memref<32xi32, #tpu.memory_space<vmem>>) target_semaphore(%arg10 : memref<!tpu.dma_semaphore, #tpu.memory_space<semaphore_mem>>)
    %dma_wait3A_332 = arith.constant 1 : i32
    %dma_wait3A_333 = arith.constant 0 : i32
    %dma_wait3A_334 = arith.constant 0 : i32
    %dma_wait3A_335 = tpu.memref_slice %arg8[%dma_wait3A_332, %dma_wait3A_333, %dma_wait3A_334] : memref<3x32x1024xf32, #tpu.memory_space<vmem>> -> memref<1x32x1024xf32, #tpu.memory_space<vmem>>
    %dma_wait3A_336 = tpu.memref_squeeze %dma_wait3A_335 : memref<1x32x1024xf32, #tpu.memory_space<vmem>> -> memref<32x1024xf32, #tpu.memory_space<vmem>>
    %dma_wait3A_337 = arith.constant 0 : i32
    %dma_wait3A_338 = tpu.memref_slice %arg4[%add3A_310, %dma_wait3A_337] : memref<32768x1024xf32, #tpu.memory_space<hbm>> -> memref<32x1024xf32, #tpu.memory_space<hbm>>
    %dma_wait3A_339 = arith.constant 0 : i32
    %dma_wait3A_340 = tpu.memref_slice %arg4[%add3A_310, %dma_wait3A_339] : memref<32768x1024xf32, #tpu.memory_space<hbm>> -> memref<32x1024xf32, #tpu.memory_space<hbm>>
    %dma_wait3A_341 = arith.constant 0 : i32
    %dma_wait3A_342 = arith.constant 0 : i32
    %dma_wait3A_343 = tpu.memref_slice %arg8[%dma_wait3A_332, %dma_wait3A_341, %dma_wait3A_342] : memref<3x32x1024xf32, #tpu.memory_space<vmem>> -> memref<1x32x1024xf32, #tpu.memory_space<vmem>>
    %dma_wait3A_344 = tpu.memref_squeeze %dma_wait3A_343 : memref<1x32x1024xf32, #tpu.memory_space<vmem>> -> memref<32x1024xf32, #tpu.memory_space<vmem>>
    tpu.wait_dma2 semaphore(%arg16 : memref<!tpu.dma_semaphore, #tpu.memory_space<semaphore_mem>>) src(%dma_wait3A_344 : memref<32x1024xf32, #tpu.memory_space<vmem>>) dst(%dma_wait3A_340 : memref<32x1024xf32, #tpu.memory_space<hbm>>)
    %dma_wait3A_345 = arith.constant 0 : i32
    %dma_wait3A_346 = tpu.memref_slice %arg2[%add3A_325, %dma_wait3A_345] : memref<1024x32xi32, #tpu.memory_space<hbm>> -> memref<1x32xi32, #tpu.memory_space<hbm>>
    %dma_wait3A_347 = tpu.memref_squeeze %dma_wait3A_346 : memref<1x32xi32, #tpu.memory_space<hbm>> -> memref<32xi32, #tpu.memory_space<hbm>>
    %dma_wait3A_348 = arith.constant 0 : i32
    %dma_wait3A_349 = tpu.memref_slice %arg2[%add3A_325, %dma_wait3A_348] : memref<1024x32xi32, #tpu.memory_space<hbm>> -> memref<1x32xi32, #tpu.memory_space<hbm>>
    %dma_wait3A_350 = tpu.memref_squeeze %dma_wait3A_349 : memref<1x32xi32, #tpu.memory_space<hbm>> -> memref<32xi32, #tpu.memory_space<hbm>>
    tpu.wait_dma2 semaphore(%arg10 : memref<!tpu.dma_semaphore, #tpu.memory_space<semaphore_mem>>) src(%dma_wait3A_350 : memref<32xi32, #tpu.memory_space<hbm>>) dst(%arg6 : memref<32xi32, #tpu.memory_space<vmem>>)
    %dma_start3A_351 = arith.constant 1 : i32
    %dma_start3A_352 = arith.constant 0 : i32
    %dma_start3A_353 = arith.constant 0 : i32
    %dma_start3A_354 = tpu.memref_slice %arg8[%dma_start3A_351, %dma_start3A_352, %dma_start3A_353] : memref<3x32x1024xf32, #tpu.memory_space<vmem>> -> memref<1x32x1024xf32, #tpu.memory_space<vmem>>
    %dma_start3A_355 = tpu.memref_squeeze %dma_start3A_354 : memref<1x32x1024xf32, #tpu.memory_space<vmem>> -> memref<32x1024xf32, #tpu.memory_space<vmem>>
    %dma_start3A_356 = arith.constant 0 : i32
    %dma_start3A_357 = arith.constant 0 : i32
    %dma_start3A_358 = tpu.memref_slice %arg3[%dma_start3A_356, %dma_start3A_357] : memref<8192x1024xf32, #tpu.memory_space<hbm>> -> memref<8192x1024xf32, #tpu.memory_space<hbm>>
    tpu.enqueue_indirect_dma source(%dma_start3A_358 : memref<8192x1024xf32, #tpu.memory_space<hbm>>) target(%dma_start3A_355 : memref<32x1024xf32, #tpu.memory_space<vmem>>) offsets(%arg6 : memref<32xi32, #tpu.memory_space<vmem>>) semaphore(%arg13 : memref<!tpu.dma_semaphore, #tpu.memory_space<semaphore_mem>>)
    %dma_wait3A_359 = arith.constant 2 : i32
    %dma_wait3A_360 = arith.constant 0 : i32
    %dma_wait3A_361 = arith.constant 0 : i32
    %dma_wait3A_362 = tpu.memref_slice %arg8[%dma_wait3A_359, %dma_wait3A_360, %dma_wait3A_361] : memref<3x32x1024xf32, #tpu.memory_space<vmem>> -> memref<1x32x1024xf32, #tpu.memory_space<vmem>>
    %dma_wait3A_363 = tpu.memref_squeeze %dma_wait3A_362 : memref<1x32x1024xf32, #tpu.memory_space<vmem>> -> memref<32x1024xf32, #tpu.memory_space<vmem>>
    %dma_wait3A_364 = arith.constant 0 : i32
    %dma_wait3A_365 = arith.constant 0 : i32
    %dma_wait3A_366 = tpu.memref_slice %arg3[%dma_wait3A_364, %dma_wait3A_365] : memref<8192x1024xf32, #tpu.memory_space<hbm>> -> memref<8192x1024xf32, #tpu.memory_space<hbm>>
    tpu.wait_indirect_dma semaphore(%arg14 : memref<!tpu.dma_semaphore, #tpu.memory_space<semaphore_mem>>) src(%dma_wait3A_366 : memref<8192x1024xf32, #tpu.memory_space<hbm>>) dst(%dma_wait3A_363 : memref<32x1024xf32, #tpu.memory_space<vmem>>)
    %add3A_367 = arith.constant 160 : i32
    %add3A_368 = arith.addi %mul3A_2, %add3A_367 : i32
    %dma_start3A_369 = arith.constant 2 : i32
    %dma_start3A_370 = arith.constant 0 : i32
    %dma_start3A_371 = arith.constant 0 : i32
    %dma_start3A_372 = tpu.memref_slice %arg8[%dma_start3A_369, %dma_start3A_370, %dma_start3A_371] : memref<3x32x1024xf32, #tpu.memory_space<vmem>> -> memref<1x32x1024xf32, #tpu.memory_space<vmem>>
    %dma_start3A_373 = tpu.memref_squeeze %dma_start3A_372 : memref<1x32x1024xf32, #tpu.memory_space<vmem>> -> memref<32x1024xf32, #tpu.memory_space<vmem>>
    %dma_start3A_374 = arith.constant 0 : i32
    %dma_start3A_375 = tpu.memref_slice %arg4[%add3A_368, %dma_start3A_374] : memref<32768x1024xf32, #tpu.memory_space<hbm>> -> memref<32x1024xf32, #tpu.memory_space<hbm>>
    %dma_start3A_376 = arith.constant 0 : i32
    %dma_start3A_377 = tpu.memref_slice %arg4[%add3A_368, %dma_start3A_376] : memref<32768x1024xf32, #tpu.memory_space<hbm>> -> memref<32x1024xf32, #tpu.memory_space<hbm>>
    %dma_start3A_378 = arith.constant 0 : i32
    %dma_start3A_379 = arith.constant 0 : i32
    %dma_start3A_380 = tpu.memref_slice %arg8[%dma_start3A_369, %dma_start3A_378, %dma_start3A_379] : memref<3x32x1024xf32, #tpu.memory_space<vmem>> -> memref<1x32x1024xf32, #tpu.memory_space<vmem>>
    %dma_start3A_381 = tpu.memref_squeeze %dma_start3A_380 : memref<1x32x1024xf32, #tpu.memory_space<vmem>> -> memref<32x1024xf32, #tpu.memory_space<vmem>>
    tpu.enqueue_dma source(%dma_start3A_381 : memref<32x1024xf32, #tpu.memory_space<vmem>>) target(%dma_start3A_377 : memref<32x1024xf32, #tpu.memory_space<hbm>>) target_semaphore(%arg17 : memref<!tpu.dma_semaphore, #tpu.memory_space<semaphore_mem>>)
    %add3A_382 = arith.constant 8 : i32
    %add3A_383 = arith.addi %mul3A_4, %add3A_382 : i32
    %dma_start3A_384 = arith.constant 0 : i32
    %dma_start3A_385 = tpu.memref_slice %arg2[%add3A_383, %dma_start3A_384] : memref<1024x32xi32, #tpu.memory_space<hbm>> -> memref<1x32xi32, #tpu.memory_space<hbm>>
    %dma_start3A_386 = tpu.memref_squeeze %dma_start3A_385 : memref<1x32xi32, #tpu.memory_space<hbm>> -> memref<32xi32, #tpu.memory_space<hbm>>
    %dma_start3A_387 = arith.constant 0 : i32
    %dma_start3A_388 = tpu.memref_slice %arg2[%add3A_383, %dma_start3A_387] : memref<1024x32xi32, #tpu.memory_space<hbm>> -> memref<1x32xi32, #tpu.memory_space<hbm>>
    %dma_start3A_389 = tpu.memref_squeeze %dma_start3A_388 : memref<1x32xi32, #tpu.memory_space<hbm>> -> memref<32xi32, #tpu.memory_space<hbm>>
    tpu.enqueue_dma source(%dma_start3A_389 : memref<32xi32, #tpu.memory_space<hbm>>) target(%arg7 : memref<32xi32, #tpu.memory_space<vmem>>) target_semaphore(%arg11 : memref<!tpu.dma_semaphore, #tpu.memory_space<semaphore_mem>>)
    %dma_wait3A_390 = arith.constant 2 : i32
    %dma_wait3A_391 = arith.constant 0 : i32
    %dma_wait3A_392 = arith.constant 0 : i32
    %dma_wait3A_393 = tpu.memref_slice %arg8[%dma_wait3A_390, %dma_wait3A_391, %dma_wait3A_392] : memref<3x32x1024xf32, #tpu.memory_space<vmem>> -> memref<1x32x1024xf32, #tpu.memory_space<vmem>>
    %dma_wait3A_394 = tpu.memref_squeeze %dma_wait3A_393 : memref<1x32x1024xf32, #tpu.memory_space<vmem>> -> memref<32x1024xf32, #tpu.memory_space<vmem>>
    %dma_wait3A_395 = arith.constant 0 : i32
    %dma_wait3A_396 = tpu.memref_slice %arg4[%add3A_368, %dma_wait3A_395] : memref<32768x1024xf32, #tpu.memory_space<hbm>> -> memref<32x1024xf32, #tpu.memory_space<hbm>>
    %dma_wait3A_397 = arith.constant 0 : i32
    %dma_wait3A_398 = tpu.memref_slice %arg4[%add3A_368, %dma_wait3A_397] : memref<32768x1024xf32, #tpu.memory_space<hbm>> -> memref<32x1024xf32, #tpu.memory_space<hbm>>
    %dma_wait3A_399 = arith.constant 0 : i32
    %dma_wait3A_400 = arith.constant 0 : i32
    %dma_wait3A_401 = tpu.memref_slice %arg8[%dma_wait3A_390, %dma_wait3A_399, %dma_wait3A_400] : memref<3x32x1024xf32, #tpu.memory_space<vmem>> -> memref<1x32x1024xf32, #tpu.memory_space<vmem>>
    %dma_wait3A_402 = tpu.memref_squeeze %dma_wait3A_401 : memref<1x32x1024xf32, #tpu.memory_space<vmem>> -> memref<32x1024xf32, #tpu.memory_space<vmem>>
    tpu.wait_dma2 semaphore(%arg17 : memref<!tpu.dma_semaphore, #tpu.memory_space<semaphore_mem>>) src(%dma_wait3A_402 : memref<32x1024xf32, #tpu.memory_space<vmem>>) dst(%dma_wait3A_398 : memref<32x1024xf32, #tpu.memory_space<hbm>>)
    %dma_wait3A_403 = arith.constant 0 : i32
    %dma_wait3A_404 = tpu.memref_slice %arg2[%add3A_383, %dma_wait3A_403] : memref<1024x32xi32, #tpu.memory_space<hbm>> -> memref<1x32xi32, #tpu.memory_space<hbm>>
    %dma_wait3A_405 = tpu.memref_squeeze %dma_wait3A_404 : memref<1x32xi32, #tpu.memory_space<hbm>> -> memref<32xi32, #tpu.memory_space<hbm>>
    %dma_wait3A_406 = arith.constant 0 : i32
    %dma_wait3A_407 = tpu.memref_slice %arg2[%add3A_383, %dma_wait3A_406] : memref<1024x32xi32, #tpu.memory_space<hbm>> -> memref<1x32xi32, #tpu.memory_space<hbm>>
    %dma_wait3A_408 = tpu.memref_squeeze %dma_wait3A_407 : memref<1x32xi32, #tpu.memory_space<hbm>> -> memref<32xi32, #tpu.memory_space<hbm>>
    tpu.wait_dma2 semaphore(%arg11 : memref<!tpu.dma_semaphore, #tpu.memory_space<semaphore_mem>>) src(%dma_wait3A_408 : memref<32xi32, #tpu.memory_space<hbm>>) dst(%arg7 : memref<32xi32, #tpu.memory_space<vmem>>)
    %dma_start3A_409 = arith.constant 2 : i32
    %dma_start3A_410 = arith.constant 0 : i32
    %dma_start3A_411 = arith.constant 0 : i32
    %dma_start3A_412 = tpu.memref_slice %arg8[%dma_start3A_409, %dma_start3A_410, %dma_start3A_411] : memref<3x32x1024xf32, #tpu.memory_space<vmem>> -> memref<1x32x1024xf32, #tpu.memory_space<vmem>>
    %dma_start3A_413 = tpu.memref_squeeze %dma_start3A_412 : memref<1x32x1024xf32, #tpu.memory_space<vmem>> -> memref<32x1024xf32, #tpu.memory_space<vmem>>
    %dma_start3A_414 = arith.constant 0 : i32
    %dma_start3A_415 = arith.constant 0 : i32
    %dma_start3A_416 = tpu.memref_slice %arg3[%dma_start3A_414, %dma_start3A_415] : memref<8192x1024xf32, #tpu.memory_space<hbm>> -> memref<8192x1024xf32, #tpu.memory_space<hbm>>
    tpu.enqueue_indirect_dma source(%dma_start3A_416 : memref<8192x1024xf32, #tpu.memory_space<hbm>>) target(%dma_start3A_413 : memref<32x1024xf32, #tpu.memory_space<vmem>>) offsets(%arg7 : memref<32xi32, #tpu.memory_space<vmem>>) semaphore(%arg14 : memref<!tpu.dma_semaphore, #tpu.memory_space<semaphore_mem>>)
    %dma_wait3A_417 = arith.constant 0 : i32
    %dma_wait3A_418 = arith.constant 0 : i32
    %dma_wait3A_419 = arith.constant 0 : i32
    %dma_wait3A_420 = tpu.memref_slice %arg8[%dma_wait3A_417, %dma_wait3A_418, %dma_wait3A_419] : memref<3x32x1024xf32, #tpu.memory_space<vmem>> -> memref<1x32x1024xf32, #tpu.memory_space<vmem>>
    %dma_wait3A_421 = tpu.memref_squeeze %dma_wait3A_420 : memref<1x32x1024xf32, #tpu.memory_space<vmem>> -> memref<32x1024xf32, #tpu.memory_space<vmem>>
    %dma_wait3A_422 = arith.constant 0 : i32
    %dma_wait3A_423 = arith.constant 0 : i32
    %dma_wait3A_424 = tpu.memref_slice %arg3[%dma_wait3A_422, %dma_wait3A_423] : memref<8192x1024xf32, #tpu.memory_space<hbm>> -> memref<8192x1024xf32, #tpu.memory_space<hbm>>
    tpu.wait_indirect_dma semaphore(%arg12 : memref<!tpu.dma_semaphore, #tpu.memory_space<semaphore_mem>>) src(%dma_wait3A_424 : memref<8192x1024xf32, #tpu.memory_space<hbm>>) dst(%dma_wait3A_421 : memref<32x1024xf32, #tpu.memory_space<vmem>>)
    %add3A_425 = arith.constant 192 : i32
    %add3A_426 = arith.addi %mul3A_2, %add3A_425 : i32
    %dma_start3A_427 = arith.constant 0 : i32
    %dma_start3A_428 = arith.constant 0 : i32
    %dma_start3A_429 = arith.constant 0 : i32
    %dma_start3A_430 = tpu.memref_slice %arg8[%dma_start3A_427, %dma_start3A_428, %dma_start3A_429] : memref<3x32x1024xf32, #tpu.memory_space<vmem>> -> memref<1x32x1024xf32, #tpu.memory_space<vmem>>
    %dma_start3A_431 = tpu.memref_squeeze %dma_start3A_430 : memref<1x32x1024xf32, #tpu.memory_space<vmem>> -> memref<32x1024xf32, #tpu.memory_space<vmem>>
    %dma_start3A_432 = arith.constant 0 : i32
    %dma_start3A_433 = tpu.memref_slice %arg4[%add3A_426, %dma_start3A_432] : memref<32768x1024xf32, #tpu.memory_space<hbm>> -> memref<32x1024xf32, #tpu.memory_space<hbm>>
    %dma_start3A_434 = arith.constant 0 : i32
    %dma_start3A_435 = tpu.memref_slice %arg4[%add3A_426, %dma_start3A_434] : memref<32768x1024xf32, #tpu.memory_space<hbm>> -> memref<32x1024xf32, #tpu.memory_space<hbm>>
    %dma_start3A_436 = arith.constant 0 : i32
    %dma_start3A_437 = arith.constant 0 : i32
    %dma_start3A_438 = tpu.memref_slice %arg8[%dma_start3A_427, %dma_start3A_436, %dma_start3A_437] : memref<3x32x1024xf32, #tpu.memory_space<vmem>> -> memref<1x32x1024xf32, #tpu.memory_space<vmem>>
    %dma_start3A_439 = tpu.memref_squeeze %dma_start3A_438 : memref<1x32x1024xf32, #tpu.memory_space<vmem>> -> memref<32x1024xf32, #tpu.memory_space<vmem>>
    tpu.enqueue_dma source(%dma_start3A_439 : memref<32x1024xf32, #tpu.memory_space<vmem>>) target(%dma_start3A_435 : memref<32x1024xf32, #tpu.memory_space<hbm>>) target_semaphore(%arg15 : memref<!tpu.dma_semaphore, #tpu.memory_space<semaphore_mem>>)
    %add3A_440 = arith.constant 9 : i32
    %add3A_441 = arith.addi %mul3A_4, %add3A_440 : i32
    %dma_start3A_442 = arith.constant 0 : i32
    %dma_start3A_443 = tpu.memref_slice %arg2[%add3A_441, %dma_start3A_442] : memref<1024x32xi32, #tpu.memory_space<hbm>> -> memref<1x32xi32, #tpu.memory_space<hbm>>
    %dma_start3A_444 = tpu.memref_squeeze %dma_start3A_443 : memref<1x32xi32, #tpu.memory_space<hbm>> -> memref<32xi32, #tpu.memory_space<hbm>>
    %dma_start3A_445 = arith.constant 0 : i32
    %dma_start3A_446 = tpu.memref_slice %arg2[%add3A_441, %dma_start3A_445] : memref<1024x32xi32, #tpu.memory_space<hbm>> -> memref<1x32xi32, #tpu.memory_space<hbm>>
    %dma_start3A_447 = tpu.memref_squeeze %dma_start3A_446 : memref<1x32xi32, #tpu.memory_space<hbm>> -> memref<32xi32, #tpu.memory_space<hbm>>
    tpu.enqueue_dma source(%dma_start3A_447 : memref<32xi32, #tpu.memory_space<hbm>>) target(%arg5 : memref<32xi32, #tpu.memory_space<vmem>>) target_semaphore(%arg9 : memref<!tpu.dma_semaphore, #tpu.memory_space<semaphore_mem>>)
    %dma_wait3A_448 = arith.constant 0 : i32
    %dma_wait3A_449 = arith.constant 0 : i32
    %dma_wait3A_450 = arith.constant 0 : i32
    %dma_wait3A_451 = tpu.memref_slice %arg8[%dma_wait3A_448, %dma_wait3A_449, %dma_wait3A_450] : memref<3x32x1024xf32, #tpu.memory_space<vmem>> -> memref<1x32x1024xf32, #tpu.memory_space<vmem>>
    %dma_wait3A_452 = tpu.memref_squeeze %dma_wait3A_451 : memref<1x32x1024xf32, #tpu.memory_space<vmem>> -> memref<32x1024xf32, #tpu.memory_space<vmem>>
    %dma_wait3A_453 = arith.constant 0 : i32
    %dma_wait3A_454 = tpu.memref_slice %arg4[%add3A_426, %dma_wait3A_453] : memref<32768x1024xf32, #tpu.memory_space<hbm>> -> memref<32x1024xf32, #tpu.memory_space<hbm>>
    %dma_wait3A_455 = arith.constant 0 : i32
    %dma_wait3A_456 = tpu.memref_slice %arg4[%add3A_426, %dma_wait3A_455] : memref<32768x1024xf32, #tpu.memory_space<hbm>> -> memref<32x1024xf32, #tpu.memory_space<hbm>>
    %dma_wait3A_457 = arith.constant 0 : i32
    %dma_wait3A_458 = arith.constant 0 : i32
    %dma_wait3A_459 = tpu.memref_slice %arg8[%dma_wait3A_448, %dma_wait3A_457, %dma_wait3A_458] : memref<3x32x1024xf32, #tpu.memory_space<vmem>> -> memref<1x32x1024xf32, #tpu.memory_space<vmem>>
    %dma_wait3A_460 = tpu.memref_squeeze %dma_wait3A_459 : memref<1x32x1024xf32, #tpu.memory_space<vmem>> -> memref<32x1024xf32, #tpu.memory_space<vmem>>
    tpu.wait_dma2 semaphore(%arg15 : memref<!tpu.dma_semaphore, #tpu.memory_space<semaphore_mem>>) src(%dma_wait3A_460 : memref<32x1024xf32, #tpu.memory_space<vmem>>) dst(%dma_wait3A_456 : memref<32x1024xf32, #tpu.memory_space<hbm>>)
    %dma_wait3A_461 = arith.constant 0 : i32
    %dma_wait3A_462 = tpu.memref_slice %arg2[%add3A_441, %dma_wait3A_461] : memref<1024x32xi32, #tpu.memory_space<hbm>> -> memref<1x32xi32, #tpu.memory_space<hbm>>
    %dma_wait3A_463 = tpu.memref_squeeze %dma_wait3A_462 : memref<1x32xi32, #tpu.memory_space<hbm>> -> memref<32xi32, #tpu.memory_space<hbm>>
    %dma_wait3A_464 = arith.constant 0 : i32
    %dma_wait3A_465 = tpu.memref_slice %arg2[%add3A_441, %dma_wait3A_464] : memref<1024x32xi32, #tpu.memory_space<hbm>> -> memref<1x32xi32, #tpu.memory_space<hbm>>
    %dma_wait3A_466 = tpu.memref_squeeze %dma_wait3A_465 : memref<1x32xi32, #tpu.memory_space<hbm>> -> memref<32xi32, #tpu.memory_space<hbm>>
    tpu.wait_dma2 semaphore(%arg9 : memref<!tpu.dma_semaphore, #tpu.memory_space<semaphore_mem>>) src(%dma_wait3A_466 : memref<32xi32, #tpu.memory_space<hbm>>) dst(%arg5 : memref<32xi32, #tpu.memory_space<vmem>>)
    %dma_start3A_467 = arith.constant 0 : i32
    %dma_start3A_468 = arith.constant 0 : i32
    %dma_start3A_469 = arith.constant 0 : i32
    %dma_start3A_470 = tpu.memref_slice %arg8[%dma_start3A_467, %dma_start3A_468, %dma_start3A_469] : memref<3x32x1024xf32, #tpu.memory_space<vmem>> -> memref<1x32x1024xf32, #tpu.memory_space<vmem>>
    %dma_start3A_471 = tpu.memref_squeeze %dma_start3A_470 : memref<1x32x1024xf32, #tpu.memory_space<vmem>> -> memref<32x1024xf32, #tpu.memory_space<vmem>>
    %dma_start3A_472 = arith.constant 0 : i32
    %dma_start3A_473 = arith.constant 0 : i32
    %dma_start3A_474 = tpu.memref_slice %arg3[%dma_start3A_472, %dma_start3A_473] : memref<8192x1024xf32, #tpu.memory_space<hbm>> -> memref<8192x1024xf32, #tpu.memory_space<hbm>>
    tpu.enqueue_indirect_dma source(%dma_start3A_474 : memref<8192x1024xf32, #tpu.memory_space<hbm>>) target(%dma_start3A_471 : memref<32x1024xf32, #tpu.memory_space<vmem>>) offsets(%arg5 : memref<32xi32, #tpu.memory_space<vmem>>) semaphore(%arg12 : memref<!tpu.dma_semaphore, #tpu.memory_space<semaphore_mem>>)
    %dma_wait3A_475 = arith.constant 1 : i32
    %dma_wait3A_476 = arith.constant 0 : i32
    %dma_wait3A_477 = arith.constant 0 : i32
    %dma_wait3A_478 = tpu.memref_slice %arg8[%dma_wait3A_475, %dma_wait3A_476, %dma_wait3A_477] : memref<3x32x1024xf32, #tpu.memory_space<vmem>> -> memref<1x32x1024xf32, #tpu.memory_space<vmem>>
    %dma_wait3A_479 = tpu.memref_squeeze %dma_wait3A_478 : memref<1x32x1024xf32, #tpu.memory_space<vmem>> -> memref<32x1024xf32, #tpu.memory_space<vmem>>
    %dma_wait3A_480 = arith.constant 0 : i32
    %dma_wait3A_481 = arith.constant 0 : i32
    %dma_wait3A_482 = tpu.memref_slice %arg3[%dma_wait3A_480, %dma_wait3A_481] : memref<8192x1024xf32, #tpu.memory_space<hbm>> -> memref<8192x1024xf32, #tpu.memory_space<hbm>>
    tpu.wait_indirect_dma semaphore(%arg13 : memref<!tpu.dma_semaphore, #tpu.memory_space<semaphore_mem>>) src(%dma_wait3A_482 : memref<8192x1024xf32, #tpu.memory_space<hbm>>) dst(%dma_wait3A_479 : memref<32x1024xf32, #tpu.memory_space<vmem>>)
    %add3A_483 = arith.constant 224 : i32
    %add3A_484 = arith.addi %mul3A_2, %add3A_483 : i32
    %dma_start3A_485 = arith.constant 1 : i32
    %dma_start3A_486 = arith.constant 0 : i32
    %dma_start3A_487 = arith.constant 0 : i32
    %dma_start3A_488 = tpu.memref_slice %arg8[%dma_start3A_485, %dma_start3A_486, %dma_start3A_487] : memref<3x32x1024xf32, #tpu.memory_space<vmem>> -> memref<1x32x1024xf32, #tpu.memory_space<vmem>>
    %dma_start3A_489 = tpu.memref_squeeze %dma_start3A_488 : memref<1x32x1024xf32, #tpu.memory_space<vmem>> -> memref<32x1024xf32, #tpu.memory_space<vmem>>
    %dma_start3A_490 = arith.constant 0 : i32
    %dma_start3A_491 = tpu.memref_slice %arg4[%add3A_484, %dma_start3A_490] : memref<32768x1024xf32, #tpu.memory_space<hbm>> -> memref<32x1024xf32, #tpu.memory_space<hbm>>
    %dma_start3A_492 = arith.constant 0 : i32
    %dma_start3A_493 = tpu.memref_slice %arg4[%add3A_484, %dma_start3A_492] : memref<32768x1024xf32, #tpu.memory_space<hbm>> -> memref<32x1024xf32, #tpu.memory_space<hbm>>
    %dma_start3A_494 = arith.constant 0 : i32
    %dma_start3A_495 = arith.constant 0 : i32
    %dma_start3A_496 = tpu.memref_slice %arg8[%dma_start3A_485, %dma_start3A_494, %dma_start3A_495] : memref<3x32x1024xf32, #tpu.memory_space<vmem>> -> memref<1x32x1024xf32, #tpu.memory_space<vmem>>
    %dma_start3A_497 = tpu.memref_squeeze %dma_start3A_496 : memref<1x32x1024xf32, #tpu.memory_space<vmem>> -> memref<32x1024xf32, #tpu.memory_space<vmem>>
    tpu.enqueue_dma source(%dma_start3A_497 : memref<32x1024xf32, #tpu.memory_space<vmem>>) target(%dma_start3A_493 : memref<32x1024xf32, #tpu.memory_space<hbm>>) target_semaphore(%arg16 : memref<!tpu.dma_semaphore, #tpu.memory_space<semaphore_mem>>)
    %add3A_498 = arith.constant 10 : i32
    %add3A_499 = arith.addi %mul3A_4, %add3A_498 : i32
    %dma_start3A_500 = arith.constant 0 : i32
    %dma_start3A_501 = tpu.memref_slice %arg2[%add3A_499, %dma_start3A_500] : memref<1024x32xi32, #tpu.memory_space<hbm>> -> memref<1x32xi32, #tpu.memory_space<hbm>>
    %dma_start3A_502 = tpu.memref_squeeze %dma_start3A_501 : memref<1x32xi32, #tpu.memory_space<hbm>> -> memref<32xi32, #tpu.memory_space<hbm>>
    %dma_start3A_503 = arith.constant 0 : i32
    %dma_start3A_504 = tpu.memref_slice %arg2[%add3A_499, %dma_start3A_503] : memref<1024x32xi32, #tpu.memory_space<hbm>> -> memref<1x32xi32, #tpu.memory_space<hbm>>
    %dma_start3A_505 = tpu.memref_squeeze %dma_start3A_504 : memref<1x32xi32, #tpu.memory_space<hbm>> -> memref<32xi32, #tpu.memory_space<hbm>>
    tpu.enqueue_dma source(%dma_start3A_505 : memref<32xi32, #tpu.memory_space<hbm>>) target(%arg6 : memref<32xi32, #tpu.memory_space<vmem>>) target_semaphore(%arg10 : memref<!tpu.dma_semaphore, #tpu.memory_space<semaphore_mem>>)
    %dma_wait3A_506 = arith.constant 1 : i32
    %dma_wait3A_507 = arith.constant 0 : i32
    %dma_wait3A_508 = arith.constant 0 : i32
    %dma_wait3A_509 = tpu.memref_slice %arg8[%dma_wait3A_506, %dma_wait3A_507, %dma_wait3A_508] : memref<3x32x1024xf32, #tpu.memory_space<vmem>> -> memref<1x32x1024xf32, #tpu.memory_space<vmem>>
    %dma_wait3A_510 = tpu.memref_squeeze %dma_wait3A_509 : memref<1x32x1024xf32, #tpu.memory_space<vmem>> -> memref<32x1024xf32, #tpu.memory_space<vmem>>
    %dma_wait3A_511 = arith.constant 0 : i32
    %dma_wait3A_512 = tpu.memref_slice %arg4[%add3A_484, %dma_wait3A_511] : memref<32768x1024xf32, #tpu.memory_space<hbm>> -> memref<32x1024xf32, #tpu.memory_space<hbm>>
    %dma_wait3A_513 = arith.constant 0 : i32
    %dma_wait3A_514 = tpu.memref_slice %arg4[%add3A_484, %dma_wait3A_513] : memref<32768x1024xf32, #tpu.memory_space<hbm>> -> memref<32x1024xf32, #tpu.memory_space<hbm>>
    %dma_wait3A_515 = arith.constant 0 : i32
    %dma_wait3A_516 = arith.constant 0 : i32
    %dma_wait3A_517 = tpu.memref_slice %arg8[%dma_wait3A_506, %dma_wait3A_515, %dma_wait3A_516] : memref<3x32x1024xf32, #tpu.memory_space<vmem>> -> memref<1x32x1024xf32, #tpu.memory_space<vmem>>
    %dma_wait3A_518 = tpu.memref_squeeze %dma_wait3A_517 : memref<1x32x1024xf32, #tpu.memory_space<vmem>> -> memref<32x1024xf32, #tpu.memory_space<vmem>>
    tpu.wait_dma2 semaphore(%arg16 : memref<!tpu.dma_semaphore, #tpu.memory_space<semaphore_mem>>) src(%dma_wait3A_518 : memref<32x1024xf32, #tpu.memory_space<vmem>>) dst(%dma_wait3A_514 : memref<32x1024xf32, #tpu.memory_space<hbm>>)
    %dma_wait3A_519 = arith.constant 0 : i32
    %dma_wait3A_520 = tpu.memref_slice %arg2[%add3A_499, %dma_wait3A_519] : memref<1024x32xi32, #tpu.memory_space<hbm>> -> memref<1x32xi32, #tpu.memory_space<hbm>>
    %dma_wait3A_521 = tpu.memref_squeeze %dma_wait3A_520 : memref<1x32xi32, #tpu.memory_space<hbm>> -> memref<32xi32, #tpu.memory_space<hbm>>
    %dma_wait3A_522 = arith.constant 0 : i32
    %dma_wait3A_523 = tpu.memref_slice %arg2[%add3A_499, %dma_wait3A_522] : memref<1024x32xi32, #tpu.memory_space<hbm>> -> memref<1x32xi32, #tpu.memory_space<hbm>>
    %dma_wait3A_524 = tpu.memref_squeeze %dma_wait3A_523 : memref<1x32xi32, #tpu.memory_space<hbm>> -> memref<32xi32, #tpu.memory_space<hbm>>
    tpu.wait_dma2 semaphore(%arg10 : memref<!tpu.dma_semaphore, #tpu.memory_space<semaphore_mem>>) src(%dma_wait3A_524 : memref<32xi32, #tpu.memory_space<hbm>>) dst(%arg6 : memref<32xi32, #tpu.memory_space<vmem>>)
    %dma_start3A_525 = arith.constant 1 : i32
    %dma_start3A_526 = arith.constant 0 : i32
    %dma_start3A_527 = arith.constant 0 : i32
    %dma_start3A_528 = tpu.memref_slice %arg8[%dma_start3A_525, %dma_start3A_526, %dma_start3A_527] : memref<3x32x1024xf32, #tpu.memory_space<vmem>> -> memref<1x32x1024xf32, #tpu.memory_space<vmem>>
    %dma_start3A_529 = tpu.memref_squeeze %dma_start3A_528 : memref<1x32x1024xf32, #tpu.memory_space<vmem>> -> memref<32x1024xf32, #tpu.memory_space<vmem>>
    %dma_start3A_530 = arith.constant 0 : i32
    %dma_start3A_531 = arith.constant 0 : i32
    %dma_start3A_532 = tpu.memref_slice %arg3[%dma_start3A_530, %dma_start3A_531] : memref<8192x1024xf32, #tpu.memory_space<hbm>> -> memref<8192x1024xf32, #tpu.memory_space<hbm>>
    tpu.enqueue_indirect_dma source(%dma_start3A_532 : memref<8192x1024xf32, #tpu.memory_space<hbm>>) target(%dma_start3A_529 : memref<32x1024xf32, #tpu.memory_space<vmem>>) offsets(%arg6 : memref<32xi32, #tpu.memory_space<vmem>>) semaphore(%arg13 : memref<!tpu.dma_semaphore, #tpu.memory_space<semaphore_mem>>)
    %dma_wait3A_533 = arith.constant 2 : i32
    %dma_wait3A_534 = arith.constant 0 : i32
    %dma_wait3A_535 = arith.constant 0 : i32
    %dma_wait3A_536 = tpu.memref_slice %arg8[%dma_wait3A_533, %dma_wait3A_534, %dma_wait3A_535] : memref<3x32x1024xf32, #tpu.memory_space<vmem>> -> memref<1x32x1024xf32, #tpu.memory_space<vmem>>
    %dma_wait3A_537 = tpu.memref_squeeze %dma_wait3A_536 : memref<1x32x1024xf32, #tpu.memory_space<vmem>> -> memref<32x1024xf32, #tpu.memory_space<vmem>>
    %dma_wait3A_538 = arith.constant 0 : i32
    %dma_wait3A_539 = arith.constant 0 : i32
    %dma_wait3A_540 = tpu.memref_slice %arg3[%dma_wait3A_538, %dma_wait3A_539] : memref<8192x1024xf32, #tpu.memory_space<hbm>> -> memref<8192x1024xf32, #tpu.memory_space<hbm>>
    tpu.wait_indirect_dma semaphore(%arg14 : memref<!tpu.dma_semaphore, #tpu.memory_space<semaphore_mem>>) src(%dma_wait3A_540 : memref<8192x1024xf32, #tpu.memory_space<hbm>>) dst(%dma_wait3A_537 : memref<32x1024xf32, #tpu.memory_space<vmem>>)
    %add3A_541 = arith.constant 256 : i32
    %add3A_542 = arith.addi %mul3A_2, %add3A_541 : i32
    %dma_start3A_543 = arith.constant 2 : i32
    %dma_start3A_544 = arith.constant 0 : i32
    %dma_start3A_545 = arith.constant 0 : i32
    %dma_start3A_546 = tpu.memref_slice %arg8[%dma_start3A_543, %dma_start3A_544, %dma_start3A_545] : memref<3x32x1024xf32, #tpu.memory_space<vmem>> -> memref<1x32x1024xf32, #tpu.memory_space<vmem>>
    %dma_start3A_547 = tpu.memref_squeeze %dma_start3A_546 : memref<1x32x1024xf32, #tpu.memory_space<vmem>> -> memref<32x1024xf32, #tpu.memory_space<vmem>>
    %dma_start3A_548 = arith.constant 0 : i32
    %dma_start3A_549 = tpu.memref_slice %arg4[%add3A_542, %dma_start3A_548] : memref<32768x1024xf32, #tpu.memory_space<hbm>> -> memref<32x1024xf32, #tpu.memory_space<hbm>>
    %dma_start3A_550 = arith.constant 0 : i32
    %dma_start3A_551 = tpu.memref_slice %arg4[%add3A_542, %dma_start3A_550] : memref<32768x1024xf32, #tpu.memory_space<hbm>> -> memref<32x1024xf32, #tpu.memory_space<hbm>>
    %dma_start3A_552 = arith.constant 0 : i32
    %dma_start3A_553 = arith.constant 0 : i32
    %dma_start3A_554 = tpu.memref_slice %arg8[%dma_start3A_543, %dma_start3A_552, %dma_start3A_553] : memref<3x32x1024xf32, #tpu.memory_space<vmem>> -> memref<1x32x1024xf32, #tpu.memory_space<vmem>>
    %dma_start3A_555 = tpu.memref_squeeze %dma_start3A_554 : memref<1x32x1024xf32, #tpu.memory_space<vmem>> -> memref<32x1024xf32, #tpu.memory_space<vmem>>
    tpu.enqueue_dma source(%dma_start3A_555 : memref<32x1024xf32, #tpu.memory_space<vmem>>) target(%dma_start3A_551 : memref<32x1024xf32, #tpu.memory_space<hbm>>) target_semaphore(%arg17 : memref<!tpu.dma_semaphore, #tpu.memory_space<semaphore_mem>>)
    %add3A_556 = arith.constant 11 : i32
    %add3A_557 = arith.addi %mul3A_4, %add3A_556 : i32
    %dma_start3A_558 = arith.constant 0 : i32
    %dma_start3A_559 = tpu.memref_slice %arg2[%add3A_557, %dma_start3A_558] : memref<1024x32xi32, #tpu.memory_space<hbm>> -> memref<1x32xi32, #tpu.memory_space<hbm>>
    %dma_start3A_560 = tpu.memref_squeeze %dma_start3A_559 : memref<1x32xi32, #tpu.memory_space<hbm>> -> memref<32xi32, #tpu.memory_space<hbm>>
    %dma_start3A_561 = arith.constant 0 : i32
    %dma_start3A_562 = tpu.memref_slice %arg2[%add3A_557, %dma_start3A_561] : memref<1024x32xi32, #tpu.memory_space<hbm>> -> memref<1x32xi32, #tpu.memory_space<hbm>>
    %dma_start3A_563 = tpu.memref_squeeze %dma_start3A_562 : memref<1x32xi32, #tpu.memory_space<hbm>> -> memref<32xi32, #tpu.memory_space<hbm>>
    tpu.enqueue_dma source(%dma_start3A_563 : memref<32xi32, #tpu.memory_space<hbm>>) target(%arg7 : memref<32xi32, #tpu.memory_space<vmem>>) target_semaphore(%arg11 : memref<!tpu.dma_semaphore, #tpu.memory_space<semaphore_mem>>)
    %dma_wait3A_564 = arith.constant 2 : i32
    %dma_wait3A_565 = arith.constant 0 : i32
    %dma_wait3A_566 = arith.constant 0 : i32
    %dma_wait3A_567 = tpu.memref_slice %arg8[%dma_wait3A_564, %dma_wait3A_565, %dma_wait3A_566] : memref<3x32x1024xf32, #tpu.memory_space<vmem>> -> memref<1x32x1024xf32, #tpu.memory_space<vmem>>
    %dma_wait3A_568 = tpu.memref_squeeze %dma_wait3A_567 : memref<1x32x1024xf32, #tpu.memory_space<vmem>> -> memref<32x1024xf32, #tpu.memory_space<vmem>>
    %dma_wait3A_569 = arith.constant 0 : i32
    %dma_wait3A_570 = tpu.memref_slice %arg4[%add3A_542, %dma_wait3A_569] : memref<32768x1024xf32, #tpu.memory_space<hbm>> -> memref<32x1024xf32, #tpu.memory_space<hbm>>
    %dma_wait3A_571 = arith.constant 0 : i32
    %dma_wait3A_572 = tpu.memref_slice %arg4[%add3A_542, %dma_wait3A_571] : memref<32768x1024xf32, #tpu.memory_space<hbm>> -> memref<32x1024xf32, #tpu.memory_space<hbm>>
    %dma_wait3A_573 = arith.constant 0 : i32
    %dma_wait3A_574 = arith.constant 0 : i32
    %dma_wait3A_575 = tpu.memref_slice %arg8[%dma_wait3A_564, %dma_wait3A_573, %dma_wait3A_574] : memref<3x32x1024xf32, #tpu.memory_space<vmem>> -> memref<1x32x1024xf32, #tpu.memory_space<vmem>>
    %dma_wait3A_576 = tpu.memref_squeeze %dma_wait3A_575 : memref<1x32x1024xf32, #tpu.memory_space<vmem>> -> memref<32x1024xf32, #tpu.memory_space<vmem>>
    tpu.wait_dma2 semaphore(%arg17 : memref<!tpu.dma_semaphore, #tpu.memory_space<semaphore_mem>>) src(%dma_wait3A_576 : memref<32x1024xf32, #tpu.memory_space<vmem>>) dst(%dma_wait3A_572 : memref<32x1024xf32, #tpu.memory_space<hbm>>)
    %dma_wait3A_577 = arith.constant 0 : i32
    %dma_wait3A_578 = tpu.memref_slice %arg2[%add3A_557, %dma_wait3A_577] : memref<1024x32xi32, #tpu.memory_space<hbm>> -> memref<1x32xi32, #tpu.memory_space<hbm>>
    %dma_wait3A_579 = tpu.memref_squeeze %dma_wait3A_578 : memref<1x32xi32, #tpu.memory_space<hbm>> -> memref<32xi32, #tpu.memory_space<hbm>>
    %dma_wait3A_580 = arith.constant 0 : i32
    %dma_wait3A_581 = tpu.memref_slice %arg2[%add3A_557, %dma_wait3A_580] : memref<1024x32xi32, #tpu.memory_space<hbm>> -> memref<1x32xi32, #tpu.memory_space<hbm>>
    %dma_wait3A_582 = tpu.memref_squeeze %dma_wait3A_581 : memref<1x32xi32, #tpu.memory_space<hbm>> -> memref<32xi32, #tpu.memory_space<hbm>>
    tpu.wait_dma2 semaphore(%arg11 : memref<!tpu.dma_semaphore, #tpu.memory_space<semaphore_mem>>) src(%dma_wait3A_582 : memref<32xi32, #tpu.memory_space<hbm>>) dst(%arg7 : memref<32xi32, #tpu.memory_space<vmem>>)
    %dma_start3A_583 = arith.constant 2 : i32
    %dma_start3A_584 = arith.constant 0 : i32
    %dma_start3A_585 = arith.constant 0 : i32
    %dma_start3A_586 = tpu.memref_slice %arg8[%dma_start3A_583, %dma_start3A_584, %dma_start3A_585] : memref<3x32x1024xf32, #tpu.memory_space<vmem>> -> memref<1x32x1024xf32, #tpu.memory_space<vmem>>
    %dma_start3A_587 = tpu.memref_squeeze %dma_start3A_586 : memref<1x32x1024xf32, #tpu.memory_space<vmem>> -> memref<32x1024xf32, #tpu.memory_space<vmem>>
    %dma_start3A_588 = arith.constant 0 : i32
    %dma_start3A_589 = arith.constant 0 : i32
    %dma_start3A_590 = tpu.memref_slice %arg3[%dma_start3A_588, %dma_start3A_589] : memref<8192x1024xf32, #tpu.memory_space<hbm>> -> memref<8192x1024xf32, #tpu.memory_space<hbm>>
    tpu.enqueue_indirect_dma source(%dma_start3A_590 : memref<8192x1024xf32, #tpu.memory_space<hbm>>) target(%dma_start3A_587 : memref<32x1024xf32, #tpu.memory_space<vmem>>) offsets(%arg7 : memref<32xi32, #tpu.memory_space<vmem>>) semaphore(%arg14 : memref<!tpu.dma_semaphore, #tpu.memory_space<semaphore_mem>>)
    %dma_wait3A_591 = arith.constant 0 : i32
    %dma_wait3A_592 = arith.constant 0 : i32
    %dma_wait3A_593 = arith.constant 0 : i32
    %dma_wait3A_594 = tpu.memref_slice %arg8[%dma_wait3A_591, %dma_wait3A_592, %dma_wait3A_593] : memref<3x32x1024xf32, #tpu.memory_space<vmem>> -> memref<1x32x1024xf32, #tpu.memory_space<vmem>>
    %dma_wait3A_595 = tpu.memref_squeeze %dma_wait3A_594 : memref<1x32x1024xf32, #tpu.memory_space<vmem>> -> memref<32x1024xf32, #tpu.memory_space<vmem>>
    %dma_wait3A_596 = arith.constant 0 : i32
    %dma_wait3A_597 = arith.constant 0 : i32
    %dma_wait3A_598 = tpu.memref_slice %arg3[%dma_wait3A_596, %dma_wait3A_597] : memref<8192x1024xf32, #tpu.memory_space<hbm>> -> memref<8192x1024xf32, #tpu.memory_space<hbm>>
    tpu.wait_indirect_dma semaphore(%arg12 : memref<!tpu.dma_semaphore, #tpu.memory_space<semaphore_mem>>) src(%dma_wait3A_598 : memref<8192x1024xf32, #tpu.memory_space<hbm>>) dst(%dma_wait3A_595 : memref<32x1024xf32, #tpu.memory_space<vmem>>)
    %add3A_599 = arith.constant 288 : i32
    %add3A_600 = arith.addi %mul3A_2, %add3A_599 : i32
    %dma_start3A_601 = arith.constant 0 : i32
    %dma_start3A_602 = arith.constant 0 : i32
    %dma_start3A_603 = arith.constant 0 : i32
    %dma_start3A_604 = tpu.memref_slice %arg8[%dma_start3A_601, %dma_start3A_602, %dma_start3A_603] : memref<3x32x1024xf32, #tpu.memory_space<vmem>> -> memref<1x32x1024xf32, #tpu.memory_space<vmem>>
    %dma_start3A_605 = tpu.memref_squeeze %dma_start3A_604 : memref<1x32x1024xf32, #tpu.memory_space<vmem>> -> memref<32x1024xf32, #tpu.memory_space<vmem>>
    %dma_start3A_606 = arith.constant 0 : i32
    %dma_start3A_607 = tpu.memref_slice %arg4[%add3A_600, %dma_start3A_606] : memref<32768x1024xf32, #tpu.memory_space<hbm>> -> memref<32x1024xf32, #tpu.memory_space<hbm>>
    %dma_start3A_608 = arith.constant 0 : i32
    %dma_start3A_609 = tpu.memref_slice %arg4[%add3A_600, %dma_start3A_608] : memref<32768x1024xf32, #tpu.memory_space<hbm>> -> memref<32x1024xf32, #tpu.memory_space<hbm>>
    %dma_start3A_610 = arith.constant 0 : i32
    %dma_start3A_611 = arith.constant 0 : i32
    %dma_start3A_612 = tpu.memref_slice %arg8[%dma_start3A_601, %dma_start3A_610, %dma_start3A_611] : memref<3x32x1024xf32, #tpu.memory_space<vmem>> -> memref<1x32x1024xf32, #tpu.memory_space<vmem>>
    %dma_start3A_613 = tpu.memref_squeeze %dma_start3A_612 : memref<1x32x1024xf32, #tpu.memory_space<vmem>> -> memref<32x1024xf32, #tpu.memory_space<vmem>>
    tpu.enqueue_dma source(%dma_start3A_613 : memref<32x1024xf32, #tpu.memory_space<vmem>>) target(%dma_start3A_609 : memref<32x1024xf32, #tpu.memory_space<hbm>>) target_semaphore(%arg15 : memref<!tpu.dma_semaphore, #tpu.memory_space<semaphore_mem>>)
    %add3A_614 = arith.constant 12 : i32
    %add3A_615 = arith.addi %mul3A_4, %add3A_614 : i32
    %dma_start3A_616 = arith.constant 0 : i32
    %dma_start3A_617 = tpu.memref_slice %arg2[%add3A_615, %dma_start3A_616] : memref<1024x32xi32, #tpu.memory_space<hbm>> -> memref<1x32xi32, #tpu.memory_space<hbm>>
    %dma_start3A_618 = tpu.memref_squeeze %dma_start3A_617 : memref<1x32xi32, #tpu.memory_space<hbm>> -> memref<32xi32, #tpu.memory_space<hbm>>
    %dma_start3A_619 = arith.constant 0 : i32
    %dma_start3A_620 = tpu.memref_slice %arg2[%add3A_615, %dma_start3A_619] : memref<1024x32xi32, #tpu.memory_space<hbm>> -> memref<1x32xi32, #tpu.memory_space<hbm>>
    %dma_start3A_621 = tpu.memref_squeeze %dma_start3A_620 : memref<1x32xi32, #tpu.memory_space<hbm>> -> memref<32xi32, #tpu.memory_space<hbm>>
    tpu.enqueue_dma source(%dma_start3A_621 : memref<32xi32, #tpu.memory_space<hbm>>) target(%arg5 : memref<32xi32, #tpu.memory_space<vmem>>) target_semaphore(%arg9 : memref<!tpu.dma_semaphore, #tpu.memory_space<semaphore_mem>>)
    %dma_wait3A_622 = arith.constant 0 : i32
    %dma_wait3A_623 = arith.constant 0 : i32
    %dma_wait3A_624 = arith.constant 0 : i32
    %dma_wait3A_625 = tpu.memref_slice %arg8[%dma_wait3A_622, %dma_wait3A_623, %dma_wait3A_624] : memref<3x32x1024xf32, #tpu.memory_space<vmem>> -> memref<1x32x1024xf32, #tpu.memory_space<vmem>>
    %dma_wait3A_626 = tpu.memref_squeeze %dma_wait3A_625 : memref<1x32x1024xf32, #tpu.memory_space<vmem>> -> memref<32x1024xf32, #tpu.memory_space<vmem>>
    %dma_wait3A_627 = arith.constant 0 : i32
    %dma_wait3A_628 = tpu.memref_slice %arg4[%add3A_600, %dma_wait3A_627] : memref<32768x1024xf32, #tpu.memory_space<hbm>> -> memref<32x1024xf32, #tpu.memory_space<hbm>>
    %dma_wait3A_629 = arith.constant 0 : i32
    %dma_wait3A_630 = tpu.memref_slice %arg4[%add3A_600, %dma_wait3A_629] : memref<32768x1024xf32, #tpu.memory_space<hbm>> -> memref<32x1024xf32, #tpu.memory_space<hbm>>
    %dma_wait3A_631 = arith.constant 0 : i32
    %dma_wait3A_632 = arith.constant 0 : i32
    %dma_wait3A_633 = tpu.memref_slice %arg8[%dma_wait3A_622, %dma_wait3A_631, %dma_wait3A_632] : memref<3x32x1024xf32, #tpu.memory_space<vmem>> -> memref<1x32x1024xf32, #tpu.memory_space<vmem>>
    %dma_wait3A_634 = tpu.memref_squeeze %dma_wait3A_633 : memref<1x32x1024xf32, #tpu.memory_space<vmem>> -> memref<32x1024xf32, #tpu.memory_space<vmem>>
    tpu.wait_dma2 semaphore(%arg15 : memref<!tpu.dma_semaphore, #tpu.memory_space<semaphore_mem>>) src(%dma_wait3A_634 : memref<32x1024xf32, #tpu.memory_space<vmem>>) dst(%dma_wait3A_630 : memref<32x1024xf32, #tpu.memory_space<hbm>>)
    %dma_wait3A_635 = arith.constant 0 : i32
    %dma_wait3A_636 = tpu.memref_slice %arg2[%add3A_615, %dma_wait3A_635] : memref<1024x32xi32, #tpu.memory_space<hbm>> -> memref<1x32xi32, #tpu.memory_space<hbm>>
    %dma_wait3A_637 = tpu.memref_squeeze %dma_wait3A_636 : memref<1x32xi32, #tpu.memory_space<hbm>> -> memref<32xi32, #tpu.memory_space<hbm>>
    %dma_wait3A_638 = arith.constant 0 : i32
    %dma_wait3A_639 = tpu.memref_slice %arg2[%add3A_615, %dma_wait3A_638] : memref<1024x32xi32, #tpu.memory_space<hbm>> -> memref<1x32xi32, #tpu.memory_space<hbm>>
    %dma_wait3A_640 = tpu.memref_squeeze %dma_wait3A_639 : memref<1x32xi32, #tpu.memory_space<hbm>> -> memref<32xi32, #tpu.memory_space<hbm>>
    tpu.wait_dma2 semaphore(%arg9 : memref<!tpu.dma_semaphore, #tpu.memory_space<semaphore_mem>>) src(%dma_wait3A_640 : memref<32xi32, #tpu.memory_space<hbm>>) dst(%arg5 : memref<32xi32, #tpu.memory_space<vmem>>)
    %dma_start3A_641 = arith.constant 0 : i32
    %dma_start3A_642 = arith.constant 0 : i32
    %dma_start3A_643 = arith.constant 0 : i32
    %dma_start3A_644 = tpu.memref_slice %arg8[%dma_start3A_641, %dma_start3A_642, %dma_start3A_643] : memref<3x32x1024xf32, #tpu.memory_space<vmem>> -> memref<1x32x1024xf32, #tpu.memory_space<vmem>>
    %dma_start3A_645 = tpu.memref_squeeze %dma_start3A_644 : memref<1x32x1024xf32, #tpu.memory_space<vmem>> -> memref<32x1024xf32, #tpu.memory_space<vmem>>
    %dma_start3A_646 = arith.constant 0 : i32
    %dma_start3A_647 = arith.constant 0 : i32
    %dma_start3A_648 = tpu.memref_slice %arg3[%dma_start3A_646, %dma_start3A_647] : memref<8192x1024xf32, #tpu.memory_space<hbm>> -> memref<8192x1024xf32, #tpu.memory_space<hbm>>
    tpu.enqueue_indirect_dma source(%dma_start3A_648 : memref<8192x1024xf32, #tpu.memory_space<hbm>>) target(%dma_start3A_645 : memref<32x1024xf32, #tpu.memory_space<vmem>>) offsets(%arg5 : memref<32xi32, #tpu.memory_space<vmem>>) semaphore(%arg12 : memref<!tpu.dma_semaphore, #tpu.memory_space<semaphore_mem>>)
    %dma_wait3A_649 = arith.constant 1 : i32
    %dma_wait3A_650 = arith.constant 0 : i32
    %dma_wait3A_651 = arith.constant 0 : i32
    %dma_wait3A_652 = tpu.memref_slice %arg8[%dma_wait3A_649, %dma_wait3A_650, %dma_wait3A_651] : memref<3x32x1024xf32, #tpu.memory_space<vmem>> -> memref<1x32x1024xf32, #tpu.memory_space<vmem>>
    %dma_wait3A_653 = tpu.memref_squeeze %dma_wait3A_652 : memref<1x32x1024xf32, #tpu.memory_space<vmem>> -> memref<32x1024xf32, #tpu.memory_space<vmem>>
    %dma_wait3A_654 = arith.constant 0 : i32
    %dma_wait3A_655 = arith.constant 0 : i32
    %dma_wait3A_656 = tpu.memref_slice %arg3[%dma_wait3A_654, %dma_wait3A_655] : memref<8192x1024xf32, #tpu.memory_space<hbm>> -> memref<8192x1024xf32, #tpu.memory_space<hbm>>
    tpu.wait_indirect_dma semaphore(%arg13 : memref<!tpu.dma_semaphore, #tpu.memory_space<semaphore_mem>>) src(%dma_wait3A_656 : memref<8192x1024xf32, #tpu.memory_space<hbm>>) dst(%dma_wait3A_653 : memref<32x1024xf32, #tpu.memory_space<vmem>>)
    %add3A_657 = arith.constant 320 : i32
    %add3A_658 = arith.addi %mul3A_2, %add3A_657 : i32
    %dma_start3A_659 = arith.constant 1 : i32
    %dma_start3A_660 = arith.constant 0 : i32
    %dma_start3A_661 = arith.constant 0 : i32
    %dma_start3A_662 = tpu.memref_slice %arg8[%dma_start3A_659, %dma_start3A_660, %dma_start3A_661] : memref<3x32x1024xf32, #tpu.memory_space<vmem>> -> memref<1x32x1024xf32, #tpu.memory_space<vmem>>
    %dma_start3A_663 = tpu.memref_squeeze %dma_start3A_662 : memref<1x32x1024xf32, #tpu.memory_space<vmem>> -> memref<32x1024xf32, #tpu.memory_space<vmem>>
    %dma_start3A_664 = arith.constant 0 : i32
    %dma_start3A_665 = tpu.memref_slice %arg4[%add3A_658, %dma_start3A_664] : memref<32768x1024xf32, #tpu.memory_space<hbm>> -> memref<32x1024xf32, #tpu.memory_space<hbm>>
    %dma_start3A_666 = arith.constant 0 : i32
    %dma_start3A_667 = tpu.memref_slice %arg4[%add3A_658, %dma_start3A_666] : memref<32768x1024xf32, #tpu.memory_space<hbm>> -> memref<32x1024xf32, #tpu.memory_space<hbm>>
    %dma_start3A_668 = arith.constant 0 : i32
    %dma_start3A_669 = arith.constant 0 : i32
    %dma_start3A_670 = tpu.memref_slice %arg8[%dma_start3A_659, %dma_start3A_668, %dma_start3A_669] : memref<3x32x1024xf32, #tpu.memory_space<vmem>> -> memref<1x32x1024xf32, #tpu.memory_space<vmem>>
    %dma_start3A_671 = tpu.memref_squeeze %dma_start3A_670 : memref<1x32x1024xf32, #tpu.memory_space<vmem>> -> memref<32x1024xf32, #tpu.memory_space<vmem>>
    tpu.enqueue_dma source(%dma_start3A_671 : memref<32x1024xf32, #tpu.memory_space<vmem>>) target(%dma_start3A_667 : memref<32x1024xf32, #tpu.memory_space<hbm>>) target_semaphore(%arg16 : memref<!tpu.dma_semaphore, #tpu.memory_space<semaphore_mem>>)
    %add3A_672 = arith.constant 13 : i32
    %add3A_673 = arith.addi %mul3A_4, %add3A_672 : i32
    %dma_start3A_674 = arith.constant 0 : i32
    %dma_start3A_675 = tpu.memref_slice %arg2[%add3A_673, %dma_start3A_674] : memref<1024x32xi32, #tpu.memory_space<hbm>> -> memref<1x32xi32, #tpu.memory_space<hbm>>
    %dma_start3A_676 = tpu.memref_squeeze %dma_start3A_675 : memref<1x32xi32, #tpu.memory_space<hbm>> -> memref<32xi32, #tpu.memory_space<hbm>>
    %dma_start3A_677 = arith.constant 0 : i32
    %dma_start3A_678 = tpu.memref_slice %arg2[%add3A_673, %dma_start3A_677] : memref<1024x32xi32, #tpu.memory_space<hbm>> -> memref<1x32xi32, #tpu.memory_space<hbm>>
    %dma_start3A_679 = tpu.memref_squeeze %dma_start3A_678 : memref<1x32xi32, #tpu.memory_space<hbm>> -> memref<32xi32, #tpu.memory_space<hbm>>
    tpu.enqueue_dma source(%dma_start3A_679 : memref<32xi32, #tpu.memory_space<hbm>>) target(%arg6 : memref<32xi32, #tpu.memory_space<vmem>>) target_semaphore(%arg10 : memref<!tpu.dma_semaphore, #tpu.memory_space<semaphore_mem>>)
    %dma_wait3A_680 = arith.constant 1 : i32
    %dma_wait3A_681 = arith.constant 0 : i32
    %dma_wait3A_682 = arith.constant 0 : i32
    %dma_wait3A_683 = tpu.memref_slice %arg8[%dma_wait3A_680, %dma_wait3A_681, %dma_wait3A_682] : memref<3x32x1024xf32, #tpu.memory_space<vmem>> -> memref<1x32x1024xf32, #tpu.memory_space<vmem>>
    %dma_wait3A_684 = tpu.memref_squeeze %dma_wait3A_683 : memref<1x32x1024xf32, #tpu.memory_space<vmem>> -> memref<32x1024xf32, #tpu.memory_space<vmem>>
    %dma_wait3A_685 = arith.constant 0 : i32
    %dma_wait3A_686 = tpu.memref_slice %arg4[%add3A_658, %dma_wait3A_685] : memref<32768x1024xf32, #tpu.memory_space<hbm>> -> memref<32x1024xf32, #tpu.memory_space<hbm>>
    %dma_wait3A_687 = arith.constant 0 : i32
    %dma_wait3A_688 = tpu.memref_slice %arg4[%add3A_658, %dma_wait3A_687] : memref<32768x1024xf32, #tpu.memory_space<hbm>> -> memref<32x1024xf32, #tpu.memory_space<hbm>>
    %dma_wait3A_689 = arith.constant 0 : i32
    %dma_wait3A_690 = arith.constant 0 : i32
    %dma_wait3A_691 = tpu.memref_slice %arg8[%dma_wait3A_680, %dma_wait3A_689, %dma_wait3A_690] : memref<3x32x1024xf32, #tpu.memory_space<vmem>> -> memref<1x32x1024xf32, #tpu.memory_space<vmem>>
    %dma_wait3A_692 = tpu.memref_squeeze %dma_wait3A_691 : memref<1x32x1024xf32, #tpu.memory_space<vmem>> -> memref<32x1024xf32, #tpu.memory_space<vmem>>
    tpu.wait_dma2 semaphore(%arg16 : memref<!tpu.dma_semaphore, #tpu.memory_space<semaphore_mem>>) src(%dma_wait3A_692 : memref<32x1024xf32, #tpu.memory_space<vmem>>) dst(%dma_wait3A_688 : memref<32x1024xf32, #tpu.memory_space<hbm>>)
    %dma_wait3A_693 = arith.constant 0 : i32
    %dma_wait3A_694 = tpu.memref_slice %arg2[%add3A_673, %dma_wait3A_693] : memref<1024x32xi32, #tpu.memory_space<hbm>> -> memref<1x32xi32, #tpu.memory_space<hbm>>
    %dma_wait3A_695 = tpu.memref_squeeze %dma_wait3A_694 : memref<1x32xi32, #tpu.memory_space<hbm>> -> memref<32xi32, #tpu.memory_space<hbm>>
    %dma_wait3A_696 = arith.constant 0 : i32
    %dma_wait3A_697 = tpu.memref_slice %arg2[%add3A_673, %dma_wait3A_696] : memref<1024x32xi32, #tpu.memory_space<hbm>> -> memref<1x32xi32, #tpu.memory_space<hbm>>
    %dma_wait3A_698 = tpu.memref_squeeze %dma_wait3A_697 : memref<1x32xi32, #tpu.memory_space<hbm>> -> memref<32xi32, #tpu.memory_space<hbm>>
    tpu.wait_dma2 semaphore(%arg10 : memref<!tpu.dma_semaphore, #tpu.memory_space<semaphore_mem>>) src(%dma_wait3A_698 : memref<32xi32, #tpu.memory_space<hbm>>) dst(%arg6 : memref<32xi32, #tpu.memory_space<vmem>>)
    %dma_start3A_699 = arith.constant 1 : i32
    %dma_start3A_700 = arith.constant 0 : i32
    %dma_start3A_701 = arith.constant 0 : i32
    %dma_start3A_702 = tpu.memref_slice %arg8[%dma_start3A_699, %dma_start3A_700, %dma_start3A_701] : memref<3x32x1024xf32, #tpu.memory_space<vmem>> -> memref<1x32x1024xf32, #tpu.memory_space<vmem>>
    %dma_start3A_703 = tpu.memref_squeeze %dma_start3A_702 : memref<1x32x1024xf32, #tpu.memory_space<vmem>> -> memref<32x1024xf32, #tpu.memory_space<vmem>>
    %dma_start3A_704 = arith.constant 0 : i32
    %dma_start3A_705 = arith.constant 0 : i32
    %dma_start3A_706 = tpu.memref_slice %arg3[%dma_start3A_704, %dma_start3A_705] : memref<8192x1024xf32, #tpu.memory_space<hbm>> -> memref<8192x1024xf32, #tpu.memory_space<hbm>>
    tpu.enqueue_indirect_dma source(%dma_start3A_706 : memref<8192x1024xf32, #tpu.memory_space<hbm>>) target(%dma_start3A_703 : memref<32x1024xf32, #tpu.memory_space<vmem>>) offsets(%arg6 : memref<32xi32, #tpu.memory_space<vmem>>) semaphore(%arg13 : memref<!tpu.dma_semaphore, #tpu.memory_space<semaphore_mem>>)
    %dma_wait3A_707 = arith.constant 2 : i32
    %dma_wait3A_708 = arith.constant 0 : i32
    %dma_wait3A_709 = arith.constant 0 : i32
    %dma_wait3A_710 = tpu.memref_slice %arg8[%dma_wait3A_707, %dma_wait3A_708, %dma_wait3A_709] : memref<3x32x1024xf32, #tpu.memory_space<vmem>> -> memref<1x32x1024xf32, #tpu.memory_space<vmem>>
    %dma_wait3A_711 = tpu.memref_squeeze %dma_wait3A_710 : memref<1x32x1024xf32, #tpu.memory_space<vmem>> -> memref<32x1024xf32, #tpu.memory_space<vmem>>
    %dma_wait3A_712 = arith.constant 0 : i32
    %dma_wait3A_713 = arith.constant 0 : i32
    %dma_wait3A_714 = tpu.memref_slice %arg3[%dma_wait3A_712, %dma_wait3A_713] : memref<8192x1024xf32, #tpu.memory_space<hbm>> -> memref<8192x1024xf32, #tpu.memory_space<hbm>>
    tpu.wait_indirect_dma semaphore(%arg14 : memref<!tpu.dma_semaphore, #tpu.memory_space<semaphore_mem>>) src(%dma_wait3A_714 : memref<8192x1024xf32, #tpu.memory_space<hbm>>) dst(%dma_wait3A_711 : memref<32x1024xf32, #tpu.memory_space<vmem>>)
    %add3A_715 = arith.constant 352 : i32
    %add3A_716 = arith.addi %mul3A_2, %add3A_715 : i32
    %dma_start3A_717 = arith.constant 2 : i32
    %dma_start3A_718 = arith.constant 0 : i32
    %dma_start3A_719 = arith.constant 0 : i32
    %dma_start3A_720 = tpu.memref_slice %arg8[%dma_start3A_717, %dma_start3A_718, %dma_start3A_719] : memref<3x32x1024xf32, #tpu.memory_space<vmem>> -> memref<1x32x1024xf32, #tpu.memory_space<vmem>>
    %dma_start3A_721 = tpu.memref_squeeze %dma_start3A_720 : memref<1x32x1024xf32, #tpu.memory_space<vmem>> -> memref<32x1024xf32, #tpu.memory_space<vmem>>
    %dma_start3A_722 = arith.constant 0 : i32
    %dma_start3A_723 = tpu.memref_slice %arg4[%add3A_716, %dma_start3A_722] : memref<32768x1024xf32, #tpu.memory_space<hbm>> -> memref<32x1024xf32, #tpu.memory_space<hbm>>
    %dma_start3A_724 = arith.constant 0 : i32
    %dma_start3A_725 = tpu.memref_slice %arg4[%add3A_716, %dma_start3A_724] : memref<32768x1024xf32, #tpu.memory_space<hbm>> -> memref<32x1024xf32, #tpu.memory_space<hbm>>
    %dma_start3A_726 = arith.constant 0 : i32
    %dma_start3A_727 = arith.constant 0 : i32
    %dma_start3A_728 = tpu.memref_slice %arg8[%dma_start3A_717, %dma_start3A_726, %dma_start3A_727] : memref<3x32x1024xf32, #tpu.memory_space<vmem>> -> memref<1x32x1024xf32, #tpu.memory_space<vmem>>
    %dma_start3A_729 = tpu.memref_squeeze %dma_start3A_728 : memref<1x32x1024xf32, #tpu.memory_space<vmem>> -> memref<32x1024xf32, #tpu.memory_space<vmem>>
    tpu.enqueue_dma source(%dma_start3A_729 : memref<32x1024xf32, #tpu.memory_space<vmem>>) target(%dma_start3A_725 : memref<32x1024xf32, #tpu.memory_space<hbm>>) target_semaphore(%arg17 : memref<!tpu.dma_semaphore, #tpu.memory_space<semaphore_mem>>)
    %add3A_730 = arith.constant 14 : i32
    %add3A_731 = arith.addi %mul3A_4, %add3A_730 : i32
    %dma_start3A_732 = arith.constant 0 : i32
    %dma_start3A_733 = tpu.memref_slice %arg2[%add3A_731, %dma_start3A_732] : memref<1024x32xi32, #tpu.memory_space<hbm>> -> memref<1x32xi32, #tpu.memory_space<hbm>>
    %dma_start3A_734 = tpu.memref_squeeze %dma_start3A_733 : memref<1x32xi32, #tpu.memory_space<hbm>> -> memref<32xi32, #tpu.memory_space<hbm>>
    %dma_start3A_735 = arith.constant 0 : i32
    %dma_start3A_736 = tpu.memref_slice %arg2[%add3A_731, %dma_start3A_735] : memref<1024x32xi32, #tpu.memory_space<hbm>> -> memref<1x32xi32, #tpu.memory_space<hbm>>
    %dma_start3A_737 = tpu.memref_squeeze %dma_start3A_736 : memref<1x32xi32, #tpu.memory_space<hbm>> -> memref<32xi32, #tpu.memory_space<hbm>>
    tpu.enqueue_dma source(%dma_start3A_737 : memref<32xi32, #tpu.memory_space<hbm>>) target(%arg7 : memref<32xi32, #tpu.memory_space<vmem>>) target_semaphore(%arg11 : memref<!tpu.dma_semaphore, #tpu.memory_space<semaphore_mem>>)
    %dma_wait3A_738 = arith.constant 2 : i32
    %dma_wait3A_739 = arith.constant 0 : i32
    %dma_wait3A_740 = arith.constant 0 : i32
    %dma_wait3A_741 = tpu.memref_slice %arg8[%dma_wait3A_738, %dma_wait3A_739, %dma_wait3A_740] : memref<3x32x1024xf32, #tpu.memory_space<vmem>> -> memref<1x32x1024xf32, #tpu.memory_space<vmem>>
    %dma_wait3A_742 = tpu.memref_squeeze %dma_wait3A_741 : memref<1x32x1024xf32, #tpu.memory_space<vmem>> -> memref<32x1024xf32, #tpu.memory_space<vmem>>
    %dma_wait3A_743 = arith.constant 0 : i32
    %dma_wait3A_744 = tpu.memref_slice %arg4[%add3A_716, %dma_wait3A_743] : memref<32768x1024xf32, #tpu.memory_space<hbm>> -> memref<32x1024xf32, #tpu.memory_space<hbm>>
    %dma_wait3A_745 = arith.constant 0 : i32
    %dma_wait3A_746 = tpu.memref_slice %arg4[%add3A_716, %dma_wait3A_745] : memref<32768x1024xf32, #tpu.memory_space<hbm>> -> memref<32x1024xf32, #tpu.memory_space<hbm>>
    %dma_wait3A_747 = arith.constant 0 : i32
    %dma_wait3A_748 = arith.constant 0 : i32
    %dma_wait3A_749 = tpu.memref_slice %arg8[%dma_wait3A_738, %dma_wait3A_747, %dma_wait3A_748] : memref<3x32x1024xf32, #tpu.memory_space<vmem>> -> memref<1x32x1024xf32, #tpu.memory_space<vmem>>
    %dma_wait3A_750 = tpu.memref_squeeze %dma_wait3A_749 : memref<1x32x1024xf32, #tpu.memory_space<vmem>> -> memref<32x1024xf32, #tpu.memory_space<vmem>>
    tpu.wait_dma2 semaphore(%arg17 : memref<!tpu.dma_semaphore, #tpu.memory_space<semaphore_mem>>) src(%dma_wait3A_750 : memref<32x1024xf32, #tpu.memory_space<vmem>>) dst(%dma_wait3A_746 : memref<32x1024xf32, #tpu.memory_space<hbm>>)
    %dma_wait3A_751 = arith.constant 0 : i32
    %dma_wait3A_752 = tpu.memref_slice %arg2[%add3A_731, %dma_wait3A_751] : memref<1024x32xi32, #tpu.memory_space<hbm>> -> memref<1x32xi32, #tpu.memory_space<hbm>>
    %dma_wait3A_753 = tpu.memref_squeeze %dma_wait3A_752 : memref<1x32xi32, #tpu.memory_space<hbm>> -> memref<32xi32, #tpu.memory_space<hbm>>
    %dma_wait3A_754 = arith.constant 0 : i32
    %dma_wait3A_755 = tpu.memref_slice %arg2[%add3A_731, %dma_wait3A_754] : memref<1024x32xi32, #tpu.memory_space<hbm>> -> memref<1x32xi32, #tpu.memory_space<hbm>>
    %dma_wait3A_756 = tpu.memref_squeeze %dma_wait3A_755 : memref<1x32xi32, #tpu.memory_space<hbm>> -> memref<32xi32, #tpu.memory_space<hbm>>
    tpu.wait_dma2 semaphore(%arg11 : memref<!tpu.dma_semaphore, #tpu.memory_space<semaphore_mem>>) src(%dma_wait3A_756 : memref<32xi32, #tpu.memory_space<hbm>>) dst(%arg7 : memref<32xi32, #tpu.memory_space<vmem>>)
    %dma_start3A_757 = arith.constant 2 : i32
    %dma_start3A_758 = arith.constant 0 : i32
    %dma_start3A_759 = arith.constant 0 : i32
    %dma_start3A_760 = tpu.memref_slice %arg8[%dma_start3A_757, %dma_start3A_758, %dma_start3A_759] : memref<3x32x1024xf32, #tpu.memory_space<vmem>> -> memref<1x32x1024xf32, #tpu.memory_space<vmem>>
    %dma_start3A_761 = tpu.memref_squeeze %dma_start3A_760 : memref<1x32x1024xf32, #tpu.memory_space<vmem>> -> memref<32x1024xf32, #tpu.memory_space<vmem>>
    %dma_start3A_762 = arith.constant 0 : i32
    %dma_start3A_763 = arith.constant 0 : i32
    %dma_start3A_764 = tpu.memref_slice %arg3[%dma_start3A_762, %dma_start3A_763] : memref<8192x1024xf32, #tpu.memory_space<hbm>> -> memref<8192x1024xf32, #tpu.memory_space<hbm>>
    tpu.enqueue_indirect_dma source(%dma_start3A_764 : memref<8192x1024xf32, #tpu.memory_space<hbm>>) target(%dma_start3A_761 : memref<32x1024xf32, #tpu.memory_space<vmem>>) offsets(%arg7 : memref<32xi32, #tpu.memory_space<vmem>>) semaphore(%arg14 : memref<!tpu.dma_semaphore, #tpu.memory_space<semaphore_mem>>)
    %dma_wait3A_765 = arith.constant 0 : i32
    %dma_wait3A_766 = arith.constant 0 : i32
    %dma_wait3A_767 = arith.constant 0 : i32
    %dma_wait3A_768 = tpu.memref_slice %arg8[%dma_wait3A_765, %dma_wait3A_766, %dma_wait3A_767] : memref<3x32x1024xf32, #tpu.memory_space<vmem>> -> memref<1x32x1024xf32, #tpu.memory_space<vmem>>
    %dma_wait3A_769 = tpu.memref_squeeze %dma_wait3A_768 : memref<1x32x1024xf32, #tpu.memory_space<vmem>> -> memref<32x1024xf32, #tpu.memory_space<vmem>>
    %dma_wait3A_770 = arith.constant 0 : i32
    %dma_wait3A_771 = arith.constant 0 : i32
    %dma_wait3A_772 = tpu.memref_slice %arg3[%dma_wait3A_770, %dma_wait3A_771] : memref<8192x1024xf32, #tpu.memory_space<hbm>> -> memref<8192x1024xf32, #tpu.memory_space<hbm>>
    tpu.wait_indirect_dma semaphore(%arg12 : memref<!tpu.dma_semaphore, #tpu.memory_space<semaphore_mem>>) src(%dma_wait3A_772 : memref<8192x1024xf32, #tpu.memory_space<hbm>>) dst(%dma_wait3A_769 : memref<32x1024xf32, #tpu.memory_space<vmem>>)
    %add3A_773 = arith.constant 384 : i32
    %add3A_774 = arith.addi %mul3A_2, %add3A_773 : i32
    %dma_start3A_775 = arith.constant 0 : i32
    %dma_start3A_776 = arith.constant 0 : i32
    %dma_start3A_777 = arith.constant 0 : i32
    %dma_start3A_778 = tpu.memref_slice %arg8[%dma_start3A_775, %dma_start3A_776, %dma_start3A_777] : memref<3x32x1024xf32, #tpu.memory_space<vmem>> -> memref<1x32x1024xf32, #tpu.memory_space<vmem>>
    %dma_start3A_779 = tpu.memref_squeeze %dma_start3A_778 : memref<1x32x1024xf32, #tpu.memory_space<vmem>> -> memref<32x1024xf32, #tpu.memory_space<vmem>>
    %dma_start3A_780 = arith.constant 0 : i32
    %dma_start3A_781 = tpu.memref_slice %arg4[%add3A_774, %dma_start3A_780] : memref<32768x1024xf32, #tpu.memory_space<hbm>> -> memref<32x1024xf32, #tpu.memory_space<hbm>>
    %dma_start3A_782 = arith.constant 0 : i32
    %dma_start3A_783 = tpu.memref_slice %arg4[%add3A_774, %dma_start3A_782] : memref<32768x1024xf32, #tpu.memory_space<hbm>> -> memref<32x1024xf32, #tpu.memory_space<hbm>>
    %dma_start3A_784 = arith.constant 0 : i32
    %dma_start3A_785 = arith.constant 0 : i32
    %dma_start3A_786 = tpu.memref_slice %arg8[%dma_start3A_775, %dma_start3A_784, %dma_start3A_785] : memref<3x32x1024xf32, #tpu.memory_space<vmem>> -> memref<1x32x1024xf32, #tpu.memory_space<vmem>>
    %dma_start3A_787 = tpu.memref_squeeze %dma_start3A_786 : memref<1x32x1024xf32, #tpu.memory_space<vmem>> -> memref<32x1024xf32, #tpu.memory_space<vmem>>
    tpu.enqueue_dma source(%dma_start3A_787 : memref<32x1024xf32, #tpu.memory_space<vmem>>) target(%dma_start3A_783 : memref<32x1024xf32, #tpu.memory_space<hbm>>) target_semaphore(%arg15 : memref<!tpu.dma_semaphore, #tpu.memory_space<semaphore_mem>>)
    %add3A_788 = arith.constant 15 : i32
    %add3A_789 = arith.addi %mul3A_4, %add3A_788 : i32
    %dma_start3A_790 = arith.constant 0 : i32
    %dma_start3A_791 = tpu.memref_slice %arg2[%add3A_789, %dma_start3A_790] : memref<1024x32xi32, #tpu.memory_space<hbm>> -> memref<1x32xi32, #tpu.memory_space<hbm>>
    %dma_start3A_792 = tpu.memref_squeeze %dma_start3A_791 : memref<1x32xi32, #tpu.memory_space<hbm>> -> memref<32xi32, #tpu.memory_space<hbm>>
    %dma_start3A_793 = arith.constant 0 : i32
    %dma_start3A_794 = tpu.memref_slice %arg2[%add3A_789, %dma_start3A_793] : memref<1024x32xi32, #tpu.memory_space<hbm>> -> memref<1x32xi32, #tpu.memory_space<hbm>>
    %dma_start3A_795 = tpu.memref_squeeze %dma_start3A_794 : memref<1x32xi32, #tpu.memory_space<hbm>> -> memref<32xi32, #tpu.memory_space<hbm>>
    tpu.enqueue_dma source(%dma_start3A_795 : memref<32xi32, #tpu.memory_space<hbm>>) target(%arg5 : memref<32xi32, #tpu.memory_space<vmem>>) target_semaphore(%arg9 : memref<!tpu.dma_semaphore, #tpu.memory_space<semaphore_mem>>)
    %dma_wait3A_796 = arith.constant 0 : i32
    %dma_wait3A_797 = arith.constant 0 : i32
    %dma_wait3A_798 = arith.constant 0 : i32
    %dma_wait3A_799 = tpu.memref_slice %arg8[%dma_wait3A_796, %dma_wait3A_797, %dma_wait3A_798] : memref<3x32x1024xf32, #tpu.memory_space<vmem>> -> memref<1x32x1024xf32, #tpu.memory_space<vmem>>
    %dma_wait3A_800 = tpu.memref_squeeze %dma_wait3A_799 : memref<1x32x1024xf32, #tpu.memory_space<vmem>> -> memref<32x1024xf32, #tpu.memory_space<vmem>>
    %dma_wait3A_801 = arith.constant 0 : i32
    %dma_wait3A_802 = tpu.memref_slice %arg4[%add3A_774, %dma_wait3A_801] : memref<32768x1024xf32, #tpu.memory_space<hbm>> -> memref<32x1024xf32, #tpu.memory_space<hbm>>
    %dma_wait3A_803 = arith.constant 0 : i32
    %dma_wait3A_804 = tpu.memref_slice %arg4[%add3A_774, %dma_wait3A_803] : memref<32768x1024xf32, #tpu.memory_space<hbm>> -> memref<32x1024xf32, #tpu.memory_space<hbm>>
    %dma_wait3A_805 = arith.constant 0 : i32
    %dma_wait3A_806 = arith.constant 0 : i32
    %dma_wait3A_807 = tpu.memref_slice %arg8[%dma_wait3A_796, %dma_wait3A_805, %dma_wait3A_806] : memref<3x32x1024xf32, #tpu.memory_space<vmem>> -> memref<1x32x1024xf32, #tpu.memory_space<vmem>>
    %dma_wait3A_808 = tpu.memref_squeeze %dma_wait3A_807 : memref<1x32x1024xf32, #tpu.memory_space<vmem>> -> memref<32x1024xf32, #tpu.memory_space<vmem>>
    tpu.wait_dma2 semaphore(%arg15 : memref<!tpu.dma_semaphore, #tpu.memory_space<semaphore_mem>>) src(%dma_wait3A_808 : memref<32x1024xf32, #tpu.memory_space<vmem>>) dst(%dma_wait3A_804 : memref<32x1024xf32, #tpu.memory_space<hbm>>)
    %dma_wait3A_809 = arith.constant 0 : i32
    %dma_wait3A_810 = tpu.memref_slice %arg2[%add3A_789, %dma_wait3A_809] : memref<1024x32xi32, #tpu.memory_space<hbm>> -> memref<1x32xi32, #tpu.memory_space<hbm>>
    %dma_wait3A_811 = tpu.memref_squeeze %dma_wait3A_810 : memref<1x32xi32, #tpu.memory_space<hbm>> -> memref<32xi32, #tpu.memory_space<hbm>>
    %dma_wait3A_812 = arith.constant 0 : i32
    %dma_wait3A_813 = tpu.memref_slice %arg2[%add3A_789, %dma_wait3A_812] : memref<1024x32xi32, #tpu.memory_space<hbm>> -> memref<1x32xi32, #tpu.memory_space<hbm>>
    %dma_wait3A_814 = tpu.memref_squeeze %dma_wait3A_813 : memref<1x32xi32, #tpu.memory_space<hbm>> -> memref<32xi32, #tpu.memory_space<hbm>>
    tpu.wait_dma2 semaphore(%arg9 : memref<!tpu.dma_semaphore, #tpu.memory_space<semaphore_mem>>) src(%dma_wait3A_814 : memref<32xi32, #tpu.memory_space<hbm>>) dst(%arg5 : memref<32xi32, #tpu.memory_space<vmem>>)
    %dma_start3A_815 = arith.constant 0 : i32
    %dma_start3A_816 = arith.constant 0 : i32
    %dma_start3A_817 = arith.constant 0 : i32
    %dma_start3A_818 = tpu.memref_slice %arg8[%dma_start3A_815, %dma_start3A_816, %dma_start3A_817] : memref<3x32x1024xf32, #tpu.memory_space<vmem>> -> memref<1x32x1024xf32, #tpu.memory_space<vmem>>
    %dma_start3A_819 = tpu.memref_squeeze %dma_start3A_818 : memref<1x32x1024xf32, #tpu.memory_space<vmem>> -> memref<32x1024xf32, #tpu.memory_space<vmem>>
    %dma_start3A_820 = arith.constant 0 : i32
    %dma_start3A_821 = arith.constant 0 : i32
    %dma_start3A_822 = tpu.memref_slice %arg3[%dma_start3A_820, %dma_start3A_821] : memref<8192x1024xf32, #tpu.memory_space<hbm>> -> memref<8192x1024xf32, #tpu.memory_space<hbm>>
    tpu.enqueue_indirect_dma source(%dma_start3A_822 : memref<8192x1024xf32, #tpu.memory_space<hbm>>) target(%dma_start3A_819 : memref<32x1024xf32, #tpu.memory_space<vmem>>) offsets(%arg5 : memref<32xi32, #tpu.memory_space<vmem>>) semaphore(%arg12 : memref<!tpu.dma_semaphore, #tpu.memory_space<semaphore_mem>>)
    %dma_wait3A_823 = arith.constant 1 : i32
    %dma_wait3A_824 = arith.constant 0 : i32
    %dma_wait3A_825 = arith.constant 0 : i32
    %dma_wait3A_826 = tpu.memref_slice %arg8[%dma_wait3A_823, %dma_wait3A_824, %dma_wait3A_825] : memref<3x32x1024xf32, #tpu.memory_space<vmem>> -> memref<1x32x1024xf32, #tpu.memory_space<vmem>>
    %dma_wait3A_827 = tpu.memref_squeeze %dma_wait3A_826 : memref<1x32x1024xf32, #tpu.memory_space<vmem>> -> memref<32x1024xf32, #tpu.memory_space<vmem>>
    %dma_wait3A_828 = arith.constant 0 : i32
    %dma_wait3A_829 = arith.constant 0 : i32
    %dma_wait3A_830 = tpu.memref_slice %arg3[%dma_wait3A_828, %dma_wait3A_829] : memref<8192x1024xf32, #tpu.memory_space<hbm>> -> memref<8192x1024xf32, #tpu.memory_space<hbm>>
    tpu.wait_indirect_dma semaphore(%arg13 : memref<!tpu.dma_semaphore, #tpu.memory_space<semaphore_mem>>) src(%dma_wait3A_830 : memref<8192x1024xf32, #tpu.memory_space<hbm>>) dst(%dma_wait3A_827 : memref<32x1024xf32, #tpu.memory_space<vmem>>)
    %add3A_831 = arith.constant 416 : i32
    %add3A_832 = arith.addi %mul3A_2, %add3A_831 : i32
    %dma_start3A_833 = arith.constant 1 : i32
    %dma_start3A_834 = arith.constant 0 : i32
    %dma_start3A_835 = arith.constant 0 : i32
    %dma_start3A_836 = tpu.memref_slice %arg8[%dma_start3A_833, %dma_start3A_834, %dma_start3A_835] : memref<3x32x1024xf32, #tpu.memory_space<vmem>> -> memref<1x32x1024xf32, #tpu.memory_space<vmem>>
    %dma_start3A_837 = tpu.memref_squeeze %dma_start3A_836 : memref<1x32x1024xf32, #tpu.memory_space<vmem>> -> memref<32x1024xf32, #tpu.memory_space<vmem>>
    %dma_start3A_838 = arith.constant 0 : i32
    %dma_start3A_839 = tpu.memref_slice %arg4[%add3A_832, %dma_start3A_838] : memref<32768x1024xf32, #tpu.memory_space<hbm>> -> memref<32x1024xf32, #tpu.memory_space<hbm>>
    %dma_start3A_840 = arith.constant 0 : i32
    %dma_start3A_841 = tpu.memref_slice %arg4[%add3A_832, %dma_start3A_840] : memref<32768x1024xf32, #tpu.memory_space<hbm>> -> memref<32x1024xf32, #tpu.memory_space<hbm>>
    %dma_start3A_842 = arith.constant 0 : i32
    %dma_start3A_843 = arith.constant 0 : i32
    %dma_start3A_844 = tpu.memref_slice %arg8[%dma_start3A_833, %dma_start3A_842, %dma_start3A_843] : memref<3x32x1024xf32, #tpu.memory_space<vmem>> -> memref<1x32x1024xf32, #tpu.memory_space<vmem>>
    %dma_start3A_845 = tpu.memref_squeeze %dma_start3A_844 : memref<1x32x1024xf32, #tpu.memory_space<vmem>> -> memref<32x1024xf32, #tpu.memory_space<vmem>>
    tpu.enqueue_dma source(%dma_start3A_845 : memref<32x1024xf32, #tpu.memory_space<vmem>>) target(%dma_start3A_841 : memref<32x1024xf32, #tpu.memory_space<hbm>>) target_semaphore(%arg16 : memref<!tpu.dma_semaphore, #tpu.memory_space<semaphore_mem>>)
    %add3A_846 = arith.constant 16 : i32
    %add3A_847 = arith.addi %mul3A_4, %add3A_846 : i32
    %dma_start3A_848 = arith.constant 0 : i32
    %dma_start3A_849 = tpu.memref_slice %arg2[%add3A_847, %dma_start3A_848] : memref<1024x32xi32, #tpu.memory_space<hbm>> -> memref<1x32xi32, #tpu.memory_space<hbm>>
    %dma_start3A_850 = tpu.memref_squeeze %dma_start3A_849 : memref<1x32xi32, #tpu.memory_space<hbm>> -> memref<32xi32, #tpu.memory_space<hbm>>
    %dma_start3A_851 = arith.constant 0 : i32
    %dma_start3A_852 = tpu.memref_slice %arg2[%add3A_847, %dma_start3A_851] : memref<1024x32xi32, #tpu.memory_space<hbm>> -> memref<1x32xi32, #tpu.memory_space<hbm>>
    %dma_start3A_853 = tpu.memref_squeeze %dma_start3A_852 : memref<1x32xi32, #tpu.memory_space<hbm>> -> memref<32xi32, #tpu.memory_space<hbm>>
    tpu.enqueue_dma source(%dma_start3A_853 : memref<32xi32, #tpu.memory_space<hbm>>) target(%arg6 : memref<32xi32, #tpu.memory_space<vmem>>) target_semaphore(%arg10 : memref<!tpu.dma_semaphore, #tpu.memory_space<semaphore_mem>>)
    %dma_wait3A_854 = arith.constant 1 : i32
    %dma_wait3A_855 = arith.constant 0 : i32
    %dma_wait3A_856 = arith.constant 0 : i32
    %dma_wait3A_857 = tpu.memref_slice %arg8[%dma_wait3A_854, %dma_wait3A_855, %dma_wait3A_856] : memref<3x32x1024xf32, #tpu.memory_space<vmem>> -> memref<1x32x1024xf32, #tpu.memory_space<vmem>>
    %dma_wait3A_858 = tpu.memref_squeeze %dma_wait3A_857 : memref<1x32x1024xf32, #tpu.memory_space<vmem>> -> memref<32x1024xf32, #tpu.memory_space<vmem>>
    %dma_wait3A_859 = arith.constant 0 : i32
    %dma_wait3A_860 = tpu.memref_slice %arg4[%add3A_832, %dma_wait3A_859] : memref<32768x1024xf32, #tpu.memory_space<hbm>> -> memref<32x1024xf32, #tpu.memory_space<hbm>>
    %dma_wait3A_861 = arith.constant 0 : i32
    %dma_wait3A_862 = tpu.memref_slice %arg4[%add3A_832, %dma_wait3A_861] : memref<32768x1024xf32, #tpu.memory_space<hbm>> -> memref<32x1024xf32, #tpu.memory_space<hbm>>
    %dma_wait3A_863 = arith.constant 0 : i32
    %dma_wait3A_864 = arith.constant 0 : i32
    %dma_wait3A_865 = tpu.memref_slice %arg8[%dma_wait3A_854, %dma_wait3A_863, %dma_wait3A_864] : memref<3x32x1024xf32, #tpu.memory_space<vmem>> -> memref<1x32x1024xf32, #tpu.memory_space<vmem>>
    %dma_wait3A_866 = tpu.memref_squeeze %dma_wait3A_865 : memref<1x32x1024xf32, #tpu.memory_space<vmem>> -> memref<32x1024xf32, #tpu.memory_space<vmem>>
    tpu.wait_dma2 semaphore(%arg16 : memref<!tpu.dma_semaphore, #tpu.memory_space<semaphore_mem>>) src(%dma_wait3A_866 : memref<32x1024xf32, #tpu.memory_space<vmem>>) dst(%dma_wait3A_862 : memref<32x1024xf32, #tpu.memory_space<hbm>>)
    %dma_wait3A_867 = arith.constant 0 : i32
    %dma_wait3A_868 = tpu.memref_slice %arg2[%add3A_847, %dma_wait3A_867] : memref<1024x32xi32, #tpu.memory_space<hbm>> -> memref<1x32xi32, #tpu.memory_space<hbm>>
    %dma_wait3A_869 = tpu.memref_squeeze %dma_wait3A_868 : memref<1x32xi32, #tpu.memory_space<hbm>> -> memref<32xi32, #tpu.memory_space<hbm>>
    %dma_wait3A_870 = arith.constant 0 : i32
    %dma_wait3A_871 = tpu.memref_slice %arg2[%add3A_847, %dma_wait3A_870] : memref<1024x32xi32, #tpu.memory_space<hbm>> -> memref<1x32xi32, #tpu.memory_space<hbm>>
    %dma_wait3A_872 = tpu.memref_squeeze %dma_wait3A_871 : memref<1x32xi32, #tpu.memory_space<hbm>> -> memref<32xi32, #tpu.memory_space<hbm>>
    tpu.wait_dma2 semaphore(%arg10 : memref<!tpu.dma_semaphore, #tpu.memory_space<semaphore_mem>>) src(%dma_wait3A_872 : memref<32xi32, #tpu.memory_space<hbm>>) dst(%arg6 : memref<32xi32, #tpu.memory_space<vmem>>)
    %dma_start3A_873 = arith.constant 1 : i32
    %dma_start3A_874 = arith.constant 0 : i32
    %dma_start3A_875 = arith.constant 0 : i32
    %dma_start3A_876 = tpu.memref_slice %arg8[%dma_start3A_873, %dma_start3A_874, %dma_start3A_875] : memref<3x32x1024xf32, #tpu.memory_space<vmem>> -> memref<1x32x1024xf32, #tpu.memory_space<vmem>>
    %dma_start3A_877 = tpu.memref_squeeze %dma_start3A_876 : memref<1x32x1024xf32, #tpu.memory_space<vmem>> -> memref<32x1024xf32, #tpu.memory_space<vmem>>
    %dma_start3A_878 = arith.constant 0 : i32
    %dma_start3A_879 = arith.constant 0 : i32
    %dma_start3A_880 = tpu.memref_slice %arg3[%dma_start3A_878, %dma_start3A_879] : memref<8192x1024xf32, #tpu.memory_space<hbm>> -> memref<8192x1024xf32, #tpu.memory_space<hbm>>
    tpu.enqueue_indirect_dma source(%dma_start3A_880 : memref<8192x1024xf32, #tpu.memory_space<hbm>>) target(%dma_start3A_877 : memref<32x1024xf32, #tpu.memory_space<vmem>>) offsets(%arg6 : memref<32xi32, #tpu.memory_space<vmem>>) semaphore(%arg13 : memref<!tpu.dma_semaphore, #tpu.memory_space<semaphore_mem>>)
    %dma_wait3A_881 = arith.constant 2 : i32
    %dma_wait3A_882 = arith.constant 0 : i32
    %dma_wait3A_883 = arith.constant 0 : i32
    %dma_wait3A_884 = tpu.memref_slice %arg8[%dma_wait3A_881, %dma_wait3A_882, %dma_wait3A_883] : memref<3x32x1024xf32, #tpu.memory_space<vmem>> -> memref<1x32x1024xf32, #tpu.memory_space<vmem>>
    %dma_wait3A_885 = tpu.memref_squeeze %dma_wait3A_884 : memref<1x32x1024xf32, #tpu.memory_space<vmem>> -> memref<32x1024xf32, #tpu.memory_space<vmem>>
    %dma_wait3A_886 = arith.constant 0 : i32
    %dma_wait3A_887 = arith.constant 0 : i32
    %dma_wait3A_888 = tpu.memref_slice %arg3[%dma_wait3A_886, %dma_wait3A_887] : memref<8192x1024xf32, #tpu.memory_space<hbm>> -> memref<8192x1024xf32, #tpu.memory_space<hbm>>
    tpu.wait_indirect_dma semaphore(%arg14 : memref<!tpu.dma_semaphore, #tpu.memory_space<semaphore_mem>>) src(%dma_wait3A_888 : memref<8192x1024xf32, #tpu.memory_space<hbm>>) dst(%dma_wait3A_885 : memref<32x1024xf32, #tpu.memory_space<vmem>>)
    %add3A_889 = arith.constant 448 : i32
    %add3A_890 = arith.addi %mul3A_2, %add3A_889 : i32
    %dma_start3A_891 = arith.constant 2 : i32
    %dma_start3A_892 = arith.constant 0 : i32
    %dma_start3A_893 = arith.constant 0 : i32
    %dma_start3A_894 = tpu.memref_slice %arg8[%dma_start3A_891, %dma_start3A_892, %dma_start3A_893] : memref<3x32x1024xf32, #tpu.memory_space<vmem>> -> memref<1x32x1024xf32, #tpu.memory_space<vmem>>
    %dma_start3A_895 = tpu.memref_squeeze %dma_start3A_894 : memref<1x32x1024xf32, #tpu.memory_space<vmem>> -> memref<32x1024xf32, #tpu.memory_space<vmem>>
    %dma_start3A_896 = arith.constant 0 : i32
    %dma_start3A_897 = tpu.memref_slice %arg4[%add3A_890, %dma_start3A_896] : memref<32768x1024xf32, #tpu.memory_space<hbm>> -> memref<32x1024xf32, #tpu.memory_space<hbm>>
    %dma_start3A_898 = arith.constant 0 : i32
    %dma_start3A_899 = tpu.memref_slice %arg4[%add3A_890, %dma_start3A_898] : memref<32768x1024xf32, #tpu.memory_space<hbm>> -> memref<32x1024xf32, #tpu.memory_space<hbm>>
    %dma_start3A_900 = arith.constant 0 : i32
    %dma_start3A_901 = arith.constant 0 : i32
    %dma_start3A_902 = tpu.memref_slice %arg8[%dma_start3A_891, %dma_start3A_900, %dma_start3A_901] : memref<3x32x1024xf32, #tpu.memory_space<vmem>> -> memref<1x32x1024xf32, #tpu.memory_space<vmem>>
    %dma_start3A_903 = tpu.memref_squeeze %dma_start3A_902 : memref<1x32x1024xf32, #tpu.memory_space<vmem>> -> memref<32x1024xf32, #tpu.memory_space<vmem>>
    tpu.enqueue_dma source(%dma_start3A_903 : memref<32x1024xf32, #tpu.memory_space<vmem>>) target(%dma_start3A_899 : memref<32x1024xf32, #tpu.memory_space<hbm>>) target_semaphore(%arg17 : memref<!tpu.dma_semaphore, #tpu.memory_space<semaphore_mem>>)
    %add3A_904 = arith.constant 17 : i32
    %add3A_905 = arith.addi %mul3A_4, %add3A_904 : i32
    %dma_start3A_906 = arith.constant 0 : i32
    %dma_start3A_907 = tpu.memref_slice %arg2[%add3A_905, %dma_start3A_906] : memref<1024x32xi32, #tpu.memory_space<hbm>> -> memref<1x32xi32, #tpu.memory_space<hbm>>
    %dma_start3A_908 = tpu.memref_squeeze %dma_start3A_907 : memref<1x32xi32, #tpu.memory_space<hbm>> -> memref<32xi32, #tpu.memory_space<hbm>>
    %dma_start3A_909 = arith.constant 0 : i32
    %dma_start3A_910 = tpu.memref_slice %arg2[%add3A_905, %dma_start3A_909] : memref<1024x32xi32, #tpu.memory_space<hbm>> -> memref<1x32xi32, #tpu.memory_space<hbm>>
    %dma_start3A_911 = tpu.memref_squeeze %dma_start3A_910 : memref<1x32xi32, #tpu.memory_space<hbm>> -> memref<32xi32, #tpu.memory_space<hbm>>
    tpu.enqueue_dma source(%dma_start3A_911 : memref<32xi32, #tpu.memory_space<hbm>>) target(%arg7 : memref<32xi32, #tpu.memory_space<vmem>>) target_semaphore(%arg11 : memref<!tpu.dma_semaphore, #tpu.memory_space<semaphore_mem>>)
    %dma_wait3A_912 = arith.constant 2 : i32
    %dma_wait3A_913 = arith.constant 0 : i32
    %dma_wait3A_914 = arith.constant 0 : i32
    %dma_wait3A_915 = tpu.memref_slice %arg8[%dma_wait3A_912, %dma_wait3A_913, %dma_wait3A_914] : memref<3x32x1024xf32, #tpu.memory_space<vmem>> -> memref<1x32x1024xf32, #tpu.memory_space<vmem>>
    %dma_wait3A_916 = tpu.memref_squeeze %dma_wait3A_915 : memref<1x32x1024xf32, #tpu.memory_space<vmem>> -> memref<32x1024xf32, #tpu.memory_space<vmem>>
    %dma_wait3A_917 = arith.constant 0 : i32
    %dma_wait3A_918 = tpu.memref_slice %arg4[%add3A_890, %dma_wait3A_917] : memref<32768x1024xf32, #tpu.memory_space<hbm>> -> memref<32x1024xf32, #tpu.memory_space<hbm>>
    %dma_wait3A_919 = arith.constant 0 : i32
    %dma_wait3A_920 = tpu.memref_slice %arg4[%add3A_890, %dma_wait3A_919] : memref<32768x1024xf32, #tpu.memory_space<hbm>> -> memref<32x1024xf32, #tpu.memory_space<hbm>>
    %dma_wait3A_921 = arith.constant 0 : i32
    %dma_wait3A_922 = arith.constant 0 : i32
    %dma_wait3A_923 = tpu.memref_slice %arg8[%dma_wait3A_912, %dma_wait3A_921, %dma_wait3A_922] : memref<3x32x1024xf32, #tpu.memory_space<vmem>> -> memref<1x32x1024xf32, #tpu.memory_space<vmem>>
    %dma_wait3A_924 = tpu.memref_squeeze %dma_wait3A_923 : memref<1x32x1024xf32, #tpu.memory_space<vmem>> -> memref<32x1024xf32, #tpu.memory_space<vmem>>
    tpu.wait_dma2 semaphore(%arg17 : memref<!tpu.dma_semaphore, #tpu.memory_space<semaphore_mem>>) src(%dma_wait3A_924 : memref<32x1024xf32, #tpu.memory_space<vmem>>) dst(%dma_wait3A_920 : memref<32x1024xf32, #tpu.memory_space<hbm>>)
    %dma_wait3A_925 = arith.constant 0 : i32
    %dma_wait3A_926 = tpu.memref_slice %arg2[%add3A_905, %dma_wait3A_925] : memref<1024x32xi32, #tpu.memory_space<hbm>> -> memref<1x32xi32, #tpu.memory_space<hbm>>
    %dma_wait3A_927 = tpu.memref_squeeze %dma_wait3A_926 : memref<1x32xi32, #tpu.memory_space<hbm>> -> memref<32xi32, #tpu.memory_space<hbm>>
    %dma_wait3A_928 = arith.constant 0 : i32
    %dma_wait3A_929 = tpu.memref_slice %arg2[%add3A_905, %dma_wait3A_928] : memref<1024x32xi32, #tpu.memory_space<hbm>> -> memref<1x32xi32, #tpu.memory_space<hbm>>
    %dma_wait3A_930 = tpu.memref_squeeze %dma_wait3A_929 : memref<1x32xi32, #tpu.memory_space<hbm>> -> memref<32xi32, #tpu.memory_space<hbm>>
    tpu.wait_dma2 semaphore(%arg11 : memref<!tpu.dma_semaphore, #tpu.memory_space<semaphore_mem>>) src(%dma_wait3A_930 : memref<32xi32, #tpu.memory_space<hbm>>) dst(%arg7 : memref<32xi32, #tpu.memory_space<vmem>>)
    %dma_start3A_931 = arith.constant 2 : i32
    %dma_start3A_932 = arith.constant 0 : i32
    %dma_start3A_933 = arith.constant 0 : i32
    %dma_start3A_934 = tpu.memref_slice %arg8[%dma_start3A_931, %dma_start3A_932, %dma_start3A_933] : memref<3x32x1024xf32, #tpu.memory_space<vmem>> -> memref<1x32x1024xf32, #tpu.memory_space<vmem>>
    %dma_start3A_935 = tpu.memref_squeeze %dma_start3A_934 : memref<1x32x1024xf32, #tpu.memory_space<vmem>> -> memref<32x1024xf32, #tpu.memory_space<vmem>>
    %dma_start3A_936 = arith.constant 0 : i32
    %dma_start3A_937 = arith.constant 0 : i32
    %dma_start3A_938 = tpu.memref_slice %arg3[%dma_start3A_936, %dma_start3A_937] : memref<8192x1024xf32, #tpu.memory_space<hbm>> -> memref<8192x1024xf32, #tpu.memory_space<hbm>>
    tpu.enqueue_indirect_dma source(%dma_start3A_938 : memref<8192x1024xf32, #tpu.memory_space<hbm>>) target(%dma_start3A_935 : memref<32x1024xf32, #tpu.memory_space<vmem>>) offsets(%arg7 : memref<32xi32, #tpu.memory_space<vmem>>) semaphore(%arg14 : memref<!tpu.dma_semaphore, #tpu.memory_space<semaphore_mem>>)
    %dma_wait3A_939 = arith.constant 0 : i32
    %dma_wait3A_940 = arith.constant 0 : i32
    %dma_wait3A_941 = arith.constant 0 : i32
    %dma_wait3A_942 = tpu.memref_slice %arg8[%dma_wait3A_939, %dma_wait3A_940, %dma_wait3A_941] : memref<3x32x1024xf32, #tpu.memory_space<vmem>> -> memref<1x32x1024xf32, #tpu.memory_space<vmem>>
    %dma_wait3A_943 = tpu.memref_squeeze %dma_wait3A_942 : memref<1x32x1024xf32, #tpu.memory_space<vmem>> -> memref<32x1024xf32, #tpu.memory_space<vmem>>
    %dma_wait3A_944 = arith.constant 0 : i32
    %dma_wait3A_945 = arith.constant 0 : i32
    %dma_wait3A_946 = tpu.memref_slice %arg3[%dma_wait3A_944, %dma_wait3A_945] : memref<8192x1024xf32, #tpu.memory_space<hbm>> -> memref<8192x1024xf32, #tpu.memory_space<hbm>>
    tpu.wait_indirect_dma semaphore(%arg12 : memref<!tpu.dma_semaphore, #tpu.memory_space<semaphore_mem>>) src(%dma_wait3A_946 : memref<8192x1024xf32, #tpu.memory_space<hbm>>) dst(%dma_wait3A_943 : memref<32x1024xf32, #tpu.memory_space<vmem>>)
    %add3A_947 = arith.constant 480 : i32
    %add3A_948 = arith.addi %mul3A_2, %add3A_947 : i32
    %dma_start3A_949 = arith.constant 0 : i32
    %dma_start3A_950 = arith.constant 0 : i32
    %dma_start3A_951 = arith.constant 0 : i32
    %dma_start3A_952 = tpu.memref_slice %arg8[%dma_start3A_949, %dma_start3A_950, %dma_start3A_951] : memref<3x32x1024xf32, #tpu.memory_space<vmem>> -> memref<1x32x1024xf32, #tpu.memory_space<vmem>>
    %dma_start3A_953 = tpu.memref_squeeze %dma_start3A_952 : memref<1x32x1024xf32, #tpu.memory_space<vmem>> -> memref<32x1024xf32, #tpu.memory_space<vmem>>
    %dma_start3A_954 = arith.constant 0 : i32
    %dma_start3A_955 = tpu.memref_slice %arg4[%add3A_948, %dma_start3A_954] : memref<32768x1024xf32, #tpu.memory_space<hbm>> -> memref<32x1024xf32, #tpu.memory_space<hbm>>
    %dma_start3A_956 = arith.constant 0 : i32
    %dma_start3A_957 = tpu.memref_slice %arg4[%add3A_948, %dma_start3A_956] : memref<32768x1024xf32, #tpu.memory_space<hbm>> -> memref<32x1024xf32, #tpu.memory_space<hbm>>
    %dma_start3A_958 = arith.constant 0 : i32
    %dma_start3A_959 = arith.constant 0 : i32
    %dma_start3A_960 = tpu.memref_slice %arg8[%dma_start3A_949, %dma_start3A_958, %dma_start3A_959] : memref<3x32x1024xf32, #tpu.memory_space<vmem>> -> memref<1x32x1024xf32, #tpu.memory_space<vmem>>
    %dma_start3A_961 = tpu.memref_squeeze %dma_start3A_960 : memref<1x32x1024xf32, #tpu.memory_space<vmem>> -> memref<32x1024xf32, #tpu.memory_space<vmem>>
    tpu.enqueue_dma source(%dma_start3A_961 : memref<32x1024xf32, #tpu.memory_space<vmem>>) target(%dma_start3A_957 : memref<32x1024xf32, #tpu.memory_space<hbm>>) target_semaphore(%arg15 : memref<!tpu.dma_semaphore, #tpu.memory_space<semaphore_mem>>)
    %add3A_962 = arith.constant 18 : i32
    %add3A_963 = arith.addi %mul3A_4, %add3A_962 : i32
    %dma_start3A_964 = arith.constant 0 : i32
    %dma_start3A_965 = tpu.memref_slice %arg2[%add3A_963, %dma_start3A_964] : memref<1024x32xi32, #tpu.memory_space<hbm>> -> memref<1x32xi32, #tpu.memory_space<hbm>>
    %dma_start3A_966 = tpu.memref_squeeze %dma_start3A_965 : memref<1x32xi32, #tpu.memory_space<hbm>> -> memref<32xi32, #tpu.memory_space<hbm>>
    %dma_start3A_967 = arith.constant 0 : i32
    %dma_start3A_968 = tpu.memref_slice %arg2[%add3A_963, %dma_start3A_967] : memref<1024x32xi32, #tpu.memory_space<hbm>> -> memref<1x32xi32, #tpu.memory_space<hbm>>
    %dma_start3A_969 = tpu.memref_squeeze %dma_start3A_968 : memref<1x32xi32, #tpu.memory_space<hbm>> -> memref<32xi32, #tpu.memory_space<hbm>>
    tpu.enqueue_dma source(%dma_start3A_969 : memref<32xi32, #tpu.memory_space<hbm>>) target(%arg5 : memref<32xi32, #tpu.memory_space<vmem>>) target_semaphore(%arg9 : memref<!tpu.dma_semaphore, #tpu.memory_space<semaphore_mem>>)
    %dma_wait3A_970 = arith.constant 0 : i32
    %dma_wait3A_971 = arith.constant 0 : i32
    %dma_wait3A_972 = arith.constant 0 : i32
    %dma_wait3A_973 = tpu.memref_slice %arg8[%dma_wait3A_970, %dma_wait3A_971, %dma_wait3A_972] : memref<3x32x1024xf32, #tpu.memory_space<vmem>> -> memref<1x32x1024xf32, #tpu.memory_space<vmem>>
    %dma_wait3A_974 = tpu.memref_squeeze %dma_wait3A_973 : memref<1x32x1024xf32, #tpu.memory_space<vmem>> -> memref<32x1024xf32, #tpu.memory_space<vmem>>
    %dma_wait3A_975 = arith.constant 0 : i32
    %dma_wait3A_976 = tpu.memref_slice %arg4[%add3A_948, %dma_wait3A_975] : memref<32768x1024xf32, #tpu.memory_space<hbm>> -> memref<32x1024xf32, #tpu.memory_space<hbm>>
    %dma_wait3A_977 = arith.constant 0 : i32
    %dma_wait3A_978 = tpu.memref_slice %arg4[%add3A_948, %dma_wait3A_977] : memref<32768x1024xf32, #tpu.memory_space<hbm>> -> memref<32x1024xf32, #tpu.memory_space<hbm>>
    %dma_wait3A_979 = arith.constant 0 : i32
    %dma_wait3A_980 = arith.constant 0 : i32
    %dma_wait3A_981 = tpu.memref_slice %arg8[%dma_wait3A_970, %dma_wait3A_979, %dma_wait3A_980] : memref<3x32x1024xf32, #tpu.memory_space<vmem>> -> memref<1x32x1024xf32, #tpu.memory_space<vmem>>
    %dma_wait3A_982 = tpu.memref_squeeze %dma_wait3A_981 : memref<1x32x1024xf32, #tpu.memory_space<vmem>> -> memref<32x1024xf32, #tpu.memory_space<vmem>>
    tpu.wait_dma2 semaphore(%arg15 : memref<!tpu.dma_semaphore, #tpu.memory_space<semaphore_mem>>) src(%dma_wait3A_982 : memref<32x1024xf32, #tpu.memory_space<vmem>>) dst(%dma_wait3A_978 : memref<32x1024xf32, #tpu.memory_space<hbm>>)
    %dma_wait3A_983 = arith.constant 0 : i32
    %dma_wait3A_984 = tpu.memref_slice %arg2[%add3A_963, %dma_wait3A_983] : memref<1024x32xi32, #tpu.memory_space<hbm>> -> memref<1x32xi32, #tpu.memory_space<hbm>>
    %dma_wait3A_985 = tpu.memref_squeeze %dma_wait3A_984 : memref<1x32xi32, #tpu.memory_space<hbm>> -> memref<32xi32, #tpu.memory_space<hbm>>
    %dma_wait3A_986 = arith.constant 0 : i32
    %dma_wait3A_987 = tpu.memref_slice %arg2[%add3A_963, %dma_wait3A_986] : memref<1024x32xi32, #tpu.memory_space<hbm>> -> memref<1x32xi32, #tpu.memory_space<hbm>>
    %dma_wait3A_988 = tpu.memref_squeeze %dma_wait3A_987 : memref<1x32xi32, #tpu.memory_space<hbm>> -> memref<32xi32, #tpu.memory_space<hbm>>
    tpu.wait_dma2 semaphore(%arg9 : memref<!tpu.dma_semaphore, #tpu.memory_space<semaphore_mem>>) src(%dma_wait3A_988 : memref<32xi32, #tpu.memory_space<hbm>>) dst(%arg5 : memref<32xi32, #tpu.memory_space<vmem>>)
    %dma_start3A_989 = arith.constant 0 : i32
    %dma_start3A_990 = arith.constant 0 : i32
    %dma_start3A_991 = arith.constant 0 : i32
    %dma_start3A_992 = tpu.memref_slice %arg8[%dma_start3A_989, %dma_start3A_990, %dma_start3A_991] : memref<3x32x1024xf32, #tpu.memory_space<vmem>> -> memref<1x32x1024xf32, #tpu.memory_space<vmem>>
    %dma_start3A_993 = tpu.memref_squeeze %dma_start3A_992 : memref<1x32x1024xf32, #tpu.memory_space<vmem>> -> memref<32x1024xf32, #tpu.memory_space<vmem>>
    %dma_start3A_994 = arith.constant 0 : i32
    %dma_start3A_995 = arith.constant 0 : i32
    %dma_start3A_996 = tpu.memref_slice %arg3[%dma_start3A_994, %dma_start3A_995] : memref<8192x1024xf32, #tpu.memory_space<hbm>> -> memref<8192x1024xf32, #tpu.memory_space<hbm>>
    tpu.enqueue_indirect_dma source(%dma_start3A_996 : memref<8192x1024xf32, #tpu.memory_space<hbm>>) target(%dma_start3A_993 : memref<32x1024xf32, #tpu.memory_space<vmem>>) offsets(%arg5 : memref<32xi32, #tpu.memory_space<vmem>>) semaphore(%arg12 : memref<!tpu.dma_semaphore, #tpu.memory_space<semaphore_mem>>)
    %dma_wait3A_997 = arith.constant 1 : i32
    %dma_wait3A_998 = arith.constant 0 : i32
    %dma_wait3A_999 = arith.constant 0 : i32
    %dma_wait3A_1000 = tpu.memref_slice %arg8[%dma_wait3A_997, %dma_wait3A_998, %dma_wait3A_999] : memref<3x32x1024xf32, #tpu.memory_space<vmem>> -> memref<1x32x1024xf32, #tpu.memory_space<vmem>>
    %dma_wait3A_1001 = tpu.memref_squeeze %dma_wait3A_1000 : memref<1x32x1024xf32, #tpu.memory_space<vmem>> -> memref<32x1024xf32, #tpu.memory_space<vmem>>
    %dma_wait3A_1002 = arith.constant 0 : i32
    %dma_wait3A_1003 = arith.constant 0 : i32
    %dma_wait3A_1004 = tpu.memref_slice %arg3[%dma_wait3A_1002, %dma_wait3A_1003] : memref<8192x1024xf32, #tpu.memory_space<hbm>> -> memref<8192x1024xf32, #tpu.memory_space<hbm>>
    tpu.wait_indirect_dma semaphore(%arg13 : memref<!tpu.dma_semaphore, #tpu.memory_space<semaphore_mem>>) src(%dma_wait3A_1004 : memref<8192x1024xf32, #tpu.memory_space<hbm>>) dst(%dma_wait3A_1001 : memref<32x1024xf32, #tpu.memory_space<vmem>>)
    %add3A_1005 = arith.constant 512 : i32
    %add3A_1006 = arith.addi %mul3A_2, %add3A_1005 : i32
    %dma_start3A_1007 = arith.constant 1 : i32
    %dma_start3A_1008 = arith.constant 0 : i32
    %dma_start3A_1009 = arith.constant 0 : i32
    %dma_start3A_1010 = tpu.memref_slice %arg8[%dma_start3A_1007, %dma_start3A_1008, %dma_start3A_1009] : memref<3x32x1024xf32, #tpu.memory_space<vmem>> -> memref<1x32x1024xf32, #tpu.memory_space<vmem>>
    %dma_start3A_1011 = tpu.memref_squeeze %dma_start3A_1010 : memref<1x32x1024xf32, #tpu.memory_space<vmem>> -> memref<32x1024xf32, #tpu.memory_space<vmem>>
    %dma_start3A_1012 = arith.constant 0 : i32
    %dma_start3A_1013 = tpu.memref_slice %arg4[%add3A_1006, %dma_start3A_1012] : memref<32768x1024xf32, #tpu.memory_space<hbm>> -> memref<32x1024xf32, #tpu.memory_space<hbm>>
    %dma_start3A_1014 = arith.constant 0 : i32
    %dma_start3A_1015 = tpu.memref_slice %arg4[%add3A_1006, %dma_start3A_1014] : memref<32768x1024xf32, #tpu.memory_space<hbm>> -> memref<32x1024xf32, #tpu.memory_space<hbm>>
    %dma_start3A_1016 = arith.constant 0 : i32
    %dma_start3A_1017 = arith.constant 0 : i32
    %dma_start3A_1018 = tpu.memref_slice %arg8[%dma_start3A_1007, %dma_start3A_1016, %dma_start3A_1017] : memref<3x32x1024xf32, #tpu.memory_space<vmem>> -> memref<1x32x1024xf32, #tpu.memory_space<vmem>>
    %dma_start3A_1019 = tpu.memref_squeeze %dma_start3A_1018 : memref<1x32x1024xf32, #tpu.memory_space<vmem>> -> memref<32x1024xf32, #tpu.memory_space<vmem>>
    tpu.enqueue_dma source(%dma_start3A_1019 : memref<32x1024xf32, #tpu.memory_space<vmem>>) target(%dma_start3A_1015 : memref<32x1024xf32, #tpu.memory_space<hbm>>) target_semaphore(%arg16 : memref<!tpu.dma_semaphore, #tpu.memory_space<semaphore_mem>>)
    %add3A_1020 = arith.constant 19 : i32
    %add3A_1021 = arith.addi %mul3A_4, %add3A_1020 : i32
    %dma_start3A_1022 = arith.constant 0 : i32
    %dma_start3A_1023 = tpu.memref_slice %arg2[%add3A_1021, %dma_start3A_1022] : memref<1024x32xi32, #tpu.memory_space<hbm>> -> memref<1x32xi32, #tpu.memory_space<hbm>>
    %dma_start3A_1024 = tpu.memref_squeeze %dma_start3A_1023 : memref<1x32xi32, #tpu.memory_space<hbm>> -> memref<32xi32, #tpu.memory_space<hbm>>
    %dma_start3A_1025 = arith.constant 0 : i32
    %dma_start3A_1026 = tpu.memref_slice %arg2[%add3A_1021, %dma_start3A_1025] : memref<1024x32xi32, #tpu.memory_space<hbm>> -> memref<1x32xi32, #tpu.memory_space<hbm>>
    %dma_start3A_1027 = tpu.memref_squeeze %dma_start3A_1026 : memref<1x32xi32, #tpu.memory_space<hbm>> -> memref<32xi32, #tpu.memory_space<hbm>>
    tpu.enqueue_dma source(%dma_start3A_1027 : memref<32xi32, #tpu.memory_space<hbm>>) target(%arg6 : memref<32xi32, #tpu.memory_space<vmem>>) target_semaphore(%arg10 : memref<!tpu.dma_semaphore, #tpu.memory_space<semaphore_mem>>)
    %dma_wait3A_1028 = arith.constant 1 : i32
    %dma_wait3A_1029 = arith.constant 0 : i32
    %dma_wait3A_1030 = arith.constant 0 : i32
    %dma_wait3A_1031 = tpu.memref_slice %arg8[%dma_wait3A_1028, %dma_wait3A_1029, %dma_wait3A_1030] : memref<3x32x1024xf32, #tpu.memory_space<vmem>> -> memref<1x32x1024xf32, #tpu.memory_space<vmem>>
    %dma_wait3A_1032 = tpu.memref_squeeze %dma_wait3A_1031 : memref<1x32x1024xf32, #tpu.memory_space<vmem>> -> memref<32x1024xf32, #tpu.memory_space<vmem>>
    %dma_wait3A_1033 = arith.constant 0 : i32
    %dma_wait3A_1034 = tpu.memref_slice %arg4[%add3A_1006, %dma_wait3A_1033] : memref<32768x1024xf32, #tpu.memory_space<hbm>> -> memref<32x1024xf32, #tpu.memory_space<hbm>>
    %dma_wait3A_1035 = arith.constant 0 : i32
    %dma_wait3A_1036 = tpu.memref_slice %arg4[%add3A_1006, %dma_wait3A_1035] : memref<32768x1024xf32, #tpu.memory_space<hbm>> -> memref<32x1024xf32, #tpu.memory_space<hbm>>
    %dma_wait3A_1037 = arith.constant 0 : i32
    %dma_wait3A_1038 = arith.constant 0 : i32
    %dma_wait3A_1039 = tpu.memref_slice %arg8[%dma_wait3A_1028, %dma_wait3A_1037, %dma_wait3A_1038] : memref<3x32x1024xf32, #tpu.memory_space<vmem>> -> memref<1x32x1024xf32, #tpu.memory_space<vmem>>
    %dma_wait3A_1040 = tpu.memref_squeeze %dma_wait3A_1039 : memref<1x32x1024xf32, #tpu.memory_space<vmem>> -> memref<32x1024xf32, #tpu.memory_space<vmem>>
    tpu.wait_dma2 semaphore(%arg16 : memref<!tpu.dma_semaphore, #tpu.memory_space<semaphore_mem>>) src(%dma_wait3A_1040 : memref<32x1024xf32, #tpu.memory_space<vmem>>) dst(%dma_wait3A_1036 : memref<32x1024xf32, #tpu.memory_space<hbm>>)
    %dma_wait3A_1041 = arith.constant 0 : i32
    %dma_wait3A_1042 = tpu.memref_slice %arg2[%add3A_1021, %dma_wait3A_1041] : memref<1024x32xi32, #tpu.memory_space<hbm>> -> memref<1x32xi32, #tpu.memory_space<hbm>>
    %dma_wait3A_1043 = tpu.memref_squeeze %dma_wait3A_1042 : memref<1x32xi32, #tpu.memory_space<hbm>> -> memref<32xi32, #tpu.memory_space<hbm>>
    %dma_wait3A_1044 = arith.constant 0 : i32
    %dma_wait3A_1045 = tpu.memref_slice %arg2[%add3A_1021, %dma_wait3A_1044] : memref<1024x32xi32, #tpu.memory_space<hbm>> -> memref<1x32xi32, #tpu.memory_space<hbm>>
    %dma_wait3A_1046 = tpu.memref_squeeze %dma_wait3A_1045 : memref<1x32xi32, #tpu.memory_space<hbm>> -> memref<32xi32, #tpu.memory_space<hbm>>
    tpu.wait_dma2 semaphore(%arg10 : memref<!tpu.dma_semaphore, #tpu.memory_space<semaphore_mem>>) src(%dma_wait3A_1046 : memref<32xi32, #tpu.memory_space<hbm>>) dst(%arg6 : memref<32xi32, #tpu.memory_space<vmem>>)
    %dma_start3A_1047 = arith.constant 1 : i32
    %dma_start3A_1048 = arith.constant 0 : i32
    %dma_start3A_1049 = arith.constant 0 : i32
    %dma_start3A_1050 = tpu.memref_slice %arg8[%dma_start3A_1047, %dma_start3A_1048, %dma_start3A_1049] : memref<3x32x1024xf32, #tpu.memory_space<vmem>> -> memref<1x32x1024xf32, #tpu.memory_space<vmem>>
    %dma_start3A_1051 = tpu.memref_squeeze %dma_start3A_1050 : memref<1x32x1024xf32, #tpu.memory_space<vmem>> -> memref<32x1024xf32, #tpu.memory_space<vmem>>
    %dma_start3A_1052 = arith.constant 0 : i32
    %dma_start3A_1053 = arith.constant 0 : i32
    %dma_start3A_1054 = tpu.memref_slice %arg3[%dma_start3A_1052, %dma_start3A_1053] : memref<8192x1024xf32, #tpu.memory_space<hbm>> -> memref<8192x1024xf32, #tpu.memory_space<hbm>>
    tpu.enqueue_indirect_dma source(%dma_start3A_1054 : memref<8192x1024xf32, #tpu.memory_space<hbm>>) target(%dma_start3A_1051 : memref<32x1024xf32, #tpu.memory_space<vmem>>) offsets(%arg6 : memref<32xi32, #tpu.memory_space<vmem>>) semaphore(%arg13 : memref<!tpu.dma_semaphore, #tpu.memory_space<semaphore_mem>>)
    %dma_wait3A_1055 = arith.constant 2 : i32
    %dma_wait3A_1056 = arith.constant 0 : i32
    %dma_wait3A_1057 = arith.constant 0 : i32
    %dma_wait3A_1058 = tpu.memref_slice %arg8[%dma_wait3A_1055, %dma_wait3A_1056, %dma_wait3A_1057] : memref<3x32x1024xf32, #tpu.memory_space<vmem>> -> memref<1x32x1024xf32, #tpu.memory_space<vmem>>
    %dma_wait3A_1059 = tpu.memref_squeeze %dma_wait3A_1058 : memref<1x32x1024xf32, #tpu.memory_space<vmem>> -> memref<32x1024xf32, #tpu.memory_space<vmem>>
    %dma_wait3A_1060 = arith.constant 0 : i32
    %dma_wait3A_1061 = arith.constant 0 : i32
    %dma_wait3A_1062 = tpu.memref_slice %arg3[%dma_wait3A_1060, %dma_wait3A_1061] : memref<8192x1024xf32, #tpu.memory_space<hbm>> -> memref<8192x1024xf32, #tpu.memory_space<hbm>>
    tpu.wait_indirect_dma semaphore(%arg14 : memref<!tpu.dma_semaphore, #tpu.memory_space<semaphore_mem>>) src(%dma_wait3A_1062 : memref<8192x1024xf32, #tpu.memory_space<hbm>>) dst(%dma_wait3A_1059 : memref<32x1024xf32, #tpu.memory_space<vmem>>)
    %add3A_1063 = arith.constant 544 : i32
    %add3A_1064 = arith.addi %mul3A_2, %add3A_1063 : i32
    %dma_start3A_1065 = arith.constant 2 : i32
    %dma_start3A_1066 = arith.constant 0 : i32
    %dma_start3A_1067 = arith.constant 0 : i32
    %dma_start3A_1068 = tpu.memref_slice %arg8[%dma_start3A_1065, %dma_start3A_1066, %dma_start3A_1067] : memref<3x32x1024xf32, #tpu.memory_space<vmem>> -> memref<1x32x1024xf32, #tpu.memory_space<vmem>>
    %dma_start3A_1069 = tpu.memref_squeeze %dma_start3A_1068 : memref<1x32x1024xf32, #tpu.memory_space<vmem>> -> memref<32x1024xf32, #tpu.memory_space<vmem>>
    %dma_start3A_1070 = arith.constant 0 : i32
    %dma_start3A_1071 = tpu.memref_slice %arg4[%add3A_1064, %dma_start3A_1070] : memref<32768x1024xf32, #tpu.memory_space<hbm>> -> memref<32x1024xf32, #tpu.memory_space<hbm>>
    %dma_start3A_1072 = arith.constant 0 : i32
    %dma_start3A_1073 = tpu.memref_slice %arg4[%add3A_1064, %dma_start3A_1072] : memref<32768x1024xf32, #tpu.memory_space<hbm>> -> memref<32x1024xf32, #tpu.memory_space<hbm>>
    %dma_start3A_1074 = arith.constant 0 : i32
    %dma_start3A_1075 = arith.constant 0 : i32
    %dma_start3A_1076 = tpu.memref_slice %arg8[%dma_start3A_1065, %dma_start3A_1074, %dma_start3A_1075] : memref<3x32x1024xf32, #tpu.memory_space<vmem>> -> memref<1x32x1024xf32, #tpu.memory_space<vmem>>
    %dma_start3A_1077 = tpu.memref_squeeze %dma_start3A_1076 : memref<1x32x1024xf32, #tpu.memory_space<vmem>> -> memref<32x1024xf32, #tpu.memory_space<vmem>>
    tpu.enqueue_dma source(%dma_start3A_1077 : memref<32x1024xf32, #tpu.memory_space<vmem>>) target(%dma_start3A_1073 : memref<32x1024xf32, #tpu.memory_space<hbm>>) target_semaphore(%arg17 : memref<!tpu.dma_semaphore, #tpu.memory_space<semaphore_mem>>)
    %add3A_1078 = arith.constant 20 : i32
    %add3A_1079 = arith.addi %mul3A_4, %add3A_1078 : i32
    %dma_start3A_1080 = arith.constant 0 : i32
    %dma_start3A_1081 = tpu.memref_slice %arg2[%add3A_1079, %dma_start3A_1080] : memref<1024x32xi32, #tpu.memory_space<hbm>> -> memref<1x32xi32, #tpu.memory_space<hbm>>
    %dma_start3A_1082 = tpu.memref_squeeze %dma_start3A_1081 : memref<1x32xi32, #tpu.memory_space<hbm>> -> memref<32xi32, #tpu.memory_space<hbm>>
    %dma_start3A_1083 = arith.constant 0 : i32
    %dma_start3A_1084 = tpu.memref_slice %arg2[%add3A_1079, %dma_start3A_1083] : memref<1024x32xi32, #tpu.memory_space<hbm>> -> memref<1x32xi32, #tpu.memory_space<hbm>>
    %dma_start3A_1085 = tpu.memref_squeeze %dma_start3A_1084 : memref<1x32xi32, #tpu.memory_space<hbm>> -> memref<32xi32, #tpu.memory_space<hbm>>
    tpu.enqueue_dma source(%dma_start3A_1085 : memref<32xi32, #tpu.memory_space<hbm>>) target(%arg7 : memref<32xi32, #tpu.memory_space<vmem>>) target_semaphore(%arg11 : memref<!tpu.dma_semaphore, #tpu.memory_space<semaphore_mem>>)
    %dma_wait3A_1086 = arith.constant 2 : i32
    %dma_wait3A_1087 = arith.constant 0 : i32
    %dma_wait3A_1088 = arith.constant 0 : i32
    %dma_wait3A_1089 = tpu.memref_slice %arg8[%dma_wait3A_1086, %dma_wait3A_1087, %dma_wait3A_1088] : memref<3x32x1024xf32, #tpu.memory_space<vmem>> -> memref<1x32x1024xf32, #tpu.memory_space<vmem>>
    %dma_wait3A_1090 = tpu.memref_squeeze %dma_wait3A_1089 : memref<1x32x1024xf32, #tpu.memory_space<vmem>> -> memref<32x1024xf32, #tpu.memory_space<vmem>>
    %dma_wait3A_1091 = arith.constant 0 : i32
    %dma_wait3A_1092 = tpu.memref_slice %arg4[%add3A_1064, %dma_wait3A_1091] : memref<32768x1024xf32, #tpu.memory_space<hbm>> -> memref<32x1024xf32, #tpu.memory_space<hbm>>
    %dma_wait3A_1093 = arith.constant 0 : i32
    %dma_wait3A_1094 = tpu.memref_slice %arg4[%add3A_1064, %dma_wait3A_1093] : memref<32768x1024xf32, #tpu.memory_space<hbm>> -> memref<32x1024xf32, #tpu.memory_space<hbm>>
    %dma_wait3A_1095 = arith.constant 0 : i32
    %dma_wait3A_1096 = arith.constant 0 : i32
    %dma_wait3A_1097 = tpu.memref_slice %arg8[%dma_wait3A_1086, %dma_wait3A_1095, %dma_wait3A_1096] : memref<3x32x1024xf32, #tpu.memory_space<vmem>> -> memref<1x32x1024xf32, #tpu.memory_space<vmem>>
    %dma_wait3A_1098 = tpu.memref_squeeze %dma_wait3A_1097 : memref<1x32x1024xf32, #tpu.memory_space<vmem>> -> memref<32x1024xf32, #tpu.memory_space<vmem>>
    tpu.wait_dma2 semaphore(%arg17 : memref<!tpu.dma_semaphore, #tpu.memory_space<semaphore_mem>>) src(%dma_wait3A_1098 : memref<32x1024xf32, #tpu.memory_space<vmem>>) dst(%dma_wait3A_1094 : memref<32x1024xf32, #tpu.memory_space<hbm>>)
    %dma_wait3A_1099 = arith.constant 0 : i32
    %dma_wait3A_1100 = tpu.memref_slice %arg2[%add3A_1079, %dma_wait3A_1099] : memref<1024x32xi32, #tpu.memory_space<hbm>> -> memref<1x32xi32, #tpu.memory_space<hbm>>
    %dma_wait3A_1101 = tpu.memref_squeeze %dma_wait3A_1100 : memref<1x32xi32, #tpu.memory_space<hbm>> -> memref<32xi32, #tpu.memory_space<hbm>>
    %dma_wait3A_1102 = arith.constant 0 : i32
    %dma_wait3A_1103 = tpu.memref_slice %arg2[%add3A_1079, %dma_wait3A_1102] : memref<1024x32xi32, #tpu.memory_space<hbm>> -> memref<1x32xi32, #tpu.memory_space<hbm>>
    %dma_wait3A_1104 = tpu.memref_squeeze %dma_wait3A_1103 : memref<1x32xi32, #tpu.memory_space<hbm>> -> memref<32xi32, #tpu.memory_space<hbm>>
    tpu.wait_dma2 semaphore(%arg11 : memref<!tpu.dma_semaphore, #tpu.memory_space<semaphore_mem>>) src(%dma_wait3A_1104 : memref<32xi32, #tpu.memory_space<hbm>>) dst(%arg7 : memref<32xi32, #tpu.memory_space<vmem>>)
    %dma_start3A_1105 = arith.constant 2 : i32
    %dma_start3A_1106 = arith.constant 0 : i32
    %dma_start3A_1107 = arith.constant 0 : i32
    %dma_start3A_1108 = tpu.memref_slice %arg8[%dma_start3A_1105, %dma_start3A_1106, %dma_start3A_1107] : memref<3x32x1024xf32, #tpu.memory_space<vmem>> -> memref<1x32x1024xf32, #tpu.memory_space<vmem>>
    %dma_start3A_1109 = tpu.memref_squeeze %dma_start3A_1108 : memref<1x32x1024xf32, #tpu.memory_space<vmem>> -> memref<32x1024xf32, #tpu.memory_space<vmem>>
    %dma_start3A_1110 = arith.constant 0 : i32
    %dma_start3A_1111 = arith.constant 0 : i32
    %dma_start3A_1112 = tpu.memref_slice %arg3[%dma_start3A_1110, %dma_start3A_1111] : memref<8192x1024xf32, #tpu.memory_space<hbm>> -> memref<8192x1024xf32, #tpu.memory_space<hbm>>
    tpu.enqueue_indirect_dma source(%dma_start3A_1112 : memref<8192x1024xf32, #tpu.memory_space<hbm>>) target(%dma_start3A_1109 : memref<32x1024xf32, #tpu.memory_space<vmem>>) offsets(%arg7 : memref<32xi32, #tpu.memory_space<vmem>>) semaphore(%arg14 : memref<!tpu.dma_semaphore, #tpu.memory_space<semaphore_mem>>)
    %dma_wait3A_1113 = arith.constant 0 : i32
    %dma_wait3A_1114 = arith.constant 0 : i32
    %dma_wait3A_1115 = arith.constant 0 : i32
    %dma_wait3A_1116 = tpu.memref_slice %arg8[%dma_wait3A_1113, %dma_wait3A_1114, %dma_wait3A_1115] : memref<3x32x1024xf32, #tpu.memory_space<vmem>> -> memref<1x32x1024xf32, #tpu.memory_space<vmem>>
    %dma_wait3A_1117 = tpu.memref_squeeze %dma_wait3A_1116 : memref<1x32x1024xf32, #tpu.memory_space<vmem>> -> memref<32x1024xf32, #tpu.memory_space<vmem>>
    %dma_wait3A_1118 = arith.constant 0 : i32
    %dma_wait3A_1119 = arith.constant 0 : i32
    %dma_wait3A_1120 = tpu.memref_slice %arg3[%dma_wait3A_1118, %dma_wait3A_1119] : memref<8192x1024xf32, #tpu.memory_space<hbm>> -> memref<8192x1024xf32, #tpu.memory_space<hbm>>
    tpu.wait_indirect_dma semaphore(%arg12 : memref<!tpu.dma_semaphore, #tpu.memory_space<semaphore_mem>>) src(%dma_wait3A_1120 : memref<8192x1024xf32, #tpu.memory_space<hbm>>) dst(%dma_wait3A_1117 : memref<32x1024xf32, #tpu.memory_space<vmem>>)
    %add3A_1121 = arith.constant 576 : i32
    %add3A_1122 = arith.addi %mul3A_2, %add3A_1121 : i32
    %dma_start3A_1123 = arith.constant 0 : i32
    %dma_start3A_1124 = arith.constant 0 : i32
    %dma_start3A_1125 = arith.constant 0 : i32
    %dma_start3A_1126 = tpu.memref_slice %arg8[%dma_start3A_1123, %dma_start3A_1124, %dma_start3A_1125] : memref<3x32x1024xf32, #tpu.memory_space<vmem>> -> memref<1x32x1024xf32, #tpu.memory_space<vmem>>
    %dma_start3A_1127 = tpu.memref_squeeze %dma_start3A_1126 : memref<1x32x1024xf32, #tpu.memory_space<vmem>> -> memref<32x1024xf32, #tpu.memory_space<vmem>>
    %dma_start3A_1128 = arith.constant 0 : i32
    %dma_start3A_1129 = tpu.memref_slice %arg4[%add3A_1122, %dma_start3A_1128] : memref<32768x1024xf32, #tpu.memory_space<hbm>> -> memref<32x1024xf32, #tpu.memory_space<hbm>>
    %dma_start3A_1130 = arith.constant 0 : i32
    %dma_start3A_1131 = tpu.memref_slice %arg4[%add3A_1122, %dma_start3A_1130] : memref<32768x1024xf32, #tpu.memory_space<hbm>> -> memref<32x1024xf32, #tpu.memory_space<hbm>>
    %dma_start3A_1132 = arith.constant 0 : i32
    %dma_start3A_1133 = arith.constant 0 : i32
    %dma_start3A_1134 = tpu.memref_slice %arg8[%dma_start3A_1123, %dma_start3A_1132, %dma_start3A_1133] : memref<3x32x1024xf32, #tpu.memory_space<vmem>> -> memref<1x32x1024xf32, #tpu.memory_space<vmem>>
    %dma_start3A_1135 = tpu.memref_squeeze %dma_start3A_1134 : memref<1x32x1024xf32, #tpu.memory_space<vmem>> -> memref<32x1024xf32, #tpu.memory_space<vmem>>
    tpu.enqueue_dma source(%dma_start3A_1135 : memref<32x1024xf32, #tpu.memory_space<vmem>>) target(%dma_start3A_1131 : memref<32x1024xf32, #tpu.memory_space<hbm>>) target_semaphore(%arg15 : memref<!tpu.dma_semaphore, #tpu.memory_space<semaphore_mem>>)
    %add3A_1136 = arith.constant 21 : i32
    %add3A_1137 = arith.addi %mul3A_4, %add3A_1136 : i32
    %dma_start3A_1138 = arith.constant 0 : i32
    %dma_start3A_1139 = tpu.memref_slice %arg2[%add3A_1137, %dma_start3A_1138] : memref<1024x32xi32, #tpu.memory_space<hbm>> -> memref<1x32xi32, #tpu.memory_space<hbm>>
    %dma_start3A_1140 = tpu.memref_squeeze %dma_start3A_1139 : memref<1x32xi32, #tpu.memory_space<hbm>> -> memref<32xi32, #tpu.memory_space<hbm>>
    %dma_start3A_1141 = arith.constant 0 : i32
    %dma_start3A_1142 = tpu.memref_slice %arg2[%add3A_1137, %dma_start3A_1141] : memref<1024x32xi32, #tpu.memory_space<hbm>> -> memref<1x32xi32, #tpu.memory_space<hbm>>
    %dma_start3A_1143 = tpu.memref_squeeze %dma_start3A_1142 : memref<1x32xi32, #tpu.memory_space<hbm>> -> memref<32xi32, #tpu.memory_space<hbm>>
    tpu.enqueue_dma source(%dma_start3A_1143 : memref<32xi32, #tpu.memory_space<hbm>>) target(%arg5 : memref<32xi32, #tpu.memory_space<vmem>>) target_semaphore(%arg9 : memref<!tpu.dma_semaphore, #tpu.memory_space<semaphore_mem>>)
    %dma_wait3A_1144 = arith.constant 0 : i32
    %dma_wait3A_1145 = arith.constant 0 : i32
    %dma_wait3A_1146 = arith.constant 0 : i32
    %dma_wait3A_1147 = tpu.memref_slice %arg8[%dma_wait3A_1144, %dma_wait3A_1145, %dma_wait3A_1146] : memref<3x32x1024xf32, #tpu.memory_space<vmem>> -> memref<1x32x1024xf32, #tpu.memory_space<vmem>>
    %dma_wait3A_1148 = tpu.memref_squeeze %dma_wait3A_1147 : memref<1x32x1024xf32, #tpu.memory_space<vmem>> -> memref<32x1024xf32, #tpu.memory_space<vmem>>
    %dma_wait3A_1149 = arith.constant 0 : i32
    %dma_wait3A_1150 = tpu.memref_slice %arg4[%add3A_1122, %dma_wait3A_1149] : memref<32768x1024xf32, #tpu.memory_space<hbm>> -> memref<32x1024xf32, #tpu.memory_space<hbm>>
    %dma_wait3A_1151 = arith.constant 0 : i32
    %dma_wait3A_1152 = tpu.memref_slice %arg4[%add3A_1122, %dma_wait3A_1151] : memref<32768x1024xf32, #tpu.memory_space<hbm>> -> memref<32x1024xf32, #tpu.memory_space<hbm>>
    %dma_wait3A_1153 = arith.constant 0 : i32
    %dma_wait3A_1154 = arith.constant 0 : i32
    %dma_wait3A_1155 = tpu.memref_slice %arg8[%dma_wait3A_1144, %dma_wait3A_1153, %dma_wait3A_1154] : memref<3x32x1024xf32, #tpu.memory_space<vmem>> -> memref<1x32x1024xf32, #tpu.memory_space<vmem>>
    %dma_wait3A_1156 = tpu.memref_squeeze %dma_wait3A_1155 : memref<1x32x1024xf32, #tpu.memory_space<vmem>> -> memref<32x1024xf32, #tpu.memory_space<vmem>>
    tpu.wait_dma2 semaphore(%arg15 : memref<!tpu.dma_semaphore, #tpu.memory_space<semaphore_mem>>) src(%dma_wait3A_1156 : memref<32x1024xf32, #tpu.memory_space<vmem>>) dst(%dma_wait3A_1152 : memref<32x1024xf32, #tpu.memory_space<hbm>>)
    %dma_wait3A_1157 = arith.constant 0 : i32
    %dma_wait3A_1158 = tpu.memref_slice %arg2[%add3A_1137, %dma_wait3A_1157] : memref<1024x32xi32, #tpu.memory_space<hbm>> -> memref<1x32xi32, #tpu.memory_space<hbm>>
    %dma_wait3A_1159 = tpu.memref_squeeze %dma_wait3A_1158 : memref<1x32xi32, #tpu.memory_space<hbm>> -> memref<32xi32, #tpu.memory_space<hbm>>
    %dma_wait3A_1160 = arith.constant 0 : i32
    %dma_wait3A_1161 = tpu.memref_slice %arg2[%add3A_1137, %dma_wait3A_1160] : memref<1024x32xi32, #tpu.memory_space<hbm>> -> memref<1x32xi32, #tpu.memory_space<hbm>>
    %dma_wait3A_1162 = tpu.memref_squeeze %dma_wait3A_1161 : memref<1x32xi32, #tpu.memory_space<hbm>> -> memref<32xi32, #tpu.memory_space<hbm>>
    tpu.wait_dma2 semaphore(%arg9 : memref<!tpu.dma_semaphore, #tpu.memory_space<semaphore_mem>>) src(%dma_wait3A_1162 : memref<32xi32, #tpu.memory_space<hbm>>) dst(%arg5 : memref<32xi32, #tpu.memory_space<vmem>>)
    %dma_start3A_1163 = arith.constant 0 : i32
    %dma_start3A_1164 = arith.constant 0 : i32
    %dma_start3A_1165 = arith.constant 0 : i32
    %dma_start3A_1166 = tpu.memref_slice %arg8[%dma_start3A_1163, %dma_start3A_1164, %dma_start3A_1165] : memref<3x32x1024xf32, #tpu.memory_space<vmem>> -> memref<1x32x1024xf32, #tpu.memory_space<vmem>>
    %dma_start3A_1167 = tpu.memref_squeeze %dma_start3A_1166 : memref<1x32x1024xf32, #tpu.memory_space<vmem>> -> memref<32x1024xf32, #tpu.memory_space<vmem>>
    %dma_start3A_1168 = arith.constant 0 : i32
    %dma_start3A_1169 = arith.constant 0 : i32
    %dma_start3A_1170 = tpu.memref_slice %arg3[%dma_start3A_1168, %dma_start3A_1169] : memref<8192x1024xf32, #tpu.memory_space<hbm>> -> memref<8192x1024xf32, #tpu.memory_space<hbm>>
    tpu.enqueue_indirect_dma source(%dma_start3A_1170 : memref<8192x1024xf32, #tpu.memory_space<hbm>>) target(%dma_start3A_1167 : memref<32x1024xf32, #tpu.memory_space<vmem>>) offsets(%arg5 : memref<32xi32, #tpu.memory_space<vmem>>) semaphore(%arg12 : memref<!tpu.dma_semaphore, #tpu.memory_space<semaphore_mem>>)
    %dma_wait3A_1171 = arith.constant 1 : i32
    %dma_wait3A_1172 = arith.constant 0 : i32
    %dma_wait3A_1173 = arith.constant 0 : i32
    %dma_wait3A_1174 = tpu.memref_slice %arg8[%dma_wait3A_1171, %dma_wait3A_1172, %dma_wait3A_1173] : memref<3x32x1024xf32, #tpu.memory_space<vmem>> -> memref<1x32x1024xf32, #tpu.memory_space<vmem>>
    %dma_wait3A_1175 = tpu.memref_squeeze %dma_wait3A_1174 : memref<1x32x1024xf32, #tpu.memory_space<vmem>> -> memref<32x1024xf32, #tpu.memory_space<vmem>>
    %dma_wait3A_1176 = arith.constant 0 : i32
    %dma_wait3A_1177 = arith.constant 0 : i32
    %dma_wait3A_1178 = tpu.memref_slice %arg3[%dma_wait3A_1176, %dma_wait3A_1177] : memref<8192x1024xf32, #tpu.memory_space<hbm>> -> memref<8192x1024xf32, #tpu.memory_space<hbm>>
    tpu.wait_indirect_dma semaphore(%arg13 : memref<!tpu.dma_semaphore, #tpu.memory_space<semaphore_mem>>) src(%dma_wait3A_1178 : memref<8192x1024xf32, #tpu.memory_space<hbm>>) dst(%dma_wait3A_1175 : memref<32x1024xf32, #tpu.memory_space<vmem>>)
    %add3A_1179 = arith.constant 608 : i32
    %add3A_1180 = arith.addi %mul3A_2, %add3A_1179 : i32
    %dma_start3A_1181 = arith.constant 1 : i32
    %dma_start3A_1182 = arith.constant 0 : i32
    %dma_start3A_1183 = arith.constant 0 : i32
    %dma_start3A_1184 = tpu.memref_slice %arg8[%dma_start3A_1181, %dma_start3A_1182, %dma_start3A_1183] : memref<3x32x1024xf32, #tpu.memory_space<vmem>> -> memref<1x32x1024xf32, #tpu.memory_space<vmem>>
    %dma_start3A_1185 = tpu.memref_squeeze %dma_start3A_1184 : memref<1x32x1024xf32, #tpu.memory_space<vmem>> -> memref<32x1024xf32, #tpu.memory_space<vmem>>
    %dma_start3A_1186 = arith.constant 0 : i32
    %dma_start3A_1187 = tpu.memref_slice %arg4[%add3A_1180, %dma_start3A_1186] : memref<32768x1024xf32, #tpu.memory_space<hbm>> -> memref<32x1024xf32, #tpu.memory_space<hbm>>
    %dma_start3A_1188 = arith.constant 0 : i32
    %dma_start3A_1189 = tpu.memref_slice %arg4[%add3A_1180, %dma_start3A_1188] : memref<32768x1024xf32, #tpu.memory_space<hbm>> -> memref<32x1024xf32, #tpu.memory_space<hbm>>
    %dma_start3A_1190 = arith.constant 0 : i32
    %dma_start3A_1191 = arith.constant 0 : i32
    %dma_start3A_1192 = tpu.memref_slice %arg8[%dma_start3A_1181, %dma_start3A_1190, %dma_start3A_1191] : memref<3x32x1024xf32, #tpu.memory_space<vmem>> -> memref<1x32x1024xf32, #tpu.memory_space<vmem>>
    %dma_start3A_1193 = tpu.memref_squeeze %dma_start3A_1192 : memref<1x32x1024xf32, #tpu.memory_space<vmem>> -> memref<32x1024xf32, #tpu.memory_space<vmem>>
    tpu.enqueue_dma source(%dma_start3A_1193 : memref<32x1024xf32, #tpu.memory_space<vmem>>) target(%dma_start3A_1189 : memref<32x1024xf32, #tpu.memory_space<hbm>>) target_semaphore(%arg16 : memref<!tpu.dma_semaphore, #tpu.memory_space<semaphore_mem>>)
    %add3A_1194 = arith.constant 22 : i32
    %add3A_1195 = arith.addi %mul3A_4, %add3A_1194 : i32
    %dma_start3A_1196 = arith.constant 0 : i32
    %dma_start3A_1197 = tpu.memref_slice %arg2[%add3A_1195, %dma_start3A_1196] : memref<1024x32xi32, #tpu.memory_space<hbm>> -> memref<1x32xi32, #tpu.memory_space<hbm>>
    %dma_start3A_1198 = tpu.memref_squeeze %dma_start3A_1197 : memref<1x32xi32, #tpu.memory_space<hbm>> -> memref<32xi32, #tpu.memory_space<hbm>>
    %dma_start3A_1199 = arith.constant 0 : i32
    %dma_start3A_1200 = tpu.memref_slice %arg2[%add3A_1195, %dma_start3A_1199] : memref<1024x32xi32, #tpu.memory_space<hbm>> -> memref<1x32xi32, #tpu.memory_space<hbm>>
    %dma_start3A_1201 = tpu.memref_squeeze %dma_start3A_1200 : memref<1x32xi32, #tpu.memory_space<hbm>> -> memref<32xi32, #tpu.memory_space<hbm>>
    tpu.enqueue_dma source(%dma_start3A_1201 : memref<32xi32, #tpu.memory_space<hbm>>) target(%arg6 : memref<32xi32, #tpu.memory_space<vmem>>) target_semaphore(%arg10 : memref<!tpu.dma_semaphore, #tpu.memory_space<semaphore_mem>>)
    %dma_wait3A_1202 = arith.constant 1 : i32
    %dma_wait3A_1203 = arith.constant 0 : i32
    %dma_wait3A_1204 = arith.constant 0 : i32
    %dma_wait3A_1205 = tpu.memref_slice %arg8[%dma_wait3A_1202, %dma_wait3A_1203, %dma_wait3A_1204] : memref<3x32x1024xf32, #tpu.memory_space<vmem>> -> memref<1x32x1024xf32, #tpu.memory_space<vmem>>
    %dma_wait3A_1206 = tpu.memref_squeeze %dma_wait3A_1205 : memref<1x32x1024xf32, #tpu.memory_space<vmem>> -> memref<32x1024xf32, #tpu.memory_space<vmem>>
    %dma_wait3A_1207 = arith.constant 0 : i32
    %dma_wait3A_1208 = tpu.memref_slice %arg4[%add3A_1180, %dma_wait3A_1207] : memref<32768x1024xf32, #tpu.memory_space<hbm>> -> memref<32x1024xf32, #tpu.memory_space<hbm>>
    %dma_wait3A_1209 = arith.constant 0 : i32
    %dma_wait3A_1210 = tpu.memref_slice %arg4[%add3A_1180, %dma_wait3A_1209] : memref<32768x1024xf32, #tpu.memory_space<hbm>> -> memref<32x1024xf32, #tpu.memory_space<hbm>>
    %dma_wait3A_1211 = arith.constant 0 : i32
    %dma_wait3A_1212 = arith.constant 0 : i32
    %dma_wait3A_1213 = tpu.memref_slice %arg8[%dma_wait3A_1202, %dma_wait3A_1211, %dma_wait3A_1212] : memref<3x32x1024xf32, #tpu.memory_space<vmem>> -> memref<1x32x1024xf32, #tpu.memory_space<vmem>>
    %dma_wait3A_1214 = tpu.memref_squeeze %dma_wait3A_1213 : memref<1x32x1024xf32, #tpu.memory_space<vmem>> -> memref<32x1024xf32, #tpu.memory_space<vmem>>
    tpu.wait_dma2 semaphore(%arg16 : memref<!tpu.dma_semaphore, #tpu.memory_space<semaphore_mem>>) src(%dma_wait3A_1214 : memref<32x1024xf32, #tpu.memory_space<vmem>>) dst(%dma_wait3A_1210 : memref<32x1024xf32, #tpu.memory_space<hbm>>)
    %dma_wait3A_1215 = arith.constant 0 : i32
    %dma_wait3A_1216 = tpu.memref_slice %arg2[%add3A_1195, %dma_wait3A_1215] : memref<1024x32xi32, #tpu.memory_space<hbm>> -> memref<1x32xi32, #tpu.memory_space<hbm>>
    %dma_wait3A_1217 = tpu.memref_squeeze %dma_wait3A_1216 : memref<1x32xi32, #tpu.memory_space<hbm>> -> memref<32xi32, #tpu.memory_space<hbm>>
    %dma_wait3A_1218 = arith.constant 0 : i32
    %dma_wait3A_1219 = tpu.memref_slice %arg2[%add3A_1195, %dma_wait3A_1218] : memref<1024x32xi32, #tpu.memory_space<hbm>> -> memref<1x32xi32, #tpu.memory_space<hbm>>
    %dma_wait3A_1220 = tpu.memref_squeeze %dma_wait3A_1219 : memref<1x32xi32, #tpu.memory_space<hbm>> -> memref<32xi32, #tpu.memory_space<hbm>>
    tpu.wait_dma2 semaphore(%arg10 : memref<!tpu.dma_semaphore, #tpu.memory_space<semaphore_mem>>) src(%dma_wait3A_1220 : memref<32xi32, #tpu.memory_space<hbm>>) dst(%arg6 : memref<32xi32, #tpu.memory_space<vmem>>)
    %dma_start3A_1221 = arith.constant 1 : i32
    %dma_start3A_1222 = arith.constant 0 : i32
    %dma_start3A_1223 = arith.constant 0 : i32
    %dma_start3A_1224 = tpu.memref_slice %arg8[%dma_start3A_1221, %dma_start3A_1222, %dma_start3A_1223] : memref<3x32x1024xf32, #tpu.memory_space<vmem>> -> memref<1x32x1024xf32, #tpu.memory_space<vmem>>
    %dma_start3A_1225 = tpu.memref_squeeze %dma_start3A_1224 : memref<1x32x1024xf32, #tpu.memory_space<vmem>> -> memref<32x1024xf32, #tpu.memory_space<vmem>>
    %dma_start3A_1226 = arith.constant 0 : i32
    %dma_start3A_1227 = arith.constant 0 : i32
    %dma_start3A_1228 = tpu.memref_slice %arg3[%dma_start3A_1226, %dma_start3A_1227] : memref<8192x1024xf32, #tpu.memory_space<hbm>> -> memref<8192x1024xf32, #tpu.memory_space<hbm>>
    tpu.enqueue_indirect_dma source(%dma_start3A_1228 : memref<8192x1024xf32, #tpu.memory_space<hbm>>) target(%dma_start3A_1225 : memref<32x1024xf32, #tpu.memory_space<vmem>>) offsets(%arg6 : memref<32xi32, #tpu.memory_space<vmem>>) semaphore(%arg13 : memref<!tpu.dma_semaphore, #tpu.memory_space<semaphore_mem>>)
    %dma_wait3A_1229 = arith.constant 2 : i32
    %dma_wait3A_1230 = arith.constant 0 : i32
    %dma_wait3A_1231 = arith.constant 0 : i32
    %dma_wait3A_1232 = tpu.memref_slice %arg8[%dma_wait3A_1229, %dma_wait3A_1230, %dma_wait3A_1231] : memref<3x32x1024xf32, #tpu.memory_space<vmem>> -> memref<1x32x1024xf32, #tpu.memory_space<vmem>>
    %dma_wait3A_1233 = tpu.memref_squeeze %dma_wait3A_1232 : memref<1x32x1024xf32, #tpu.memory_space<vmem>> -> memref<32x1024xf32, #tpu.memory_space<vmem>>
    %dma_wait3A_1234 = arith.constant 0 : i32
    %dma_wait3A_1235 = arith.constant 0 : i32
    %dma_wait3A_1236 = tpu.memref_slice %arg3[%dma_wait3A_1234, %dma_wait3A_1235] : memref<8192x1024xf32, #tpu.memory_space<hbm>> -> memref<8192x1024xf32, #tpu.memory_space<hbm>>
    tpu.wait_indirect_dma semaphore(%arg14 : memref<!tpu.dma_semaphore, #tpu.memory_space<semaphore_mem>>) src(%dma_wait3A_1236 : memref<8192x1024xf32, #tpu.memory_space<hbm>>) dst(%dma_wait3A_1233 : memref<32x1024xf32, #tpu.memory_space<vmem>>)
    %add3A_1237 = arith.constant 640 : i32
    %add3A_1238 = arith.addi %mul3A_2, %add3A_1237 : i32
    %dma_start3A_1239 = arith.constant 2 : i32
    %dma_start3A_1240 = arith.constant 0 : i32
    %dma_start3A_1241 = arith.constant 0 : i32
    %dma_start3A_1242 = tpu.memref_slice %arg8[%dma_start3A_1239, %dma_start3A_1240, %dma_start3A_1241] : memref<3x32x1024xf32, #tpu.memory_space<vmem>> -> memref<1x32x1024xf32, #tpu.memory_space<vmem>>
    %dma_start3A_1243 = tpu.memref_squeeze %dma_start3A_1242 : memref<1x32x1024xf32, #tpu.memory_space<vmem>> -> memref<32x1024xf32, #tpu.memory_space<vmem>>
    %dma_start3A_1244 = arith.constant 0 : i32
    %dma_start3A_1245 = tpu.memref_slice %arg4[%add3A_1238, %dma_start3A_1244] : memref<32768x1024xf32, #tpu.memory_space<hbm>> -> memref<32x1024xf32, #tpu.memory_space<hbm>>
    %dma_start3A_1246 = arith.constant 0 : i32
    %dma_start3A_1247 = tpu.memref_slice %arg4[%add3A_1238, %dma_start3A_1246] : memref<32768x1024xf32, #tpu.memory_space<hbm>> -> memref<32x1024xf32, #tpu.memory_space<hbm>>
    %dma_start3A_1248 = arith.constant 0 : i32
    %dma_start3A_1249 = arith.constant 0 : i32
    %dma_start3A_1250 = tpu.memref_slice %arg8[%dma_start3A_1239, %dma_start3A_1248, %dma_start3A_1249] : memref<3x32x1024xf32, #tpu.memory_space<vmem>> -> memref<1x32x1024xf32, #tpu.memory_space<vmem>>
    %dma_start3A_1251 = tpu.memref_squeeze %dma_start3A_1250 : memref<1x32x1024xf32, #tpu.memory_space<vmem>> -> memref<32x1024xf32, #tpu.memory_space<vmem>>
    tpu.enqueue_dma source(%dma_start3A_1251 : memref<32x1024xf32, #tpu.memory_space<vmem>>) target(%dma_start3A_1247 : memref<32x1024xf32, #tpu.memory_space<hbm>>) target_semaphore(%arg17 : memref<!tpu.dma_semaphore, #tpu.memory_space<semaphore_mem>>)
    %add3A_1252 = arith.constant 23 : i32
    %add3A_1253 = arith.addi %mul3A_4, %add3A_1252 : i32
    %dma_start3A_1254 = arith.constant 0 : i32
    %dma_start3A_1255 = tpu.memref_slice %arg2[%add3A_1253, %dma_start3A_1254] : memref<1024x32xi32, #tpu.memory_space<hbm>> -> memref<1x32xi32, #tpu.memory_space<hbm>>
    %dma_start3A_1256 = tpu.memref_squeeze %dma_start3A_1255 : memref<1x32xi32, #tpu.memory_space<hbm>> -> memref<32xi32, #tpu.memory_space<hbm>>
    %dma_start3A_1257 = arith.constant 0 : i32
    %dma_start3A_1258 = tpu.memref_slice %arg2[%add3A_1253, %dma_start3A_1257] : memref<1024x32xi32, #tpu.memory_space<hbm>> -> memref<1x32xi32, #tpu.memory_space<hbm>>
    %dma_start3A_1259 = tpu.memref_squeeze %dma_start3A_1258 : memref<1x32xi32, #tpu.memory_space<hbm>> -> memref<32xi32, #tpu.memory_space<hbm>>
    tpu.enqueue_dma source(%dma_start3A_1259 : memref<32xi32, #tpu.memory_space<hbm>>) target(%arg7 : memref<32xi32, #tpu.memory_space<vmem>>) target_semaphore(%arg11 : memref<!tpu.dma_semaphore, #tpu.memory_space<semaphore_mem>>)
    %dma_wait3A_1260 = arith.constant 2 : i32
    %dma_wait3A_1261 = arith.constant 0 : i32
    %dma_wait3A_1262 = arith.constant 0 : i32
    %dma_wait3A_1263 = tpu.memref_slice %arg8[%dma_wait3A_1260, %dma_wait3A_1261, %dma_wait3A_1262] : memref<3x32x1024xf32, #tpu.memory_space<vmem>> -> memref<1x32x1024xf32, #tpu.memory_space<vmem>>
    %dma_wait3A_1264 = tpu.memref_squeeze %dma_wait3A_1263 : memref<1x32x1024xf32, #tpu.memory_space<vmem>> -> memref<32x1024xf32, #tpu.memory_space<vmem>>
    %dma_wait3A_1265 = arith.constant 0 : i32
    %dma_wait3A_1266 = tpu.memref_slice %arg4[%add3A_1238, %dma_wait3A_1265] : memref<32768x1024xf32, #tpu.memory_space<hbm>> -> memref<32x1024xf32, #tpu.memory_space<hbm>>
    %dma_wait3A_1267 = arith.constant 0 : i32
    %dma_wait3A_1268 = tpu.memref_slice %arg4[%add3A_1238, %dma_wait3A_1267] : memref<32768x1024xf32, #tpu.memory_space<hbm>> -> memref<32x1024xf32, #tpu.memory_space<hbm>>
    %dma_wait3A_1269 = arith.constant 0 : i32
    %dma_wait3A_1270 = arith.constant 0 : i32
    %dma_wait3A_1271 = tpu.memref_slice %arg8[%dma_wait3A_1260, %dma_wait3A_1269, %dma_wait3A_1270] : memref<3x32x1024xf32, #tpu.memory_space<vmem>> -> memref<1x32x1024xf32, #tpu.memory_space<vmem>>
    %dma_wait3A_1272 = tpu.memref_squeeze %dma_wait3A_1271 : memref<1x32x1024xf32, #tpu.memory_space<vmem>> -> memref<32x1024xf32, #tpu.memory_space<vmem>>
    tpu.wait_dma2 semaphore(%arg17 : memref<!tpu.dma_semaphore, #tpu.memory_space<semaphore_mem>>) src(%dma_wait3A_1272 : memref<32x1024xf32, #tpu.memory_space<vmem>>) dst(%dma_wait3A_1268 : memref<32x1024xf32, #tpu.memory_space<hbm>>)
    %dma_wait3A_1273 = arith.constant 0 : i32
    %dma_wait3A_1274 = tpu.memref_slice %arg2[%add3A_1253, %dma_wait3A_1273] : memref<1024x32xi32, #tpu.memory_space<hbm>> -> memref<1x32xi32, #tpu.memory_space<hbm>>
    %dma_wait3A_1275 = tpu.memref_squeeze %dma_wait3A_1274 : memref<1x32xi32, #tpu.memory_space<hbm>> -> memref<32xi32, #tpu.memory_space<hbm>>
    %dma_wait3A_1276 = arith.constant 0 : i32
    %dma_wait3A_1277 = tpu.memref_slice %arg2[%add3A_1253, %dma_wait3A_1276] : memref<1024x32xi32, #tpu.memory_space<hbm>> -> memref<1x32xi32, #tpu.memory_space<hbm>>
    %dma_wait3A_1278 = tpu.memref_squeeze %dma_wait3A_1277 : memref<1x32xi32, #tpu.memory_space<hbm>> -> memref<32xi32, #tpu.memory_space<hbm>>
    tpu.wait_dma2 semaphore(%arg11 : memref<!tpu.dma_semaphore, #tpu.memory_space<semaphore_mem>>) src(%dma_wait3A_1278 : memref<32xi32, #tpu.memory_space<hbm>>) dst(%arg7 : memref<32xi32, #tpu.memory_space<vmem>>)
    %dma_start3A_1279 = arith.constant 2 : i32
    %dma_start3A_1280 = arith.constant 0 : i32
    %dma_start3A_1281 = arith.constant 0 : i32
    %dma_start3A_1282 = tpu.memref_slice %arg8[%dma_start3A_1279, %dma_start3A_1280, %dma_start3A_1281] : memref<3x32x1024xf32, #tpu.memory_space<vmem>> -> memref<1x32x1024xf32, #tpu.memory_space<vmem>>
    %dma_start3A_1283 = tpu.memref_squeeze %dma_start3A_1282 : memref<1x32x1024xf32, #tpu.memory_space<vmem>> -> memref<32x1024xf32, #tpu.memory_space<vmem>>
    %dma_start3A_1284 = arith.constant 0 : i32
    %dma_start3A_1285 = arith.constant 0 : i32
    %dma_start3A_1286 = tpu.memref_slice %arg3[%dma_start3A_1284, %dma_start3A_1285] : memref<8192x1024xf32, #tpu.memory_space<hbm>> -> memref<8192x1024xf32, #tpu.memory_space<hbm>>
    tpu.enqueue_indirect_dma source(%dma_start3A_1286 : memref<8192x1024xf32, #tpu.memory_space<hbm>>) target(%dma_start3A_1283 : memref<32x1024xf32, #tpu.memory_space<vmem>>) offsets(%arg7 : memref<32xi32, #tpu.memory_space<vmem>>) semaphore(%arg14 : memref<!tpu.dma_semaphore, #tpu.memory_space<semaphore_mem>>)
    %dma_wait3A_1287 = arith.constant 0 : i32
    %dma_wait3A_1288 = arith.constant 0 : i32
    %dma_wait3A_1289 = arith.constant 0 : i32
    %dma_wait3A_1290 = tpu.memref_slice %arg8[%dma_wait3A_1287, %dma_wait3A_1288, %dma_wait3A_1289] : memref<3x32x1024xf32, #tpu.memory_space<vmem>> -> memref<1x32x1024xf32, #tpu.memory_space<vmem>>
    %dma_wait3A_1291 = tpu.memref_squeeze %dma_wait3A_1290 : memref<1x32x1024xf32, #tpu.memory_space<vmem>> -> memref<32x1024xf32, #tpu.memory_space<vmem>>
    %dma_wait3A_1292 = arith.constant 0 : i32
    %dma_wait3A_1293 = arith.constant 0 : i32
    %dma_wait3A_1294 = tpu.memref_slice %arg3[%dma_wait3A_1292, %dma_wait3A_1293] : memref<8192x1024xf32, #tpu.memory_space<hbm>> -> memref<8192x1024xf32, #tpu.memory_space<hbm>>
    tpu.wait_indirect_dma semaphore(%arg12 : memref<!tpu.dma_semaphore, #tpu.memory_space<semaphore_mem>>) src(%dma_wait3A_1294 : memref<8192x1024xf32, #tpu.memory_space<hbm>>) dst(%dma_wait3A_1291 : memref<32x1024xf32, #tpu.memory_space<vmem>>)
    %add3A_1295 = arith.constant 672 : i32
    %add3A_1296 = arith.addi %mul3A_2, %add3A_1295 : i32
    %dma_start3A_1297 = arith.constant 0 : i32
    %dma_start3A_1298 = arith.constant 0 : i32
    %dma_start3A_1299 = arith.constant 0 : i32
    %dma_start3A_1300 = tpu.memref_slice %arg8[%dma_start3A_1297, %dma_start3A_1298, %dma_start3A_1299] : memref<3x32x1024xf32, #tpu.memory_space<vmem>> -> memref<1x32x1024xf32, #tpu.memory_space<vmem>>
    %dma_start3A_1301 = tpu.memref_squeeze %dma_start3A_1300 : memref<1x32x1024xf32, #tpu.memory_space<vmem>> -> memref<32x1024xf32, #tpu.memory_space<vmem>>
    %dma_start3A_1302 = arith.constant 0 : i32
    %dma_start3A_1303 = tpu.memref_slice %arg4[%add3A_1296, %dma_start3A_1302] : memref<32768x1024xf32, #tpu.memory_space<hbm>> -> memref<32x1024xf32, #tpu.memory_space<hbm>>
    %dma_start3A_1304 = arith.constant 0 : i32
    %dma_start3A_1305 = tpu.memref_slice %arg4[%add3A_1296, %dma_start3A_1304] : memref<32768x1024xf32, #tpu.memory_space<hbm>> -> memref<32x1024xf32, #tpu.memory_space<hbm>>
    %dma_start3A_1306 = arith.constant 0 : i32
    %dma_start3A_1307 = arith.constant 0 : i32
    %dma_start3A_1308 = tpu.memref_slice %arg8[%dma_start3A_1297, %dma_start3A_1306, %dma_start3A_1307] : memref<3x32x1024xf32, #tpu.memory_space<vmem>> -> memref<1x32x1024xf32, #tpu.memory_space<vmem>>
    %dma_start3A_1309 = tpu.memref_squeeze %dma_start3A_1308 : memref<1x32x1024xf32, #tpu.memory_space<vmem>> -> memref<32x1024xf32, #tpu.memory_space<vmem>>
    tpu.enqueue_dma source(%dma_start3A_1309 : memref<32x1024xf32, #tpu.memory_space<vmem>>) target(%dma_start3A_1305 : memref<32x1024xf32, #tpu.memory_space<hbm>>) target_semaphore(%arg15 : memref<!tpu.dma_semaphore, #tpu.memory_space<semaphore_mem>>)
    %add3A_1310 = arith.constant 24 : i32
    %add3A_1311 = arith.addi %mul3A_4, %add3A_1310 : i32
    %dma_start3A_1312 = arith.constant 0 : i32
    %dma_start3A_1313 = tpu.memref_slice %arg2[%add3A_1311, %dma_start3A_1312] : memref<1024x32xi32, #tpu.memory_space<hbm>> -> memref<1x32xi32, #tpu.memory_space<hbm>>
    %dma_start3A_1314 = tpu.memref_squeeze %dma_start3A_1313 : memref<1x32xi32, #tpu.memory_space<hbm>> -> memref<32xi32, #tpu.memory_space<hbm>>
    %dma_start3A_1315 = arith.constant 0 : i32
    %dma_start3A_1316 = tpu.memref_slice %arg2[%add3A_1311, %dma_start3A_1315] : memref<1024x32xi32, #tpu.memory_space<hbm>> -> memref<1x32xi32, #tpu.memory_space<hbm>>
    %dma_start3A_1317 = tpu.memref_squeeze %dma_start3A_1316 : memref<1x32xi32, #tpu.memory_space<hbm>> -> memref<32xi32, #tpu.memory_space<hbm>>
    tpu.enqueue_dma source(%dma_start3A_1317 : memref<32xi32, #tpu.memory_space<hbm>>) target(%arg5 : memref<32xi32, #tpu.memory_space<vmem>>) target_semaphore(%arg9 : memref<!tpu.dma_semaphore, #tpu.memory_space<semaphore_mem>>)
    %dma_wait3A_1318 = arith.constant 0 : i32
    %dma_wait3A_1319 = arith.constant 0 : i32
    %dma_wait3A_1320 = arith.constant 0 : i32
    %dma_wait3A_1321 = tpu.memref_slice %arg8[%dma_wait3A_1318, %dma_wait3A_1319, %dma_wait3A_1320] : memref<3x32x1024xf32, #tpu.memory_space<vmem>> -> memref<1x32x1024xf32, #tpu.memory_space<vmem>>
    %dma_wait3A_1322 = tpu.memref_squeeze %dma_wait3A_1321 : memref<1x32x1024xf32, #tpu.memory_space<vmem>> -> memref<32x1024xf32, #tpu.memory_space<vmem>>
    %dma_wait3A_1323 = arith.constant 0 : i32
    %dma_wait3A_1324 = tpu.memref_slice %arg4[%add3A_1296, %dma_wait3A_1323] : memref<32768x1024xf32, #tpu.memory_space<hbm>> -> memref<32x1024xf32, #tpu.memory_space<hbm>>
    %dma_wait3A_1325 = arith.constant 0 : i32
    %dma_wait3A_1326 = tpu.memref_slice %arg4[%add3A_1296, %dma_wait3A_1325] : memref<32768x1024xf32, #tpu.memory_space<hbm>> -> memref<32x1024xf32, #tpu.memory_space<hbm>>
    %dma_wait3A_1327 = arith.constant 0 : i32
    %dma_wait3A_1328 = arith.constant 0 : i32
    %dma_wait3A_1329 = tpu.memref_slice %arg8[%dma_wait3A_1318, %dma_wait3A_1327, %dma_wait3A_1328] : memref<3x32x1024xf32, #tpu.memory_space<vmem>> -> memref<1x32x1024xf32, #tpu.memory_space<vmem>>
    %dma_wait3A_1330 = tpu.memref_squeeze %dma_wait3A_1329 : memref<1x32x1024xf32, #tpu.memory_space<vmem>> -> memref<32x1024xf32, #tpu.memory_space<vmem>>
    tpu.wait_dma2 semaphore(%arg15 : memref<!tpu.dma_semaphore, #tpu.memory_space<semaphore_mem>>) src(%dma_wait3A_1330 : memref<32x1024xf32, #tpu.memory_space<vmem>>) dst(%dma_wait3A_1326 : memref<32x1024xf32, #tpu.memory_space<hbm>>)
    %dma_wait3A_1331 = arith.constant 0 : i32
    %dma_wait3A_1332 = tpu.memref_slice %arg2[%add3A_1311, %dma_wait3A_1331] : memref<1024x32xi32, #tpu.memory_space<hbm>> -> memref<1x32xi32, #tpu.memory_space<hbm>>
    %dma_wait3A_1333 = tpu.memref_squeeze %dma_wait3A_1332 : memref<1x32xi32, #tpu.memory_space<hbm>> -> memref<32xi32, #tpu.memory_space<hbm>>
    %dma_wait3A_1334 = arith.constant 0 : i32
    %dma_wait3A_1335 = tpu.memref_slice %arg2[%add3A_1311, %dma_wait3A_1334] : memref<1024x32xi32, #tpu.memory_space<hbm>> -> memref<1x32xi32, #tpu.memory_space<hbm>>
    %dma_wait3A_1336 = tpu.memref_squeeze %dma_wait3A_1335 : memref<1x32xi32, #tpu.memory_space<hbm>> -> memref<32xi32, #tpu.memory_space<hbm>>
    tpu.wait_dma2 semaphore(%arg9 : memref<!tpu.dma_semaphore, #tpu.memory_space<semaphore_mem>>) src(%dma_wait3A_1336 : memref<32xi32, #tpu.memory_space<hbm>>) dst(%arg5 : memref<32xi32, #tpu.memory_space<vmem>>)
    %dma_start3A_1337 = arith.constant 0 : i32
    %dma_start3A_1338 = arith.constant 0 : i32
    %dma_start3A_1339 = arith.constant 0 : i32
    %dma_start3A_1340 = tpu.memref_slice %arg8[%dma_start3A_1337, %dma_start3A_1338, %dma_start3A_1339] : memref<3x32x1024xf32, #tpu.memory_space<vmem>> -> memref<1x32x1024xf32, #tpu.memory_space<vmem>>
    %dma_start3A_1341 = tpu.memref_squeeze %dma_start3A_1340 : memref<1x32x1024xf32, #tpu.memory_space<vmem>> -> memref<32x1024xf32, #tpu.memory_space<vmem>>
    %dma_start3A_1342 = arith.constant 0 : i32
    %dma_start3A_1343 = arith.constant 0 : i32
    %dma_start3A_1344 = tpu.memref_slice %arg3[%dma_start3A_1342, %dma_start3A_1343] : memref<8192x1024xf32, #tpu.memory_space<hbm>> -> memref<8192x1024xf32, #tpu.memory_space<hbm>>
    tpu.enqueue_indirect_dma source(%dma_start3A_1344 : memref<8192x1024xf32, #tpu.memory_space<hbm>>) target(%dma_start3A_1341 : memref<32x1024xf32, #tpu.memory_space<vmem>>) offsets(%arg5 : memref<32xi32, #tpu.memory_space<vmem>>) semaphore(%arg12 : memref<!tpu.dma_semaphore, #tpu.memory_space<semaphore_mem>>)
    %dma_wait3A_1345 = arith.constant 1 : i32
    %dma_wait3A_1346 = arith.constant 0 : i32
    %dma_wait3A_1347 = arith.constant 0 : i32
    %dma_wait3A_1348 = tpu.memref_slice %arg8[%dma_wait3A_1345, %dma_wait3A_1346, %dma_wait3A_1347] : memref<3x32x1024xf32, #tpu.memory_space<vmem>> -> memref<1x32x1024xf32, #tpu.memory_space<vmem>>
    %dma_wait3A_1349 = tpu.memref_squeeze %dma_wait3A_1348 : memref<1x32x1024xf32, #tpu.memory_space<vmem>> -> memref<32x1024xf32, #tpu.memory_space<vmem>>
    %dma_wait3A_1350 = arith.constant 0 : i32
    %dma_wait3A_1351 = arith.constant 0 : i32
    %dma_wait3A_1352 = tpu.memref_slice %arg3[%dma_wait3A_1350, %dma_wait3A_1351] : memref<8192x1024xf32, #tpu.memory_space<hbm>> -> memref<8192x1024xf32, #tpu.memory_space<hbm>>
    tpu.wait_indirect_dma semaphore(%arg13 : memref<!tpu.dma_semaphore, #tpu.memory_space<semaphore_mem>>) src(%dma_wait3A_1352 : memref<8192x1024xf32, #tpu.memory_space<hbm>>) dst(%dma_wait3A_1349 : memref<32x1024xf32, #tpu.memory_space<vmem>>)
    %add3A_1353 = arith.constant 704 : i32
    %add3A_1354 = arith.addi %mul3A_2, %add3A_1353 : i32
    %dma_start3A_1355 = arith.constant 1 : i32
    %dma_start3A_1356 = arith.constant 0 : i32
    %dma_start3A_1357 = arith.constant 0 : i32
    %dma_start3A_1358 = tpu.memref_slice %arg8[%dma_start3A_1355, %dma_start3A_1356, %dma_start3A_1357] : memref<3x32x1024xf32, #tpu.memory_space<vmem>> -> memref<1x32x1024xf32, #tpu.memory_space<vmem>>
    %dma_start3A_1359 = tpu.memref_squeeze %dma_start3A_1358 : memref<1x32x1024xf32, #tpu.memory_space<vmem>> -> memref<32x1024xf32, #tpu.memory_space<vmem>>
    %dma_start3A_1360 = arith.constant 0 : i32
    %dma_start3A_1361 = tpu.memref_slice %arg4[%add3A_1354, %dma_start3A_1360] : memref<32768x1024xf32, #tpu.memory_space<hbm>> -> memref<32x1024xf32, #tpu.memory_space<hbm>>
    %dma_start3A_1362 = arith.constant 0 : i32
    %dma_start3A_1363 = tpu.memref_slice %arg4[%add3A_1354, %dma_start3A_1362] : memref<32768x1024xf32, #tpu.memory_space<hbm>> -> memref<32x1024xf32, #tpu.memory_space<hbm>>
    %dma_start3A_1364 = arith.constant 0 : i32
    %dma_start3A_1365 = arith.constant 0 : i32
    %dma_start3A_1366 = tpu.memref_slice %arg8[%dma_start3A_1355, %dma_start3A_1364, %dma_start3A_1365] : memref<3x32x1024xf32, #tpu.memory_space<vmem>> -> memref<1x32x1024xf32, #tpu.memory_space<vmem>>
    %dma_start3A_1367 = tpu.memref_squeeze %dma_start3A_1366 : memref<1x32x1024xf32, #tpu.memory_space<vmem>> -> memref<32x1024xf32, #tpu.memory_space<vmem>>
    tpu.enqueue_dma source(%dma_start3A_1367 : memref<32x1024xf32, #tpu.memory_space<vmem>>) target(%dma_start3A_1363 : memref<32x1024xf32, #tpu.memory_space<hbm>>) target_semaphore(%arg16 : memref<!tpu.dma_semaphore, #tpu.memory_space<semaphore_mem>>)
    %add3A_1368 = arith.constant 25 : i32
    %add3A_1369 = arith.addi %mul3A_4, %add3A_1368 : i32
    %dma_start3A_1370 = arith.constant 0 : i32
    %dma_start3A_1371 = tpu.memref_slice %arg2[%add3A_1369, %dma_start3A_1370] : memref<1024x32xi32, #tpu.memory_space<hbm>> -> memref<1x32xi32, #tpu.memory_space<hbm>>
    %dma_start3A_1372 = tpu.memref_squeeze %dma_start3A_1371 : memref<1x32xi32, #tpu.memory_space<hbm>> -> memref<32xi32, #tpu.memory_space<hbm>>
    %dma_start3A_1373 = arith.constant 0 : i32
    %dma_start3A_1374 = tpu.memref_slice %arg2[%add3A_1369, %dma_start3A_1373] : memref<1024x32xi32, #tpu.memory_space<hbm>> -> memref<1x32xi32, #tpu.memory_space<hbm>>
    %dma_start3A_1375 = tpu.memref_squeeze %dma_start3A_1374 : memref<1x32xi32, #tpu.memory_space<hbm>> -> memref<32xi32, #tpu.memory_space<hbm>>
    tpu.enqueue_dma source(%dma_start3A_1375 : memref<32xi32, #tpu.memory_space<hbm>>) target(%arg6 : memref<32xi32, #tpu.memory_space<vmem>>) target_semaphore(%arg10 : memref<!tpu.dma_semaphore, #tpu.memory_space<semaphore_mem>>)
    %dma_wait3A_1376 = arith.constant 1 : i32
    %dma_wait3A_1377 = arith.constant 0 : i32
    %dma_wait3A_1378 = arith.constant 0 : i32
    %dma_wait3A_1379 = tpu.memref_slice %arg8[%dma_wait3A_1376, %dma_wait3A_1377, %dma_wait3A_1378] : memref<3x32x1024xf32, #tpu.memory_space<vmem>> -> memref<1x32x1024xf32, #tpu.memory_space<vmem>>
    %dma_wait3A_1380 = tpu.memref_squeeze %dma_wait3A_1379 : memref<1x32x1024xf32, #tpu.memory_space<vmem>> -> memref<32x1024xf32, #tpu.memory_space<vmem>>
    %dma_wait3A_1381 = arith.constant 0 : i32
    %dma_wait3A_1382 = tpu.memref_slice %arg4[%add3A_1354, %dma_wait3A_1381] : memref<32768x1024xf32, #tpu.memory_space<hbm>> -> memref<32x1024xf32, #tpu.memory_space<hbm>>
    %dma_wait3A_1383 = arith.constant 0 : i32
    %dma_wait3A_1384 = tpu.memref_slice %arg4[%add3A_1354, %dma_wait3A_1383] : memref<32768x1024xf32, #tpu.memory_space<hbm>> -> memref<32x1024xf32, #tpu.memory_space<hbm>>
    %dma_wait3A_1385 = arith.constant 0 : i32
    %dma_wait3A_1386 = arith.constant 0 : i32
    %dma_wait3A_1387 = tpu.memref_slice %arg8[%dma_wait3A_1376, %dma_wait3A_1385, %dma_wait3A_1386] : memref<3x32x1024xf32, #tpu.memory_space<vmem>> -> memref<1x32x1024xf32, #tpu.memory_space<vmem>>
    %dma_wait3A_1388 = tpu.memref_squeeze %dma_wait3A_1387 : memref<1x32x1024xf32, #tpu.memory_space<vmem>> -> memref<32x1024xf32, #tpu.memory_space<vmem>>
    tpu.wait_dma2 semaphore(%arg16 : memref<!tpu.dma_semaphore, #tpu.memory_space<semaphore_mem>>) src(%dma_wait3A_1388 : memref<32x1024xf32, #tpu.memory_space<vmem>>) dst(%dma_wait3A_1384 : memref<32x1024xf32, #tpu.memory_space<hbm>>)
    %dma_wait3A_1389 = arith.constant 0 : i32
    %dma_wait3A_1390 = tpu.memref_slice %arg2[%add3A_1369, %dma_wait3A_1389] : memref<1024x32xi32, #tpu.memory_space<hbm>> -> memref<1x32xi32, #tpu.memory_space<hbm>>
    %dma_wait3A_1391 = tpu.memref_squeeze %dma_wait3A_1390 : memref<1x32xi32, #tpu.memory_space<hbm>> -> memref<32xi32, #tpu.memory_space<hbm>>
    %dma_wait3A_1392 = arith.constant 0 : i32
    %dma_wait3A_1393 = tpu.memref_slice %arg2[%add3A_1369, %dma_wait3A_1392] : memref<1024x32xi32, #tpu.memory_space<hbm>> -> memref<1x32xi32, #tpu.memory_space<hbm>>
    %dma_wait3A_1394 = tpu.memref_squeeze %dma_wait3A_1393 : memref<1x32xi32, #tpu.memory_space<hbm>> -> memref<32xi32, #tpu.memory_space<hbm>>
    tpu.wait_dma2 semaphore(%arg10 : memref<!tpu.dma_semaphore, #tpu.memory_space<semaphore_mem>>) src(%dma_wait3A_1394 : memref<32xi32, #tpu.memory_space<hbm>>) dst(%arg6 : memref<32xi32, #tpu.memory_space<vmem>>)
    %dma_start3A_1395 = arith.constant 1 : i32
    %dma_start3A_1396 = arith.constant 0 : i32
    %dma_start3A_1397 = arith.constant 0 : i32
    %dma_start3A_1398 = tpu.memref_slice %arg8[%dma_start3A_1395, %dma_start3A_1396, %dma_start3A_1397] : memref<3x32x1024xf32, #tpu.memory_space<vmem>> -> memref<1x32x1024xf32, #tpu.memory_space<vmem>>
    %dma_start3A_1399 = tpu.memref_squeeze %dma_start3A_1398 : memref<1x32x1024xf32, #tpu.memory_space<vmem>> -> memref<32x1024xf32, #tpu.memory_space<vmem>>
    %dma_start3A_1400 = arith.constant 0 : i32
    %dma_start3A_1401 = arith.constant 0 : i32
    %dma_start3A_1402 = tpu.memref_slice %arg3[%dma_start3A_1400, %dma_start3A_1401] : memref<8192x1024xf32, #tpu.memory_space<hbm>> -> memref<8192x1024xf32, #tpu.memory_space<hbm>>
    tpu.enqueue_indirect_dma source(%dma_start3A_1402 : memref<8192x1024xf32, #tpu.memory_space<hbm>>) target(%dma_start3A_1399 : memref<32x1024xf32, #tpu.memory_space<vmem>>) offsets(%arg6 : memref<32xi32, #tpu.memory_space<vmem>>) semaphore(%arg13 : memref<!tpu.dma_semaphore, #tpu.memory_space<semaphore_mem>>)
    %dma_wait3A_1403 = arith.constant 2 : i32
    %dma_wait3A_1404 = arith.constant 0 : i32
    %dma_wait3A_1405 = arith.constant 0 : i32
    %dma_wait3A_1406 = tpu.memref_slice %arg8[%dma_wait3A_1403, %dma_wait3A_1404, %dma_wait3A_1405] : memref<3x32x1024xf32, #tpu.memory_space<vmem>> -> memref<1x32x1024xf32, #tpu.memory_space<vmem>>
    %dma_wait3A_1407 = tpu.memref_squeeze %dma_wait3A_1406 : memref<1x32x1024xf32, #tpu.memory_space<vmem>> -> memref<32x1024xf32, #tpu.memory_space<vmem>>
    %dma_wait3A_1408 = arith.constant 0 : i32
    %dma_wait3A_1409 = arith.constant 0 : i32
    %dma_wait3A_1410 = tpu.memref_slice %arg3[%dma_wait3A_1408, %dma_wait3A_1409] : memref<8192x1024xf32, #tpu.memory_space<hbm>> -> memref<8192x1024xf32, #tpu.memory_space<hbm>>
    tpu.wait_indirect_dma semaphore(%arg14 : memref<!tpu.dma_semaphore, #tpu.memory_space<semaphore_mem>>) src(%dma_wait3A_1410 : memref<8192x1024xf32, #tpu.memory_space<hbm>>) dst(%dma_wait3A_1407 : memref<32x1024xf32, #tpu.memory_space<vmem>>)
    %add3A_1411 = arith.constant 736 : i32
    %add3A_1412 = arith.addi %mul3A_2, %add3A_1411 : i32
    %dma_start3A_1413 = arith.constant 2 : i32
    %dma_start3A_1414 = arith.constant 0 : i32
    %dma_start3A_1415 = arith.constant 0 : i32
    %dma_start3A_1416 = tpu.memref_slice %arg8[%dma_start3A_1413, %dma_start3A_1414, %dma_start3A_1415] : memref<3x32x1024xf32, #tpu.memory_space<vmem>> -> memref<1x32x1024xf32, #tpu.memory_space<vmem>>
    %dma_start3A_1417 = tpu.memref_squeeze %dma_start3A_1416 : memref<1x32x1024xf32, #tpu.memory_space<vmem>> -> memref<32x1024xf32, #tpu.memory_space<vmem>>
    %dma_start3A_1418 = arith.constant 0 : i32
    %dma_start3A_1419 = tpu.memref_slice %arg4[%add3A_1412, %dma_start3A_1418] : memref<32768x1024xf32, #tpu.memory_space<hbm>> -> memref<32x1024xf32, #tpu.memory_space<hbm>>
    %dma_start3A_1420 = arith.constant 0 : i32
    %dma_start3A_1421 = tpu.memref_slice %arg4[%add3A_1412, %dma_start3A_1420] : memref<32768x1024xf32, #tpu.memory_space<hbm>> -> memref<32x1024xf32, #tpu.memory_space<hbm>>
    %dma_start3A_1422 = arith.constant 0 : i32
    %dma_start3A_1423 = arith.constant 0 : i32
    %dma_start3A_1424 = tpu.memref_slice %arg8[%dma_start3A_1413, %dma_start3A_1422, %dma_start3A_1423] : memref<3x32x1024xf32, #tpu.memory_space<vmem>> -> memref<1x32x1024xf32, #tpu.memory_space<vmem>>
    %dma_start3A_1425 = tpu.memref_squeeze %dma_start3A_1424 : memref<1x32x1024xf32, #tpu.memory_space<vmem>> -> memref<32x1024xf32, #tpu.memory_space<vmem>>
    tpu.enqueue_dma source(%dma_start3A_1425 : memref<32x1024xf32, #tpu.memory_space<vmem>>) target(%dma_start3A_1421 : memref<32x1024xf32, #tpu.memory_space<hbm>>) target_semaphore(%arg17 : memref<!tpu.dma_semaphore, #tpu.memory_space<semaphore_mem>>)
    %add3A_1426 = arith.constant 26 : i32
    %add3A_1427 = arith.addi %mul3A_4, %add3A_1426 : i32
    %dma_start3A_1428 = arith.constant 0 : i32
    %dma_start3A_1429 = tpu.memref_slice %arg2[%add3A_1427, %dma_start3A_1428] : memref<1024x32xi32, #tpu.memory_space<hbm>> -> memref<1x32xi32, #tpu.memory_space<hbm>>
    %dma_start3A_1430 = tpu.memref_squeeze %dma_start3A_1429 : memref<1x32xi32, #tpu.memory_space<hbm>> -> memref<32xi32, #tpu.memory_space<hbm>>
    %dma_start3A_1431 = arith.constant 0 : i32
    %dma_start3A_1432 = tpu.memref_slice %arg2[%add3A_1427, %dma_start3A_1431] : memref<1024x32xi32, #tpu.memory_space<hbm>> -> memref<1x32xi32, #tpu.memory_space<hbm>>
    %dma_start3A_1433 = tpu.memref_squeeze %dma_start3A_1432 : memref<1x32xi32, #tpu.memory_space<hbm>> -> memref<32xi32, #tpu.memory_space<hbm>>
    tpu.enqueue_dma source(%dma_start3A_1433 : memref<32xi32, #tpu.memory_space<hbm>>) target(%arg7 : memref<32xi32, #tpu.memory_space<vmem>>) target_semaphore(%arg11 : memref<!tpu.dma_semaphore, #tpu.memory_space<semaphore_mem>>)
    %dma_wait3A_1434 = arith.constant 2 : i32
    %dma_wait3A_1435 = arith.constant 0 : i32
    %dma_wait3A_1436 = arith.constant 0 : i32
    %dma_wait3A_1437 = tpu.memref_slice %arg8[%dma_wait3A_1434, %dma_wait3A_1435, %dma_wait3A_1436] : memref<3x32x1024xf32, #tpu.memory_space<vmem>> -> memref<1x32x1024xf32, #tpu.memory_space<vmem>>
    %dma_wait3A_1438 = tpu.memref_squeeze %dma_wait3A_1437 : memref<1x32x1024xf32, #tpu.memory_space<vmem>> -> memref<32x1024xf32, #tpu.memory_space<vmem>>
    %dma_wait3A_1439 = arith.constant 0 : i32
    %dma_wait3A_1440 = tpu.memref_slice %arg4[%add3A_1412, %dma_wait3A_1439] : memref<32768x1024xf32, #tpu.memory_space<hbm>> -> memref<32x1024xf32, #tpu.memory_space<hbm>>
    %dma_wait3A_1441 = arith.constant 0 : i32
    %dma_wait3A_1442 = tpu.memref_slice %arg4[%add3A_1412, %dma_wait3A_1441] : memref<32768x1024xf32, #tpu.memory_space<hbm>> -> memref<32x1024xf32, #tpu.memory_space<hbm>>
    %dma_wait3A_1443 = arith.constant 0 : i32
    %dma_wait3A_1444 = arith.constant 0 : i32
    %dma_wait3A_1445 = tpu.memref_slice %arg8[%dma_wait3A_1434, %dma_wait3A_1443, %dma_wait3A_1444] : memref<3x32x1024xf32, #tpu.memory_space<vmem>> -> memref<1x32x1024xf32, #tpu.memory_space<vmem>>
    %dma_wait3A_1446 = tpu.memref_squeeze %dma_wait3A_1445 : memref<1x32x1024xf32, #tpu.memory_space<vmem>> -> memref<32x1024xf32, #tpu.memory_space<vmem>>
    tpu.wait_dma2 semaphore(%arg17 : memref<!tpu.dma_semaphore, #tpu.memory_space<semaphore_mem>>) src(%dma_wait3A_1446 : memref<32x1024xf32, #tpu.memory_space<vmem>>) dst(%dma_wait3A_1442 : memref<32x1024xf32, #tpu.memory_space<hbm>>)
    %dma_wait3A_1447 = arith.constant 0 : i32
    %dma_wait3A_1448 = tpu.memref_slice %arg2[%add3A_1427, %dma_wait3A_1447] : memref<1024x32xi32, #tpu.memory_space<hbm>> -> memref<1x32xi32, #tpu.memory_space<hbm>>
    %dma_wait3A_1449 = tpu.memref_squeeze %dma_wait3A_1448 : memref<1x32xi32, #tpu.memory_space<hbm>> -> memref<32xi32, #tpu.memory_space<hbm>>
    %dma_wait3A_1450 = arith.constant 0 : i32
    %dma_wait3A_1451 = tpu.memref_slice %arg2[%add3A_1427, %dma_wait3A_1450] : memref<1024x32xi32, #tpu.memory_space<hbm>> -> memref<1x32xi32, #tpu.memory_space<hbm>>
    %dma_wait3A_1452 = tpu.memref_squeeze %dma_wait3A_1451 : memref<1x32xi32, #tpu.memory_space<hbm>> -> memref<32xi32, #tpu.memory_space<hbm>>
    tpu.wait_dma2 semaphore(%arg11 : memref<!tpu.dma_semaphore, #tpu.memory_space<semaphore_mem>>) src(%dma_wait3A_1452 : memref<32xi32, #tpu.memory_space<hbm>>) dst(%arg7 : memref<32xi32, #tpu.memory_space<vmem>>)
    %dma_start3A_1453 = arith.constant 2 : i32
    %dma_start3A_1454 = arith.constant 0 : i32
    %dma_start3A_1455 = arith.constant 0 : i32
    %dma_start3A_1456 = tpu.memref_slice %arg8[%dma_start3A_1453, %dma_start3A_1454, %dma_start3A_1455] : memref<3x32x1024xf32, #tpu.memory_space<vmem>> -> memref<1x32x1024xf32, #tpu.memory_space<vmem>>
    %dma_start3A_1457 = tpu.memref_squeeze %dma_start3A_1456 : memref<1x32x1024xf32, #tpu.memory_space<vmem>> -> memref<32x1024xf32, #tpu.memory_space<vmem>>
    %dma_start3A_1458 = arith.constant 0 : i32
    %dma_start3A_1459 = arith.constant 0 : i32
    %dma_start3A_1460 = tpu.memref_slice %arg3[%dma_start3A_1458, %dma_start3A_1459] : memref<8192x1024xf32, #tpu.memory_space<hbm>> -> memref<8192x1024xf32, #tpu.memory_space<hbm>>
    tpu.enqueue_indirect_dma source(%dma_start3A_1460 : memref<8192x1024xf32, #tpu.memory_space<hbm>>) target(%dma_start3A_1457 : memref<32x1024xf32, #tpu.memory_space<vmem>>) offsets(%arg7 : memref<32xi32, #tpu.memory_space<vmem>>) semaphore(%arg14 : memref<!tpu.dma_semaphore, #tpu.memory_space<semaphore_mem>>)
    %dma_wait3A_1461 = arith.constant 0 : i32
    %dma_wait3A_1462 = arith.constant 0 : i32
    %dma_wait3A_1463 = arith.constant 0 : i32
    %dma_wait3A_1464 = tpu.memref_slice %arg8[%dma_wait3A_1461, %dma_wait3A_1462, %dma_wait3A_1463] : memref<3x32x1024xf32, #tpu.memory_space<vmem>> -> memref<1x32x1024xf32, #tpu.memory_space<vmem>>
    %dma_wait3A_1465 = tpu.memref_squeeze %dma_wait3A_1464 : memref<1x32x1024xf32, #tpu.memory_space<vmem>> -> memref<32x1024xf32, #tpu.memory_space<vmem>>
    %dma_wait3A_1466 = arith.constant 0 : i32
    %dma_wait3A_1467 = arith.constant 0 : i32
    %dma_wait3A_1468 = tpu.memref_slice %arg3[%dma_wait3A_1466, %dma_wait3A_1467] : memref<8192x1024xf32, #tpu.memory_space<hbm>> -> memref<8192x1024xf32, #tpu.memory_space<hbm>>
    tpu.wait_indirect_dma semaphore(%arg12 : memref<!tpu.dma_semaphore, #tpu.memory_space<semaphore_mem>>) src(%dma_wait3A_1468 : memref<8192x1024xf32, #tpu.memory_space<hbm>>) dst(%dma_wait3A_1465 : memref<32x1024xf32, #tpu.memory_space<vmem>>)
    %add3A_1469 = arith.constant 768 : i32
    %add3A_1470 = arith.addi %mul3A_2, %add3A_1469 : i32
    %dma_start3A_1471 = arith.constant 0 : i32
    %dma_start3A_1472 = arith.constant 0 : i32
    %dma_start3A_1473 = arith.constant 0 : i32
    %dma_start3A_1474 = tpu.memref_slice %arg8[%dma_start3A_1471, %dma_start3A_1472, %dma_start3A_1473] : memref<3x32x1024xf32, #tpu.memory_space<vmem>> -> memref<1x32x1024xf32, #tpu.memory_space<vmem>>
    %dma_start3A_1475 = tpu.memref_squeeze %dma_start3A_1474 : memref<1x32x1024xf32, #tpu.memory_space<vmem>> -> memref<32x1024xf32, #tpu.memory_space<vmem>>
    %dma_start3A_1476 = arith.constant 0 : i32
    %dma_start3A_1477 = tpu.memref_slice %arg4[%add3A_1470, %dma_start3A_1476] : memref<32768x1024xf32, #tpu.memory_space<hbm>> -> memref<32x1024xf32, #tpu.memory_space<hbm>>
    %dma_start3A_1478 = arith.constant 0 : i32
    %dma_start3A_1479 = tpu.memref_slice %arg4[%add3A_1470, %dma_start3A_1478] : memref<32768x1024xf32, #tpu.memory_space<hbm>> -> memref<32x1024xf32, #tpu.memory_space<hbm>>
    %dma_start3A_1480 = arith.constant 0 : i32
    %dma_start3A_1481 = arith.constant 0 : i32
    %dma_start3A_1482 = tpu.memref_slice %arg8[%dma_start3A_1471, %dma_start3A_1480, %dma_start3A_1481] : memref<3x32x1024xf32, #tpu.memory_space<vmem>> -> memref<1x32x1024xf32, #tpu.memory_space<vmem>>
    %dma_start3A_1483 = tpu.memref_squeeze %dma_start3A_1482 : memref<1x32x1024xf32, #tpu.memory_space<vmem>> -> memref<32x1024xf32, #tpu.memory_space<vmem>>
    tpu.enqueue_dma source(%dma_start3A_1483 : memref<32x1024xf32, #tpu.memory_space<vmem>>) target(%dma_start3A_1479 : memref<32x1024xf32, #tpu.memory_space<hbm>>) target_semaphore(%arg15 : memref<!tpu.dma_semaphore, #tpu.memory_space<semaphore_mem>>)
    %add3A_1484 = arith.constant 27 : i32
    %add3A_1485 = arith.addi %mul3A_4, %add3A_1484 : i32
    %dma_start3A_1486 = arith.constant 0 : i32
    %dma_start3A_1487 = tpu.memref_slice %arg2[%add3A_1485, %dma_start3A_1486] : memref<1024x32xi32, #tpu.memory_space<hbm>> -> memref<1x32xi32, #tpu.memory_space<hbm>>
    %dma_start3A_1488 = tpu.memref_squeeze %dma_start3A_1487 : memref<1x32xi32, #tpu.memory_space<hbm>> -> memref<32xi32, #tpu.memory_space<hbm>>
    %dma_start3A_1489 = arith.constant 0 : i32
    %dma_start3A_1490 = tpu.memref_slice %arg2[%add3A_1485, %dma_start3A_1489] : memref<1024x32xi32, #tpu.memory_space<hbm>> -> memref<1x32xi32, #tpu.memory_space<hbm>>
    %dma_start3A_1491 = tpu.memref_squeeze %dma_start3A_1490 : memref<1x32xi32, #tpu.memory_space<hbm>> -> memref<32xi32, #tpu.memory_space<hbm>>
    tpu.enqueue_dma source(%dma_start3A_1491 : memref<32xi32, #tpu.memory_space<hbm>>) target(%arg5 : memref<32xi32, #tpu.memory_space<vmem>>) target_semaphore(%arg9 : memref<!tpu.dma_semaphore, #tpu.memory_space<semaphore_mem>>)
    %dma_wait3A_1492 = arith.constant 0 : i32
    %dma_wait3A_1493 = arith.constant 0 : i32
    %dma_wait3A_1494 = arith.constant 0 : i32
    %dma_wait3A_1495 = tpu.memref_slice %arg8[%dma_wait3A_1492, %dma_wait3A_1493, %dma_wait3A_1494] : memref<3x32x1024xf32, #tpu.memory_space<vmem>> -> memref<1x32x1024xf32, #tpu.memory_space<vmem>>
    %dma_wait3A_1496 = tpu.memref_squeeze %dma_wait3A_1495 : memref<1x32x1024xf32, #tpu.memory_space<vmem>> -> memref<32x1024xf32, #tpu.memory_space<vmem>>
    %dma_wait3A_1497 = arith.constant 0 : i32
    %dma_wait3A_1498 = tpu.memref_slice %arg4[%add3A_1470, %dma_wait3A_1497] : memref<32768x1024xf32, #tpu.memory_space<hbm>> -> memref<32x1024xf32, #tpu.memory_space<hbm>>
    %dma_wait3A_1499 = arith.constant 0 : i32
    %dma_wait3A_1500 = tpu.memref_slice %arg4[%add3A_1470, %dma_wait3A_1499] : memref<32768x1024xf32, #tpu.memory_space<hbm>> -> memref<32x1024xf32, #tpu.memory_space<hbm>>
    %dma_wait3A_1501 = arith.constant 0 : i32
    %dma_wait3A_1502 = arith.constant 0 : i32
    %dma_wait3A_1503 = tpu.memref_slice %arg8[%dma_wait3A_1492, %dma_wait3A_1501, %dma_wait3A_1502] : memref<3x32x1024xf32, #tpu.memory_space<vmem>> -> memref<1x32x1024xf32, #tpu.memory_space<vmem>>
    %dma_wait3A_1504 = tpu.memref_squeeze %dma_wait3A_1503 : memref<1x32x1024xf32, #tpu.memory_space<vmem>> -> memref<32x1024xf32, #tpu.memory_space<vmem>>
    tpu.wait_dma2 semaphore(%arg15 : memref<!tpu.dma_semaphore, #tpu.memory_space<semaphore_mem>>) src(%dma_wait3A_1504 : memref<32x1024xf32, #tpu.memory_space<vmem>>) dst(%dma_wait3A_1500 : memref<32x1024xf32, #tpu.memory_space<hbm>>)
    %dma_wait3A_1505 = arith.constant 0 : i32
    %dma_wait3A_1506 = tpu.memref_slice %arg2[%add3A_1485, %dma_wait3A_1505] : memref<1024x32xi32, #tpu.memory_space<hbm>> -> memref<1x32xi32, #tpu.memory_space<hbm>>
    %dma_wait3A_1507 = tpu.memref_squeeze %dma_wait3A_1506 : memref<1x32xi32, #tpu.memory_space<hbm>> -> memref<32xi32, #tpu.memory_space<hbm>>
    %dma_wait3A_1508 = arith.constant 0 : i32
    %dma_wait3A_1509 = tpu.memref_slice %arg2[%add3A_1485, %dma_wait3A_1508] : memref<1024x32xi32, #tpu.memory_space<hbm>> -> memref<1x32xi32, #tpu.memory_space<hbm>>
    %dma_wait3A_1510 = tpu.memref_squeeze %dma_wait3A_1509 : memref<1x32xi32, #tpu.memory_space<hbm>> -> memref<32xi32, #tpu.memory_space<hbm>>
    tpu.wait_dma2 semaphore(%arg9 : memref<!tpu.dma_semaphore, #tpu.memory_space<semaphore_mem>>) src(%dma_wait3A_1510 : memref<32xi32, #tpu.memory_space<hbm>>) dst(%arg5 : memref<32xi32, #tpu.memory_space<vmem>>)
    %dma_start3A_1511 = arith.constant 0 : i32
    %dma_start3A_1512 = arith.constant 0 : i32
    %dma_start3A_1513 = arith.constant 0 : i32
    %dma_start3A_1514 = tpu.memref_slice %arg8[%dma_start3A_1511, %dma_start3A_1512, %dma_start3A_1513] : memref<3x32x1024xf32, #tpu.memory_space<vmem>> -> memref<1x32x1024xf32, #tpu.memory_space<vmem>>
    %dma_start3A_1515 = tpu.memref_squeeze %dma_start3A_1514 : memref<1x32x1024xf32, #tpu.memory_space<vmem>> -> memref<32x1024xf32, #tpu.memory_space<vmem>>
    %dma_start3A_1516 = arith.constant 0 : i32
    %dma_start3A_1517 = arith.constant 0 : i32
    %dma_start3A_1518 = tpu.memref_slice %arg3[%dma_start3A_1516, %dma_start3A_1517] : memref<8192x1024xf32, #tpu.memory_space<hbm>> -> memref<8192x1024xf32, #tpu.memory_space<hbm>>
    tpu.enqueue_indirect_dma source(%dma_start3A_1518 : memref<8192x1024xf32, #tpu.memory_space<hbm>>) target(%dma_start3A_1515 : memref<32x1024xf32, #tpu.memory_space<vmem>>) offsets(%arg5 : memref<32xi32, #tpu.memory_space<vmem>>) semaphore(%arg12 : memref<!tpu.dma_semaphore, #tpu.memory_space<semaphore_mem>>)
    %dma_wait3A_1519 = arith.constant 1 : i32
    %dma_wait3A_1520 = arith.constant 0 : i32
    %dma_wait3A_1521 = arith.constant 0 : i32
    %dma_wait3A_1522 = tpu.memref_slice %arg8[%dma_wait3A_1519, %dma_wait3A_1520, %dma_wait3A_1521] : memref<3x32x1024xf32, #tpu.memory_space<vmem>> -> memref<1x32x1024xf32, #tpu.memory_space<vmem>>
    %dma_wait3A_1523 = tpu.memref_squeeze %dma_wait3A_1522 : memref<1x32x1024xf32, #tpu.memory_space<vmem>> -> memref<32x1024xf32, #tpu.memory_space<vmem>>
    %dma_wait3A_1524 = arith.constant 0 : i32
    %dma_wait3A_1525 = arith.constant 0 : i32
    %dma_wait3A_1526 = tpu.memref_slice %arg3[%dma_wait3A_1524, %dma_wait3A_1525] : memref<8192x1024xf32, #tpu.memory_space<hbm>> -> memref<8192x1024xf32, #tpu.memory_space<hbm>>
    tpu.wait_indirect_dma semaphore(%arg13 : memref<!tpu.dma_semaphore, #tpu.memory_space<semaphore_mem>>) src(%dma_wait3A_1526 : memref<8192x1024xf32, #tpu.memory_space<hbm>>) dst(%dma_wait3A_1523 : memref<32x1024xf32, #tpu.memory_space<vmem>>)
    %add3A_1527 = arith.constant 800 : i32
    %add3A_1528 = arith.addi %mul3A_2, %add3A_1527 : i32
    %dma_start3A_1529 = arith.constant 1 : i32
    %dma_start3A_1530 = arith.constant 0 : i32
    %dma_start3A_1531 = arith.constant 0 : i32
    %dma_start3A_1532 = tpu.memref_slice %arg8[%dma_start3A_1529, %dma_start3A_1530, %dma_start3A_1531] : memref<3x32x1024xf32, #tpu.memory_space<vmem>> -> memref<1x32x1024xf32, #tpu.memory_space<vmem>>
    %dma_start3A_1533 = tpu.memref_squeeze %dma_start3A_1532 : memref<1x32x1024xf32, #tpu.memory_space<vmem>> -> memref<32x1024xf32, #tpu.memory_space<vmem>>
    %dma_start3A_1534 = arith.constant 0 : i32
    %dma_start3A_1535 = tpu.memref_slice %arg4[%add3A_1528, %dma_start3A_1534] : memref<32768x1024xf32, #tpu.memory_space<hbm>> -> memref<32x1024xf32, #tpu.memory_space<hbm>>
    %dma_start3A_1536 = arith.constant 0 : i32
    %dma_start3A_1537 = tpu.memref_slice %arg4[%add3A_1528, %dma_start3A_1536] : memref<32768x1024xf32, #tpu.memory_space<hbm>> -> memref<32x1024xf32, #tpu.memory_space<hbm>>
    %dma_start3A_1538 = arith.constant 0 : i32
    %dma_start3A_1539 = arith.constant 0 : i32
    %dma_start3A_1540 = tpu.memref_slice %arg8[%dma_start3A_1529, %dma_start3A_1538, %dma_start3A_1539] : memref<3x32x1024xf32, #tpu.memory_space<vmem>> -> memref<1x32x1024xf32, #tpu.memory_space<vmem>>
    %dma_start3A_1541 = tpu.memref_squeeze %dma_start3A_1540 : memref<1x32x1024xf32, #tpu.memory_space<vmem>> -> memref<32x1024xf32, #tpu.memory_space<vmem>>
    tpu.enqueue_dma source(%dma_start3A_1541 : memref<32x1024xf32, #tpu.memory_space<vmem>>) target(%dma_start3A_1537 : memref<32x1024xf32, #tpu.memory_space<hbm>>) target_semaphore(%arg16 : memref<!tpu.dma_semaphore, #tpu.memory_space<semaphore_mem>>)
    %add3A_1542 = arith.constant 28 : i32
    %add3A_1543 = arith.addi %mul3A_4, %add3A_1542 : i32
    %dma_start3A_1544 = arith.constant 0 : i32
    %dma_start3A_1545 = tpu.memref_slice %arg2[%add3A_1543, %dma_start3A_1544] : memref<1024x32xi32, #tpu.memory_space<hbm>> -> memref<1x32xi32, #tpu.memory_space<hbm>>
    %dma_start3A_1546 = tpu.memref_squeeze %dma_start3A_1545 : memref<1x32xi32, #tpu.memory_space<hbm>> -> memref<32xi32, #tpu.memory_space<hbm>>
    %dma_start3A_1547 = arith.constant 0 : i32
    %dma_start3A_1548 = tpu.memref_slice %arg2[%add3A_1543, %dma_start3A_1547] : memref<1024x32xi32, #tpu.memory_space<hbm>> -> memref<1x32xi32, #tpu.memory_space<hbm>>
    %dma_start3A_1549 = tpu.memref_squeeze %dma_start3A_1548 : memref<1x32xi32, #tpu.memory_space<hbm>> -> memref<32xi32, #tpu.memory_space<hbm>>
    tpu.enqueue_dma source(%dma_start3A_1549 : memref<32xi32, #tpu.memory_space<hbm>>) target(%arg6 : memref<32xi32, #tpu.memory_space<vmem>>) target_semaphore(%arg10 : memref<!tpu.dma_semaphore, #tpu.memory_space<semaphore_mem>>)
    %dma_wait3A_1550 = arith.constant 1 : i32
    %dma_wait3A_1551 = arith.constant 0 : i32
    %dma_wait3A_1552 = arith.constant 0 : i32
    %dma_wait3A_1553 = tpu.memref_slice %arg8[%dma_wait3A_1550, %dma_wait3A_1551, %dma_wait3A_1552] : memref<3x32x1024xf32, #tpu.memory_space<vmem>> -> memref<1x32x1024xf32, #tpu.memory_space<vmem>>
    %dma_wait3A_1554 = tpu.memref_squeeze %dma_wait3A_1553 : memref<1x32x1024xf32, #tpu.memory_space<vmem>> -> memref<32x1024xf32, #tpu.memory_space<vmem>>
    %dma_wait3A_1555 = arith.constant 0 : i32
    %dma_wait3A_1556 = tpu.memref_slice %arg4[%add3A_1528, %dma_wait3A_1555] : memref<32768x1024xf32, #tpu.memory_space<hbm>> -> memref<32x1024xf32, #tpu.memory_space<hbm>>
    %dma_wait3A_1557 = arith.constant 0 : i32
    %dma_wait3A_1558 = tpu.memref_slice %arg4[%add3A_1528, %dma_wait3A_1557] : memref<32768x1024xf32, #tpu.memory_space<hbm>> -> memref<32x1024xf32, #tpu.memory_space<hbm>>
    %dma_wait3A_1559 = arith.constant 0 : i32
    %dma_wait3A_1560 = arith.constant 0 : i32
    %dma_wait3A_1561 = tpu.memref_slice %arg8[%dma_wait3A_1550, %dma_wait3A_1559, %dma_wait3A_1560] : memref<3x32x1024xf32, #tpu.memory_space<vmem>> -> memref<1x32x1024xf32, #tpu.memory_space<vmem>>
    %dma_wait3A_1562 = tpu.memref_squeeze %dma_wait3A_1561 : memref<1x32x1024xf32, #tpu.memory_space<vmem>> -> memref<32x1024xf32, #tpu.memory_space<vmem>>
    tpu.wait_dma2 semaphore(%arg16 : memref<!tpu.dma_semaphore, #tpu.memory_space<semaphore_mem>>) src(%dma_wait3A_1562 : memref<32x1024xf32, #tpu.memory_space<vmem>>) dst(%dma_wait3A_1558 : memref<32x1024xf32, #tpu.memory_space<hbm>>)
    %dma_wait3A_1563 = arith.constant 0 : i32
    %dma_wait3A_1564 = tpu.memref_slice %arg2[%add3A_1543, %dma_wait3A_1563] : memref<1024x32xi32, #tpu.memory_space<hbm>> -> memref<1x32xi32, #tpu.memory_space<hbm>>
    %dma_wait3A_1565 = tpu.memref_squeeze %dma_wait3A_1564 : memref<1x32xi32, #tpu.memory_space<hbm>> -> memref<32xi32, #tpu.memory_space<hbm>>
    %dma_wait3A_1566 = arith.constant 0 : i32
    %dma_wait3A_1567 = tpu.memref_slice %arg2[%add3A_1543, %dma_wait3A_1566] : memref<1024x32xi32, #tpu.memory_space<hbm>> -> memref<1x32xi32, #tpu.memory_space<hbm>>
    %dma_wait3A_1568 = tpu.memref_squeeze %dma_wait3A_1567 : memref<1x32xi32, #tpu.memory_space<hbm>> -> memref<32xi32, #tpu.memory_space<hbm>>
    tpu.wait_dma2 semaphore(%arg10 : memref<!tpu.dma_semaphore, #tpu.memory_space<semaphore_mem>>) src(%dma_wait3A_1568 : memref<32xi32, #tpu.memory_space<hbm>>) dst(%arg6 : memref<32xi32, #tpu.memory_space<vmem>>)
    %dma_start3A_1569 = arith.constant 1 : i32
    %dma_start3A_1570 = arith.constant 0 : i32
    %dma_start3A_1571 = arith.constant 0 : i32
    %dma_start3A_1572 = tpu.memref_slice %arg8[%dma_start3A_1569, %dma_start3A_1570, %dma_start3A_1571] : memref<3x32x1024xf32, #tpu.memory_space<vmem>> -> memref<1x32x1024xf32, #tpu.memory_space<vmem>>
    %dma_start3A_1573 = tpu.memref_squeeze %dma_start3A_1572 : memref<1x32x1024xf32, #tpu.memory_space<vmem>> -> memref<32x1024xf32, #tpu.memory_space<vmem>>
    %dma_start3A_1574 = arith.constant 0 : i32
    %dma_start3A_1575 = arith.constant 0 : i32
    %dma_start3A_1576 = tpu.memref_slice %arg3[%dma_start3A_1574, %dma_start3A_1575] : memref<8192x1024xf32, #tpu.memory_space<hbm>> -> memref<8192x1024xf32, #tpu.memory_space<hbm>>
    tpu.enqueue_indirect_dma source(%dma_start3A_1576 : memref<8192x1024xf32, #tpu.memory_space<hbm>>) target(%dma_start3A_1573 : memref<32x1024xf32, #tpu.memory_space<vmem>>) offsets(%arg6 : memref<32xi32, #tpu.memory_space<vmem>>) semaphore(%arg13 : memref<!tpu.dma_semaphore, #tpu.memory_space<semaphore_mem>>)
    %dma_wait3A_1577 = arith.constant 2 : i32
    %dma_wait3A_1578 = arith.constant 0 : i32
    %dma_wait3A_1579 = arith.constant 0 : i32
    %dma_wait3A_1580 = tpu.memref_slice %arg8[%dma_wait3A_1577, %dma_wait3A_1578, %dma_wait3A_1579] : memref<3x32x1024xf32, #tpu.memory_space<vmem>> -> memref<1x32x1024xf32, #tpu.memory_space<vmem>>
    %dma_wait3A_1581 = tpu.memref_squeeze %dma_wait3A_1580 : memref<1x32x1024xf32, #tpu.memory_space<vmem>> -> memref<32x1024xf32, #tpu.memory_space<vmem>>
    %dma_wait3A_1582 = arith.constant 0 : i32
    %dma_wait3A_1583 = arith.constant 0 : i32
    %dma_wait3A_1584 = tpu.memref_slice %arg3[%dma_wait3A_1582, %dma_wait3A_1583] : memref<8192x1024xf32, #tpu.memory_space<hbm>> -> memref<8192x1024xf32, #tpu.memory_space<hbm>>
    tpu.wait_indirect_dma semaphore(%arg14 : memref<!tpu.dma_semaphore, #tpu.memory_space<semaphore_mem>>) src(%dma_wait3A_1584 : memref<8192x1024xf32, #tpu.memory_space<hbm>>) dst(%dma_wait3A_1581 : memref<32x1024xf32, #tpu.memory_space<vmem>>)
    %add3A_1585 = arith.constant 832 : i32
    %add3A_1586 = arith.addi %mul3A_2, %add3A_1585 : i32
    %dma_start3A_1587 = arith.constant 2 : i32
    %dma_start3A_1588 = arith.constant 0 : i32
    %dma_start3A_1589 = arith.constant 0 : i32
    %dma_start3A_1590 = tpu.memref_slice %arg8[%dma_start3A_1587, %dma_start3A_1588, %dma_start3A_1589] : memref<3x32x1024xf32, #tpu.memory_space<vmem>> -> memref<1x32x1024xf32, #tpu.memory_space<vmem>>
    %dma_start3A_1591 = tpu.memref_squeeze %dma_start3A_1590 : memref<1x32x1024xf32, #tpu.memory_space<vmem>> -> memref<32x1024xf32, #tpu.memory_space<vmem>>
    %dma_start3A_1592 = arith.constant 0 : i32
    %dma_start3A_1593 = tpu.memref_slice %arg4[%add3A_1586, %dma_start3A_1592] : memref<32768x1024xf32, #tpu.memory_space<hbm>> -> memref<32x1024xf32, #tpu.memory_space<hbm>>
    %dma_start3A_1594 = arith.constant 0 : i32
    %dma_start3A_1595 = tpu.memref_slice %arg4[%add3A_1586, %dma_start3A_1594] : memref<32768x1024xf32, #tpu.memory_space<hbm>> -> memref<32x1024xf32, #tpu.memory_space<hbm>>
    %dma_start3A_1596 = arith.constant 0 : i32
    %dma_start3A_1597 = arith.constant 0 : i32
    %dma_start3A_1598 = tpu.memref_slice %arg8[%dma_start3A_1587, %dma_start3A_1596, %dma_start3A_1597] : memref<3x32x1024xf32, #tpu.memory_space<vmem>> -> memref<1x32x1024xf32, #tpu.memory_space<vmem>>
    %dma_start3A_1599 = tpu.memref_squeeze %dma_start3A_1598 : memref<1x32x1024xf32, #tpu.memory_space<vmem>> -> memref<32x1024xf32, #tpu.memory_space<vmem>>
    tpu.enqueue_dma source(%dma_start3A_1599 : memref<32x1024xf32, #tpu.memory_space<vmem>>) target(%dma_start3A_1595 : memref<32x1024xf32, #tpu.memory_space<hbm>>) target_semaphore(%arg17 : memref<!tpu.dma_semaphore, #tpu.memory_space<semaphore_mem>>)
    %add3A_1600 = arith.constant 29 : i32
    %add3A_1601 = arith.addi %mul3A_4, %add3A_1600 : i32
    %dma_start3A_1602 = arith.constant 0 : i32
    %dma_start3A_1603 = tpu.memref_slice %arg2[%add3A_1601, %dma_start3A_1602] : memref<1024x32xi32, #tpu.memory_space<hbm>> -> memref<1x32xi32, #tpu.memory_space<hbm>>
    %dma_start3A_1604 = tpu.memref_squeeze %dma_start3A_1603 : memref<1x32xi32, #tpu.memory_space<hbm>> -> memref<32xi32, #tpu.memory_space<hbm>>
    %dma_start3A_1605 = arith.constant 0 : i32
    %dma_start3A_1606 = tpu.memref_slice %arg2[%add3A_1601, %dma_start3A_1605] : memref<1024x32xi32, #tpu.memory_space<hbm>> -> memref<1x32xi32, #tpu.memory_space<hbm>>
    %dma_start3A_1607 = tpu.memref_squeeze %dma_start3A_1606 : memref<1x32xi32, #tpu.memory_space<hbm>> -> memref<32xi32, #tpu.memory_space<hbm>>
    tpu.enqueue_dma source(%dma_start3A_1607 : memref<32xi32, #tpu.memory_space<hbm>>) target(%arg7 : memref<32xi32, #tpu.memory_space<vmem>>) target_semaphore(%arg11 : memref<!tpu.dma_semaphore, #tpu.memory_space<semaphore_mem>>)
    %dma_wait3A_1608 = arith.constant 2 : i32
    %dma_wait3A_1609 = arith.constant 0 : i32
    %dma_wait3A_1610 = arith.constant 0 : i32
    %dma_wait3A_1611 = tpu.memref_slice %arg8[%dma_wait3A_1608, %dma_wait3A_1609, %dma_wait3A_1610] : memref<3x32x1024xf32, #tpu.memory_space<vmem>> -> memref<1x32x1024xf32, #tpu.memory_space<vmem>>
    %dma_wait3A_1612 = tpu.memref_squeeze %dma_wait3A_1611 : memref<1x32x1024xf32, #tpu.memory_space<vmem>> -> memref<32x1024xf32, #tpu.memory_space<vmem>>
    %dma_wait3A_1613 = arith.constant 0 : i32
    %dma_wait3A_1614 = tpu.memref_slice %arg4[%add3A_1586, %dma_wait3A_1613] : memref<32768x1024xf32, #tpu.memory_space<hbm>> -> memref<32x1024xf32, #tpu.memory_space<hbm>>
    %dma_wait3A_1615 = arith.constant 0 : i32
    %dma_wait3A_1616 = tpu.memref_slice %arg4[%add3A_1586, %dma_wait3A_1615] : memref<32768x1024xf32, #tpu.memory_space<hbm>> -> memref<32x1024xf32, #tpu.memory_space<hbm>>
    %dma_wait3A_1617 = arith.constant 0 : i32
    %dma_wait3A_1618 = arith.constant 0 : i32
    %dma_wait3A_1619 = tpu.memref_slice %arg8[%dma_wait3A_1608, %dma_wait3A_1617, %dma_wait3A_1618] : memref<3x32x1024xf32, #tpu.memory_space<vmem>> -> memref<1x32x1024xf32, #tpu.memory_space<vmem>>
    %dma_wait3A_1620 = tpu.memref_squeeze %dma_wait3A_1619 : memref<1x32x1024xf32, #tpu.memory_space<vmem>> -> memref<32x1024xf32, #tpu.memory_space<vmem>>
    tpu.wait_dma2 semaphore(%arg17 : memref<!tpu.dma_semaphore, #tpu.memory_space<semaphore_mem>>) src(%dma_wait3A_1620 : memref<32x1024xf32, #tpu.memory_space<vmem>>) dst(%dma_wait3A_1616 : memref<32x1024xf32, #tpu.memory_space<hbm>>)
    %dma_wait3A_1621 = arith.constant 0 : i32
    %dma_wait3A_1622 = tpu.memref_slice %arg2[%add3A_1601, %dma_wait3A_1621] : memref<1024x32xi32, #tpu.memory_space<hbm>> -> memref<1x32xi32, #tpu.memory_space<hbm>>
    %dma_wait3A_1623 = tpu.memref_squeeze %dma_wait3A_1622 : memref<1x32xi32, #tpu.memory_space<hbm>> -> memref<32xi32, #tpu.memory_space<hbm>>
    %dma_wait3A_1624 = arith.constant 0 : i32
    %dma_wait3A_1625 = tpu.memref_slice %arg2[%add3A_1601, %dma_wait3A_1624] : memref<1024x32xi32, #tpu.memory_space<hbm>> -> memref<1x32xi32, #tpu.memory_space<hbm>>
    %dma_wait3A_1626 = tpu.memref_squeeze %dma_wait3A_1625 : memref<1x32xi32, #tpu.memory_space<hbm>> -> memref<32xi32, #tpu.memory_space<hbm>>
    tpu.wait_dma2 semaphore(%arg11 : memref<!tpu.dma_semaphore, #tpu.memory_space<semaphore_mem>>) src(%dma_wait3A_1626 : memref<32xi32, #tpu.memory_space<hbm>>) dst(%arg7 : memref<32xi32, #tpu.memory_space<vmem>>)
    %dma_start3A_1627 = arith.constant 2 : i32
    %dma_start3A_1628 = arith.constant 0 : i32
    %dma_start3A_1629 = arith.constant 0 : i32
    %dma_start3A_1630 = tpu.memref_slice %arg8[%dma_start3A_1627, %dma_start3A_1628, %dma_start3A_1629] : memref<3x32x1024xf32, #tpu.memory_space<vmem>> -> memref<1x32x1024xf32, #tpu.memory_space<vmem>>
    %dma_start3A_1631 = tpu.memref_squeeze %dma_start3A_1630 : memref<1x32x1024xf32, #tpu.memory_space<vmem>> -> memref<32x1024xf32, #tpu.memory_space<vmem>>
    %dma_start3A_1632 = arith.constant 0 : i32
    %dma_start3A_1633 = arith.constant 0 : i32
    %dma_start3A_1634 = tpu.memref_slice %arg3[%dma_start3A_1632, %dma_start3A_1633] : memref<8192x1024xf32, #tpu.memory_space<hbm>> -> memref<8192x1024xf32, #tpu.memory_space<hbm>>
    tpu.enqueue_indirect_dma source(%dma_start3A_1634 : memref<8192x1024xf32, #tpu.memory_space<hbm>>) target(%dma_start3A_1631 : memref<32x1024xf32, #tpu.memory_space<vmem>>) offsets(%arg7 : memref<32xi32, #tpu.memory_space<vmem>>) semaphore(%arg14 : memref<!tpu.dma_semaphore, #tpu.memory_space<semaphore_mem>>)
    %dma_wait3A_1635 = arith.constant 0 : i32
    %dma_wait3A_1636 = arith.constant 0 : i32
    %dma_wait3A_1637 = arith.constant 0 : i32
    %dma_wait3A_1638 = tpu.memref_slice %arg8[%dma_wait3A_1635, %dma_wait3A_1636, %dma_wait3A_1637] : memref<3x32x1024xf32, #tpu.memory_space<vmem>> -> memref<1x32x1024xf32, #tpu.memory_space<vmem>>
    %dma_wait3A_1639 = tpu.memref_squeeze %dma_wait3A_1638 : memref<1x32x1024xf32, #tpu.memory_space<vmem>> -> memref<32x1024xf32, #tpu.memory_space<vmem>>
    %dma_wait3A_1640 = arith.constant 0 : i32
    %dma_wait3A_1641 = arith.constant 0 : i32
    %dma_wait3A_1642 = tpu.memref_slice %arg3[%dma_wait3A_1640, %dma_wait3A_1641] : memref<8192x1024xf32, #tpu.memory_space<hbm>> -> memref<8192x1024xf32, #tpu.memory_space<hbm>>
    tpu.wait_indirect_dma semaphore(%arg12 : memref<!tpu.dma_semaphore, #tpu.memory_space<semaphore_mem>>) src(%dma_wait3A_1642 : memref<8192x1024xf32, #tpu.memory_space<hbm>>) dst(%dma_wait3A_1639 : memref<32x1024xf32, #tpu.memory_space<vmem>>)
    %add3A_1643 = arith.constant 864 : i32
    %add3A_1644 = arith.addi %mul3A_2, %add3A_1643 : i32
    %dma_start3A_1645 = arith.constant 0 : i32
    %dma_start3A_1646 = arith.constant 0 : i32
    %dma_start3A_1647 = arith.constant 0 : i32
    %dma_start3A_1648 = tpu.memref_slice %arg8[%dma_start3A_1645, %dma_start3A_1646, %dma_start3A_1647] : memref<3x32x1024xf32, #tpu.memory_space<vmem>> -> memref<1x32x1024xf32, #tpu.memory_space<vmem>>
    %dma_start3A_1649 = tpu.memref_squeeze %dma_start3A_1648 : memref<1x32x1024xf32, #tpu.memory_space<vmem>> -> memref<32x1024xf32, #tpu.memory_space<vmem>>
    %dma_start3A_1650 = arith.constant 0 : i32
    %dma_start3A_1651 = tpu.memref_slice %arg4[%add3A_1644, %dma_start3A_1650] : memref<32768x1024xf32, #tpu.memory_space<hbm>> -> memref<32x1024xf32, #tpu.memory_space<hbm>>
    %dma_start3A_1652 = arith.constant 0 : i32
    %dma_start3A_1653 = tpu.memref_slice %arg4[%add3A_1644, %dma_start3A_1652] : memref<32768x1024xf32, #tpu.memory_space<hbm>> -> memref<32x1024xf32, #tpu.memory_space<hbm>>
    %dma_start3A_1654 = arith.constant 0 : i32
    %dma_start3A_1655 = arith.constant 0 : i32
    %dma_start3A_1656 = tpu.memref_slice %arg8[%dma_start3A_1645, %dma_start3A_1654, %dma_start3A_1655] : memref<3x32x1024xf32, #tpu.memory_space<vmem>> -> memref<1x32x1024xf32, #tpu.memory_space<vmem>>
    %dma_start3A_1657 = tpu.memref_squeeze %dma_start3A_1656 : memref<1x32x1024xf32, #tpu.memory_space<vmem>> -> memref<32x1024xf32, #tpu.memory_space<vmem>>
    tpu.enqueue_dma source(%dma_start3A_1657 : memref<32x1024xf32, #tpu.memory_space<vmem>>) target(%dma_start3A_1653 : memref<32x1024xf32, #tpu.memory_space<hbm>>) target_semaphore(%arg15 : memref<!tpu.dma_semaphore, #tpu.memory_space<semaphore_mem>>)
    %add3A_1658 = arith.constant 30 : i32
    %add3A_1659 = arith.addi %mul3A_4, %add3A_1658 : i32
    %dma_start3A_1660 = arith.constant 0 : i32
    %dma_start3A_1661 = tpu.memref_slice %arg2[%add3A_1659, %dma_start3A_1660] : memref<1024x32xi32, #tpu.memory_space<hbm>> -> memref<1x32xi32, #tpu.memory_space<hbm>>
    %dma_start3A_1662 = tpu.memref_squeeze %dma_start3A_1661 : memref<1x32xi32, #tpu.memory_space<hbm>> -> memref<32xi32, #tpu.memory_space<hbm>>
    %dma_start3A_1663 = arith.constant 0 : i32
    %dma_start3A_1664 = tpu.memref_slice %arg2[%add3A_1659, %dma_start3A_1663] : memref<1024x32xi32, #tpu.memory_space<hbm>> -> memref<1x32xi32, #tpu.memory_space<hbm>>
    %dma_start3A_1665 = tpu.memref_squeeze %dma_start3A_1664 : memref<1x32xi32, #tpu.memory_space<hbm>> -> memref<32xi32, #tpu.memory_space<hbm>>
    tpu.enqueue_dma source(%dma_start3A_1665 : memref<32xi32, #tpu.memory_space<hbm>>) target(%arg5 : memref<32xi32, #tpu.memory_space<vmem>>) target_semaphore(%arg9 : memref<!tpu.dma_semaphore, #tpu.memory_space<semaphore_mem>>)
    %dma_wait3A_1666 = arith.constant 0 : i32
    %dma_wait3A_1667 = arith.constant 0 : i32
    %dma_wait3A_1668 = arith.constant 0 : i32
    %dma_wait3A_1669 = tpu.memref_slice %arg8[%dma_wait3A_1666, %dma_wait3A_1667, %dma_wait3A_1668] : memref<3x32x1024xf32, #tpu.memory_space<vmem>> -> memref<1x32x1024xf32, #tpu.memory_space<vmem>>
    %dma_wait3A_1670 = tpu.memref_squeeze %dma_wait3A_1669 : memref<1x32x1024xf32, #tpu.memory_space<vmem>> -> memref<32x1024xf32, #tpu.memory_space<vmem>>
    %dma_wait3A_1671 = arith.constant 0 : i32
    %dma_wait3A_1672 = tpu.memref_slice %arg4[%add3A_1644, %dma_wait3A_1671] : memref<32768x1024xf32, #tpu.memory_space<hbm>> -> memref<32x1024xf32, #tpu.memory_space<hbm>>
    %dma_wait3A_1673 = arith.constant 0 : i32
    %dma_wait3A_1674 = tpu.memref_slice %arg4[%add3A_1644, %dma_wait3A_1673] : memref<32768x1024xf32, #tpu.memory_space<hbm>> -> memref<32x1024xf32, #tpu.memory_space<hbm>>
    %dma_wait3A_1675 = arith.constant 0 : i32
    %dma_wait3A_1676 = arith.constant 0 : i32
    %dma_wait3A_1677 = tpu.memref_slice %arg8[%dma_wait3A_1666, %dma_wait3A_1675, %dma_wait3A_1676] : memref<3x32x1024xf32, #tpu.memory_space<vmem>> -> memref<1x32x1024xf32, #tpu.memory_space<vmem>>
    %dma_wait3A_1678 = tpu.memref_squeeze %dma_wait3A_1677 : memref<1x32x1024xf32, #tpu.memory_space<vmem>> -> memref<32x1024xf32, #tpu.memory_space<vmem>>
    tpu.wait_dma2 semaphore(%arg15 : memref<!tpu.dma_semaphore, #tpu.memory_space<semaphore_mem>>) src(%dma_wait3A_1678 : memref<32x1024xf32, #tpu.memory_space<vmem>>) dst(%dma_wait3A_1674 : memref<32x1024xf32, #tpu.memory_space<hbm>>)
    %dma_wait3A_1679 = arith.constant 0 : i32
    %dma_wait3A_1680 = tpu.memref_slice %arg2[%add3A_1659, %dma_wait3A_1679] : memref<1024x32xi32, #tpu.memory_space<hbm>> -> memref<1x32xi32, #tpu.memory_space<hbm>>
    %dma_wait3A_1681 = tpu.memref_squeeze %dma_wait3A_1680 : memref<1x32xi32, #tpu.memory_space<hbm>> -> memref<32xi32, #tpu.memory_space<hbm>>
    %dma_wait3A_1682 = arith.constant 0 : i32
    %dma_wait3A_1683 = tpu.memref_slice %arg2[%add3A_1659, %dma_wait3A_1682] : memref<1024x32xi32, #tpu.memory_space<hbm>> -> memref<1x32xi32, #tpu.memory_space<hbm>>
    %dma_wait3A_1684 = tpu.memref_squeeze %dma_wait3A_1683 : memref<1x32xi32, #tpu.memory_space<hbm>> -> memref<32xi32, #tpu.memory_space<hbm>>
    tpu.wait_dma2 semaphore(%arg9 : memref<!tpu.dma_semaphore, #tpu.memory_space<semaphore_mem>>) src(%dma_wait3A_1684 : memref<32xi32, #tpu.memory_space<hbm>>) dst(%arg5 : memref<32xi32, #tpu.memory_space<vmem>>)
    %dma_start3A_1685 = arith.constant 0 : i32
    %dma_start3A_1686 = arith.constant 0 : i32
    %dma_start3A_1687 = arith.constant 0 : i32
    %dma_start3A_1688 = tpu.memref_slice %arg8[%dma_start3A_1685, %dma_start3A_1686, %dma_start3A_1687] : memref<3x32x1024xf32, #tpu.memory_space<vmem>> -> memref<1x32x1024xf32, #tpu.memory_space<vmem>>
    %dma_start3A_1689 = tpu.memref_squeeze %dma_start3A_1688 : memref<1x32x1024xf32, #tpu.memory_space<vmem>> -> memref<32x1024xf32, #tpu.memory_space<vmem>>
    %dma_start3A_1690 = arith.constant 0 : i32
    %dma_start3A_1691 = arith.constant 0 : i32
    %dma_start3A_1692 = tpu.memref_slice %arg3[%dma_start3A_1690, %dma_start3A_1691] : memref<8192x1024xf32, #tpu.memory_space<hbm>> -> memref<8192x1024xf32, #tpu.memory_space<hbm>>
    tpu.enqueue_indirect_dma source(%dma_start3A_1692 : memref<8192x1024xf32, #tpu.memory_space<hbm>>) target(%dma_start3A_1689 : memref<32x1024xf32, #tpu.memory_space<vmem>>) offsets(%arg5 : memref<32xi32, #tpu.memory_space<vmem>>) semaphore(%arg12 : memref<!tpu.dma_semaphore, #tpu.memory_space<semaphore_mem>>)
    %dma_wait3A_1693 = arith.constant 1 : i32
    %dma_wait3A_1694 = arith.constant 0 : i32
    %dma_wait3A_1695 = arith.constant 0 : i32
    %dma_wait3A_1696 = tpu.memref_slice %arg8[%dma_wait3A_1693, %dma_wait3A_1694, %dma_wait3A_1695] : memref<3x32x1024xf32, #tpu.memory_space<vmem>> -> memref<1x32x1024xf32, #tpu.memory_space<vmem>>
    %dma_wait3A_1697 = tpu.memref_squeeze %dma_wait3A_1696 : memref<1x32x1024xf32, #tpu.memory_space<vmem>> -> memref<32x1024xf32, #tpu.memory_space<vmem>>
    %dma_wait3A_1698 = arith.constant 0 : i32
    %dma_wait3A_1699 = arith.constant 0 : i32
    %dma_wait3A_1700 = tpu.memref_slice %arg3[%dma_wait3A_1698, %dma_wait3A_1699] : memref<8192x1024xf32, #tpu.memory_space<hbm>> -> memref<8192x1024xf32, #tpu.memory_space<hbm>>
    tpu.wait_indirect_dma semaphore(%arg13 : memref<!tpu.dma_semaphore, #tpu.memory_space<semaphore_mem>>) src(%dma_wait3A_1700 : memref<8192x1024xf32, #tpu.memory_space<hbm>>) dst(%dma_wait3A_1697 : memref<32x1024xf32, #tpu.memory_space<vmem>>)
    %add3A_1701 = arith.constant 896 : i32
    %add3A_1702 = arith.addi %mul3A_2, %add3A_1701 : i32
    %dma_start3A_1703 = arith.constant 1 : i32
    %dma_start3A_1704 = arith.constant 0 : i32
    %dma_start3A_1705 = arith.constant 0 : i32
    %dma_start3A_1706 = tpu.memref_slice %arg8[%dma_start3A_1703, %dma_start3A_1704, %dma_start3A_1705] : memref<3x32x1024xf32, #tpu.memory_space<vmem>> -> memref<1x32x1024xf32, #tpu.memory_space<vmem>>
    %dma_start3A_1707 = tpu.memref_squeeze %dma_start3A_1706 : memref<1x32x1024xf32, #tpu.memory_space<vmem>> -> memref<32x1024xf32, #tpu.memory_space<vmem>>
    %dma_start3A_1708 = arith.constant 0 : i32
    %dma_start3A_1709 = tpu.memref_slice %arg4[%add3A_1702, %dma_start3A_1708] : memref<32768x1024xf32, #tpu.memory_space<hbm>> -> memref<32x1024xf32, #tpu.memory_space<hbm>>
    %dma_start3A_1710 = arith.constant 0 : i32
    %dma_start3A_1711 = tpu.memref_slice %arg4[%add3A_1702, %dma_start3A_1710] : memref<32768x1024xf32, #tpu.memory_space<hbm>> -> memref<32x1024xf32, #tpu.memory_space<hbm>>
    %dma_start3A_1712 = arith.constant 0 : i32
    %dma_start3A_1713 = arith.constant 0 : i32
    %dma_start3A_1714 = tpu.memref_slice %arg8[%dma_start3A_1703, %dma_start3A_1712, %dma_start3A_1713] : memref<3x32x1024xf32, #tpu.memory_space<vmem>> -> memref<1x32x1024xf32, #tpu.memory_space<vmem>>
    %dma_start3A_1715 = tpu.memref_squeeze %dma_start3A_1714 : memref<1x32x1024xf32, #tpu.memory_space<vmem>> -> memref<32x1024xf32, #tpu.memory_space<vmem>>
    tpu.enqueue_dma source(%dma_start3A_1715 : memref<32x1024xf32, #tpu.memory_space<vmem>>) target(%dma_start3A_1711 : memref<32x1024xf32, #tpu.memory_space<hbm>>) target_semaphore(%arg16 : memref<!tpu.dma_semaphore, #tpu.memory_space<semaphore_mem>>)
    %add3A_1716 = arith.constant 31 : i32
    %add3A_1717 = arith.addi %mul3A_4, %add3A_1716 : i32
    %dma_start3A_1718 = arith.constant 0 : i32
    %dma_start3A_1719 = tpu.memref_slice %arg2[%add3A_1717, %dma_start3A_1718] : memref<1024x32xi32, #tpu.memory_space<hbm>> -> memref<1x32xi32, #tpu.memory_space<hbm>>
    %dma_start3A_1720 = tpu.memref_squeeze %dma_start3A_1719 : memref<1x32xi32, #tpu.memory_space<hbm>> -> memref<32xi32, #tpu.memory_space<hbm>>
    %dma_start3A_1721 = arith.constant 0 : i32
    %dma_start3A_1722 = tpu.memref_slice %arg2[%add3A_1717, %dma_start3A_1721] : memref<1024x32xi32, #tpu.memory_space<hbm>> -> memref<1x32xi32, #tpu.memory_space<hbm>>
    %dma_start3A_1723 = tpu.memref_squeeze %dma_start3A_1722 : memref<1x32xi32, #tpu.memory_space<hbm>> -> memref<32xi32, #tpu.memory_space<hbm>>
    tpu.enqueue_dma source(%dma_start3A_1723 : memref<32xi32, #tpu.memory_space<hbm>>) target(%arg6 : memref<32xi32, #tpu.memory_space<vmem>>) target_semaphore(%arg10 : memref<!tpu.dma_semaphore, #tpu.memory_space<semaphore_mem>>)
    %dma_wait3A_1724 = arith.constant 1 : i32
    %dma_wait3A_1725 = arith.constant 0 : i32
    %dma_wait3A_1726 = arith.constant 0 : i32
    %dma_wait3A_1727 = tpu.memref_slice %arg8[%dma_wait3A_1724, %dma_wait3A_1725, %dma_wait3A_1726] : memref<3x32x1024xf32, #tpu.memory_space<vmem>> -> memref<1x32x1024xf32, #tpu.memory_space<vmem>>
    %dma_wait3A_1728 = tpu.memref_squeeze %dma_wait3A_1727 : memref<1x32x1024xf32, #tpu.memory_space<vmem>> -> memref<32x1024xf32, #tpu.memory_space<vmem>>
    %dma_wait3A_1729 = arith.constant 0 : i32
    %dma_wait3A_1730 = tpu.memref_slice %arg4[%add3A_1702, %dma_wait3A_1729] : memref<32768x1024xf32, #tpu.memory_space<hbm>> -> memref<32x1024xf32, #tpu.memory_space<hbm>>
    %dma_wait3A_1731 = arith.constant 0 : i32
    %dma_wait3A_1732 = tpu.memref_slice %arg4[%add3A_1702, %dma_wait3A_1731] : memref<32768x1024xf32, #tpu.memory_space<hbm>> -> memref<32x1024xf32, #tpu.memory_space<hbm>>
    %dma_wait3A_1733 = arith.constant 0 : i32
    %dma_wait3A_1734 = arith.constant 0 : i32
    %dma_wait3A_1735 = tpu.memref_slice %arg8[%dma_wait3A_1724, %dma_wait3A_1733, %dma_wait3A_1734] : memref<3x32x1024xf32, #tpu.memory_space<vmem>> -> memref<1x32x1024xf32, #tpu.memory_space<vmem>>
    %dma_wait3A_1736 = tpu.memref_squeeze %dma_wait3A_1735 : memref<1x32x1024xf32, #tpu.memory_space<vmem>> -> memref<32x1024xf32, #tpu.memory_space<vmem>>
    tpu.wait_dma2 semaphore(%arg16 : memref<!tpu.dma_semaphore, #tpu.memory_space<semaphore_mem>>) src(%dma_wait3A_1736 : memref<32x1024xf32, #tpu.memory_space<vmem>>) dst(%dma_wait3A_1732 : memref<32x1024xf32, #tpu.memory_space<hbm>>)
    %dma_wait3A_1737 = arith.constant 0 : i32
    %dma_wait3A_1738 = tpu.memref_slice %arg2[%add3A_1717, %dma_wait3A_1737] : memref<1024x32xi32, #tpu.memory_space<hbm>> -> memref<1x32xi32, #tpu.memory_space<hbm>>
    %dma_wait3A_1739 = tpu.memref_squeeze %dma_wait3A_1738 : memref<1x32xi32, #tpu.memory_space<hbm>> -> memref<32xi32, #tpu.memory_space<hbm>>
    %dma_wait3A_1740 = arith.constant 0 : i32
    %dma_wait3A_1741 = tpu.memref_slice %arg2[%add3A_1717, %dma_wait3A_1740] : memref<1024x32xi32, #tpu.memory_space<hbm>> -> memref<1x32xi32, #tpu.memory_space<hbm>>
    %dma_wait3A_1742 = tpu.memref_squeeze %dma_wait3A_1741 : memref<1x32xi32, #tpu.memory_space<hbm>> -> memref<32xi32, #tpu.memory_space<hbm>>
    tpu.wait_dma2 semaphore(%arg10 : memref<!tpu.dma_semaphore, #tpu.memory_space<semaphore_mem>>) src(%dma_wait3A_1742 : memref<32xi32, #tpu.memory_space<hbm>>) dst(%arg6 : memref<32xi32, #tpu.memory_space<vmem>>)
    %dma_start3A_1743 = arith.constant 1 : i32
    %dma_start3A_1744 = arith.constant 0 : i32
    %dma_start3A_1745 = arith.constant 0 : i32
    %dma_start3A_1746 = tpu.memref_slice %arg8[%dma_start3A_1743, %dma_start3A_1744, %dma_start3A_1745] : memref<3x32x1024xf32, #tpu.memory_space<vmem>> -> memref<1x32x1024xf32, #tpu.memory_space<vmem>>
    %dma_start3A_1747 = tpu.memref_squeeze %dma_start3A_1746 : memref<1x32x1024xf32, #tpu.memory_space<vmem>> -> memref<32x1024xf32, #tpu.memory_space<vmem>>
    %dma_start3A_1748 = arith.constant 0 : i32
    %dma_start3A_1749 = arith.constant 0 : i32
    %dma_start3A_1750 = tpu.memref_slice %arg3[%dma_start3A_1748, %dma_start3A_1749] : memref<8192x1024xf32, #tpu.memory_space<hbm>> -> memref<8192x1024xf32, #tpu.memory_space<hbm>>
    tpu.enqueue_indirect_dma source(%dma_start3A_1750 : memref<8192x1024xf32, #tpu.memory_space<hbm>>) target(%dma_start3A_1747 : memref<32x1024xf32, #tpu.memory_space<vmem>>) offsets(%arg6 : memref<32xi32, #tpu.memory_space<vmem>>) semaphore(%arg13 : memref<!tpu.dma_semaphore, #tpu.memory_space<semaphore_mem>>)
    %dma_wait3A_1751 = arith.constant 2 : i32
    %dma_wait3A_1752 = arith.constant 0 : i32
    %dma_wait3A_1753 = arith.constant 0 : i32
    %dma_wait3A_1754 = tpu.memref_slice %arg8[%dma_wait3A_1751, %dma_wait3A_1752, %dma_wait3A_1753] : memref<3x32x1024xf32, #tpu.memory_space<vmem>> -> memref<1x32x1024xf32, #tpu.memory_space<vmem>>
    %dma_wait3A_1755 = tpu.memref_squeeze %dma_wait3A_1754 : memref<1x32x1024xf32, #tpu.memory_space<vmem>> -> memref<32x1024xf32, #tpu.memory_space<vmem>>
    %dma_wait3A_1756 = arith.constant 0 : i32
    %dma_wait3A_1757 = arith.constant 0 : i32
    %dma_wait3A_1758 = tpu.memref_slice %arg3[%dma_wait3A_1756, %dma_wait3A_1757] : memref<8192x1024xf32, #tpu.memory_space<hbm>> -> memref<8192x1024xf32, #tpu.memory_space<hbm>>
    tpu.wait_indirect_dma semaphore(%arg14 : memref<!tpu.dma_semaphore, #tpu.memory_space<semaphore_mem>>) src(%dma_wait3A_1758 : memref<8192x1024xf32, #tpu.memory_space<hbm>>) dst(%dma_wait3A_1755 : memref<32x1024xf32, #tpu.memory_space<vmem>>)
    %add3A_1759 = arith.constant 928 : i32
    %add3A_1760 = arith.addi %mul3A_2, %add3A_1759 : i32
    %dma_start3A_1761 = arith.constant 2 : i32
    %dma_start3A_1762 = arith.constant 0 : i32
    %dma_start3A_1763 = arith.constant 0 : i32
    %dma_start3A_1764 = tpu.memref_slice %arg8[%dma_start3A_1761, %dma_start3A_1762, %dma_start3A_1763] : memref<3x32x1024xf32, #tpu.memory_space<vmem>> -> memref<1x32x1024xf32, #tpu.memory_space<vmem>>
    %dma_start3A_1765 = tpu.memref_squeeze %dma_start3A_1764 : memref<1x32x1024xf32, #tpu.memory_space<vmem>> -> memref<32x1024xf32, #tpu.memory_space<vmem>>
    %dma_start3A_1766 = arith.constant 0 : i32
    %dma_start3A_1767 = tpu.memref_slice %arg4[%add3A_1760, %dma_start3A_1766] : memref<32768x1024xf32, #tpu.memory_space<hbm>> -> memref<32x1024xf32, #tpu.memory_space<hbm>>
    %dma_start3A_1768 = arith.constant 0 : i32
    %dma_start3A_1769 = tpu.memref_slice %arg4[%add3A_1760, %dma_start3A_1768] : memref<32768x1024xf32, #tpu.memory_space<hbm>> -> memref<32x1024xf32, #tpu.memory_space<hbm>>
    %dma_start3A_1770 = arith.constant 0 : i32
    %dma_start3A_1771 = arith.constant 0 : i32
    %dma_start3A_1772 = tpu.memref_slice %arg8[%dma_start3A_1761, %dma_start3A_1770, %dma_start3A_1771] : memref<3x32x1024xf32, #tpu.memory_space<vmem>> -> memref<1x32x1024xf32, #tpu.memory_space<vmem>>
    %dma_start3A_1773 = tpu.memref_squeeze %dma_start3A_1772 : memref<1x32x1024xf32, #tpu.memory_space<vmem>> -> memref<32x1024xf32, #tpu.memory_space<vmem>>
    tpu.enqueue_dma source(%dma_start3A_1773 : memref<32x1024xf32, #tpu.memory_space<vmem>>) target(%dma_start3A_1769 : memref<32x1024xf32, #tpu.memory_space<hbm>>) target_semaphore(%arg17 : memref<!tpu.dma_semaphore, #tpu.memory_space<semaphore_mem>>)
    %dma_wait3A_1774 = arith.constant 0 : i32
    %dma_wait3A_1775 = arith.constant 0 : i32
    %dma_wait3A_1776 = arith.constant 0 : i32
    %dma_wait3A_1777 = tpu.memref_slice %arg8[%dma_wait3A_1774, %dma_wait3A_1775, %dma_wait3A_1776] : memref<3x32x1024xf32, #tpu.memory_space<vmem>> -> memref<1x32x1024xf32, #tpu.memory_space<vmem>>
    %dma_wait3A_1778 = tpu.memref_squeeze %dma_wait3A_1777 : memref<1x32x1024xf32, #tpu.memory_space<vmem>> -> memref<32x1024xf32, #tpu.memory_space<vmem>>
    %dma_wait3A_1779 = arith.constant 0 : i32
    %dma_wait3A_1780 = arith.constant 0 : i32
    %dma_wait3A_1781 = tpu.memref_slice %arg3[%dma_wait3A_1779, %dma_wait3A_1780] : memref<8192x1024xf32, #tpu.memory_space<hbm>> -> memref<8192x1024xf32, #tpu.memory_space<hbm>>
    tpu.wait_indirect_dma semaphore(%arg12 : memref<!tpu.dma_semaphore, #tpu.memory_space<semaphore_mem>>) src(%dma_wait3A_1781 : memref<8192x1024xf32, #tpu.memory_space<hbm>>) dst(%dma_wait3A_1778 : memref<32x1024xf32, #tpu.memory_space<vmem>>)
    %add3A_1782 = arith.constant 960 : i32
    %add3A_1783 = arith.addi %mul3A_2, %add3A_1782 : i32
    %dma_start3A_1784 = arith.constant 0 : i32
    %dma_start3A_1785 = arith.constant 0 : i32
    %dma_start3A_1786 = arith.constant 0 : i32
    %dma_start3A_1787 = tpu.memref_slice %arg8[%dma_start3A_1784, %dma_start3A_1785, %dma_start3A_1786] : memref<3x32x1024xf32, #tpu.memory_space<vmem>> -> memref<1x32x1024xf32, #tpu.memory_space<vmem>>
    %dma_start3A_1788 = tpu.memref_squeeze %dma_start3A_1787 : memref<1x32x1024xf32, #tpu.memory_space<vmem>> -> memref<32x1024xf32, #tpu.memory_space<vmem>>
    %dma_start3A_1789 = arith.constant 0 : i32
    %dma_start3A_1790 = tpu.memref_slice %arg4[%add3A_1783, %dma_start3A_1789] : memref<32768x1024xf32, #tpu.memory_space<hbm>> -> memref<32x1024xf32, #tpu.memory_space<hbm>>
    %dma_start3A_1791 = arith.constant 0 : i32
    %dma_start3A_1792 = tpu.memref_slice %arg4[%add3A_1783, %dma_start3A_1791] : memref<32768x1024xf32, #tpu.memory_space<hbm>> -> memref<32x1024xf32, #tpu.memory_space<hbm>>
    %dma_start3A_1793 = arith.constant 0 : i32
    %dma_start3A_1794 = arith.constant 0 : i32
    %dma_start3A_1795 = tpu.memref_slice %arg8[%dma_start3A_1784, %dma_start3A_1793, %dma_start3A_1794] : memref<3x32x1024xf32, #tpu.memory_space<vmem>> -> memref<1x32x1024xf32, #tpu.memory_space<vmem>>
    %dma_start3A_1796 = tpu.memref_squeeze %dma_start3A_1795 : memref<1x32x1024xf32, #tpu.memory_space<vmem>> -> memref<32x1024xf32, #tpu.memory_space<vmem>>
    tpu.enqueue_dma source(%dma_start3A_1796 : memref<32x1024xf32, #tpu.memory_space<vmem>>) target(%dma_start3A_1792 : memref<32x1024xf32, #tpu.memory_space<hbm>>) target_semaphore(%arg15 : memref<!tpu.dma_semaphore, #tpu.memory_space<semaphore_mem>>)
    %dma_wait3A_1797 = arith.constant 1 : i32
    %dma_wait3A_1798 = arith.constant 0 : i32
    %dma_wait3A_1799 = arith.constant 0 : i32
    %dma_wait3A_1800 = tpu.memref_slice %arg8[%dma_wait3A_1797, %dma_wait3A_1798, %dma_wait3A_1799] : memref<3x32x1024xf32, #tpu.memory_space<vmem>> -> memref<1x32x1024xf32, #tpu.memory_space<vmem>>
    %dma_wait3A_1801 = tpu.memref_squeeze %dma_wait3A_1800 : memref<1x32x1024xf32, #tpu.memory_space<vmem>> -> memref<32x1024xf32, #tpu.memory_space<vmem>>
    %dma_wait3A_1802 = arith.constant 0 : i32
    %dma_wait3A_1803 = arith.constant 0 : i32
    %dma_wait3A_1804 = tpu.memref_slice %arg3[%dma_wait3A_1802, %dma_wait3A_1803] : memref<8192x1024xf32, #tpu.memory_space<hbm>> -> memref<8192x1024xf32, #tpu.memory_space<hbm>>
    tpu.wait_indirect_dma semaphore(%arg13 : memref<!tpu.dma_semaphore, #tpu.memory_space<semaphore_mem>>) src(%dma_wait3A_1804 : memref<8192x1024xf32, #tpu.memory_space<hbm>>) dst(%dma_wait3A_1801 : memref<32x1024xf32, #tpu.memory_space<vmem>>)
    %add3A_1805 = arith.constant 992 : i32
    %add3A_1806 = arith.addi %mul3A_2, %add3A_1805 : i32
    %dma_start3A_1807 = arith.constant 1 : i32
    %dma_start3A_1808 = arith.constant 0 : i32
    %dma_start3A_1809 = arith.constant 0 : i32
    %dma_start3A_1810 = tpu.memref_slice %arg8[%dma_start3A_1807, %dma_start3A_1808, %dma_start3A_1809] : memref<3x32x1024xf32, #tpu.memory_space<vmem>> -> memref<1x32x1024xf32, #tpu.memory_space<vmem>>
    %dma_start3A_1811 = tpu.memref_squeeze %dma_start3A_1810 : memref<1x32x1024xf32, #tpu.memory_space<vmem>> -> memref<32x1024xf32, #tpu.memory_space<vmem>>
    %dma_start3A_1812 = arith.constant 0 : i32
    %dma_start3A_1813 = tpu.memref_slice %arg4[%add3A_1806, %dma_start3A_1812] : memref<32768x1024xf32, #tpu.memory_space<hbm>> -> memref<32x1024xf32, #tpu.memory_space<hbm>>
    %dma_start3A_1814 = arith.constant 0 : i32
    %dma_start3A_1815 = tpu.memref_slice %arg4[%add3A_1806, %dma_start3A_1814] : memref<32768x1024xf32, #tpu.memory_space<hbm>> -> memref<32x1024xf32, #tpu.memory_space<hbm>>
    %dma_start3A_1816 = arith.constant 0 : i32
    %dma_start3A_1817 = arith.constant 0 : i32
    %dma_start3A_1818 = tpu.memref_slice %arg8[%dma_start3A_1807, %dma_start3A_1816, %dma_start3A_1817] : memref<3x32x1024xf32, #tpu.memory_space<vmem>> -> memref<1x32x1024xf32, #tpu.memory_space<vmem>>
    %dma_start3A_1819 = tpu.memref_squeeze %dma_start3A_1818 : memref<1x32x1024xf32, #tpu.memory_space<vmem>> -> memref<32x1024xf32, #tpu.memory_space<vmem>>
    tpu.enqueue_dma source(%dma_start3A_1819 : memref<32x1024xf32, #tpu.memory_space<vmem>>) target(%dma_start3A_1815 : memref<32x1024xf32, #tpu.memory_space<hbm>>) target_semaphore(%arg16 : memref<!tpu.dma_semaphore, #tpu.memory_space<semaphore_mem>>)
    %dma_wait3A_1820 = arith.constant 2 : i32
    %dma_wait3A_1821 = arith.constant 0 : i32
    %dma_wait3A_1822 = arith.constant 0 : i32
    %dma_wait3A_1823 = tpu.memref_slice %arg8[%dma_wait3A_1820, %dma_wait3A_1821, %dma_wait3A_1822] : memref<3x32x1024xf32, #tpu.memory_space<vmem>> -> memref<1x32x1024xf32, #tpu.memory_space<vmem>>
    %dma_wait3A_1824 = tpu.memref_squeeze %dma_wait3A_1823 : memref<1x32x1024xf32, #tpu.memory_space<vmem>> -> memref<32x1024xf32, #tpu.memory_space<vmem>>
    %dma_wait3A_1825 = arith.constant 0 : i32
    %dma_wait3A_1826 = tpu.memref_slice %arg4[%add3A_1760, %dma_wait3A_1825] : memref<32768x1024xf32, #tpu.memory_space<hbm>> -> memref<32x1024xf32, #tpu.memory_space<hbm>>
    %dma_wait3A_1827 = arith.constant 0 : i32
    %dma_wait3A_1828 = tpu.memref_slice %arg4[%add3A_1760, %dma_wait3A_1827] : memref<32768x1024xf32, #tpu.memory_space<hbm>> -> memref<32x1024xf32, #tpu.memory_space<hbm>>
    %dma_wait3A_1829 = arith.constant 0 : i32
    %dma_wait3A_1830 = arith.constant 0 : i32
    %dma_wait3A_1831 = tpu.memref_slice %arg8[%dma_wait3A_1820, %dma_wait3A_1829, %dma_wait3A_1830] : memref<3x32x1024xf32, #tpu.memory_space<vmem>> -> memref<1x32x1024xf32, #tpu.memory_space<vmem>>
    %dma_wait3A_1832 = tpu.memref_squeeze %dma_wait3A_1831 : memref<1x32x1024xf32, #tpu.memory_space<vmem>> -> memref<32x1024xf32, #tpu.memory_space<vmem>>
    tpu.wait_dma2 semaphore(%arg17 : memref<!tpu.dma_semaphore, #tpu.memory_space<semaphore_mem>>) src(%dma_wait3A_1832 : memref<32x1024xf32, #tpu.memory_space<vmem>>) dst(%dma_wait3A_1828 : memref<32x1024xf32, #tpu.memory_space<hbm>>)
    %dma_wait3A_1833 = arith.constant 0 : i32
    %dma_wait3A_1834 = arith.constant 0 : i32
    %dma_wait3A_1835 = arith.constant 0 : i32
    %dma_wait3A_1836 = tpu.memref_slice %arg8[%dma_wait3A_1833, %dma_wait3A_1834, %dma_wait3A_1835] : memref<3x32x1024xf32, #tpu.memory_space<vmem>> -> memref<1x32x1024xf32, #tpu.memory_space<vmem>>
    %dma_wait3A_1837 = tpu.memref_squeeze %dma_wait3A_1836 : memref<1x32x1024xf32, #tpu.memory_space<vmem>> -> memref<32x1024xf32, #tpu.memory_space<vmem>>
    %dma_wait3A_1838 = arith.constant 0 : i32
    %dma_wait3A_1839 = tpu.memref_slice %arg4[%add3A_1783, %dma_wait3A_1838] : memref<32768x1024xf32, #tpu.memory_space<hbm>> -> memref<32x1024xf32, #tpu.memory_space<hbm>>
    %dma_wait3A_1840 = arith.constant 0 : i32
    %dma_wait3A_1841 = tpu.memref_slice %arg4[%add3A_1783, %dma_wait3A_1840] : memref<32768x1024xf32, #tpu.memory_space<hbm>> -> memref<32x1024xf32, #tpu.memory_space<hbm>>
    %dma_wait3A_1842 = arith.constant 0 : i32
    %dma_wait3A_1843 = arith.constant 0 : i32
    %dma_wait3A_1844 = tpu.memref_slice %arg8[%dma_wait3A_1833, %dma_wait3A_1842, %dma_wait3A_1843] : memref<3x32x1024xf32, #tpu.memory_space<vmem>> -> memref<1x32x1024xf32, #tpu.memory_space<vmem>>
    %dma_wait3A_1845 = tpu.memref_squeeze %dma_wait3A_1844 : memref<1x32x1024xf32, #tpu.memory_space<vmem>> -> memref<32x1024xf32, #tpu.memory_space<vmem>>
    tpu.wait_dma2 semaphore(%arg15 : memref<!tpu.dma_semaphore, #tpu.memory_space<semaphore_mem>>) src(%dma_wait3A_1845 : memref<32x1024xf32, #tpu.memory_space<vmem>>) dst(%dma_wait3A_1841 : memref<32x1024xf32, #tpu.memory_space<hbm>>)
    %dma_wait3A_1846 = arith.constant 1 : i32
    %dma_wait3A_1847 = arith.constant 0 : i32
    %dma_wait3A_1848 = arith.constant 0 : i32
    %dma_wait3A_1849 = tpu.memref_slice %arg8[%dma_wait3A_1846, %dma_wait3A_1847, %dma_wait3A_1848] : memref<3x32x1024xf32, #tpu.memory_space<vmem>> -> memref<1x32x1024xf32, #tpu.memory_space<vmem>>
    %dma_wait3A_1850 = tpu.memref_squeeze %dma_wait3A_1849 : memref<1x32x1024xf32, #tpu.memory_space<vmem>> -> memref<32x1024xf32, #tpu.memory_space<vmem>>
    %dma_wait3A_1851 = arith.constant 0 : i32
    %dma_wait3A_1852 = tpu.memref_slice %arg4[%add3A_1806, %dma_wait3A_1851] : memref<32768x1024xf32, #tpu.memory_space<hbm>> -> memref<32x1024xf32, #tpu.memory_space<hbm>>
    %dma_wait3A_1853 = arith.constant 0 : i32
    %dma_wait3A_1854 = tpu.memref_slice %arg4[%add3A_1806, %dma_wait3A_1853] : memref<32768x1024xf32, #tpu.memory_space<hbm>> -> memref<32x1024xf32, #tpu.memory_space<hbm>>
    %dma_wait3A_1855 = arith.constant 0 : i32
    %dma_wait3A_1856 = arith.constant 0 : i32
    %dma_wait3A_1857 = tpu.memref_slice %arg8[%dma_wait3A_1846, %dma_wait3A_1855, %dma_wait3A_1856] : memref<3x32x1024xf32, #tpu.memory_space<vmem>> -> memref<1x32x1024xf32, #tpu.memory_space<vmem>>
    %dma_wait3A_1858 = tpu.memref_squeeze %dma_wait3A_1857 : memref<1x32x1024xf32, #tpu.memory_space<vmem>> -> memref<32x1024xf32, #tpu.memory_space<vmem>>
    tpu.wait_dma2 semaphore(%arg16 : memref<!tpu.dma_semaphore, #tpu.memory_space<semaphore_mem>>) src(%dma_wait3A_1858 : memref<32x1024xf32, #tpu.memory_space<vmem>>) dst(%dma_wait3A_1854 : memref<32x1024xf32, #tpu.memory_space<hbm>>)
    return
  }
}

</mosaic_0001>

<sc_bundles>
// kernel: kernel.3.cloned.1.call-start
scs
__scs_entry_jumppad:
0x0: {  	(pc) =	sbr.rel $0x88, $3  }
0x1: {  	(tag) =	ssettag $0x0;
	lr =	simm.s32 $0x1  }
0x2: {  	[smem:$0x3F9F] =	sst lr;
	_ =	strace $0xD0000000  }
0x3: {  	_ = 	snop  }
0x4: {  	_ = 	snop  }
0x5: {  	_ = 	snop  }
0x6: {  	_ = 	snop  }
0x7: {  	_ = 	snop  }
__scs_overlays_trampoline_lowered:
0x8: {  	[smem:$0x3FAE] =	sst s0  }
0x9: {  	[smem:$0x3FAF] =	sst s1  }
0xa: {  	[smem:$0x3FB0] =	sst s2  }
0xb: {  	[smem:$0x3FB1] =	sst s3  }
0xc: {  	[smem:$0x3FB2] =	sst s4  }
0xd: {  	[smem:$0x3FB3] =	sst s5  }
0xe: {  	[smem:$0x3FB4] =	sst s6  }
0xf: {  	[smem:$0x3FB5] =	sst s7  }
0x10: {  	[smem:$0x3FB6] =	sst s8  }
0x11: {  	[smem:$0x3FB7] =	sst s9;
	s0 =	simm.s32 @!p0 $0x0  }
0x12: {  	s1 =	sld [smem:$0x3F9D];
	s0 =	simm.s32 @p0 $0x1  }
0x13: {  	[smem:$0x3FB8] =	sst s0;
	s0 =	simm.s32 @!p1 $0x0  }
0x14: {  	s2 =	sld [smem:$0x3F9C];
	s0 =	simm.s32 @p1 $0x1  }
0x15: {  	[smem:$0x3FB9] =	sst s0;
	s0 =	simm.s32 @!p2 $0x0  }
0x16: {  	s3 =	sld [smem:$0x3FDB];
	s0 =	simm.s32 @p2 $0x1  }
0x17: {  	s4 =	simm.s32 $0x1BF5;
	[smem:$0x3FBB] =	sst s0  }
0x18: {  	s0 =	sld [smem:$0x3F9E];
	_ =	swait.ge [sflag:s4], $0x0  }
0x19: {  	s7 =	sld [smem:$0x3F9F]  }
0x1a: {  	s8 =	sadd.s32 $0xFFFFE003, lr  }
0x1b: {  	s9 =	sadd.s32 $0xFFFFFEF7, lr;
	s5 =	simm.s32 $0xFFFFFFFF;
	p2 =	slt.u32 s8, $0xFFFFF086  }
0x1c: {  	p1 =	slt.u32 s9, $0xF7A;
	s5 =	simm.s32 @!p2 $0x0  }
0x1d: {  	s5 =	simm.s32 @p1 $0x1;
	p0 =	seq.s32 s7, s2  }
0x1e: {  	s7 =	smul.u32 @!p0 $0xF7A, s2;
	p2 =	seq.s32 @!p0 s5, $0x0  }
0x1f: {  	s9 =	smul.u32 $0xF7A, s1;
	s8 =	simm.s32 @!p0 $0x1BF5;
	p2 =	por !p2, p0  }
0x20: {  	[sflag:s8] =	ssyncset.s32 @!p0 $0xFFFFF086;
	s6 =	sadd.s32 @!p0 s3, s7;
	s7 =	simm.s32 @!p0 $0x108  }
0x21: {  	s3 =	sadd.s32 s3, s9;
	s6 =	sadd.s32 @!p0 $0x88, s6;
	s7 =	simm.s32 @p2 $0x1082  }
0x22: {  	[simem:s7], [sflag:s8] =	dma.local @!p0 [hbm:s6], $0xF7A  }
0x23: {  	s9 =	sor.u32 $0xD0000000, s2;
	s6 =	simm.s32 $0x108;
	_ =	swait.ge @!p0 [sflag:s8], $0x0  }
0x24: {  	s3 =	sadd.s32 $0x88, s3;
	s6 =	simm.s32 @!p1 $0x1082;
	[sflag:s4] =	ssyncset.s32 $0xFFFFF086  }
0x25: {  	[simem:s6], [sflag:s4] =	dma.local [hbm:s3], $0xF7A  }
0x26: {  	[smem:$0x3F9F] =	sst s1;
	(tag) =	ssettag s2;
	_ =	strace s9  }
0x27: {  	s1 =	sld [smem:$0x3FAF]  }
0x28: {  	s2 =	sld [smem:$0x3FB0]  }
0x29: {  	s4 =	sld [smem:$0x3FB2]  }
0x2a: {  	p0 =	seq.s32 s5, $0x0;
	s5 =	sld [smem:$0x3FB3]  }
0x2b: {  	s6 =	sld [smem:$0x3FB4]  }
0x2c: {  	s7 =	sld [smem:$0x3FB5]  }
0x2d: {  	s3 =	simm.s32 $0x108;
	s8 =	sld [smem:$0x3FB6]  }
0x2e: {  	s3 =	simm.s32 @!p0 $0x1082;
	s9 =	sld [smem:$0x3FB7]  }
0x2f: {  	lr =	sadd.s32 s0, s3;
	s0 =	sld [smem:$0x3FAE]  }
0x30: {  	s3 =	sld [smem:$0x3FB1]  }
0x31: {  	[smem:$0x3FBA] =	sst s10  }
0x32: {  	s10 =	sld [smem:$0x3FB8];
	_ =	sdelay $0x3  }
0x33: {  	p0 =	seq.s32 s10, $0x1;
	s10 =	sld [smem:$0x3FBA];
	_ =	sdelay $0x3  }
0x34: {  	[smem:$0x3FBA] =	sst s10  }
0x35: {  	s10 =	sld [smem:$0x3FB9];
	_ =	sdelay $0x3  }
0x36: {  	p1 =	seq.s32 s10, $0x1;
	s10 =	sld [smem:$0x3FBA];
	_ =	sdelay $0x3  }
0x37: {  	[smem:$0x3FBA] =	sst s10  }
0x38: {  	s10 =	sld [smem:$0x3FBB]  }
0x39: {  	_ = 	snop;
	(pc) =	sbr.ind lr, $3  }
0x3a: {  	_ = 	snop  }
0x3b: {  	_ = 	snop  }
0x3c: {  	p2 =	seq.s32 s10, $0x1;
	s10 =	sld [smem:$0x3FBA]  }
0x3d: {  	_ =	shalt  }
0x3e: {  	_ =	shalt  }
0x3f: {  	_ =	shalt  }
0x40: {  	_ =	shalt  }
0x41: {  	_ =	shalt  }
0x42: {  	_ =	shalt  }
0x43: {  	_ =	shalt  }
0x44: {  	_ =	shalt  }
0x45: {  	_ =	shalt  }
0x46: {  	_ =	shalt  }
0x47: {  	_ =	shalt  }
0x48: {  	_ =	shalt  }
0x49: {  	_ =	shalt  }
0x4a: {  	_ =	shalt  }
0x4b: {  	_ =	shalt  }
0x4c: {  	_ =	shalt  }
0x4d: {  	_ =	shalt  }
0x4e: {  	_ =	shalt  }
0x4f: {  	_ =	shalt  }
0x50: {  	_ =	shalt  }
0x51: {  	_ =	shalt  }
0x52: {  	_ =	shalt  }
0x53: {  	_ =	shalt  }
0x54: {  	_ =	shalt  }
0x55: {  	_ =	shalt  }
0x56: {  	_ =	shalt  }
0x57: {  	_ =	shalt  }
0x58: {  	_ =	shalt  }
0x59: {  	_ =	shalt  }
0x5a: {  	_ =	shalt  }
0x5b: {  	_ =	shalt  }
0x5c: {  	_ =	shalt  }
0x5d: {  	_ =	shalt  }
0x5e: {  	_ =	shalt  }
0x5f: {  	_ =	shalt  }
0x60: {  	_ =	shalt  }
0x61: {  	_ =	shalt  }
0x62: {  	_ =	shalt  }
0x63: {  	_ =	shalt  }
0x64: {  	_ =	shalt  }
0x65: {  	_ =	shalt  }
0x66: {  	_ =	shalt  }
0x67: {  	_ =	shalt  }
0x68: {  	_ =	shalt  }
0x69: {  	_ =	shalt  }
0x6a: {  	_ =	shalt  }
0x6b: {  	_ =	shalt  }
0x6c: {  	_ =	shalt  }
0x6d: {  	_ =	shalt  }
0x6e: {  	_ =	shalt  }
0x6f: {  	_ =	shalt  }
0x70: {  	_ =	shalt  }
0x71: {  	_ =	shalt  }
0x72: {  	_ =	shalt  }
0x73: {  	_ =	shalt  }
0x74: {  	_ =	shalt  }
0x75: {  	_ =	shalt  }
0x76: {  	_ =	shalt  }
0x77: {  	_ =	shalt  }
0x78: {  	_ =	shalt  }
0x79: {  	_ =	shalt  }
0x7a: {  	_ =	shalt  }
0x7b: {  	_ =	shalt  }
0x7c: {  	_ =	shalt  }
0x7d: {  	_ =	shalt  }
0x7e: {  	_ =	shalt  }
0x7f: {  	_ =	shalt  }
0x80: {  	_ =	shalt  }
0x81: {  	_ =	shalt  }
0x82: {  	_ =	shalt  }
0x83: {  	_ =	shalt  }
0x84: {  	_ =	shalt  }
0x85: {  	_ =	shalt  }
0x86: {  	_ =	shalt  }
0x87: {  	_ =	shalt  }
.Lfunc_end0:
.L_simem_size_0:
called_computation_lowered:
.L_overlay_start_0:
0x88: {  	s2 =	sld [smem:$0x3FD9]  }
0x89: {  	s3 =	sld [smem:$0x3FFE];
	_ =	sdelay $0x1  }
0x8a: {  	s1 =	srdreg.scid  }
0x8b: {  	s0 =	sand.u32 $0x1, s1  }
0x8c: {  	s17 =	sshll.u32 s0, $0xA;
	s2 =	sadd.s32 s3, s2  }
0x8d: {  	s2 =	sadd.s32 s2, s17  }
0x8e: {  	[smem:$0x3FC6] =	sst s2  }
0x8f: {  	_ = 	snop  }
0x90: {  	s2 =	sld [smem:$0x3FC8]  }
0x91: {  	s18 =	sld [smem:$0x3FD0];
	(tm) =	ssettm $0x1  }
0x92: {  	s4 =	sld [smem:$0x3FFB];
	_ =	sdelay $0x3  }
0x93: {  	_ =	strace s4  }
0x94: {  	s4 =	sld [smem:$0x3FFC];
	_ =	sdelay $0x3  }
0x95: {  	_ =	strace s4  }
0x96: {  	s4 =	sld [smem:$0x3FFD];
	_ =	sdelay $0x3  }
0x97: {  	_ =	strace s4  }
0x98: {  	_ =	strace $0x8FFFFFFF  }
0x99: {  	s19 =	sld [smem:$0x3FDB];
	_ =	sdelay $0x1  }
0x9a: {  	s5 =	simm.s32 $_scs_section_size  }
0x9b: {  	s6 =	simm.s32 $_size__tile_overlayer_lowered;
	s7 =	simm.s32 $_tile_overlayer_lowered  }
0x9c: {  	s22 =	simm.s32 $0x1BFF;
	s21 =	sshll.u32 s7, $0x1;
	s4 =	sadd.s32 s5, s19  }
0x9d: {  	s8 =	simm.s32 $0x0;
	s20 =	sshll.u32 s6, $0x1;
	s6 =	sadd.s32 s21, s4  }
0x9e: {  	[timem:s8], [sflag:s22] =	dma.local [hbm:s6], s20  }
0x9f: {  	_ =	swait.ge [sflag:s22], s20  }
0xa0: {  	s5 =	ssub.s32 $0x0, s20;
	[sflag:s22] =	ssyncset.done $0x0  }
0xa1: {  	[sflag:s22] =	ssyncadd.s32 s5;
	_ =	sdelay $0x1  }
0xa2: {  	s23 =	simm.s32 $0x1B8B  }
0xa3: {  	_ =	swait.ge [sflag:s23], $0x1  }
0xa4: {  	[sflag:s23] =	ssyncset.done $0x0  }
0xa5: {  	s25 =	simm.s32 $0x1B8E;
	s24 =	sld [smem:$0x3FFE];
	[sflag:s23] =	ssyncadd.s32 $0xFFFFFFFF  }
0xa6: {  	s26 =	simm.s32 $execute0_lowered;
	[smem:$0x3FD2] =	sst s25  }
0xa7: {  	s6 =	sshll.u32 s26, $0x1;
	_ =	strace $0x80000046;
	[dreg:$0x1] =	wrdreg $0xFFFFFFFF  }
0xa8: {  	s28 =	simm.s32 $_size_execute0_lowered;
	s4 =	sadd.s32 s4, s6;
	[dreg:$0x0] =	wrdreg $0x0  }
0xa9: {  	s6 =	sshll.u32 s28, $0x1;
	[dreg:$0x2] =	wrdreg s4  }
0xaa: {  	[dreg:$0x3] =	wrdreg s6  }
0xab: {  	[dreg:$0x4] =	wrdreg $0xC0  }
0xac: {  	_ =	task [dreg:s8], $0x5FFFF  }
0xad: {  	[dreg:$0x1] =	wrdreg $0xFFFFFFFF  }
0xae: {  	[dreg:$0x0] =	wrdreg $0x60  }
0xaf: {  	[dreg:$0x2] =	wrdreg s24  }
0xb0: {  	[dreg:$0x3] =	wrdreg s2  }
0xb1: {  	[dreg:$0x4] =	wrdreg s18  }
0xb2: {  	[dreg:$0x5] =	wrdreg $0x9  }
0xb3: {  	_ =	task.clear_ibuf [dreg:s8], $0x6FFFF;
	_ =	strace $0x90000046  }
0xb4: {  	s29 =	simm.s32 $0x9;
	_ =	strace $0x80000048  }
0xb5: {  	_ =	swait.ge [sflag:s29], $0x1  }
0xb6: {  	[sflag:s29] =	ssyncadd.s32 $0xFFFFFFFF  }
0xb7: {  	_ =	strace $0x90000048  }
0xb8: {  	_ =	sfence  }
0xb9: {  	s30 =	sld [smem:$0x0];
	_ =	sdelay $0x2  }
0xba: {  	s31 =	sshll.u32 s1, $0xD;
	s1 =	sshrl.u32 s1, $0x2  }
0xbb: {  	s3 =	sand.u32 $0x4000, s31;
	s1 =	sadd.s32 s1, s30  }
0xbc: {  	s0 =	sor.u32 s3, s0;
	s1 =	sshll.u32 s1, $0x11  }
0xbd: {  	s0 =	sor.u32 s1, s0  }
0xbe: {  	s0 =	sadd.s32 $0x8F2B, s0  }
0xbf: {  	[sflag:s0] =	ssyncadd.remote.s32 $0x1  }
0xc0: {  	_ =	sfence.sel $0xFFFF  }
0xc1: {  	[dreg:$0x0] =	wrdreg $0xFFFFFFFF;
	(pc) =	sbr.abs _section_cstart, $3  }
0xc2: {  	[dreg:$0x1] =	wrdreg $0xFFFFFFFF  }
0xc3: {  	_ =	task.clear_ibuf [dreg:s8], $0x2FFFF;
	_ =	strace $0x9FFFFFFF  }
0xc4: {  	(tm) =	ssettm $0x7FFFFFFF  }
0xc5: {  	_ =	shalt  }
tec
execute0_lowered:
.L_overlay_start_1:
0x0: {  	(tag) =	ssettag $0x1  }
0x1: {  	s0 =	srdreg.scid;
	s3 =	stileid.u32  }
0x2: {  	s0 =	sand.u32 $0x1, s0;
	s3 =	sshll.u32 s3, $0x1  }
0x3: {  	s1 =	rddreg [dreg:$0x0];
	s5 =	sor.u32 s0, s3  }
0x4: {  	s2 =	rddreg [dreg:$0x1];
	s6 =	sshll.u32 s5, $0x9  }
0x5: {  	s4 =	rddreg [dreg:$0x2];
	s3 =	simm.s32 $0x0;
	s1 =	sadd.s32 s6, s1  }
0x6: {  	[smem:$0x7FF] =	sst s3;
	s6 =	sadd.s32 $0x400, s1  }
0x7: {  	_ =	strace $0x80000047;
	s7 =	sadd.s32 $0x410, s1;
	[dreg:$0x4] =	wrdreg s6  }
0x8: {  	s8 =	sadd.s32 $0x420, s1;
	[dreg:$0x5] =	wrdreg s7  }
0x9: {  	s9 =	sadd.s32 $0x430, s1;
	[dreg:$0x6] =	wrdreg s8  }
0xa: {  	s11 =	sadd.s32 $0x440, s1;
	[dreg:$0x7] =	wrdreg s9  }
0xb: {  	s13 =	sadd.s32 $0x450, s1;
	[dreg:$0x9] =	wrdreg s11  }
0xc: {  	s15 =	sadd.s32 $0x460, s1;
	[dreg:$0xb] =	wrdreg s13  }
0xd: {  	s17 =	sadd.s32 $0x470, s1;
	[dreg:$0xd] =	wrdreg s15  }
0xe: {  	s19 =	sadd.s32 $0x480, s1;
	[dreg:$0xf] =	wrdreg s17  }
0xf: {  	s21 =	sadd.s32 $0x490, s1;
	[dreg:$0x11] =	wrdreg s19  }
0x10: {  	s23 =	sadd.s32 $0x4A0, s1;
	[dreg:$0x13] =	wrdreg s21  }
0x11: {  	s5 =	sshll.u32 s5, $0x11;
	s25 =	sadd.s32 $0x4B0, s1;
	[dreg:$0x15] =	wrdreg s23  }
0x12: {  	s6 =	sadd.s32 s4, s5;
	[dreg:$0x17] =	wrdreg s25;
	s5 =	sadd.s32 $0x4C0, s1  }
0x13: {  	s8 =	sadd.s32 $0x4D0, s1;
	[dreg:$0x19] =	wrdreg s5  }
0x14: {  	[dreg:$0x1b] =	wrdreg s8  }
0x15: {  	s10 =	sadd.s32 $0x1000, s6;
	[smem:$0x7FC] =	sst s6  }
0x16: {  	s12 =	sadd.s32 $0x2000, s6;
	[dreg:$0x8] =	wrdreg s10  }
0x17: {  	s14 =	sadd.s32 $0x3000, s6;
	[dreg:$0xa] =	wrdreg s12  }
0x18: {  	s16 =	sadd.s32 $0x4000, s6;
	[dreg:$0xc] =	wrdreg s14  }
0x19: {  	s18 =	sadd.s32 $0x5000, s6;
	[dreg:$0xe] =	wrdreg s16  }
0x1a: {  	s20 =	sadd.s32 $0x6000, s6;
	[dreg:$0x10] =	wrdreg s18  }
0x1b: {  	s22 =	sadd.s32 $0x7000, s6;
	[dreg:$0x12] =	wrdreg s20  }
0x1c: {  	s24 =	sadd.s32 $0x8000, s6;
	[dreg:$0x14] =	wrdreg s22  }
0x1d: {  	s26 =	sadd.s32 $0x9000, s6;
	[dreg:$0x16] =	wrdreg s24  }
0x1e: {  	s7 =	sadd.s32 $0xA000, s6;
	[dreg:$0x18] =	wrdreg s26  }
0x1f: {  	s9 =	sadd.s32 $0xB000, s6;
	[dreg:$0x1a] =	wrdreg s7  }
0x20: {  	s11 =	sadd.s32 $0xC000, s6;
	[dreg:$0x1c] =	wrdreg s9  }
0x21: {  	s13 =	sadd.s32 $0xD000, s6;
	[dreg:$0x1e] =	wrdreg s11  }
0x22: {  	s15 =	sadd.s32 $0xE000, s6;
	[smem:$0x7DA] =	sst s13  }
0x23: {  	s17 =	sadd.s32 $0xF000, s6;
	[smem:$0x7DC] =	sst s15  }
0x24: {  	s19 =	sadd.s32 $0x10000, s6;
	[smem:$0x7DE] =	sst s17  }
0x25: {  	s21 =	sadd.s32 $0x11000, s6;
	[smem:$0x7E0] =	sst s19  }
0x26: {  	s23 =	sadd.s32 $0x12000, s6;
	[smem:$0x7E2] =	sst s21  }
0x27: {  	s25 =	sadd.s32 $0x13000, s6;
	[smem:$0x7E4] =	sst s23  }
0x28: {  	s5 =	sadd.s32 $0x14000, s6;
	[smem:$0x7E6] =	sst s25  }
0x29: {  	s8 =	sadd.s32 $0x15000, s6;
	[smem:$0x7E8] =	sst s5  }
0x2a: {  	s10 =	sadd.s32 $0x4E0, s1;
	[smem:$0x7EA] =	sst s8  }
0x2b: {  	s12 =	sadd.s32 $0x4F0, s1;
	[dreg:$0x1d] =	wrdreg s10  }
0x2c: {  	s14 =	sadd.s32 $0x500, s1;
	[dreg:$0x1f] =	wrdreg s12  }
0x2d: {  	s16 =	sadd.s32 $0x510, s1;
	[smem:$0x7DB] =	sst s14  }
0x2e: {  	s18 =	sadd.s32 $0x520, s1;
	[smem:$0x7DD] =	sst s16  }
0x2f: {  	s20 =	sadd.s32 $0x530, s1;
	[smem:$0x7DF] =	sst s18  }
0x30: {  	s22 =	sadd.s32 $0x540, s1;
	[smem:$0x7E1] =	sst s20  }
0x31: {  	s24 =	sadd.s32 $0x550, s1;
	[smem:$0x7E3] =	sst s22  }
0x32: {  	s26 =	sadd.s32 $0x560, s1;
	[smem:$0x7E5] =	sst s24  }
0x33: {  	s7 =	sadd.s32 $0x570, s1;
	[smem:$0x7E7] =	sst s26  }
0x34: {  	s9 =	sadd.s32 $0x580, s1;
	[smem:$0x7E9] =	sst s7  }
0x35: {  	s11 =	sadd.s32 $0x590, s1;
	[smem:$0x7EB] =	sst s9  }
0x36: {  	s13 =	sadd.s32 $0x5A0, s1;
	[smem:$0x7ED] =	sst s11  }
0x37: {  	s15 =	sadd.s32 $0x5B0, s1;
	[smem:$0x7EF] =	sst s13  }
0x38: {  	s29 =	simm.s32 $0x2;
	s17 =	sadd.s32 $0x5C0, s1;
	[smem:$0x7F1] =	sst s15  }
0x39: {  	s28 =	simm.s32 $0x8;
	s19 =	sadd.s32 $0x5D0, s1;
	[smem:$0x7F3] =	sst s17  }
0x3a: {  	s31 =	simm.s32 $0x6;
	s21 =	sadd.s32 $0x5E0, s1;
	[smem:$0x7F5] =	sst s19  }
0x3b: {  	s30 =	simm.s32 $0x180;
	s1 =	sadd.s32 $0x5F0, s1;
	[smem:$0x7F7] =	sst s21  }
0x3c: {  	s0 =	ssub.s32 $0x2, s0;
	s25 =	sadd.s32 $0x1E000, s6;
	[smem:$0x7F9] =	sst s1  }
0x3d: {  	s23 =	sshrl.u32 s0, $0x1;
	s10 =	sadd.s32 $0x16000, s6;
	[smem:$0x7FB] =	sst s25  }
0x3e: {  	s5 =	sadd.s32 $0x100, s2;
	s12 =	sadd.s32 $0x17000, s6;
	[smem:$0x7EC] =	sst s10  }
0x3f: {  	s8 =	simm.s32 $0x10180;
	s14 =	sadd.s32 $0x18000, s6;
	[smem:$0x7EE] =	sst s12  }
0x40: {  	s16 =	sadd.s32 $0x19000, s6;
	s18 =	sadd.s32 $0x1A000, s6;
	[smem:$0x7F0] =	sst s14  }
0x41: {  	s20 =	sadd.s32 $0x1B000, s6;
	s22 =	sadd.s32 $0x1C000, s6;
	[smem:$0x7F2] =	sst s16  }
0x42: {  	s24 =	sadd.s32 $0x1D000, s6;
	s0 =	ssub.s32 s0, s23;
	[smem:$0x7F4] =	sst s18  }
0x43: {  	s26 =	sadd.s32 $0x1F000, s6;
	s6 =	sadd.s32 $0x200, s2;
	[smem:$0x7F6] =	sst s20  }
0x44: {  	s7 =	sadd.s32 $0x300, s2;
	s11 =	simm.s32 $0x1;
	[smem:$0x7F8] =	sst s22  }
0x45: {  	v2 =	vlaneseq.u32;
	s25 =	simm.s32 $0x7;
	s1 =	simm.s32 $0x9;
	[smem:$0x7FA] =	sst s24  }
0x46: {  	vm0 =	vmmov $0xffff;
	v1 =	vshrl.u32 v2, $0x3;
	[smem:$0x7FD] =	sst s26;
	s0 =	smax.u32 s0, $0x1;
	s10 =	simm.s32 $0x8180  }
0x47: {  	v0 =	vand.u32 $0x7, v2;
	v2 =	vor.u32 $0x8, v2;
	v1 =	vmul.u32 $0x8, v1;
	s22 =	simm.s32 $0x3;
	s24 =	simm.s32 $0x4;
	s26 =	simm.s32 $0x5  }
.LBB2_1:
0x48: {  	[smem:$0x7D9] =	sst s0  }
0x49: {  	s14 =	rddreg [dreg:$0x4]  }
0x4a: {  	[tilespmem:s3], [sflag:$0x1] =	stream.linear.gather [hbm4b:s14+s3], $0x80, $0x38;
	[tilespmem:$0x18180] =	vst v63  }
0x4b: {  	s4 =	rddreg [dreg:$0x5];
	s9 =	simm.s32 $0x80  }
0x4c: {  	[tilespmem:s9], [sflag:$0x2] =	stream.linear.gather [hbm4b:s4+s3], $0x80, $0x38;
	[tilespmem:$0x18180] =	vst v63  }
0x4d: {  	s15 =	rddreg [dreg:$0x6];
	s16 =	simm.s32 $0x100  }
0x4e: {  	[tilespmem:s16], [sflag:$0x3] =	stream.linear.gather [hbm4b:s15+s3], $0x80, $0x38;
	[tilespmem:$0x18180] =	vst v63  }
0x4f: {  	_ =	swait.ge [sflag:s11], $0x80  }
0x50: {  	[sflag:s11] =	ssyncset.done $0x0  }
0x51: {  	[sflag:s11] =	ssyncadd.s32 $0xFFFFFF80  }
0x52: {  	v3 =	vld [tilespmem:$0x0];
	_ =	sdelay $0x4  }
0x53: {  	v4 =	vshll.u32 v3, $0x3  }
0x54: {  	v3 =	vand.u32 $0x7, v3;
	v4 =	vand.u32 $0xFFFFFFC0, v4  }
0x55: {  	v3 =	vor.u32 v3, v4  }
0x56: {  	v4 =	vperm.xlane v3, v0;
	_ =	sdelay $0x1  }
0x57: {  	v4 =	vadd.s32 v1, v4;
	_ =	sdelay $0x4  }
0x58: {  	[tilespmem:s30], [sflag:$0x4] =	stream.indirect_vreg.gather [hbm4b:s2+s3], $0x80, v4, vm0, $0xb8;
	[tilespmem:$0x18180] =	vst v63  }
0x59: {  	s17 =	simm.s32 $0x980;
	v3 =	vperm.xlane v3, v2  }
0x5a: {  	[tilespmem:s17], [sflag:$0x4] =	stream.indirect_vreg.gather [hbm4b:s5+s3], $0x80, v4, vm0, $0xb8;
	[tilespmem:$0x18180] =	vst v63  }
0x5b: {  	s18 =	simm.s32 $0x1180;
	v3 =	vadd.s32 v1, v3  }
0x5c: {  	[tilespmem:s18], [sflag:$0x4] =	stream.indirect_vreg.gather [hbm4b:s6+s3], $0x80, v4, vm0, $0xb8;
	[tilespmem:$0x18180] =	vst v63  }
0x5d: {  	s19 =	simm.s32 $0x1980  }
0x5e: {  	[tilespmem:s19], [sflag:$0x4] =	stream.indirect_vreg.gather [hbm4b:s7+s3], $0x80, v4, vm0, $0xb8;
	[tilespmem:$0x18180] =	vst v63  }
0x5f: {  	s21 =	simm.s32 $0x2180  }
0x60: {  	[tilespmem:s21], [sflag:$0x4] =	stream.indirect_vreg.gather [hbm4b:s2+s3], $0x80, v3, vm0, $0xb8;
	[tilespmem:$0x18180] =	vst v63  }
0x61: {  	s23 =	simm.s32 $0x2980  }
0x62: {  	[tilespmem:s23], [sflag:$0x4] =	stream.indirect_vreg.gather [hbm4b:s5+s3], $0x80, v3, vm0, $0xb8;
	[tilespmem:$0x18180] =	vst v63  }
0x63: {  	s4 =	simm.s32 $0x3180  }
0x64: {  	[tilespmem:s4], [sflag:$0x4] =	stream.indirect_vreg.gather [hbm4b:s6+s3], $0x80, v3, vm0, $0xb8;
	[tilespmem:$0x18180] =	vst v63  }
0x65: {  	s9 =	simm.s32 $0x3980  }
0x66: {  	[tilespmem:s9], [sflag:$0x4] =	stream.indirect_vreg.gather [hbm4b:s7+s3], $0x80, v3, vm0, $0xb8;
	[tilespmem:$0x18180] =	vst v63  }
0x67: {  	v3 =	vld [tilespmem:$0x10];
	_ =	sdelay $0x4  }
0x68: {  	v57 =	vshll.u32 v3, $0x3  }
0x69: {  	v3 =	vand.u32 $0x7, v3;
	v4 =	vand.u32 $0xFFFFFFC0, v57  }
0x6a: {  	v3 =	vor.u32 v3, v4  }
0x6b: {  	v4 =	vperm.xlane v3, v0;
	_ =	sdelay $0x1  }
0x6c: {  	v4 =	vadd.s32 v1, v4;
	_ =	sdelay $0x3  }
0x6d: {  	s12 =	simm.s32 $0x4180  }
0x6e: {  	[tilespmem:s12], [sflag:$0x4] =	stream.indirect_vreg.gather [hbm4b:s2+s3], $0x80, v4, vm0, $0xb8;
	[tilespmem:$0x18180] =	vst v63  }
0x6f: {  	s15 =	simm.s32 $0x4980;
	v3 =	vperm.xlane v3, v2  }
0x70: {  	[tilespmem:s15], [sflag:$0x4] =	stream.indirect_vreg.gather [hbm4b:s5+s3], $0x80, v4, vm0, $0xb8;
	[tilespmem:$0x18180] =	vst v63  }
0x71: {  	s16 =	simm.s32 $0x5180;
	v3 =	vadd.s32 v1, v3  }
0x72: {  	[tilespmem:s16], [sflag:$0x4] =	stream.indirect_vreg.gather [hbm4b:s6+s3], $0x80, v4, vm0, $0xb8;
	[tilespmem:$0x18180] =	vst v63  }
0x73: {  	s17 =	simm.s32 $0x5980  }
0x74: {  	[tilespmem:s17], [sflag:$0x4] =	stream.indirect_vreg.gather [hbm4b:s7+s3], $0x80, v4, vm0, $0xb8;
	[tilespmem:$0x18180] =	vst v63  }
0x75: {  	s18 =	simm.s32 $0x6180  }
0x76: {  	[tilespmem:s18], [sflag:$0x4] =	stream.indirect_vreg.gather [hbm4b:s2+s3], $0x80, v3, vm0, $0xb8;
	[tilespmem:$0x18180] =	vst v63  }
0x77: {  	s19 =	simm.s32 $0x6980  }
0x78: {  	[tilespmem:s19], [sflag:$0x4] =	stream.indirect_vreg.gather [hbm4b:s5+s3], $0x80, v3, vm0, $0xb8;
	[tilespmem:$0x18180] =	vst v63  }
0x79: {  	s4 =	simm.s32 $0x7180  }
0x7a: {  	[tilespmem:s4], [sflag:$0x4] =	stream.indirect_vreg.gather [hbm4b:s6+s3], $0x80, v3, vm0, $0xb8;
	[tilespmem:$0x18180] =	vst v63  }
0x7b: {  	s12 =	simm.s32 $0x7980  }
0x7c: {  	[tilespmem:s12], [sflag:$0x4] =	stream.indirect_vreg.gather [hbm4b:s7+s3], $0x80, v3, vm0, $0xb8;
	[tilespmem:$0x18180] =	vst v63  }
0x7d: {  	_ =	swait.ge [sflag:s29], $0x80  }
0x7e: {  	[sflag:s29] =	ssyncset.done $0x0  }
0x7f: {  	[sflag:s29] =	ssyncadd.s32 $0xFFFFFF80  }
0x80: {  	v3 =	vld [tilespmem:$0x80];
	_ =	sdelay $0x4  }
0x81: {  	v58 =	vshll.u32 v3, $0x3  }
0x82: {  	v3 =	vand.u32 $0x7, v3;
	v4 =	vand.u32 $0xFFFFFFC0, v58  }
0x83: {  	v3 =	vor.u32 v3, v4  }
0x84: {  	v4 =	vperm.xlane v3, v0;
	_ =	sdelay $0x1  }
0x85: {  	v4 =	vadd.s32 v1, v4;
	_ =	sdelay $0x4  }
0x86: {  	[tilespmem:s10], [sflag:$0x5] =	stream.indirect_vreg.gather [hbm4b:s2+s3], $0x80, v4, vm0, $0xb8;
	[tilespmem:$0x18180] =	vst v63  }
0x87: {  	s4 =	simm.s32 $0x8980;
	v3 =	vperm.xlane v3, v2  }
0x88: {  	[tilespmem:s4], [sflag:$0x5] =	stream.indirect_vreg.gather [hbm4b:s5+s3], $0x80, v4, vm0, $0xb8;
	[tilespmem:$0x18180] =	vst v63  }
0x89: {  	v3 =	vadd.s32 v1, v3;
	s4 =	simm.s32 $0x9180  }
0x8a: {  	[tilespmem:s4], [sflag:$0x5] =	stream.indirect_vreg.gather [hbm4b:s6+s3], $0x80, v4, vm0, $0xb8;
	[tilespmem:$0x18180] =	vst v63  }
0x8b: {  	s4 =	simm.s32 $0x9980  }
0x8c: {  	[tilespmem:s4], [sflag:$0x5] =	stream.indirect_vreg.gather [hbm4b:s7+s3], $0x80, v4, vm0, $0xb8;
	[tilespmem:$0x18180] =	vst v63  }
0x8d: {  	s4 =	simm.s32 $0xA180  }
0x8e: {  	[tilespmem:s4], [sflag:$0x5] =	stream.indirect_vreg.gather [hbm4b:s2+s3], $0x80, v3, vm0, $0xb8;
	[tilespmem:$0x18180] =	vst v63  }
0x8f: {  	s4 =	simm.s32 $0xA980  }
0x90: {  	[tilespmem:s4], [sflag:$0x5] =	stream.indirect_vreg.gather [hbm4b:s5+s3], $0x80, v3, vm0, $0xb8;
	[tilespmem:$0x18180] =	vst v63  }
0x91: {  	s4 =	simm.s32 $0xB180  }
0x92: {  	[tilespmem:s4], [sflag:$0x5] =	stream.indirect_vreg.gather [hbm4b:s6+s3], $0x80, v3, vm0, $0xb8;
	[tilespmem:$0x18180] =	vst v63  }
0x93: {  	s4 =	simm.s32 $0xB980  }
0x94: {  	[tilespmem:s4], [sflag:$0x5] =	stream.indirect_vreg.gather [hbm4b:s7+s3], $0x80, v3, vm0, $0xb8;
	[tilespmem:$0x18180] =	vst v63  }
0x95: {  	v3 =	vld [tilespmem:$0x90];
	_ =	sdelay $0x4  }
0x96: {  	v59 =	vshll.u32 v3, $0x3  }
0x97: {  	v3 =	vand.u32 $0x7, v3;
	v4 =	vand.u32 $0xFFFFFFC0, v59  }
0x98: {  	v3 =	vor.u32 v3, v4  }
0x99: {  	v4 =	vperm.xlane v3, v0;
	_ =	sdelay $0x1  }
0x9a: {  	v4 =	vadd.s32 v1, v4;
	_ =	sdelay $0x3  }
0x9b: {  	s4 =	simm.s32 $0xC180  }
0x9c: {  	[tilespmem:s4], [sflag:$0x5] =	stream.indirect_vreg.gather [hbm4b:s2+s3], $0x80, v4, vm0, $0xb8;
	[tilespmem:$0x18180] =	vst v63  }
0x9d: {  	v3 =	vperm.xlane v3, v2;
	s4 =	simm.s32 $0xC980  }
0x9e: {  	[tilespmem:s4], [sflag:$0x5] =	stream.indirect_vreg.gather [hbm4b:s5+s3], $0x80, v4, vm0, $0xb8;
	[tilespmem:$0x18180] =	vst v63  }
0x9f: {  	v3 =	vadd.s32 v1, v3;
	s4 =	simm.s32 $0xD180  }
0xa0: {  	[tilespmem:s4], [sflag:$0x5] =	stream.indirect_vreg.gather [hbm4b:s6+s3], $0x80, v4, vm0, $0xb8;
	[tilespmem:$0x18180] =	vst v63  }
0xa1: {  	s4 =	simm.s32 $0xD980  }
0xa2: {  	[tilespmem:s4], [sflag:$0x5] =	stream.indirect_vreg.gather [hbm4b:s7+s3], $0x80, v4, vm0, $0xb8;
	[tilespmem:$0x18180] =	vst v63  }
0xa3: {  	s4 =	simm.s32 $0xE180  }
0xa4: {  	[tilespmem:s4], [sflag:$0x5] =	stream.indirect_vreg.gather [hbm4b:s2+s3], $0x80, v3, vm0, $0xb8;
	[tilespmem:$0x18180] =	vst v63  }
0xa5: {  	s4 =	simm.s32 $0xE980  }
0xa6: {  	[tilespmem:s4], [sflag:$0x5] =	stream.indirect_vreg.gather [hbm4b:s5+s3], $0x80, v3, vm0, $0xb8;
	[tilespmem:$0x18180] =	vst v63  }
0xa7: {  	s4 =	simm.s32 $0xF180  }
0xa8: {  	[tilespmem:s4], [sflag:$0x5] =	stream.indirect_vreg.gather [hbm4b:s6+s3], $0x80, v3, vm0, $0xb8;
	[tilespmem:$0x18180] =	vst v63  }
0xa9: {  	s4 =	simm.s32 $0xF980  }
0xaa: {  	[tilespmem:s4], [sflag:$0x5] =	stream.indirect_vreg.gather [hbm4b:s7+s3], $0x80, v3, vm0, $0xb8;
	[tilespmem:$0x18180] =	vst v63  }
0xab: {  	_ =	swait.ge [sflag:s22], $0x80  }
0xac: {  	[sflag:s22] =	ssyncset.done $0x0  }
0xad: {  	[sflag:s22] =	ssyncadd.s32 $0xFFFFFF80  }
0xae: {  	v3 =	vld [tilespmem:$0x100];
	_ =	sdelay $0x4  }
0xaf: {  	v60 =	vshll.u32 v3, $0x3  }
0xb0: {  	v3 =	vand.u32 $0x7, v3;
	v4 =	vand.u32 $0xFFFFFFC0, v60  }
0xb1: {  	v3 =	vor.u32 v3, v4  }
0xb2: {  	v4 =	vperm.xlane v3, v0;
	_ =	sdelay $0x1  }
0xb3: {  	v4 =	vadd.s32 v1, v4;
	_ =	sdelay $0x4  }
0xb4: {  	[tilespmem:s8], [sflag:$0x6] =	stream.indirect_vreg.gather [hbm4b:s2+s3], $0x80, v4, vm0, $0xb8;
	[tilespmem:$0x18180] =	vst v63  }
0xb5: {  	s4 =	simm.s32 $0x10980;
	v3 =	vperm.xlane v3, v2  }
0xb6: {  	[tilespmem:s4], [sflag:$0x6] =	stream.indirect_vreg.gather [hbm4b:s5+s3], $0x80, v4, vm0, $0xb8;
	[tilespmem:$0x18180] =	vst v63  }
0xb7: {  	v3 =	vadd.s32 v1, v3;
	s4 =	simm.s32 $0x11180  }
0xb8: {  	[tilespmem:s4], [sflag:$0x6] =	stream.indirect_vreg.gather [hbm4b:s6+s3], $0x80, v4, vm0, $0xb8;
	[tilespmem:$0x18180] =	vst v63  }
0xb9: {  	s4 =	simm.s32 $0x11980  }
0xba: {  	[tilespmem:s4], [sflag:$0x6] =	stream.indirect_vreg.gather [hbm4b:s7+s3], $0x80, v4, vm0, $0xb8;
	[tilespmem:$0x18180] =	vst v63  }
0xbb: {  	s4 =	simm.s32 $0x12180  }
0xbc: {  	[tilespmem:s4], [sflag:$0x6] =	stream.indirect_vreg.gather [hbm4b:s2+s3], $0x80, v3, vm0, $0xb8;
	[tilespmem:$0x18180] =	vst v63  }
0xbd: {  	s4 =	simm.s32 $0x12980  }
0xbe: {  	[tilespmem:s4], [sflag:$0x6] =	stream.indirect_vreg.gather [hbm4b:s5+s3], $0x80, v3, vm0, $0xb8;
	[tilespmem:$0x18180] =	vst v63  }
0xbf: {  	s4 =	simm.s32 $0x13180  }
0xc0: {  	[tilespmem:s4], [sflag:$0x6] =	stream.indirect_vreg.gather [hbm4b:s6+s3], $0x80, v3, vm0, $0xb8;
	[tilespmem:$0x18180] =	vst v63  }
0xc1: {  	s4 =	simm.s32 $0x13980  }
0xc2: {  	[tilespmem:s4], [sflag:$0x6] =	stream.indirect_vreg.gather [hbm4b:s7+s3], $0x80, v3, vm0, $0xb8;
	[tilespmem:$0x18180] =	vst v63  }
0xc3: {  	v3 =	vld [tilespmem:$0x110];
	_ =	sdelay $0x4  }
0xc4: {  	v61 =	vshll.u32 v3, $0x3  }
0xc5: {  	v3 =	vand.u32 $0x7, v3;
	v4 =	vand.u32 $0xFFFFFFC0, v61  }
0xc6: {  	v3 =	vor.u32 v3, v4  }
0xc7: {  	v4 =	vperm.xlane v3, v0;
	_ =	sdelay $0x1  }
0xc8: {  	v4 =	vadd.s32 v1, v4;
	_ =	sdelay $0x3  }
0xc9: {  	s4 =	simm.s32 $0x14180  }
0xca: {  	[tilespmem:s4], [sflag:$0x6] =	stream.indirect_vreg.gather [hbm4b:s2+s3], $0x80, v4, vm0, $0xb8;
	[tilespmem:$0x18180] =	vst v63  }
0xcb: {  	v3 =	vperm.xlane v3, v2;
	s4 =	simm.s32 $0x14980  }
0xcc: {  	[tilespmem:s4], [sflag:$0x6] =	stream.indirect_vreg.gather [hbm4b:s5+s3], $0x80, v4, vm0, $0xb8;
	[tilespmem:$0x18180] =	vst v63  }
0xcd: {  	v3 =	vadd.s32 v1, v3;
	s4 =	simm.s32 $0x15180  }
0xce: {  	[tilespmem:s4], [sflag:$0x6] =	stream.indirect_vreg.gather [hbm4b:s6+s3], $0x80, v4, vm0, $0xb8;
	[tilespmem:$0x18180] =	vst v63  }
0xcf: {  	s4 =	simm.s32 $0x15980  }
0xd0: {  	[tilespmem:s4], [sflag:$0x6] =	stream.indirect_vreg.gather [hbm4b:s7+s3], $0x80, v4, vm0, $0xb8;
	[tilespmem:$0x18180] =	vst v63  }
0xd1: {  	s4 =	simm.s32 $0x16180  }
0xd2: {  	[tilespmem:s4], [sflag:$0x6] =	stream.indirect_vreg.gather [hbm4b:s2+s3], $0x80, v3, vm0, $0xb8;
	[tilespmem:$0x18180] =	vst v63  }
0xd3: {  	s4 =	simm.s32 $0x16980  }
0xd4: {  	[tilespmem:s4], [sflag:$0x6] =	stream.indirect_vreg.gather [hbm4b:s5+s3], $0x80, v3, vm0, $0xb8;
	[tilespmem:$0x18180] =	vst v63  }
0xd5: {  	s4 =	simm.s32 $0x17180  }
0xd6: {  	[tilespmem:s4], [sflag:$0x6] =	stream.indirect_vreg.gather [hbm4b:s6+s3], $0x80, v3, vm0, $0xb8;
	[tilespmem:$0x18180] =	vst v63  }
0xd7: {  	s4 =	simm.s32 $0x17980  }
0xd8: {  	[tilespmem:s4], [sflag:$0x6] =	stream.indirect_vreg.gather [hbm4b:s7+s3], $0x80, v3, vm0, $0xb8;
	[tilespmem:$0x18180] =	vst v63  }
0xd9: {  	_ =	swait.ge [sflag:s24], $0x8000  }
0xda: {  	s4 =	sld [smem:$0x7FC]  }
0xdb: {  	[sflag:s24] =	ssyncset.done $0x0  }
0xdc: {  	[sflag:s24] =	ssyncadd.s32 $0xFFFF8000  }
0xdd: {  	[hbm4b:s4+s3] =	stream.linear.scatter [tilespmem:s30], [sflag:$0x7], $0x8000, $0x38;
	[tilespmem:$0x18180] =	vst v63  }
0xde: {  	s0 =	rddreg [dreg:$0x7]  }
0xdf: {  	[tilespmem:s3], [sflag:$0x1] =	stream.linear.gather [hbm4b:s0+s3], $0x80, $0x38;
	[tilespmem:$0x18180] =	vst v63  }
0xe0: {  	_ =	swait.ge [sflag:s25], $0x8000  }
0xe1: {  	[sflag:s25] =	ssyncset.done $0x0  }
0xe2: {  	[sflag:s25] =	ssyncadd.s32 $0xFFFF8000  }
0xe3: {  	_ =	swait.ge [sflag:s11], $0x80  }
0xe4: {  	[sflag:s11] =	ssyncset.done $0x0  }
0xe5: {  	[sflag:s11] =	ssyncadd.s32 $0xFFFFFF80  }
0xe6: {  	v3 =	vld [tilespmem:$0x0];
	_ =	sdelay $0x4  }
0xe7: {  	v62 =	vshll.u32 v3, $0x3  }
0xe8: {  	v3 =	vand.u32 $0x7, v3;
	v4 =	vand.u32 $0xFFFFFFC0, v62  }
0xe9: {  	v3 =	vor.u32 v3, v4  }
0xea: {  	v4 =	vperm.xlane v3, v0;
	_ =	sdelay $0x1  }
0xeb: {  	v4 =	vadd.s32 v1, v4;
	_ =	sdelay $0x4  }
0xec: {  	[tilespmem:s30], [sflag:$0x4] =	stream.indirect_vreg.gather [hbm4b:s2+s3], $0x80, v4, vm0, $0xb8;
	[tilespmem:$0x18180] =	vst v63  }
0xed: {  	s20 =	simm.s32 $0x980;
	v3 =	vperm.xlane v3, v2  }
0xee: {  	[tilespmem:s20], [sflag:$0x4] =	stream.indirect_vreg.gather [hbm4b:s5+s3], $0x80, v4, vm0, $0xb8;
	[tilespmem:$0x18180] =	vst v63  }
0xef: {  	s4 =	simm.s32 $0x1180;
	v3 =	vadd.s32 v1, v3  }
0xf0: {  	[tilespmem:s4], [sflag:$0x4] =	stream.indirect_vreg.gather [hbm4b:s6+s3], $0x80, v4, vm0, $0xb8;
	[tilespmem:$0x18180] =	vst v63  }
0xf1: {  	s20 =	simm.s32 $0x1980  }
0xf2: {  	[tilespmem:s20], [sflag:$0x4] =	stream.indirect_vreg.gather [hbm4b:s7+s3], $0x80, v4, vm0, $0xb8;
	[tilespmem:$0x18180] =	vst v63  }
0xf3: {  	s4 =	simm.s32 $0x2180  }
0xf4: {  	[tilespmem:s4], [sflag:$0x4] =	stream.indirect_vreg.gather [hbm4b:s2+s3], $0x80, v3, vm0, $0xb8;
	[tilespmem:$0x18180] =	vst v63  }
0xf5: {  	s13 =	simm.s32 $0x2980  }
0xf6: {  	[tilespmem:s13], [sflag:$0x4] =	stream.indirect_vreg.gather [hbm4b:s5+s3], $0x80, v3, vm0, $0xb8;
	[tilespmem:$0x18180] =	vst v63  }
0xf7: {  	s14 =	simm.s32 $0x3180  }
0xf8: {  	[tilespmem:s14], [sflag:$0x4] =	stream.indirect_vreg.gather [hbm4b:s6+s3], $0x80, v3, vm0, $0xb8;
	[tilespmem:$0x18180] =	vst v63  }
0xf9: {  	s21 =	simm.s32 $0x3980  }
0xfa: {  	[tilespmem:s21], [sflag:$0x4] =	stream.indirect_vreg.gather [hbm4b:s7+s3], $0x80, v3, vm0, $0xb8;
	[tilespmem:$0x18180] =	vst v63  }
0xfb: {  	v3 =	vld [tilespmem:$0x10];
	_ =	sdelay $0x4  }
0xfc: {  	v63 =	vshll.u32 v3, $0x3  }
0xfd: {  	v3 =	vand.u32 $0x7, v3;
	v4 =	vand.u32 $0xFFFFFFC0, v63  }
0xfe: {  	v3 =	vor.u32 v3, v4  }
0xff: {  	v4 =	vperm.xlane v3, v0;
	_ =	sdelay $0x1  }
0x100: {  	v4 =	vadd.s32 v1, v4;
	_ =	sdelay $0x3  }
0x101: {  	s23 =	simm.s32 $0x4180  }
0x102: {  	[tilespmem:s23], [sflag:$0x4] =	stream.indirect_vreg.gather [hbm4b:s2+s3], $0x80, v4, vm0, $0xb8;
	[tilespmem:$0x18180] =	vst v63  }
0x103: {  	s9 =	simm.s32 $0x4980;
	v3 =	vperm.xlane v3, v2  }
0x104: {  	[tilespmem:s9], [sflag:$0x4] =	stream.indirect_vreg.gather [hbm4b:s5+s3], $0x80, v4, vm0, $0xb8;
	[tilespmem:$0x18180] =	vst v63  }
0x105: {  	s15 =	simm.s32 $0x5180;
	v3 =	vadd.s32 v1, v3  }
0x106: {  	[tilespmem:s15], [sflag:$0x4] =	stream.indirect_vreg.gather [hbm4b:s6+s3], $0x80, v4, vm0, $0xb8;
	[tilespmem:$0x18180] =	vst v63  }
0x107: {  	s16 =	simm.s32 $0x5980  }
0x108: {  	[tilespmem:s16], [sflag:$0x4] =	stream.indirect_vreg.gather [hbm4b:s7+s3], $0x80, v4, vm0, $0xb8;
	[tilespmem:$0x18180] =	vst v63  }
0x109: {  	s17 =	simm.s32 $0x6180  }
0x10a: {  	[tilespmem:s17], [sflag:$0x4] =	stream.indirect_vreg.gather [hbm4b:s2+s3], $0x80, v3, vm0, $0xb8;
	[tilespmem:$0x18180] =	vst v63  }
0x10b: {  	s18 =	simm.s32 $0x6980  }
0x10c: {  	[tilespmem:s18], [sflag:$0x4] =	stream.indirect_vreg.gather [hbm4b:s5+s3], $0x80, v3, vm0, $0xb8;
	[tilespmem:$0x18180] =	vst v63  }
0x10d: {  	s19 =	simm.s32 $0x7180  }
0x10e: {  	[tilespmem:s19], [sflag:$0x4] =	stream.indirect_vreg.gather [hbm4b:s6+s3], $0x80, v3, vm0, $0xb8;
	[tilespmem:$0x18180] =	vst v63  }
0x10f: {  	s12 =	simm.s32 $0x7980  }
0x110: {  	[tilespmem:s12], [sflag:$0x4] =	stream.indirect_vreg.gather [hbm4b:s7+s3], $0x80, v3, vm0, $0xb8;
	[tilespmem:$0x18180] =	vst v63  }
0x111: {  	_ =	swait.ge [sflag:s26], $0x8000  }
0x112: {  	[sflag:s26] =	ssyncset.done $0x0  }
0x113: {  	s12 =	rddreg [dreg:$0x8];
	[sflag:s26] =	ssyncadd.s32 $0xFFFF8000  }
0x114: {  	[hbm4b:s12+s3] =	stream.linear.scatter [tilespmem:s10], [sflag:$0x8], $0x8000, $0x38;
	[tilespmem:$0x18180] =	vst v63  }
0x115: {  	s14 =	simm.s32 $0x80;
	s13 =	rddreg [dreg:$0x9]  }
0x116: {  	[tilespmem:s14], [sflag:$0x2] =	stream.linear.gather [hbm4b:s13+s3], $0x80, $0x38;
	[tilespmem:$0x18180] =	vst v63  }
0x117: {  	_ =	swait.ge [sflag:s28], $0x8000  }
0x118: {  	[sflag:s28] =	ssyncset.done $0x0  }
0x119: {  	[sflag:s28] =	ssyncadd.s32 $0xFFFF8000  }
0x11a: {  	_ =	swait.ge [sflag:s29], $0x80  }
0x11b: {  	[sflag:s29] =	ssyncset.done $0x0  }
0x11c: {  	[sflag:s29] =	ssyncadd.s32 $0xFFFFFF80  }
0x11d: {  	v3 =	vld [tilespmem:$0x80];
	_ =	sdelay $0x4  }
0x11e: {  	v8 =	vshll.u32 v3, $0x3  }
0x11f: {  	v3 =	vand.u32 $0x7, v3;
	v4 =	vand.u32 $0xFFFFFFC0, v8  }
0x120: {  	v3 =	vor.u32 v3, v4  }
0x121: {  	v4 =	vperm.xlane v3, v0;
	_ =	sdelay $0x1  }
0x122: {  	v4 =	vadd.s32 v1, v4;
	_ =	sdelay $0x4  }
0x123: {  	[tilespmem:s10], [sflag:$0x5] =	stream.indirect_vreg.gather [hbm4b:s2+s3], $0x80, v4, vm0, $0xb8;
	[tilespmem:$0x18180] =	vst v63  }
0x124: {  	s15 =	simm.s32 $0x8980;
	v3 =	vperm.xlane v3, v2  }
0x125: {  	[tilespmem:s15], [sflag:$0x5] =	stream.indirect_vreg.gather [hbm4b:s5+s3], $0x80, v4, vm0, $0xb8;
	[tilespmem:$0x18180] =	vst v63  }
0x126: {  	s16 =	simm.s32 $0x9180;
	v3 =	vadd.s32 v1, v3  }
0x127: {  	[tilespmem:s16], [sflag:$0x5] =	stream.indirect_vreg.gather [hbm4b:s6+s3], $0x80, v4, vm0, $0xb8;
	[tilespmem:$0x18180] =	vst v63  }
0x128: {  	s17 =	simm.s32 $0x9980  }
0x129: {  	[tilespmem:s17], [sflag:$0x5] =	stream.indirect_vreg.gather [hbm4b:s7+s3], $0x80, v4, vm0, $0xb8;
	[tilespmem:$0x18180] =	vst v63  }
0x12a: {  	s18 =	simm.s32 $0xA180  }
0x12b: {  	[tilespmem:s18], [sflag:$0x5] =	stream.indirect_vreg.gather [hbm4b:s2+s3], $0x80, v3, vm0, $0xb8;
	[tilespmem:$0x18180] =	vst v63  }
0x12c: {  	s19 =	simm.s32 $0xA980  }
0x12d: {  	[tilespmem:s19], [sflag:$0x5] =	stream.indirect_vreg.gather [hbm4b:s5+s3], $0x80, v3, vm0, $0xb8;
	[tilespmem:$0x18180] =	vst v63  }
0x12e: {  	s20 =	simm.s32 $0xB180  }
0x12f: {  	[tilespmem:s20], [sflag:$0x5] =	stream.indirect_vreg.gather [hbm4b:s6+s3], $0x80, v3, vm0, $0xb8;
	[tilespmem:$0x18180] =	vst v63  }
0x130: {  	s21 =	simm.s32 $0xB980  }
0x131: {  	[tilespmem:s21], [sflag:$0x5] =	stream.indirect_vreg.gather [hbm4b:s7+s3], $0x80, v3, vm0, $0xb8;
	[tilespmem:$0x18180] =	vst v63  }
0x132: {  	v3 =	vld [tilespmem:$0x90];
	_ =	sdelay $0x4  }
0x133: {  	v9 =	vshll.u32 v3, $0x3  }
0x134: {  	v3 =	vand.u32 $0x7, v3;
	v4 =	vand.u32 $0xFFFFFFC0, v9  }
0x135: {  	v3 =	vor.u32 v3, v4  }
0x136: {  	v4 =	vperm.xlane v3, v0;
	_ =	sdelay $0x1  }
0x137: {  	v4 =	vadd.s32 v1, v4;
	_ =	sdelay $0x3  }
0x138: {  	s4 =	simm.s32 $0xC180  }
0x139: {  	[tilespmem:s4], [sflag:$0x5] =	stream.indirect_vreg.gather [hbm4b:s2+s3], $0x80, v4, vm0, $0xb8;
	[tilespmem:$0x18180] =	vst v63  }
0x13a: {  	s9 =	simm.s32 $0xC980;
	v3 =	vperm.xlane v3, v2  }
0x13b: {  	[tilespmem:s9], [sflag:$0x5] =	stream.indirect_vreg.gather [hbm4b:s5+s3], $0x80, v4, vm0, $0xb8;
	[tilespmem:$0x18180] =	vst v63  }
0x13c: {  	s17 =	simm.s32 $0xD180;
	v3 =	vadd.s32 v1, v3  }
0x13d: {  	[tilespmem:s17], [sflag:$0x5] =	stream.indirect_vreg.gather [hbm4b:s6+s3], $0x80, v4, vm0, $0xb8;
	[tilespmem:$0x18180] =	vst v63  }
0x13e: {  	s18 =	simm.s32 $0xD980  }
0x13f: {  	[tilespmem:s18], [sflag:$0x5] =	stream.indirect_vreg.gather [hbm4b:s7+s3], $0x80, v4, vm0, $0xb8;
	[tilespmem:$0x18180] =	vst v63  }
0x140: {  	s19 =	simm.s32 $0xE180  }
0x141: {  	[tilespmem:s19], [sflag:$0x5] =	stream.indirect_vreg.gather [hbm4b:s2+s3], $0x80, v3, vm0, $0xb8;
	[tilespmem:$0x18180] =	vst v63  }
0x142: {  	s20 =	simm.s32 $0xE980  }
0x143: {  	[tilespmem:s20], [sflag:$0x5] =	stream.indirect_vreg.gather [hbm4b:s5+s3], $0x80, v3, vm0, $0xb8;
	[tilespmem:$0x18180] =	vst v63  }
0x144: {  	s21 =	simm.s32 $0xF180  }
0x145: {  	[tilespmem:s21], [sflag:$0x5] =	stream.indirect_vreg.gather [hbm4b:s6+s3], $0x80, v3, vm0, $0xb8;
	[tilespmem:$0x18180] =	vst v63  }
0x146: {  	s4 =	simm.s32 $0xF980  }
0x147: {  	[tilespmem:s4], [sflag:$0x5] =	stream.indirect_vreg.gather [hbm4b:s7+s3], $0x80, v3, vm0, $0xb8;
	[tilespmem:$0x18180] =	vst v63  }
0x148: {  	_ =	swait.ge [sflag:s31], $0x8000  }
0x149: {  	[sflag:s31] =	ssyncset.done $0x0  }
0x14a: {  	s9 =	rddreg [dreg:$0xa];
	[sflag:s31] =	ssyncadd.s32 $0xFFFF8000  }
0x14b: {  	[hbm4b:s9+s3] =	stream.linear.scatter [tilespmem:s8], [sflag:$0x9], $0x8000, $0x38;
	[tilespmem:$0x18180] =	vst v63  }
0x14c: {  	s4 =	rddreg [dreg:$0xb];
	s9 =	simm.s32 $0x100  }
0x14d: {  	[tilespmem:s9], [sflag:$0x3] =	stream.linear.gather [hbm4b:s4+s3], $0x80, $0x38;
	[tilespmem:$0x18180] =	vst v63  }
0x14e: {  	_ =	swait.ge [sflag:s1], $0x8000  }
0x14f: {  	[sflag:s1] =	ssyncset.done $0x0  }
0x150: {  	[sflag:s1] =	ssyncadd.s32 $0xFFFF8000  }
0x151: {  	_ =	swait.ge [sflag:s22], $0x80  }
0x152: {  	[sflag:s22] =	ssyncset.done $0x0  }
0x153: {  	[sflag:s22] =	ssyncadd.s32 $0xFFFFFF80  }
0x154: {  	v3 =	vld [tilespmem:$0x100];
	_ =	sdelay $0x4  }
0x155: {  	v10 =	vshll.u32 v3, $0x3  }
0x156: {  	v3 =	vand.u32 $0x7, v3;
	v4 =	vand.u32 $0xFFFFFFC0, v10  }
0x157: {  	v3 =	vor.u32 v3, v4  }
0x158: {  	v4 =	vperm.xlane v3, v0;
	_ =	sdelay $0x1  }
0x159: {  	v4 =	vadd.s32 v1, v4;
	_ =	sdelay $0x4  }
0x15a: {  	[tilespmem:s8], [sflag:$0x6] =	stream.indirect_vreg.gather [hbm4b:s2+s3], $0x80, v4, vm0, $0xb8;
	[tilespmem:$0x18180] =	vst v63  }
0x15b: {  	s4 =	simm.s32 $0x10980;
	v3 =	vperm.xlane v3, v2  }
0x15c: {  	[tilespmem:s4], [sflag:$0x6] =	stream.indirect_vreg.gather [hbm4b:s5+s3], $0x80, v4, vm0, $0xb8;
	[tilespmem:$0x18180] =	vst v63  }
0x15d: {  	v3 =	vadd.s32 v1, v3;
	s4 =	simm.s32 $0x11180  }
0x15e: {  	[tilespmem:s4], [sflag:$0x6] =	stream.indirect_vreg.gather [hbm4b:s6+s3], $0x80, v4, vm0, $0xb8;
	[tilespmem:$0x18180] =	vst v63  }
0x15f: {  	s4 =	simm.s32 $0x11980  }
0x160: {  	[tilespmem:s4], [sflag:$0x6] =	stream.indirect_vreg.gather [hbm4b:s7+s3], $0x80, v4, vm0, $0xb8;
	[tilespmem:$0x18180] =	vst v63  }
0x161: {  	s4 =	simm.s32 $0x12180  }
0x162: {  	[tilespmem:s4], [sflag:$0x6] =	stream.indirect_vreg.gather [hbm4b:s2+s3], $0x80, v3, vm0, $0xb8;
	[tilespmem:$0x18180] =	vst v63  }
0x163: {  	s4 =	simm.s32 $0x12980  }
0x164: {  	[tilespmem:s4], [sflag:$0x6] =	stream.indirect_vreg.gather [hbm4b:s5+s3], $0x80, v3, vm0, $0xb8;
	[tilespmem:$0x18180] =	vst v63  }
0x165: {  	s4 =	simm.s32 $0x13180  }
0x166: {  	[tilespmem:s4], [sflag:$0x6] =	stream.indirect_vreg.gather [hbm4b:s6+s3], $0x80, v3, vm0, $0xb8;
	[tilespmem:$0x18180] =	vst v63  }
0x167: {  	s4 =	simm.s32 $0x13980  }
0x168: {  	[tilespmem:s4], [sflag:$0x6] =	stream.indirect_vreg.gather [hbm4b:s7+s3], $0x80, v3, vm0, $0xb8;
	[tilespmem:$0x18180] =	vst v63  }
0x169: {  	v3 =	vld [tilespmem:$0x110];
	_ =	sdelay $0x4  }
0x16a: {  	v11 =	vshll.u32 v3, $0x3  }
0x16b: {  	v3 =	vand.u32 $0x7, v3;
	v4 =	vand.u32 $0xFFFFFFC0, v11  }
0x16c: {  	v3 =	vor.u32 v3, v4  }
0x16d: {  	v4 =	vperm.xlane v3, v0;
	_ =	sdelay $0x1  }
0x16e: {  	v4 =	vadd.s32 v1, v4;
	_ =	sdelay $0x3  }
0x16f: {  	s4 =	simm.s32 $0x14180  }
0x170: {  	[tilespmem:s4], [sflag:$0x6] =	stream.indirect_vreg.gather [hbm4b:s2+s3], $0x80, v4, vm0, $0xb8;
	[tilespmem:$0x18180] =	vst v63  }
0x171: {  	v3 =	vperm.xlane v3, v2;
	s4 =	simm.s32 $0x14980  }
0x172: {  	[tilespmem:s4], [sflag:$0x6] =	stream.indirect_vreg.gather [hbm4b:s5+s3], $0x80, v4, vm0, $0xb8;
	[tilespmem:$0x18180] =	vst v63  }
0x173: {  	v3 =	vadd.s32 v1, v3;
	s4 =	simm.s32 $0x15180  }
0x174: {  	[tilespmem:s4], [sflag:$0x6] =	stream.indirect_vreg.gather [hbm4b:s6+s3], $0x80, v4, vm0, $0xb8;
	[tilespmem:$0x18180] =	vst v63  }
0x175: {  	s4 =	simm.s32 $0x15980  }
0x176: {  	[tilespmem:s4], [sflag:$0x6] =	stream.indirect_vreg.gather [hbm4b:s7+s3], $0x80, v4, vm0, $0xb8;
	[tilespmem:$0x18180] =	vst v63  }
0x177: {  	s4 =	simm.s32 $0x16180  }
0x178: {  	[tilespmem:s4], [sflag:$0x6] =	stream.indirect_vreg.gather [hbm4b:s2+s3], $0x80, v3, vm0, $0xb8;
	[tilespmem:$0x18180] =	vst v63  }
0x179: {  	s4 =	simm.s32 $0x16980  }
0x17a: {  	[tilespmem:s4], [sflag:$0x6] =	stream.indirect_vreg.gather [hbm4b:s5+s3], $0x80, v3, vm0, $0xb8;
	[tilespmem:$0x18180] =	vst v63  }
0x17b: {  	s4 =	simm.s32 $0x17180  }
0x17c: {  	[tilespmem:s4], [sflag:$0x6] =	stream.indirect_vreg.gather [hbm4b:s6+s3], $0x80, v3, vm0, $0xb8;
	[tilespmem:$0x18180] =	vst v63  }
0x17d: {  	s4 =	simm.s32 $0x17980  }
0x17e: {  	[tilespmem:s4], [sflag:$0x6] =	stream.indirect_vreg.gather [hbm4b:s7+s3], $0x80, v3, vm0, $0xb8;
	[tilespmem:$0x18180] =	vst v63  }
0x17f: {  	_ =	swait.ge [sflag:s24], $0x8000  }
0x180: {  	[sflag:s24] =	ssyncset.done $0x0  }
0x181: {  	s0 =	rddreg [dreg:$0xc];
	[sflag:s24] =	ssyncadd.s32 $0xFFFF8000  }
0x182: {  	[hbm4b:s0+s3] =	stream.linear.scatter [tilespmem:s30], [sflag:$0x7], $0x8000, $0x38;
	[tilespmem:$0x18180] =	vst v63  }
0x183: {  	s4 =	rddreg [dreg:$0xd]  }
0x184: {  	[tilespmem:s3], [sflag:$0x1] =	stream.linear.gather [hbm4b:s4+s3], $0x80, $0x38;
	[tilespmem:$0x18180] =	vst v63  }
0x185: {  	_ =	swait.ge [sflag:s25], $0x8000  }
0x186: {  	[sflag:s25] =	ssyncset.done $0x0  }
0x187: {  	[sflag:s25] =	ssyncadd.s32 $0xFFFF8000  }
0x188: {  	_ =	swait.ge [sflag:s11], $0x80  }
0x189: {  	[sflag:s11] =	ssyncset.done $0x0  }
0x18a: {  	[sflag:s11] =	ssyncadd.s32 $0xFFFFFF80  }
0x18b: {  	v3 =	vld [tilespmem:$0x0];
	_ =	sdelay $0x4  }
0x18c: {  	v12 =	vshll.u32 v3, $0x3  }
0x18d: {  	v3 =	vand.u32 $0x7, v3;
	v4 =	vand.u32 $0xFFFFFFC0, v12  }
0x18e: {  	v3 =	vor.u32 v3, v4  }
0x18f: {  	v4 =	vperm.xlane v3, v0;
	_ =	sdelay $0x1  }
0x190: {  	v4 =	vadd.s32 v1, v4;
	_ =	sdelay $0x4  }
0x191: {  	[tilespmem:s30], [sflag:$0x4] =	stream.indirect_vreg.gather [hbm4b:s2+s3], $0x80, v4, vm0, $0xb8;
	[tilespmem:$0x18180] =	vst v63  }
0x192: {  	s4 =	simm.s32 $0x980;
	v3 =	vperm.xlane v3, v2  }
0x193: {  	[tilespmem:s4], [sflag:$0x4] =	stream.indirect_vreg.gather [hbm4b:s5+s3], $0x80, v4, vm0, $0xb8;
	[tilespmem:$0x18180] =	vst v63  }
0x194: {  	v3 =	vadd.s32 v1, v3;
	s4 =	simm.s32 $0x1180  }
0x195: {  	[tilespmem:s4], [sflag:$0x4] =	stream.indirect_vreg.gather [hbm4b:s6+s3], $0x80, v4, vm0, $0xb8;
	[tilespmem:$0x18180] =	vst v63  }
0x196: {  	s4 =	simm.s32 $0x1980  }
0x197: {  	[tilespmem:s4], [sflag:$0x4] =	stream.indirect_vreg.gather [hbm4b:s7+s3], $0x80, v4, vm0, $0xb8;
	[tilespmem:$0x18180] =	vst v63  }
0x198: {  	s4 =	simm.s32 $0x2180  }
0x199: {  	[tilespmem:s4], [sflag:$0x4] =	stream.indirect_vreg.gather [hbm4b:s2+s3], $0x80, v3, vm0, $0xb8;
	[tilespmem:$0x18180] =	vst v63  }
0x19a: {  	s4 =	simm.s32 $0x2980  }
0x19b: {  	[tilespmem:s4], [sflag:$0x4] =	stream.indirect_vreg.gather [hbm4b:s5+s3], $0x80, v3, vm0, $0xb8;
	[tilespmem:$0x18180] =	vst v63  }
0x19c: {  	s4 =	simm.s32 $0x3180  }
0x19d: {  	[tilespmem:s4], [sflag:$0x4] =	stream.indirect_vreg.gather [hbm4b:s6+s3], $0x80, v3, vm0, $0xb8;
	[tilespmem:$0x18180] =	vst v63  }
0x19e: {  	s4 =	simm.s32 $0x3980  }
0x19f: {  	[tilespmem:s4], [sflag:$0x4] =	stream.indirect_vreg.gather [hbm4b:s7+s3], $0x80, v3, vm0, $0xb8;
	[tilespmem:$0x18180] =	vst v63  }
0x1a0: {  	v3 =	vld [tilespmem:$0x10];
	_ =	sdelay $0x4  }
0x1a1: {  	v13 =	vshll.u32 v3, $0x3  }
0x1a2: {  	v3 =	vand.u32 $0x7, v3;
	v4 =	vand.u32 $0xFFFFFFC0, v13  }
0x1a3: {  	v3 =	vor.u32 v3, v4  }
0x1a4: {  	v4 =	vperm.xlane v3, v0;
	_ =	sdelay $0x1  }
0x1a5: {  	v4 =	vadd.s32 v1, v4;
	_ =	sdelay $0x3  }
0x1a6: {  	s4 =	simm.s32 $0x4180  }
0x1a7: {  	[tilespmem:s4], [sflag:$0x4] =	stream.indirect_vreg.gather [hbm4b:s2+s3], $0x80, v4, vm0, $0xb8;
	[tilespmem:$0x18180] =	vst v63  }
0x1a8: {  	v3 =	vperm.xlane v3, v2;
	s4 =	simm.s32 $0x4980  }
0x1a9: {  	[tilespmem:s4], [sflag:$0x4] =	stream.indirect_vreg.gather [hbm4b:s5+s3], $0x80, v4, vm0, $0xb8;
	[tilespmem:$0x18180] =	vst v63  }
0x1aa: {  	v3 =	vadd.s32 v1, v3;
	s4 =	simm.s32 $0x5180  }
0x1ab: {  	[tilespmem:s4], [sflag:$0x4] =	stream.indirect_vreg.gather [hbm4b:s6+s3], $0x80, v4, vm0, $0xb8;
	[tilespmem:$0x18180] =	vst v63  }
0x1ac: {  	s4 =	simm.s32 $0x5980  }
0x1ad: {  	[tilespmem:s4], [sflag:$0x4] =	stream.indirect_vreg.gather [hbm4b:s7+s3], $0x80, v4, vm0, $0xb8;
	[tilespmem:$0x18180] =	vst v63  }
0x1ae: {  	s4 =	simm.s32 $0x6180  }
0x1af: {  	[tilespmem:s4], [sflag:$0x4] =	stream.indirect_vreg.gather [hbm4b:s2+s3], $0x80, v3, vm0, $0xb8;
	[tilespmem:$0x18180] =	vst v63  }
0x1b0: {  	s4 =	simm.s32 $0x6980  }
0x1b1: {  	[tilespmem:s4], [sflag:$0x4] =	stream.indirect_vreg.gather [hbm4b:s5+s3], $0x80, v3, vm0, $0xb8;
	[tilespmem:$0x18180] =	vst v63  }
0x1b2: {  	s4 =	simm.s32 $0x7180  }
0x1b3: {  	[tilespmem:s4], [sflag:$0x4] =	stream.indirect_vreg.gather [hbm4b:s6+s3], $0x80, v3, vm0, $0xb8;
	[tilespmem:$0x18180] =	vst v63  }
0x1b4: {  	s4 =	simm.s32 $0x7980  }
0x1b5: {  	[tilespmem:s4], [sflag:$0x4] =	stream.indirect_vreg.gather [hbm4b:s7+s3], $0x80, v3, vm0, $0xb8;
	[tilespmem:$0x18180] =	vst v63  }
0x1b6: {  	_ =	swait.ge [sflag:s26], $0x8000  }
0x1b7: {  	[sflag:s26] =	ssyncset.done $0x0  }
0x1b8: {  	s0 =	rddreg [dreg:$0xe];
	[sflag:s26] =	ssyncadd.s32 $0xFFFF8000  }
0x1b9: {  	[hbm4b:s0+s3] =	stream.linear.scatter [tilespmem:s10], [sflag:$0x8], $0x8000, $0x38;
	[tilespmem:$0x18180] =	vst v63  }
0x1ba: {  	s12 =	simm.s32 $0x80;
	s4 =	rddreg [dreg:$0xf]  }
0x1bb: {  	[tilespmem:s12], [sflag:$0x2] =	stream.linear.gather [hbm4b:s4+s3], $0x80, $0x38;
	[tilespmem:$0x18180] =	vst v63  }
0x1bc: {  	_ =	swait.ge [sflag:s28], $0x8000  }
0x1bd: {  	[sflag:s28] =	ssyncset.done $0x0  }
0x1be: {  	[sflag:s28] =	ssyncadd.s32 $0xFFFF8000  }
0x1bf: {  	_ =	swait.ge [sflag:s29], $0x80  }
0x1c0: {  	[sflag:s29] =	ssyncset.done $0x0  }
0x1c1: {  	[sflag:s29] =	ssyncadd.s32 $0xFFFFFF80  }
0x1c2: {  	v3 =	vld [tilespmem:$0x80];
	_ =	sdelay $0x4  }
0x1c3: {  	v14 =	vshll.u32 v3, $0x3  }
0x1c4: {  	v3 =	vand.u32 $0x7, v3;
	v4 =	vand.u32 $0xFFFFFFC0, v14  }
0x1c5: {  	v3 =	vor.u32 v3, v4  }
0x1c6: {  	v4 =	vperm.xlane v3, v0;
	_ =	sdelay $0x1  }
0x1c7: {  	v4 =	vadd.s32 v1, v4;
	_ =	sdelay $0x4  }
0x1c8: {  	[tilespmem:s10], [sflag:$0x5] =	stream.indirect_vreg.gather [hbm4b:s2+s3], $0x80, v4, vm0, $0xb8;
	[tilespmem:$0x18180] =	vst v63  }
0x1c9: {  	s23 =	simm.s32 $0x8980;
	v3 =	vperm.xlane v3, v2  }
0x1ca: {  	[tilespmem:s23], [sflag:$0x5] =	stream.indirect_vreg.gather [hbm4b:s5+s3], $0x80, v4, vm0, $0xb8;
	[tilespmem:$0x18180] =	vst v63  }
0x1cb: {  	s13 =	simm.s32 $0x9180;
	v3 =	vadd.s32 v1, v3  }
0x1cc: {  	[tilespmem:s13], [sflag:$0x5] =	stream.indirect_vreg.gather [hbm4b:s6+s3], $0x80, v4, vm0, $0xb8;
	[tilespmem:$0x18180] =	vst v63  }
0x1cd: {  	s12 =	simm.s32 $0x9980  }
0x1ce: {  	[tilespmem:s12], [sflag:$0x5] =	stream.indirect_vreg.gather [hbm4b:s7+s3], $0x80, v4, vm0, $0xb8;
	[tilespmem:$0x18180] =	vst v63  }
0x1cf: {  	s14 =	simm.s32 $0xA180  }
0x1d0: {  	[tilespmem:s14], [sflag:$0x5] =	stream.indirect_vreg.gather [hbm4b:s2+s3], $0x80, v3, vm0, $0xb8;
	[tilespmem:$0x18180] =	vst v63  }
0x1d1: {  	s15 =	simm.s32 $0xA980  }
0x1d2: {  	[tilespmem:s15], [sflag:$0x5] =	stream.indirect_vreg.gather [hbm4b:s5+s3], $0x80, v3, vm0, $0xb8;
	[tilespmem:$0x18180] =	vst v63  }
0x1d3: {  	s16 =	simm.s32 $0xB180  }
0x1d4: {  	[tilespmem:s16], [sflag:$0x5] =	stream.indirect_vreg.gather [hbm4b:s6+s3], $0x80, v3, vm0, $0xb8;
	[tilespmem:$0x18180] =	vst v63  }
0x1d5: {  	s4 =	simm.s32 $0xB980  }
0x1d6: {  	[tilespmem:s4], [sflag:$0x5] =	stream.indirect_vreg.gather [hbm4b:s7+s3], $0x80, v3, vm0, $0xb8;
	[tilespmem:$0x18180] =	vst v63  }
0x1d7: {  	v3 =	vld [tilespmem:$0x90];
	_ =	sdelay $0x4  }
0x1d8: {  	v15 =	vshll.u32 v3, $0x3  }
0x1d9: {  	v3 =	vand.u32 $0x7, v3;
	v4 =	vand.u32 $0xFFFFFFC0, v15  }
0x1da: {  	v3 =	vor.u32 v3, v4  }
0x1db: {  	v4 =	vperm.xlane v3, v0;
	_ =	sdelay $0x1  }
0x1dc: {  	v4 =	vadd.s32 v1, v4;
	_ =	sdelay $0x3  }
0x1dd: {  	s4 =	simm.s32 $0xC180  }
0x1de: {  	[tilespmem:s4], [sflag:$0x5] =	stream.indirect_vreg.gather [hbm4b:s2+s3], $0x80, v4, vm0, $0xb8;
	[tilespmem:$0x18180] =	vst v63  }
0x1df: {  	v3 =	vperm.xlane v3, v2;
	s4 =	simm.s32 $0xC980  }
0x1e0: {  	[tilespmem:s4], [sflag:$0x5] =	stream.indirect_vreg.gather [hbm4b:s5+s3], $0x80, v4, vm0, $0xb8;
	[tilespmem:$0x18180] =	vst v63  }
0x1e1: {  	s17 =	simm.s32 $0xD180;
	v3 =	vadd.s32 v1, v3  }
0x1e2: {  	[tilespmem:s17], [sflag:$0x5] =	stream.indirect_vreg.gather [hbm4b:s6+s3], $0x80, v4, vm0, $0xb8;
	[tilespmem:$0x18180] =	vst v63  }
0x1e3: {  	s18 =	simm.s32 $0xD980  }
0x1e4: {  	[tilespmem:s18], [sflag:$0x5] =	stream.indirect_vreg.gather [hbm4b:s7+s3], $0x80, v4, vm0, $0xb8;
	[tilespmem:$0x18180] =	vst v63  }
0x1e5: {  	s19 =	simm.s32 $0xE180  }
0x1e6: {  	[tilespmem:s19], [sflag:$0x5] =	stream.indirect_vreg.gather [hbm4b:s2+s3], $0x80, v3, vm0, $0xb8;
	[tilespmem:$0x18180] =	vst v63  }
0x1e7: {  	s20 =	simm.s32 $0xE980  }
0x1e8: {  	[tilespmem:s20], [sflag:$0x5] =	stream.indirect_vreg.gather [hbm4b:s5+s3], $0x80, v3, vm0, $0xb8;
	[tilespmem:$0x18180] =	vst v63  }
0x1e9: {  	s21 =	simm.s32 $0xF180  }
0x1ea: {  	[tilespmem:s21], [sflag:$0x5] =	stream.indirect_vreg.gather [hbm4b:s6+s3], $0x80, v3, vm0, $0xb8;
	[tilespmem:$0x18180] =	vst v63  }
0x1eb: {  	s4 =	simm.s32 $0xF980  }
0x1ec: {  	[tilespmem:s4], [sflag:$0x5] =	stream.indirect_vreg.gather [hbm4b:s7+s3], $0x80, v3, vm0, $0xb8;
	[tilespmem:$0x18180] =	vst v63  }
0x1ed: {  	_ =	swait.ge [sflag:s31], $0x8000  }
0x1ee: {  	[sflag:s31] =	ssyncset.done $0x0  }
0x1ef: {  	s0 =	rddreg [dreg:$0x10];
	[sflag:s31] =	ssyncadd.s32 $0xFFFF8000  }
0x1f0: {  	[hbm4b:s0+s3] =	stream.linear.scatter [tilespmem:s8], [sflag:$0x9], $0x8000, $0x38;
	[tilespmem:$0x18180] =	vst v63  }
0x1f1: {  	s4 =	rddreg [dreg:$0x11]  }
0x1f2: {  	[tilespmem:s9], [sflag:$0x3] =	stream.linear.gather [hbm4b:s4+s3], $0x80, $0x38;
	[tilespmem:$0x18180] =	vst v63  }
0x1f3: {  	_ =	swait.ge [sflag:s1], $0x8000  }
0x1f4: {  	[sflag:s1] =	ssyncset.done $0x0  }
0x1f5: {  	[sflag:s1] =	ssyncadd.s32 $0xFFFF8000  }
0x1f6: {  	_ =	swait.ge [sflag:s22], $0x80  }
0x1f7: {  	[sflag:s22] =	ssyncset.done $0x0  }
0x1f8: {  	[sflag:s22] =	ssyncadd.s32 $0xFFFFFF80  }
0x1f9: {  	v3 =	vld [tilespmem:$0x100];
	_ =	sdelay $0x4  }
0x1fa: {  	v16 =	vshll.u32 v3, $0x3  }
0x1fb: {  	v3 =	vand.u32 $0x7, v3;
	v4 =	vand.u32 $0xFFFFFFC0, v16  }
0x1fc: {  	v3 =	vor.u32 v3, v4  }
0x1fd: {  	v4 =	vperm.xlane v3, v0;
	_ =	sdelay $0x1  }
0x1fe: {  	v4 =	vadd.s32 v1, v4;
	_ =	sdelay $0x4  }
0x1ff: {  	[tilespmem:s8], [sflag:$0x6] =	stream.indirect_vreg.gather [hbm4b:s2+s3], $0x80, v4, vm0, $0xb8;
	[tilespmem:$0x18180] =	vst v63  }
0x200: {  	s9 =	simm.s32 $0x10980;
	v3 =	vperm.xlane v3, v2  }
0x201: {  	[tilespmem:s9], [sflag:$0x6] =	stream.indirect_vreg.gather [hbm4b:s5+s3], $0x80, v4, vm0, $0xb8;
	[tilespmem:$0x18180] =	vst v63  }
0x202: {  	s4 =	simm.s32 $0x11180;
	v3 =	vadd.s32 v1, v3  }
0x203: {  	[tilespmem:s4], [sflag:$0x6] =	stream.indirect_vreg.gather [hbm4b:s6+s3], $0x80, v4, vm0, $0xb8;
	[tilespmem:$0x18180] =	vst v63  }
0x204: {  	s9 =	simm.s32 $0x11980  }
0x205: {  	[tilespmem:s9], [sflag:$0x6] =	stream.indirect_vreg.gather [hbm4b:s7+s3], $0x80, v4, vm0, $0xb8;
	[tilespmem:$0x18180] =	vst v63  }
0x206: {  	s4 =	simm.s32 $0x12180  }
0x207: {  	[tilespmem:s4], [sflag:$0x6] =	stream.indirect_vreg.gather [hbm4b:s2+s3], $0x80, v3, vm0, $0xb8;
	[tilespmem:$0x18180] =	vst v63  }
0x208: {  	s9 =	simm.s32 $0x12980  }
0x209: {  	[tilespmem:s9], [sflag:$0x6] =	stream.indirect_vreg.gather [hbm4b:s5+s3], $0x80, v3, vm0, $0xb8;
	[tilespmem:$0x18180] =	vst v63  }
0x20a: {  	s4 =	simm.s32 $0x13180  }
0x20b: {  	[tilespmem:s4], [sflag:$0x6] =	stream.indirect_vreg.gather [hbm4b:s6+s3], $0x80, v3, vm0, $0xb8;
	[tilespmem:$0x18180] =	vst v63  }
0x20c: {  	s9 =	simm.s32 $0x13980  }
0x20d: {  	[tilespmem:s9], [sflag:$0x6] =	stream.indirect_vreg.gather [hbm4b:s7+s3], $0x80, v3, vm0, $0xb8;
	[tilespmem:$0x18180] =	vst v63  }
0x20e: {  	v3 =	vld [tilespmem:$0x110];
	_ =	sdelay $0x4  }
0x20f: {  	v17 =	vshll.u32 v3, $0x3  }
0x210: {  	v3 =	vand.u32 $0x7, v3;
	v4 =	vand.u32 $0xFFFFFFC0, v17  }
0x211: {  	v3 =	vor.u32 v3, v4  }
0x212: {  	v4 =	vperm.xlane v3, v0;
	_ =	sdelay $0x1  }
0x213: {  	v4 =	vadd.s32 v1, v4;
	_ =	sdelay $0x3  }
0x214: {  	s4 =	simm.s32 $0x14180  }
0x215: {  	[tilespmem:s4], [sflag:$0x6] =	stream.indirect_vreg.gather [hbm4b:s2+s3], $0x80, v4, vm0, $0xb8;
	[tilespmem:$0x18180] =	vst v63  }
0x216: {  	s9 =	simm.s32 $0x14980;
	v3 =	vperm.xlane v3, v2  }
0x217: {  	[tilespmem:s9], [sflag:$0x6] =	stream.indirect_vreg.gather [hbm4b:s5+s3], $0x80, v4, vm0, $0xb8;
	[tilespmem:$0x18180] =	vst v63  }
0x218: {  	v3 =	vadd.s32 v1, v3;
	s4 =	simm.s32 $0x15180  }
0x219: {  	[tilespmem:s4], [sflag:$0x6] =	stream.indirect_vreg.gather [hbm4b:s6+s3], $0x80, v4, vm0, $0xb8;
	[tilespmem:$0x18180] =	vst v63  }
0x21a: {  	s9 =	simm.s32 $0x15980  }
0x21b: {  	[tilespmem:s9], [sflag:$0x6] =	stream.indirect_vreg.gather [hbm4b:s7+s3], $0x80, v4, vm0, $0xb8;
	[tilespmem:$0x18180] =	vst v63  }
0x21c: {  	s4 =	simm.s32 $0x16180  }
0x21d: {  	[tilespmem:s4], [sflag:$0x6] =	stream.indirect_vreg.gather [hbm4b:s2+s3], $0x80, v3, vm0, $0xb8;
	[tilespmem:$0x18180] =	vst v63  }
0x21e: {  	s9 =	simm.s32 $0x16980  }
0x21f: {  	[tilespmem:s9], [sflag:$0x6] =	stream.indirect_vreg.gather [hbm4b:s5+s3], $0x80, v3, vm0, $0xb8;
	[tilespmem:$0x18180] =	vst v63  }
0x220: {  	s4 =	simm.s32 $0x17180  }
0x221: {  	[tilespmem:s4], [sflag:$0x6] =	stream.indirect_vreg.gather [hbm4b:s6+s3], $0x80, v3, vm0, $0xb8;
	[tilespmem:$0x18180] =	vst v63  }
0x222: {  	s9 =	simm.s32 $0x17980  }
0x223: {  	[tilespmem:s9], [sflag:$0x6] =	stream.indirect_vreg.gather [hbm4b:s7+s3], $0x80, v3, vm0, $0xb8;
	[tilespmem:$0x18180] =	vst v63  }
0x224: {  	_ =	swait.ge [sflag:s24], $0x8000  }
0x225: {  	[sflag:s24] =	ssyncset.done $0x0  }
0x226: {  	s4 =	rddreg [dreg:$0x12];
	[sflag:s24] =	ssyncadd.s32 $0xFFFF8000  }
0x227: {  	[hbm4b:s4+s3] =	stream.linear.scatter [tilespmem:s30], [sflag:$0x7], $0x8000, $0x38;
	[tilespmem:$0x18180] =	vst v63  }
0x228: {  	s9 =	rddreg [dreg:$0x13]  }
0x229: {  	[tilespmem:s3], [sflag:$0x1] =	stream.linear.gather [hbm4b:s9+s3], $0x80, $0x38;
	[tilespmem:$0x18180] =	vst v63  }
0x22a: {  	_ =	swait.ge [sflag:s25], $0x8000  }
0x22b: {  	[sflag:s25] =	ssyncset.done $0x0  }
0x22c: {  	[sflag:s25] =	ssyncadd.s32 $0xFFFF8000  }
0x22d: {  	_ =	swait.ge [sflag:s11], $0x80  }
0x22e: {  	[sflag:s11] =	ssyncset.done $0x0  }
0x22f: {  	[sflag:s11] =	ssyncadd.s32 $0xFFFFFF80  }
0x230: {  	v3 =	vld [tilespmem:$0x0];
	_ =	sdelay $0x4  }
0x231: {  	v18 =	vshll.u32 v3, $0x3  }
0x232: {  	v3 =	vand.u32 $0x7, v3;
	v4 =	vand.u32 $0xFFFFFFC0, v18  }
0x233: {  	v3 =	vor.u32 v3, v4  }
0x234: {  	v4 =	vperm.xlane v3, v0;
	_ =	sdelay $0x1  }
0x235: {  	v4 =	vadd.s32 v1, v4;
	_ =	sdelay $0x4  }
0x236: {  	[tilespmem:s30], [sflag:$0x4] =	stream.indirect_vreg.gather [hbm4b:s2+s3], $0x80, v4, vm0, $0xb8;
	[tilespmem:$0x18180] =	vst v63  }
0x237: {  	s4 =	simm.s32 $0x980;
	v3 =	vperm.xlane v3, v2  }
0x238: {  	[tilespmem:s4], [sflag:$0x4] =	stream.indirect_vreg.gather [hbm4b:s5+s3], $0x80, v4, vm0, $0xb8;
	[tilespmem:$0x18180] =	vst v63  }
0x239: {  	s9 =	simm.s32 $0x1180;
	v3 =	vadd.s32 v1, v3  }
0x23a: {  	[tilespmem:s9], [sflag:$0x4] =	stream.indirect_vreg.gather [hbm4b:s6+s3], $0x80, v4, vm0, $0xb8;
	[tilespmem:$0x18180] =	vst v63  }
0x23b: {  	s4 =	simm.s32 $0x1980  }
0x23c: {  	[tilespmem:s4], [sflag:$0x4] =	stream.indirect_vreg.gather [hbm4b:s7+s3], $0x80, v4, vm0, $0xb8;
	[tilespmem:$0x18180] =	vst v63  }
0x23d: {  	s9 =	simm.s32 $0x2180  }
0x23e: {  	[tilespmem:s9], [sflag:$0x4] =	stream.indirect_vreg.gather [hbm4b:s2+s3], $0x80, v3, vm0, $0xb8;
	[tilespmem:$0x18180] =	vst v63  }
0x23f: {  	s4 =	simm.s32 $0x2980  }
0x240: {  	[tilespmem:s4], [sflag:$0x4] =	stream.indirect_vreg.gather [hbm4b:s5+s3], $0x80, v3, vm0, $0xb8;
	[tilespmem:$0x18180] =	vst v63  }
0x241: {  	s9 =	simm.s32 $0x3180  }
0x242: {  	[tilespmem:s9], [sflag:$0x4] =	stream.indirect_vreg.gather [hbm4b:s6+s3], $0x80, v3, vm0, $0xb8;
	[tilespmem:$0x18180] =	vst v63  }
0x243: {  	s4 =	simm.s32 $0x3980  }
0x244: {  	[tilespmem:s4], [sflag:$0x4] =	stream.indirect_vreg.gather [hbm4b:s7+s3], $0x80, v3, vm0, $0xb8;
	[tilespmem:$0x18180] =	vst v63  }
0x245: {  	v3 =	vld [tilespmem:$0x10];
	_ =	sdelay $0x4  }
0x246: {  	v19 =	vshll.u32 v3, $0x3  }
0x247: {  	v3 =	vand.u32 $0x7, v3;
	v4 =	vand.u32 $0xFFFFFFC0, v19  }
0x248: {  	v3 =	vor.u32 v3, v4  }
0x249: {  	v4 =	vperm.xlane v3, v0;
	_ =	sdelay $0x1  }
0x24a: {  	v4 =	vadd.s32 v1, v4;
	_ =	sdelay $0x3  }
0x24b: {  	s9 =	simm.s32 $0x4180  }
0x24c: {  	[tilespmem:s9], [sflag:$0x4] =	stream.indirect_vreg.gather [hbm4b:s2+s3], $0x80, v4, vm0, $0xb8;
	[tilespmem:$0x18180] =	vst v63  }
0x24d: {  	s4 =	simm.s32 $0x4980;
	v3 =	vperm.xlane v3, v2  }
0x24e: {  	[tilespmem:s4], [sflag:$0x4] =	stream.indirect_vreg.gather [hbm4b:s5+s3], $0x80, v4, vm0, $0xb8;
	[tilespmem:$0x18180] =	vst v63  }
0x24f: {  	v3 =	vadd.s32 v1, v3;
	s9 =	simm.s32 $0x5180  }
0x250: {  	[tilespmem:s9], [sflag:$0x4] =	stream.indirect_vreg.gather [hbm4b:s6+s3], $0x80, v4, vm0, $0xb8;
	[tilespmem:$0x18180] =	vst v63  }
0x251: {  	s4 =	simm.s32 $0x5980  }
0x252: {  	[tilespmem:s4], [sflag:$0x4] =	stream.indirect_vreg.gather [hbm4b:s7+s3], $0x80, v4, vm0, $0xb8;
	[tilespmem:$0x18180] =	vst v63  }
0x253: {  	s9 =	simm.s32 $0x6180  }
0x254: {  	[tilespmem:s9], [sflag:$0x4] =	stream.indirect_vreg.gather [hbm4b:s2+s3], $0x80, v3, vm0, $0xb8;
	[tilespmem:$0x18180] =	vst v63  }
0x255: {  	s4 =	simm.s32 $0x6980  }
0x256: {  	[tilespmem:s4], [sflag:$0x4] =	stream.indirect_vreg.gather [hbm4b:s5+s3], $0x80, v3, vm0, $0xb8;
	[tilespmem:$0x18180] =	vst v63  }
0x257: {  	s9 =	simm.s32 $0x7180  }
0x258: {  	[tilespmem:s9], [sflag:$0x4] =	stream.indirect_vreg.gather [hbm4b:s6+s3], $0x80, v3, vm0, $0xb8;
	[tilespmem:$0x18180] =	vst v63  }
0x259: {  	s4 =	simm.s32 $0x7980  }
0x25a: {  	[tilespmem:s4], [sflag:$0x4] =	stream.indirect_vreg.gather [hbm4b:s7+s3], $0x80, v3, vm0, $0xb8;
	[tilespmem:$0x18180] =	vst v63  }
0x25b: {  	_ =	swait.ge [sflag:s26], $0x8000  }
0x25c: {  	[sflag:s26] =	ssyncset.done $0x0  }
0x25d: {  	s9 =	rddreg [dreg:$0x14];
	[sflag:s26] =	ssyncadd.s32 $0xFFFF8000  }
0x25e: {  	[hbm4b:s9+s3] =	stream.linear.scatter [tilespmem:s10], [sflag:$0x8], $0x8000, $0x38;
	[tilespmem:$0x18180] =	vst v63  }
0x25f: {  	s4 =	rddreg [dreg:$0x15];
	s9 =	simm.s32 $0x80  }
0x260: {  	[tilespmem:s9], [sflag:$0x2] =	stream.linear.gather [hbm4b:s4+s3], $0x80, $0x38;
	[tilespmem:$0x18180] =	vst v63  }
0x261: {  	_ =	swait.ge [sflag:s28], $0x8000  }
0x262: {  	[sflag:s28] =	ssyncset.done $0x0  }
0x263: {  	[sflag:s28] =	ssyncadd.s32 $0xFFFF8000  }
0x264: {  	_ =	swait.ge [sflag:s29], $0x80  }
0x265: {  	[sflag:s29] =	ssyncset.done $0x0  }
0x266: {  	[sflag:s29] =	ssyncadd.s32 $0xFFFFFF80  }
0x267: {  	v3 =	vld [tilespmem:$0x80];
	_ =	sdelay $0x4  }
0x268: {  	v20 =	vshll.u32 v3, $0x3  }
0x269: {  	v3 =	vand.u32 $0x7, v3;
	v4 =	vand.u32 $0xFFFFFFC0, v20  }
0x26a: {  	v3 =	vor.u32 v3, v4  }
0x26b: {  	v4 =	vperm.xlane v3, v0;
	_ =	sdelay $0x1  }
0x26c: {  	v4 =	vadd.s32 v1, v4;
	_ =	sdelay $0x4  }
0x26d: {  	[tilespmem:s10], [sflag:$0x5] =	stream.indirect_vreg.gather [hbm4b:s2+s3], $0x80, v4, vm0, $0xb8;
	[tilespmem:$0x18180] =	vst v63  }
0x26e: {  	s23 =	simm.s32 $0x8980;
	v3 =	vperm.xlane v3, v2  }
0x26f: {  	[tilespmem:s23], [sflag:$0x5] =	stream.indirect_vreg.gather [hbm4b:s5+s3], $0x80, v4, vm0, $0xb8;
	[tilespmem:$0x18180] =	vst v63  }
0x270: {  	s13 =	simm.s32 $0x9180;
	v3 =	vadd.s32 v1, v3  }
0x271: {  	[tilespmem:s13], [sflag:$0x5] =	stream.indirect_vreg.gather [hbm4b:s6+s3], $0x80, v4, vm0, $0xb8;
	[tilespmem:$0x18180] =	vst v63  }
0x272: {  	s12 =	simm.s32 $0x9980  }
0x273: {  	[tilespmem:s12], [sflag:$0x5] =	stream.indirect_vreg.gather [hbm4b:s7+s3], $0x80, v4, vm0, $0xb8;
	[tilespmem:$0x18180] =	vst v63  }
0x274: {  	s14 =	simm.s32 $0xA180  }
0x275: {  	[tilespmem:s14], [sflag:$0x5] =	stream.indirect_vreg.gather [hbm4b:s2+s3], $0x80, v3, vm0, $0xb8;
	[tilespmem:$0x18180] =	vst v63  }
0x276: {  	s15 =	simm.s32 $0xA980  }
0x277: {  	[tilespmem:s15], [sflag:$0x5] =	stream.indirect_vreg.gather [hbm4b:s5+s3], $0x80, v3, vm0, $0xb8;
	[tilespmem:$0x18180] =	vst v63  }
0x278: {  	s16 =	simm.s32 $0xB180  }
0x279: {  	[tilespmem:s16], [sflag:$0x5] =	stream.indirect_vreg.gather [hbm4b:s6+s3], $0x80, v3, vm0, $0xb8;
	[tilespmem:$0x18180] =	vst v63  }
0x27a: {  	s12 =	simm.s32 $0xB980  }
0x27b: {  	[tilespmem:s12], [sflag:$0x5] =	stream.indirect_vreg.gather [hbm4b:s7+s3], $0x80, v3, vm0, $0xb8;
	[tilespmem:$0x18180] =	vst v63  }
0x27c: {  	v3 =	vld [tilespmem:$0x90];
	_ =	sdelay $0x4  }
0x27d: {  	v21 =	vshll.u32 v3, $0x3  }
0x27e: {  	v3 =	vand.u32 $0x7, v3;
	v4 =	vand.u32 $0xFFFFFFC0, v21  }
0x27f: {  	v3 =	vor.u32 v3, v4  }
0x280: {  	v4 =	vperm.xlane v3, v0;
	_ =	sdelay $0x1  }
0x281: {  	v4 =	vadd.s32 v1, v4;
	_ =	sdelay $0x3  }
0x282: {  	s4 =	simm.s32 $0xC180  }
0x283: {  	[tilespmem:s4], [sflag:$0x5] =	stream.indirect_vreg.gather [hbm4b:s2+s3], $0x80, v4, vm0, $0xb8;
	[tilespmem:$0x18180] =	vst v63  }
0x284: {  	v3 =	vperm.xlane v3, v2;
	s4 =	simm.s32 $0xC980  }
0x285: {  	[tilespmem:s4], [sflag:$0x5] =	stream.indirect_vreg.gather [hbm4b:s5+s3], $0x80, v4, vm0, $0xb8;
	[tilespmem:$0x18180] =	vst v63  }
0x286: {  	s17 =	simm.s32 $0xD180;
	v3 =	vadd.s32 v1, v3  }
0x287: {  	[tilespmem:s17], [sflag:$0x5] =	stream.indirect_vreg.gather [hbm4b:s6+s3], $0x80, v4, vm0, $0xb8;
	[tilespmem:$0x18180] =	vst v63  }
0x288: {  	s18 =	simm.s32 $0xD980  }
0x289: {  	[tilespmem:s18], [sflag:$0x5] =	stream.indirect_vreg.gather [hbm4b:s7+s3], $0x80, v4, vm0, $0xb8;
	[tilespmem:$0x18180] =	vst v63  }
0x28a: {  	s19 =	simm.s32 $0xE180  }
0x28b: {  	[tilespmem:s19], [sflag:$0x5] =	stream.indirect_vreg.gather [hbm4b:s2+s3], $0x80, v3, vm0, $0xb8;
	[tilespmem:$0x18180] =	vst v63  }
0x28c: {  	s20 =	simm.s32 $0xE980  }
0x28d: {  	[tilespmem:s20], [sflag:$0x5] =	stream.indirect_vreg.gather [hbm4b:s5+s3], $0x80, v3, vm0, $0xb8;
	[tilespmem:$0x18180] =	vst v63  }
0x28e: {  	s21 =	simm.s32 $0xF180  }
0x28f: {  	[tilespmem:s21], [sflag:$0x5] =	stream.indirect_vreg.gather [hbm4b:s6+s3], $0x80, v3, vm0, $0xb8;
	[tilespmem:$0x18180] =	vst v63  }
0x290: {  	s4 =	simm.s32 $0xF980  }
0x291: {  	[tilespmem:s4], [sflag:$0x5] =	stream.indirect_vreg.gather [hbm4b:s7+s3], $0x80, v3, vm0, $0xb8;
	[tilespmem:$0x18180] =	vst v63  }
0x292: {  	_ =	swait.ge [sflag:s31], $0x8000  }
0x293: {  	[sflag:s31] =	ssyncset.done $0x0  }
0x294: {  	s0 =	rddreg [dreg:$0x16];
	[sflag:s31] =	ssyncadd.s32 $0xFFFF8000  }
0x295: {  	[hbm4b:s0+s3] =	stream.linear.scatter [tilespmem:s8], [sflag:$0x9], $0x8000, $0x38;
	[tilespmem:$0x18180] =	vst v63  }
0x296: {  	s4 =	rddreg [dreg:$0x17];
	s0 =	simm.s32 $0x100  }
0x297: {  	[tilespmem:s0], [sflag:$0x3] =	stream.linear.gather [hbm4b:s4+s3], $0x80, $0x38;
	[tilespmem:$0x18180] =	vst v63  }
0x298: {  	_ =	swait.ge [sflag:s1], $0x8000  }
0x299: {  	[sflag:s1] =	ssyncset.done $0x0  }
0x29a: {  	[sflag:s1] =	ssyncadd.s32 $0xFFFF8000  }
0x29b: {  	_ =	swait.ge [sflag:s22], $0x80  }
0x29c: {  	[sflag:s22] =	ssyncset.done $0x0  }
0x29d: {  	[sflag:s22] =	ssyncadd.s32 $0xFFFFFF80  }
0x29e: {  	v3 =	vld [tilespmem:$0x100];
	_ =	sdelay $0x4  }
0x29f: {  	v22 =	vshll.u32 v3, $0x3  }
0x2a0: {  	v3 =	vand.u32 $0x7, v3;
	v4 =	vand.u32 $0xFFFFFFC0, v22  }
0x2a1: {  	v3 =	vor.u32 v3, v4  }
0x2a2: {  	v4 =	vperm.xlane v3, v0;
	_ =	sdelay $0x1  }
0x2a3: {  	v4 =	vadd.s32 v1, v4;
	_ =	sdelay $0x4  }
0x2a4: {  	[tilespmem:s8], [sflag:$0x6] =	stream.indirect_vreg.gather [hbm4b:s2+s3], $0x80, v4, vm0, $0xb8;
	[tilespmem:$0x18180] =	vst v63  }
0x2a5: {  	s4 =	simm.s32 $0x10980;
	v3 =	vperm.xlane v3, v2  }
0x2a6: {  	[tilespmem:s4], [sflag:$0x6] =	stream.indirect_vreg.gather [hbm4b:s5+s3], $0x80, v4, vm0, $0xb8;
	[tilespmem:$0x18180] =	vst v63  }
0x2a7: {  	v3 =	vadd.s32 v1, v3;
	s4 =	simm.s32 $0x11180  }
0x2a8: {  	[tilespmem:s4], [sflag:$0x6] =	stream.indirect_vreg.gather [hbm4b:s6+s3], $0x80, v4, vm0, $0xb8;
	[tilespmem:$0x18180] =	vst v63  }
0x2a9: {  	s4 =	simm.s32 $0x11980  }
0x2aa: {  	[tilespmem:s4], [sflag:$0x6] =	stream.indirect_vreg.gather [hbm4b:s7+s3], $0x80, v4, vm0, $0xb8;
	[tilespmem:$0x18180] =	vst v63  }
0x2ab: {  	s4 =	simm.s32 $0x12180  }
0x2ac: {  	[tilespmem:s4], [sflag:$0x6] =	stream.indirect_vreg.gather [hbm4b:s2+s3], $0x80, v3, vm0, $0xb8;
	[tilespmem:$0x18180] =	vst v63  }
0x2ad: {  	s4 =	simm.s32 $0x12980  }
0x2ae: {  	[tilespmem:s4], [sflag:$0x6] =	stream.indirect_vreg.gather [hbm4b:s5+s3], $0x80, v3, vm0, $0xb8;
	[tilespmem:$0x18180] =	vst v63  }
0x2af: {  	s4 =	simm.s32 $0x13180  }
0x2b0: {  	[tilespmem:s4], [sflag:$0x6] =	stream.indirect_vreg.gather [hbm4b:s6+s3], $0x80, v3, vm0, $0xb8;
	[tilespmem:$0x18180] =	vst v63  }
0x2b1: {  	s4 =	simm.s32 $0x13980  }
0x2b2: {  	[tilespmem:s4], [sflag:$0x6] =	stream.indirect_vreg.gather [hbm4b:s7+s3], $0x80, v3, vm0, $0xb8;
	[tilespmem:$0x18180] =	vst v63  }
0x2b3: {  	v3 =	vld [tilespmem:$0x110];
	_ =	sdelay $0x4  }
0x2b4: {  	v23 =	vshll.u32 v3, $0x3  }
0x2b5: {  	v3 =	vand.u32 $0x7, v3;
	v4 =	vand.u32 $0xFFFFFFC0, v23  }
0x2b6: {  	v3 =	vor.u32 v3, v4  }
0x2b7: {  	v4 =	vperm.xlane v3, v0;
	_ =	sdelay $0x1  }
0x2b8: {  	v4 =	vadd.s32 v1, v4;
	_ =	sdelay $0x3  }
0x2b9: {  	s4 =	simm.s32 $0x14180  }
0x2ba: {  	[tilespmem:s4], [sflag:$0x6] =	stream.indirect_vreg.gather [hbm4b:s2+s3], $0x80, v4, vm0, $0xb8;
	[tilespmem:$0x18180] =	vst v63  }
0x2bb: {  	v3 =	vperm.xlane v3, v2;
	s4 =	simm.s32 $0x14980  }
0x2bc: {  	[tilespmem:s4], [sflag:$0x6] =	stream.indirect_vreg.gather [hbm4b:s5+s3], $0x80, v4, vm0, $0xb8;
	[tilespmem:$0x18180] =	vst v63  }
0x2bd: {  	v3 =	vadd.s32 v1, v3;
	s4 =	simm.s32 $0x15180  }
0x2be: {  	[tilespmem:s4], [sflag:$0x6] =	stream.indirect_vreg.gather [hbm4b:s6+s3], $0x80, v4, vm0, $0xb8;
	[tilespmem:$0x18180] =	vst v63  }
0x2bf: {  	s4 =	simm.s32 $0x15980  }
0x2c0: {  	[tilespmem:s4], [sflag:$0x6] =	stream.indirect_vreg.gather [hbm4b:s7+s3], $0x80, v4, vm0, $0xb8;
	[tilespmem:$0x18180] =	vst v63  }
0x2c1: {  	s4 =	simm.s32 $0x16180  }
0x2c2: {  	[tilespmem:s4], [sflag:$0x6] =	stream.indirect_vreg.gather [hbm4b:s2+s3], $0x80, v3, vm0, $0xb8;
	[tilespmem:$0x18180] =	vst v63  }
0x2c3: {  	s4 =	simm.s32 $0x16980  }
0x2c4: {  	[tilespmem:s4], [sflag:$0x6] =	stream.indirect_vreg.gather [hbm4b:s5+s3], $0x80, v3, vm0, $0xb8;
	[tilespmem:$0x18180] =	vst v63  }
0x2c5: {  	s4 =	simm.s32 $0x17180  }
0x2c6: {  	[tilespmem:s4], [sflag:$0x6] =	stream.indirect_vreg.gather [hbm4b:s6+s3], $0x80, v3, vm0, $0xb8;
	[tilespmem:$0x18180] =	vst v63  }
0x2c7: {  	s4 =	simm.s32 $0x17980  }
0x2c8: {  	[tilespmem:s4], [sflag:$0x6] =	stream.indirect_vreg.gather [hbm4b:s7+s3], $0x80, v3, vm0, $0xb8;
	[tilespmem:$0x18180] =	vst v63  }
0x2c9: {  	_ =	swait.ge [sflag:s24], $0x8000  }
0x2ca: {  	[sflag:s24] =	ssyncset.done $0x0  }
0x2cb: {  	s0 =	rddreg [dreg:$0x18];
	[sflag:s24] =	ssyncadd.s32 $0xFFFF8000  }
0x2cc: {  	[hbm4b:s0+s3] =	stream.linear.scatter [tilespmem:s30], [sflag:$0x7], $0x8000, $0x38;
	[tilespmem:$0x18180] =	vst v63  }
0x2cd: {  	s4 =	rddreg [dreg:$0x19]  }
0x2ce: {  	[tilespmem:s3], [sflag:$0x1] =	stream.linear.gather [hbm4b:s4+s3], $0x80, $0x38;
	[tilespmem:$0x18180] =	vst v63  }
0x2cf: {  	_ =	swait.ge [sflag:s25], $0x8000  }
0x2d0: {  	[sflag:s25] =	ssyncset.done $0x0  }
0x2d1: {  	[sflag:s25] =	ssyncadd.s32 $0xFFFF8000  }
0x2d2: {  	_ =	swait.ge [sflag:s11], $0x80  }
0x2d3: {  	[sflag:s11] =	ssyncset.done $0x0  }
0x2d4: {  	[sflag:s11] =	ssyncadd.s32 $0xFFFFFF80  }
0x2d5: {  	v3 =	vld [tilespmem:$0x0];
	_ =	sdelay $0x4  }
0x2d6: {  	v24 =	vshll.u32 v3, $0x3  }
0x2d7: {  	v3 =	vand.u32 $0x7, v3;
	v4 =	vand.u32 $0xFFFFFFC0, v24  }
0x2d8: {  	v3 =	vor.u32 v3, v4  }
0x2d9: {  	v4 =	vperm.xlane v3, v0;
	_ =	sdelay $0x1  }
0x2da: {  	v4 =	vadd.s32 v1, v4;
	_ =	sdelay $0x4  }
0x2db: {  	[tilespmem:s30], [sflag:$0x4] =	stream.indirect_vreg.gather [hbm4b:s2+s3], $0x80, v4, vm0, $0xb8;
	[tilespmem:$0x18180] =	vst v63  }
0x2dc: {  	s4 =	simm.s32 $0x980;
	v3 =	vperm.xlane v3, v2  }
0x2dd: {  	[tilespmem:s4], [sflag:$0x4] =	stream.indirect_vreg.gather [hbm4b:s5+s3], $0x80, v4, vm0, $0xb8;
	[tilespmem:$0x18180] =	vst v63  }
0x2de: {  	v3 =	vadd.s32 v1, v3;
	s4 =	simm.s32 $0x1180  }
0x2df: {  	[tilespmem:s4], [sflag:$0x4] =	stream.indirect_vreg.gather [hbm4b:s6+s3], $0x80, v4, vm0, $0xb8;
	[tilespmem:$0x18180] =	vst v63  }
0x2e0: {  	s4 =	simm.s32 $0x1980  }
0x2e1: {  	[tilespmem:s4], [sflag:$0x4] =	stream.indirect_vreg.gather [hbm4b:s7+s3], $0x80, v4, vm0, $0xb8;
	[tilespmem:$0x18180] =	vst v63  }
0x2e2: {  	s4 =	simm.s32 $0x2180  }
0x2e3: {  	[tilespmem:s4], [sflag:$0x4] =	stream.indirect_vreg.gather [hbm4b:s2+s3], $0x80, v3, vm0, $0xb8;
	[tilespmem:$0x18180] =	vst v63  }
0x2e4: {  	s4 =	simm.s32 $0x2980  }
0x2e5: {  	[tilespmem:s4], [sflag:$0x4] =	stream.indirect_vreg.gather [hbm4b:s5+s3], $0x80, v3, vm0, $0xb8;
	[tilespmem:$0x18180] =	vst v63  }
0x2e6: {  	s4 =	simm.s32 $0x3180  }
0x2e7: {  	[tilespmem:s4], [sflag:$0x4] =	stream.indirect_vreg.gather [hbm4b:s6+s3], $0x80, v3, vm0, $0xb8;
	[tilespmem:$0x18180] =	vst v63  }
0x2e8: {  	s4 =	simm.s32 $0x3980  }
0x2e9: {  	[tilespmem:s4], [sflag:$0x4] =	stream.indirect_vreg.gather [hbm4b:s7+s3], $0x80, v3, vm0, $0xb8;
	[tilespmem:$0x18180] =	vst v63  }
0x2ea: {  	v3 =	vld [tilespmem:$0x10];
	_ =	sdelay $0x4  }
0x2eb: {  	v25 =	vshll.u32 v3, $0x3  }
0x2ec: {  	v3 =	vand.u32 $0x7, v3;
	v4 =	vand.u32 $0xFFFFFFC0, v25  }
0x2ed: {  	v3 =	vor.u32 v3, v4  }
0x2ee: {  	v4 =	vperm.xlane v3, v0;
	_ =	sdelay $0x1  }
0x2ef: {  	v4 =	vadd.s32 v1, v4;
	_ =	sdelay $0x3  }
0x2f0: {  	s4 =	simm.s32 $0x4180  }
0x2f1: {  	[tilespmem:s4], [sflag:$0x4] =	stream.indirect_vreg.gather [hbm4b:s2+s3], $0x80, v4, vm0, $0xb8;
	[tilespmem:$0x18180] =	vst v63  }
0x2f2: {  	v3 =	vperm.xlane v3, v2;
	s4 =	simm.s32 $0x4980  }
0x2f3: {  	[tilespmem:s4], [sflag:$0x4] =	stream.indirect_vreg.gather [hbm4b:s5+s3], $0x80, v4, vm0, $0xb8;
	[tilespmem:$0x18180] =	vst v63  }
0x2f4: {  	v3 =	vadd.s32 v1, v3;
	s4 =	simm.s32 $0x5180  }
0x2f5: {  	[tilespmem:s4], [sflag:$0x4] =	stream.indirect_vreg.gather [hbm4b:s6+s3], $0x80, v4, vm0, $0xb8;
	[tilespmem:$0x18180] =	vst v63  }
0x2f6: {  	s4 =	simm.s32 $0x5980  }
0x2f7: {  	[tilespmem:s4], [sflag:$0x4] =	stream.indirect_vreg.gather [hbm4b:s7+s3], $0x80, v4, vm0, $0xb8;
	[tilespmem:$0x18180] =	vst v63  }
0x2f8: {  	s4 =	simm.s32 $0x6180  }
0x2f9: {  	[tilespmem:s4], [sflag:$0x4] =	stream.indirect_vreg.gather [hbm4b:s2+s3], $0x80, v3, vm0, $0xb8;
	[tilespmem:$0x18180] =	vst v63  }
0x2fa: {  	s4 =	simm.s32 $0x6980  }
0x2fb: {  	[tilespmem:s4], [sflag:$0x4] =	stream.indirect_vreg.gather [hbm4b:s5+s3], $0x80, v3, vm0, $0xb8;
	[tilespmem:$0x18180] =	vst v63  }
0x2fc: {  	s4 =	simm.s32 $0x7180  }
0x2fd: {  	[tilespmem:s4], [sflag:$0x4] =	stream.indirect_vreg.gather [hbm4b:s6+s3], $0x80, v3, vm0, $0xb8;
	[tilespmem:$0x18180] =	vst v63  }
0x2fe: {  	s4 =	simm.s32 $0x7980  }
0x2ff: {  	[tilespmem:s4], [sflag:$0x4] =	stream.indirect_vreg.gather [hbm4b:s7+s3], $0x80, v3, vm0, $0xb8;
	[tilespmem:$0x18180] =	vst v63  }
0x300: {  	_ =	swait.ge [sflag:s26], $0x8000  }
0x301: {  	[sflag:s26] =	ssyncset.done $0x0  }
0x302: {  	s0 =	rddreg [dreg:$0x1a];
	[sflag:s26] =	ssyncadd.s32 $0xFFFF8000  }
0x303: {  	[hbm4b:s0+s3] =	stream.linear.scatter [tilespmem:s10], [sflag:$0x8], $0x8000, $0x38;
	[tilespmem:$0x18180] =	vst v63  }
0x304: {  	s9 =	simm.s32 $0x80;
	s4 =	rddreg [dreg:$0x1b]  }
0x305: {  	[tilespmem:s9], [sflag:$0x2] =	stream.linear.gather [hbm4b:s4+s3], $0x80, $0x38;
	[tilespmem:$0x18180] =	vst v63  }
0x306: {  	_ =	swait.ge [sflag:s28], $0x8000  }
0x307: {  	[sflag:s28] =	ssyncset.done $0x0  }
0x308: {  	[sflag:s28] =	ssyncadd.s32 $0xFFFF8000  }
0x309: {  	_ =	swait.ge [sflag:s29], $0x80  }
0x30a: {  	[sflag:s29] =	ssyncset.done $0x0  }
0x30b: {  	[sflag:s29] =	ssyncadd.s32 $0xFFFFFF80  }
0x30c: {  	v3 =	vld [tilespmem:$0x80];
	_ =	sdelay $0x4  }
0x30d: {  	v26 =	vshll.u32 v3, $0x3  }
0x30e: {  	v3 =	vand.u32 $0x7, v3;
	v4 =	vand.u32 $0xFFFFFFC0, v26  }
0x30f: {  	v3 =	vor.u32 v3, v4  }
0x310: {  	v4 =	vperm.xlane v3, v0;
	_ =	sdelay $0x1  }
0x311: {  	v4 =	vadd.s32 v1, v4;
	_ =	sdelay $0x4  }
0x312: {  	[tilespmem:s10], [sflag:$0x5] =	stream.indirect_vreg.gather [hbm4b:s2+s3], $0x80, v4, vm0, $0xb8;
	[tilespmem:$0x18180] =	vst v63  }
0x313: {  	s23 =	simm.s32 $0x8980;
	v3 =	vperm.xlane v3, v2  }
0x314: {  	[tilespmem:s23], [sflag:$0x5] =	stream.indirect_vreg.gather [hbm4b:s5+s3], $0x80, v4, vm0, $0xb8;
	[tilespmem:$0x18180] =	vst v63  }
0x315: {  	s4 =	simm.s32 $0x9180;
	v3 =	vadd.s32 v1, v3  }
0x316: {  	[tilespmem:s4], [sflag:$0x5] =	stream.indirect_vreg.gather [hbm4b:s6+s3], $0x80, v4, vm0, $0xb8;
	[tilespmem:$0x18180] =	vst v63  }
0x317: {  	s13 =	simm.s32 $0x9980  }
0x318: {  	[tilespmem:s13], [sflag:$0x5] =	stream.indirect_vreg.gather [hbm4b:s7+s3], $0x80, v4, vm0, $0xb8;
	[tilespmem:$0x18180] =	vst v63  }
0x319: {  	s14 =	simm.s32 $0xA180  }
0x31a: {  	[tilespmem:s14], [sflag:$0x5] =	stream.indirect_vreg.gather [hbm4b:s2+s3], $0x80, v3, vm0, $0xb8;
	[tilespmem:$0x18180] =	vst v63  }
0x31b: {  	s15 =	simm.s32 $0xA980  }
0x31c: {  	[tilespmem:s15], [sflag:$0x5] =	stream.indirect_vreg.gather [hbm4b:s5+s3], $0x80, v3, vm0, $0xb8;
	[tilespmem:$0x18180] =	vst v63  }
0x31d: {  	s16 =	simm.s32 $0xB180  }
0x31e: {  	[tilespmem:s16], [sflag:$0x5] =	stream.indirect_vreg.gather [hbm4b:s6+s3], $0x80, v3, vm0, $0xb8;
	[tilespmem:$0x18180] =	vst v63  }
0x31f: {  	s12 =	simm.s32 $0xB980  }
0x320: {  	[tilespmem:s12], [sflag:$0x5] =	stream.indirect_vreg.gather [hbm4b:s7+s3], $0x80, v3, vm0, $0xb8;
	[tilespmem:$0x18180] =	vst v63  }
0x321: {  	v3 =	vld [tilespmem:$0x90];
	_ =	sdelay $0x4  }
0x322: {  	v27 =	vshll.u32 v3, $0x3  }
0x323: {  	v3 =	vand.u32 $0x7, v3;
	v4 =	vand.u32 $0xFFFFFFC0, v27  }
0x324: {  	v3 =	vor.u32 v3, v4  }
0x325: {  	v4 =	vperm.xlane v3, v0;
	_ =	sdelay $0x1  }
0x326: {  	v4 =	vadd.s32 v1, v4;
	_ =	sdelay $0x3  }
0x327: {  	s4 =	simm.s32 $0xC180  }
0x328: {  	[tilespmem:s4], [sflag:$0x5] =	stream.indirect_vreg.gather [hbm4b:s2+s3], $0x80, v4, vm0, $0xb8;
	[tilespmem:$0x18180] =	vst v63  }
0x329: {  	s12 =	simm.s32 $0xC980;
	v3 =	vperm.xlane v3, v2  }
0x32a: {  	[tilespmem:s12], [sflag:$0x5] =	stream.indirect_vreg.gather [hbm4b:s5+s3], $0x80, v4, vm0, $0xb8;
	[tilespmem:$0x18180] =	vst v63  }
0x32b: {  	s17 =	simm.s32 $0xD180;
	v3 =	vadd.s32 v1, v3  }
0x32c: {  	[tilespmem:s17], [sflag:$0x5] =	stream.indirect_vreg.gather [hbm4b:s6+s3], $0x80, v4, vm0, $0xb8;
	[tilespmem:$0x18180] =	vst v63  }
0x32d: {  	s18 =	simm.s32 $0xD980  }
0x32e: {  	[tilespmem:s18], [sflag:$0x5] =	stream.indirect_vreg.gather [hbm4b:s7+s3], $0x80, v4, vm0, $0xb8;
	[tilespmem:$0x18180] =	vst v63  }
0x32f: {  	s19 =	simm.s32 $0xE180  }
0x330: {  	[tilespmem:s19], [sflag:$0x5] =	stream.indirect_vreg.gather [hbm4b:s2+s3], $0x80, v3, vm0, $0xb8;
	[tilespmem:$0x18180] =	vst v63  }
0x331: {  	s20 =	simm.s32 $0xE980  }
0x332: {  	[tilespmem:s20], [sflag:$0x5] =	stream.indirect_vreg.gather [hbm4b:s5+s3], $0x80, v3, vm0, $0xb8;
	[tilespmem:$0x18180] =	vst v63  }
0x333: {  	s21 =	simm.s32 $0xF180  }
0x334: {  	[tilespmem:s21], [sflag:$0x5] =	stream.indirect_vreg.gather [hbm4b:s6+s3], $0x80, v3, vm0, $0xb8;
	[tilespmem:$0x18180] =	vst v63  }
0x335: {  	s21 =	simm.s32 $0xF980  }
0x336: {  	[tilespmem:s21], [sflag:$0x5] =	stream.indirect_vreg.gather [hbm4b:s7+s3], $0x80, v3, vm0, $0xb8;
	[tilespmem:$0x18180] =	vst v63  }
0x337: {  	_ =	swait.ge [sflag:s31], $0x8000  }
0x338: {  	[sflag:s31] =	ssyncset.done $0x0  }
0x339: {  	s0 =	rddreg [dreg:$0x1c];
	[sflag:s31] =	ssyncadd.s32 $0xFFFF8000  }
0x33a: {  	[hbm4b:s0+s3] =	stream.linear.scatter [tilespmem:s8], [sflag:$0x9], $0x8000, $0x38;
	[tilespmem:$0x18180] =	vst v63  }
0x33b: {  	s4 =	rddreg [dreg:$0x1d];
	s0 =	simm.s32 $0x100  }
0x33c: {  	[tilespmem:s0], [sflag:$0x3] =	stream.linear.gather [hbm4b:s4+s3], $0x80, $0x38;
	[tilespmem:$0x18180] =	vst v63  }
0x33d: {  	_ =	swait.ge [sflag:s1], $0x8000  }
0x33e: {  	[sflag:s1] =	ssyncset.done $0x0  }
0x33f: {  	[sflag:s1] =	ssyncadd.s32 $0xFFFF8000  }
0x340: {  	_ =	swait.ge [sflag:s22], $0x80  }
0x341: {  	[sflag:s22] =	ssyncset.done $0x0  }
0x342: {  	[sflag:s22] =	ssyncadd.s32 $0xFFFFFF80  }
0x343: {  	v3 =	vld [tilespmem:$0x100];
	_ =	sdelay $0x4  }
0x344: {  	v28 =	vshll.u32 v3, $0x3  }
0x345: {  	v3 =	vand.u32 $0x7, v3;
	v4 =	vand.u32 $0xFFFFFFC0, v28  }
0x346: {  	v3 =	vor.u32 v3, v4  }
0x347: {  	v4 =	vperm.xlane v3, v0;
	_ =	sdelay $0x1  }
0x348: {  	v4 =	vadd.s32 v1, v4;
	_ =	sdelay $0x4  }
0x349: {  	[tilespmem:s8], [sflag:$0x6] =	stream.indirect_vreg.gather [hbm4b:s2+s3], $0x80, v4, vm0, $0xb8;
	[tilespmem:$0x18180] =	vst v63  }
0x34a: {  	s4 =	simm.s32 $0x10980;
	v3 =	vperm.xlane v3, v2  }
0x34b: {  	[tilespmem:s4], [sflag:$0x6] =	stream.indirect_vreg.gather [hbm4b:s5+s3], $0x80, v4, vm0, $0xb8;
	[tilespmem:$0x18180] =	vst v63  }
0x34c: {  	v3 =	vadd.s32 v1, v3;
	s4 =	simm.s32 $0x11180  }
0x34d: {  	[tilespmem:s4], [sflag:$0x6] =	stream.indirect_vreg.gather [hbm4b:s6+s3], $0x80, v4, vm0, $0xb8;
	[tilespmem:$0x18180] =	vst v63  }
0x34e: {  	s4 =	simm.s32 $0x11980  }
0x34f: {  	[tilespmem:s4], [sflag:$0x6] =	stream.indirect_vreg.gather [hbm4b:s7+s3], $0x80, v4, vm0, $0xb8;
	[tilespmem:$0x18180] =	vst v63  }
0x350: {  	s4 =	simm.s32 $0x12180  }
0x351: {  	[tilespmem:s4], [sflag:$0x6] =	stream.indirect_vreg.gather [hbm4b:s2+s3], $0x80, v3, vm0, $0xb8;
	[tilespmem:$0x18180] =	vst v63  }
0x352: {  	s4 =	simm.s32 $0x12980  }
0x353: {  	[tilespmem:s4], [sflag:$0x6] =	stream.indirect_vreg.gather [hbm4b:s5+s3], $0x80, v3, vm0, $0xb8;
	[tilespmem:$0x18180] =	vst v63  }
0x354: {  	s4 =	simm.s32 $0x13180  }
0x355: {  	[tilespmem:s4], [sflag:$0x6] =	stream.indirect_vreg.gather [hbm4b:s6+s3], $0x80, v3, vm0, $0xb8;
	[tilespmem:$0x18180] =	vst v63  }
0x356: {  	s4 =	simm.s32 $0x13980  }
0x357: {  	[tilespmem:s4], [sflag:$0x6] =	stream.indirect_vreg.gather [hbm4b:s7+s3], $0x80, v3, vm0, $0xb8;
	[tilespmem:$0x18180] =	vst v63  }
0x358: {  	v3 =	vld [tilespmem:$0x110];
	_ =	sdelay $0x4  }
0x359: {  	v29 =	vshll.u32 v3, $0x3  }
0x35a: {  	v3 =	vand.u32 $0x7, v3;
	v4 =	vand.u32 $0xFFFFFFC0, v29  }
0x35b: {  	v3 =	vor.u32 v3, v4  }
0x35c: {  	v4 =	vperm.xlane v3, v0;
	_ =	sdelay $0x1  }
0x35d: {  	v4 =	vadd.s32 v1, v4;
	_ =	sdelay $0x3  }
0x35e: {  	s4 =	simm.s32 $0x14180  }
0x35f: {  	[tilespmem:s4], [sflag:$0x6] =	stream.indirect_vreg.gather [hbm4b:s2+s3], $0x80, v4, vm0, $0xb8;
	[tilespmem:$0x18180] =	vst v63  }
0x360: {  	v3 =	vperm.xlane v3, v2;
	s4 =	simm.s32 $0x14980  }
0x361: {  	[tilespmem:s4], [sflag:$0x6] =	stream.indirect_vreg.gather [hbm4b:s5+s3], $0x80, v4, vm0, $0xb8;
	[tilespmem:$0x18180] =	vst v63  }
0x362: {  	v3 =	vadd.s32 v1, v3;
	s4 =	simm.s32 $0x15180  }
0x363: {  	[tilespmem:s4], [sflag:$0x6] =	stream.indirect_vreg.gather [hbm4b:s6+s3], $0x80, v4, vm0, $0xb8;
	[tilespmem:$0x18180] =	vst v63  }
0x364: {  	s4 =	simm.s32 $0x15980  }
0x365: {  	[tilespmem:s4], [sflag:$0x6] =	stream.indirect_vreg.gather [hbm4b:s7+s3], $0x80, v4, vm0, $0xb8;
	[tilespmem:$0x18180] =	vst v63  }
0x366: {  	s4 =	simm.s32 $0x16180  }
0x367: {  	[tilespmem:s4], [sflag:$0x6] =	stream.indirect_vreg.gather [hbm4b:s2+s3], $0x80, v3, vm0, $0xb8;
	[tilespmem:$0x18180] =	vst v63  }
0x368: {  	s4 =	simm.s32 $0x16980  }
0x369: {  	[tilespmem:s4], [sflag:$0x6] =	stream.indirect_vreg.gather [hbm4b:s5+s3], $0x80, v3, vm0, $0xb8;
	[tilespmem:$0x18180] =	vst v63  }
0x36a: {  	s4 =	simm.s32 $0x17180  }
0x36b: {  	[tilespmem:s4], [sflag:$0x6] =	stream.indirect_vreg.gather [hbm4b:s6+s3], $0x80, v3, vm0, $0xb8;
	[tilespmem:$0x18180] =	vst v63  }
0x36c: {  	s4 =	simm.s32 $0x17980  }
0x36d: {  	[tilespmem:s4], [sflag:$0x6] =	stream.indirect_vreg.gather [hbm4b:s7+s3], $0x80, v3, vm0, $0xb8;
	[tilespmem:$0x18180] =	vst v63  }
0x36e: {  	_ =	swait.ge [sflag:s24], $0x8000  }
0x36f: {  	[sflag:s24] =	ssyncset.done $0x0  }
0x370: {  	s0 =	rddreg [dreg:$0x1e];
	[sflag:s24] =	ssyncadd.s32 $0xFFFF8000  }
0x371: {  	[hbm4b:s0+s3] =	stream.linear.scatter [tilespmem:s30], [sflag:$0x7], $0x8000, $0x38;
	[tilespmem:$0x18180] =	vst v63  }
0x372: {  	s4 =	rddreg [dreg:$0x1f]  }
0x373: {  	[tilespmem:s3], [sflag:$0x1] =	stream.linear.gather [hbm4b:s4+s3], $0x80, $0x38;
	[tilespmem:$0x18180] =	vst v63  }
0x374: {  	_ =	swait.ge [sflag:s25], $0x8000  }
0x375: {  	[sflag:s25] =	ssyncset.done $0x0  }
0x376: {  	[sflag:s25] =	ssyncadd.s32 $0xFFFF8000  }
0x377: {  	_ =	swait.ge [sflag:s11], $0x80  }
0x378: {  	[sflag:s11] =	ssyncset.done $0x0  }
0x379: {  	[sflag:s11] =	ssyncadd.s32 $0xFFFFFF80  }
0x37a: {  	v3 =	vld [tilespmem:$0x0];
	_ =	sdelay $0x4  }
0x37b: {  	v30 =	vshll.u32 v3, $0x3  }
0x37c: {  	v3 =	vand.u32 $0x7, v3;
	v4 =	vand.u32 $0xFFFFFFC0, v30  }
0x37d: {  	v3 =	vor.u32 v3, v4  }
0x37e: {  	v4 =	vperm.xlane v3, v0;
	_ =	sdelay $0x1  }
0x37f: {  	v4 =	vadd.s32 v1, v4;
	_ =	sdelay $0x4  }
0x380: {  	[tilespmem:s30], [sflag:$0x4] =	stream.indirect_vreg.gather [hbm4b:s2+s3], $0x80, v4, vm0, $0xb8;
	[tilespmem:$0x18180] =	vst v63  }
0x381: {  	s4 =	simm.s32 $0x980;
	v3 =	vperm.xlane v3, v2  }
0x382: {  	[tilespmem:s4], [sflag:$0x4] =	stream.indirect_vreg.gather [hbm4b:s5+s3], $0x80, v4, vm0, $0xb8;
	[tilespmem:$0x18180] =	vst v63  }
0x383: {  	v3 =	vadd.s32 v1, v3;
	s4 =	simm.s32 $0x1180  }
0x384: {  	[tilespmem:s4], [sflag:$0x4] =	stream.indirect_vreg.gather [hbm4b:s6+s3], $0x80, v4, vm0, $0xb8;
	[tilespmem:$0x18180] =	vst v63  }
0x385: {  	s4 =	simm.s32 $0x1980  }
0x386: {  	[tilespmem:s4], [sflag:$0x4] =	stream.indirect_vreg.gather [hbm4b:s7+s3], $0x80, v4, vm0, $0xb8;
	[tilespmem:$0x18180] =	vst v63  }
0x387: {  	s4 =	simm.s32 $0x2180  }
0x388: {  	[tilespmem:s4], [sflag:$0x4] =	stream.indirect_vreg.gather [hbm4b:s2+s3], $0x80, v3, vm0, $0xb8;
	[tilespmem:$0x18180] =	vst v63  }
0x389: {  	s4 =	simm.s32 $0x2980  }
0x38a: {  	[tilespmem:s4], [sflag:$0x4] =	stream.indirect_vreg.gather [hbm4b:s5+s3], $0x80, v3, vm0, $0xb8;
	[tilespmem:$0x18180] =	vst v63  }
0x38b: {  	s4 =	simm.s32 $0x3180  }
0x38c: {  	[tilespmem:s4], [sflag:$0x4] =	stream.indirect_vreg.gather [hbm4b:s6+s3], $0x80, v3, vm0, $0xb8;
	[tilespmem:$0x18180] =	vst v63  }
0x38d: {  	s4 =	simm.s32 $0x3980  }
0x38e: {  	[tilespmem:s4], [sflag:$0x4] =	stream.indirect_vreg.gather [hbm4b:s7+s3], $0x80, v3, vm0, $0xb8;
	[tilespmem:$0x18180] =	vst v63  }
0x38f: {  	v3 =	vld [tilespmem:$0x10];
	_ =	sdelay $0x4  }
0x390: {  	v31 =	vshll.u32 v3, $0x3  }
0x391: {  	v3 =	vand.u32 $0x7, v3;
	v4 =	vand.u32 $0xFFFFFFC0, v31  }
0x392: {  	v3 =	vor.u32 v3, v4  }
0x393: {  	v4 =	vperm.xlane v3, v0;
	_ =	sdelay $0x1  }
0x394: {  	v4 =	vadd.s32 v1, v4;
	_ =	sdelay $0x3  }
0x395: {  	s4 =	simm.s32 $0x4180  }
0x396: {  	[tilespmem:s4], [sflag:$0x4] =	stream.indirect_vreg.gather [hbm4b:s2+s3], $0x80, v4, vm0, $0xb8;
	[tilespmem:$0x18180] =	vst v63  }
0x397: {  	v3 =	vperm.xlane v3, v2;
	s4 =	simm.s32 $0x4980  }
0x398: {  	[tilespmem:s4], [sflag:$0x4] =	stream.indirect_vreg.gather [hbm4b:s5+s3], $0x80, v4, vm0, $0xb8;
	[tilespmem:$0x18180] =	vst v63  }
0x399: {  	v3 =	vadd.s32 v1, v3;
	s4 =	simm.s32 $0x5180  }
0x39a: {  	[tilespmem:s4], [sflag:$0x4] =	stream.indirect_vreg.gather [hbm4b:s6+s3], $0x80, v4, vm0, $0xb8;
	[tilespmem:$0x18180] =	vst v63  }
0x39b: {  	s4 =	simm.s32 $0x5980  }
0x39c: {  	[tilespmem:s4], [sflag:$0x4] =	stream.indirect_vreg.gather [hbm4b:s7+s3], $0x80, v4, vm0, $0xb8;
	[tilespmem:$0x18180] =	vst v63  }
0x39d: {  	s4 =	simm.s32 $0x6180  }
0x39e: {  	[tilespmem:s4], [sflag:$0x4] =	stream.indirect_vreg.gather [hbm4b:s2+s3], $0x80, v3, vm0, $0xb8;
	[tilespmem:$0x18180] =	vst v63  }
0x39f: {  	s4 =	simm.s32 $0x6980  }
0x3a0: {  	[tilespmem:s4], [sflag:$0x4] =	stream.indirect_vreg.gather [hbm4b:s5+s3], $0x80, v3, vm0, $0xb8;
	[tilespmem:$0x18180] =	vst v63  }
0x3a1: {  	s4 =	simm.s32 $0x7180  }
0x3a2: {  	[tilespmem:s4], [sflag:$0x4] =	stream.indirect_vreg.gather [hbm4b:s6+s3], $0x80, v3, vm0, $0xb8;
	[tilespmem:$0x18180] =	vst v63  }
0x3a3: {  	s4 =	simm.s32 $0x7980  }
0x3a4: {  	[tilespmem:s4], [sflag:$0x4] =	stream.indirect_vreg.gather [hbm4b:s7+s3], $0x80, v3, vm0, $0xb8;
	[tilespmem:$0x18180] =	vst v63  }
0x3a5: {  	_ =	swait.ge [sflag:s26], $0x8000  }
0x3a6: {  	s0 =	sld [smem:$0x7DA]  }
0x3a7: {  	[sflag:s26] =	ssyncset.done $0x0  }
0x3a8: {  	s4 =	sld [smem:$0x7DB];
	[sflag:s26] =	ssyncadd.s32 $0xFFFF8000  }
0x3a9: {  	[hbm4b:s0+s3] =	stream.linear.scatter [tilespmem:s10], [sflag:$0x8], $0x8000, $0x38;
	[tilespmem:$0x18180] =	vst v63  }
0x3aa: {  	s9 =	simm.s32 $0x80  }
0x3ab: {  	[tilespmem:s9], [sflag:$0x2] =	stream.linear.gather [hbm4b:s4+s3], $0x80, $0x38;
	[tilespmem:$0x18180] =	vst v63  }
0x3ac: {  	_ =	swait.ge [sflag:s28], $0x8000  }
0x3ad: {  	[sflag:s28] =	ssyncset.done $0x0  }
0x3ae: {  	[sflag:s28] =	ssyncadd.s32 $0xFFFF8000  }
0x3af: {  	_ =	swait.ge [sflag:s29], $0x80  }
0x3b0: {  	[sflag:s29] =	ssyncset.done $0x0  }
0x3b1: {  	[sflag:s29] =	ssyncadd.s32 $0xFFFFFF80  }
0x3b2: {  	v3 =	vld [tilespmem:$0x80];
	_ =	sdelay $0x4  }
0x3b3: {  	v32 =	vshll.u32 v3, $0x3  }
0x3b4: {  	v3 =	vand.u32 $0x7, v3;
	v4 =	vand.u32 $0xFFFFFFC0, v32  }
0x3b5: {  	v3 =	vor.u32 v3, v4  }
0x3b6: {  	v4 =	vperm.xlane v3, v0;
	_ =	sdelay $0x1  }
0x3b7: {  	v4 =	vadd.s32 v1, v4;
	_ =	sdelay $0x4  }
0x3b8: {  	[tilespmem:s10], [sflag:$0x5] =	stream.indirect_vreg.gather [hbm4b:s2+s3], $0x80, v4, vm0, $0xb8;
	[tilespmem:$0x18180] =	vst v63  }
0x3b9: {  	s23 =	simm.s32 $0x8980;
	v3 =	vperm.xlane v3, v2  }
0x3ba: {  	[tilespmem:s23], [sflag:$0x5] =	stream.indirect_vreg.gather [hbm4b:s5+s3], $0x80, v4, vm0, $0xb8;
	[tilespmem:$0x18180] =	vst v63  }
0x3bb: {  	s4 =	simm.s32 $0x9180;
	v3 =	vadd.s32 v1, v3  }
0x3bc: {  	[tilespmem:s4], [sflag:$0x5] =	stream.indirect_vreg.gather [hbm4b:s6+s3], $0x80, v4, vm0, $0xb8;
	[tilespmem:$0x18180] =	vst v63  }
0x3bd: {  	s13 =	simm.s32 $0x9980  }
0x3be: {  	[tilespmem:s13], [sflag:$0x5] =	stream.indirect_vreg.gather [hbm4b:s7+s3], $0x80, v4, vm0, $0xb8;
	[tilespmem:$0x18180] =	vst v63  }
0x3bf: {  	s14 =	simm.s32 $0xA180  }
0x3c0: {  	[tilespmem:s14], [sflag:$0x5] =	stream.indirect_vreg.gather [hbm4b:s2+s3], $0x80, v3, vm0, $0xb8;
	[tilespmem:$0x18180] =	vst v63  }
0x3c1: {  	s15 =	simm.s32 $0xA980  }
0x3c2: {  	[tilespmem:s15], [sflag:$0x5] =	stream.indirect_vreg.gather [hbm4b:s5+s3], $0x80, v3, vm0, $0xb8;
	[tilespmem:$0x18180] =	vst v63  }
0x3c3: {  	s16 =	simm.s32 $0xB180  }
0x3c4: {  	[tilespmem:s16], [sflag:$0x5] =	stream.indirect_vreg.gather [hbm4b:s6+s3], $0x80, v3, vm0, $0xb8;
	[tilespmem:$0x18180] =	vst v63  }
0x3c5: {  	s4 =	simm.s32 $0xB980  }
0x3c6: {  	[tilespmem:s4], [sflag:$0x5] =	stream.indirect_vreg.gather [hbm4b:s7+s3], $0x80, v3, vm0, $0xb8;
	[tilespmem:$0x18180] =	vst v63  }
0x3c7: {  	v3 =	vld [tilespmem:$0x90];
	_ =	sdelay $0x4  }
0x3c8: {  	v33 =	vshll.u32 v3, $0x3  }
0x3c9: {  	v3 =	vand.u32 $0x7, v3;
	v4 =	vand.u32 $0xFFFFFFC0, v33  }
0x3ca: {  	v3 =	vor.u32 v3, v4  }
0x3cb: {  	v4 =	vperm.xlane v3, v0;
	_ =	sdelay $0x1  }
0x3cc: {  	v4 =	vadd.s32 v1, v4;
	_ =	sdelay $0x3  }
0x3cd: {  	s4 =	simm.s32 $0xC180  }
0x3ce: {  	[tilespmem:s4], [sflag:$0x5] =	stream.indirect_vreg.gather [hbm4b:s2+s3], $0x80, v4, vm0, $0xb8;
	[tilespmem:$0x18180] =	vst v63  }
0x3cf: {  	v3 =	vperm.xlane v3, v2;
	s4 =	simm.s32 $0xC980  }
0x3d0: {  	[tilespmem:s4], [sflag:$0x5] =	stream.indirect_vreg.gather [hbm4b:s5+s3], $0x80, v4, vm0, $0xb8;
	[tilespmem:$0x18180] =	vst v63  }
0x3d1: {  	s12 =	simm.s32 $0xD180;
	v3 =	vadd.s32 v1, v3  }
0x3d2: {  	[tilespmem:s12], [sflag:$0x5] =	stream.indirect_vreg.gather [hbm4b:s6+s3], $0x80, v4, vm0, $0xb8;
	[tilespmem:$0x18180] =	vst v63  }
0x3d3: {  	s17 =	simm.s32 $0xD980  }
0x3d4: {  	[tilespmem:s17], [sflag:$0x5] =	stream.indirect_vreg.gather [hbm4b:s7+s3], $0x80, v4, vm0, $0xb8;
	[tilespmem:$0x18180] =	vst v63  }
0x3d5: {  	s18 =	simm.s32 $0xE180  }
0x3d6: {  	[tilespmem:s18], [sflag:$0x5] =	stream.indirect_vreg.gather [hbm4b:s2+s3], $0x80, v3, vm0, $0xb8;
	[tilespmem:$0x18180] =	vst v63  }
0x3d7: {  	s19 =	simm.s32 $0xE980  }
0x3d8: {  	[tilespmem:s19], [sflag:$0x5] =	stream.indirect_vreg.gather [hbm4b:s5+s3], $0x80, v3, vm0, $0xb8;
	[tilespmem:$0x18180] =	vst v63  }
0x3d9: {  	s20 =	simm.s32 $0xF180  }
0x3da: {  	[tilespmem:s20], [sflag:$0x5] =	stream.indirect_vreg.gather [hbm4b:s6+s3], $0x80, v3, vm0, $0xb8;
	[tilespmem:$0x18180] =	vst v63  }
0x3db: {  	s21 =	simm.s32 $0xF980  }
0x3dc: {  	[tilespmem:s21], [sflag:$0x5] =	stream.indirect_vreg.gather [hbm4b:s7+s3], $0x80, v3, vm0, $0xb8;
	[tilespmem:$0x18180] =	vst v63  }
0x3dd: {  	_ =	swait.ge [sflag:s31], $0x8000  }
0x3de: {  	s0 =	sld [smem:$0x7DC]  }
0x3df: {  	[sflag:s31] =	ssyncset.done $0x0  }
0x3e0: {  	s4 =	sld [smem:$0x7DD];
	[sflag:s31] =	ssyncadd.s32 $0xFFFF8000  }
0x3e1: {  	[hbm4b:s0+s3] =	stream.linear.scatter [tilespmem:s8], [sflag:$0x9], $0x8000, $0x38;
	[tilespmem:$0x18180] =	vst v63  }
0x3e2: {  	s0 =	simm.s32 $0x100  }
0x3e3: {  	[tilespmem:s0], [sflag:$0x3] =	stream.linear.gather [hbm4b:s4+s3], $0x80, $0x38;
	[tilespmem:$0x18180] =	vst v63  }
0x3e4: {  	_ =	swait.ge [sflag:s1], $0x8000  }
0x3e5: {  	[sflag:s1] =	ssyncset.done $0x0  }
0x3e6: {  	[sflag:s1] =	ssyncadd.s32 $0xFFFF8000  }
0x3e7: {  	_ =	swait.ge [sflag:s22], $0x80  }
0x3e8: {  	[sflag:s22] =	ssyncset.done $0x0  }
0x3e9: {  	[sflag:s22] =	ssyncadd.s32 $0xFFFFFF80  }
0x3ea: {  	v3 =	vld [tilespmem:$0x100];
	_ =	sdelay $0x4  }
0x3eb: {  	v34 =	vshll.u32 v3, $0x3  }
0x3ec: {  	v3 =	vand.u32 $0x7, v3;
	v4 =	vand.u32 $0xFFFFFFC0, v34  }
0x3ed: {  	v3 =	vor.u32 v3, v4  }
0x3ee: {  	v4 =	vperm.xlane v3, v0;
	_ =	sdelay $0x1  }
0x3ef: {  	v4 =	vadd.s32 v1, v4;
	_ =	sdelay $0x4  }
0x3f0: {  	[tilespmem:s8], [sflag:$0x6] =	stream.indirect_vreg.gather [hbm4b:s2+s3], $0x80, v4, vm0, $0xb8;
	[tilespmem:$0x18180] =	vst v63  }
0x3f1: {  	s4 =	simm.s32 $0x10980;
	v3 =	vperm.xlane v3, v2  }
0x3f2: {  	[tilespmem:s4], [sflag:$0x6] =	stream.indirect_vreg.gather [hbm4b:s5+s3], $0x80, v4, vm0, $0xb8;
	[tilespmem:$0x18180] =	vst v63  }
0x3f3: {  	v3 =	vadd.s32 v1, v3;
	s4 =	simm.s32 $0x11180  }
0x3f4: {  	[tilespmem:s4], [sflag:$0x6] =	stream.indirect_vreg.gather [hbm4b:s6+s3], $0x80, v4, vm0, $0xb8;
	[tilespmem:$0x18180] =	vst v63  }
0x3f5: {  	s4 =	simm.s32 $0x11980  }
0x3f6: {  	[tilespmem:s4], [sflag:$0x6] =	stream.indirect_vreg.gather [hbm4b:s7+s3], $0x80, v4, vm0, $0xb8;
	[tilespmem:$0x18180] =	vst v63  }
0x3f7: {  	s4 =	simm.s32 $0x12180  }
0x3f8: {  	[tilespmem:s4], [sflag:$0x6] =	stream.indirect_vreg.gather [hbm4b:s2+s3], $0x80, v3, vm0, $0xb8;
	[tilespmem:$0x18180] =	vst v63  }
0x3f9: {  	s4 =	simm.s32 $0x12980  }
0x3fa: {  	[tilespmem:s4], [sflag:$0x6] =	stream.indirect_vreg.gather [hbm4b:s5+s3], $0x80, v3, vm0, $0xb8;
	[tilespmem:$0x18180] =	vst v63  }
0x3fb: {  	s4 =	simm.s32 $0x13180  }
0x3fc: {  	[tilespmem:s4], [sflag:$0x6] =	stream.indirect_vreg.gather [hbm4b:s6+s3], $0x80, v3, vm0, $0xb8;
	[tilespmem:$0x18180] =	vst v63  }
0x3fd: {  	s4 =	simm.s32 $0x13980  }
0x3fe: {  	[tilespmem:s4], [sflag:$0x6] =	stream.indirect_vreg.gather [hbm4b:s7+s3], $0x80, v3, vm0, $0xb8;
	[tilespmem:$0x18180] =	vst v63  }
0x3ff: {  	v3 =	vld [tilespmem:$0x110];
	_ =	sdelay $0x4  }
0x400: {  	v35 =	vshll.u32 v3, $0x3  }
0x401: {  	v3 =	vand.u32 $0x7, v3;
	v4 =	vand.u32 $0xFFFFFFC0, v35  }
0x402: {  	v3 =	vor.u32 v3, v4  }
0x403: {  	v4 =	vperm.xlane v3, v0;
	_ =	sdelay $0x1  }
0x404: {  	v4 =	vadd.s32 v1, v4;
	_ =	sdelay $0x3  }
0x405: {  	s4 =	simm.s32 $0x14180  }
0x406: {  	[tilespmem:s4], [sflag:$0x6] =	stream.indirect_vreg.gather [hbm4b:s2+s3], $0x80, v4, vm0, $0xb8;
	[tilespmem:$0x18180] =	vst v63  }
0x407: {  	v3 =	vperm.xlane v3, v2;
	s4 =	simm.s32 $0x14980  }
0x408: {  	[tilespmem:s4], [sflag:$0x6] =	stream.indirect_vreg.gather [hbm4b:s5+s3], $0x80, v4, vm0, $0xb8;
	[tilespmem:$0x18180] =	vst v63  }
0x409: {  	v3 =	vadd.s32 v1, v3;
	s4 =	simm.s32 $0x15180  }
0x40a: {  	[tilespmem:s4], [sflag:$0x6] =	stream.indirect_vreg.gather [hbm4b:s6+s3], $0x80, v4, vm0, $0xb8;
	[tilespmem:$0x18180] =	vst v63  }
0x40b: {  	s4 =	simm.s32 $0x15980  }
0x40c: {  	[tilespmem:s4], [sflag:$0x6] =	stream.indirect_vreg.gather [hbm4b:s7+s3], $0x80, v4, vm0, $0xb8;
	[tilespmem:$0x18180] =	vst v63  }
0x40d: {  	s4 =	simm.s32 $0x16180  }
0x40e: {  	[tilespmem:s4], [sflag:$0x6] =	stream.indirect_vreg.gather [hbm4b:s2+s3], $0x80, v3, vm0, $0xb8;
	[tilespmem:$0x18180] =	vst v63  }
0x40f: {  	s4 =	simm.s32 $0x16980  }
0x410: {  	[tilespmem:s4], [sflag:$0x6] =	stream.indirect_vreg.gather [hbm4b:s5+s3], $0x80, v3, vm0, $0xb8;
	[tilespmem:$0x18180] =	vst v63  }
0x411: {  	s4 =	simm.s32 $0x17180  }
0x412: {  	[tilespmem:s4], [sflag:$0x6] =	stream.indirect_vreg.gather [hbm4b:s6+s3], $0x80, v3, vm0, $0xb8;
	[tilespmem:$0x18180] =	vst v63  }
0x413: {  	s4 =	simm.s32 $0x17980  }
0x414: {  	[tilespmem:s4], [sflag:$0x6] =	stream.indirect_vreg.gather [hbm4b:s7+s3], $0x80, v3, vm0, $0xb8;
	[tilespmem:$0x18180] =	vst v63  }
0x415: {  	_ =	swait.ge [sflag:s24], $0x8000  }
0x416: {  	s0 =	sld [smem:$0x7DE]  }
0x417: {  	[sflag:s24] =	ssyncset.done $0x0  }
0x418: {  	s4 =	sld [smem:$0x7DF];
	[sflag:s24] =	ssyncadd.s32 $0xFFFF8000  }
0x419: {  	[hbm4b:s0+s3] =	stream.linear.scatter [tilespmem:s30], [sflag:$0x7], $0x8000, $0x38;
	[tilespmem:$0x18180] =	vst v63  }
0x41a: {  	_ = 	snop  }
0x41b: {  	[tilespmem:s3], [sflag:$0x1] =	stream.linear.gather [hbm4b:s4+s3], $0x80, $0x38;
	[tilespmem:$0x18180] =	vst v63  }
0x41c: {  	_ =	swait.ge [sflag:s25], $0x8000  }
0x41d: {  	[sflag:s25] =	ssyncset.done $0x0  }
0x41e: {  	[sflag:s25] =	ssyncadd.s32 $0xFFFF8000  }
0x41f: {  	_ =	swait.ge [sflag:s11], $0x80  }
0x420: {  	[sflag:s11] =	ssyncset.done $0x0  }
0x421: {  	[sflag:s11] =	ssyncadd.s32 $0xFFFFFF80  }
0x422: {  	v3 =	vld [tilespmem:$0x0];
	_ =	sdelay $0x4  }
0x423: {  	v36 =	vshll.u32 v3, $0x3  }
0x424: {  	v3 =	vand.u32 $0x7, v3;
	v4 =	vand.u32 $0xFFFFFFC0, v36  }
0x425: {  	v3 =	vor.u32 v3, v4  }
0x426: {  	v4 =	vperm.xlane v3, v0;
	_ =	sdelay $0x1  }
0x427: {  	v4 =	vadd.s32 v1, v4;
	_ =	sdelay $0x4  }
0x428: {  	[tilespmem:s30], [sflag:$0x4] =	stream.indirect_vreg.gather [hbm4b:s2+s3], $0x80, v4, vm0, $0xb8;
	[tilespmem:$0x18180] =	vst v63  }
0x429: {  	s4 =	simm.s32 $0x980;
	v3 =	vperm.xlane v3, v2  }
0x42a: {  	[tilespmem:s4], [sflag:$0x4] =	stream.indirect_vreg.gather [hbm4b:s5+s3], $0x80, v4, vm0, $0xb8;
	[tilespmem:$0x18180] =	vst v63  }
0x42b: {  	v3 =	vadd.s32 v1, v3;
	s4 =	simm.s32 $0x1180  }
0x42c: {  	[tilespmem:s4], [sflag:$0x4] =	stream.indirect_vreg.gather [hbm4b:s6+s3], $0x80, v4, vm0, $0xb8;
	[tilespmem:$0x18180] =	vst v63  }
0x42d: {  	s4 =	simm.s32 $0x1980  }
0x42e: {  	[tilespmem:s4], [sflag:$0x4] =	stream.indirect_vreg.gather [hbm4b:s7+s3], $0x80, v4, vm0, $0xb8;
	[tilespmem:$0x18180] =	vst v63  }
0x42f: {  	s4 =	simm.s32 $0x2180  }
0x430: {  	[tilespmem:s4], [sflag:$0x4] =	stream.indirect_vreg.gather [hbm4b:s2+s3], $0x80, v3, vm0, $0xb8;
	[tilespmem:$0x18180] =	vst v63  }
0x431: {  	s4 =	simm.s32 $0x2980  }
0x432: {  	[tilespmem:s4], [sflag:$0x4] =	stream.indirect_vreg.gather [hbm4b:s5+s3], $0x80, v3, vm0, $0xb8;
	[tilespmem:$0x18180] =	vst v63  }
0x433: {  	s4 =	simm.s32 $0x3180  }
0x434: {  	[tilespmem:s4], [sflag:$0x4] =	stream.indirect_vreg.gather [hbm4b:s6+s3], $0x80, v3, vm0, $0xb8;
	[tilespmem:$0x18180] =	vst v63  }
0x435: {  	s4 =	simm.s32 $0x3980  }
0x436: {  	[tilespmem:s4], [sflag:$0x4] =	stream.indirect_vreg.gather [hbm4b:s7+s3], $0x80, v3, vm0, $0xb8;
	[tilespmem:$0x18180] =	vst v63  }
0x437: {  	v3 =	vld [tilespmem:$0x10];
	_ =	sdelay $0x4  }
0x438: {  	v37 =	vshll.u32 v3, $0x3  }
0x439: {  	v3 =	vand.u32 $0x7, v3;
	v4 =	vand.u32 $0xFFFFFFC0, v37  }
0x43a: {  	v3 =	vor.u32 v3, v4  }
0x43b: {  	v4 =	vperm.xlane v3, v0;
	_ =	sdelay $0x1  }
0x43c: {  	v4 =	vadd.s32 v1, v4;
	_ =	sdelay $0x3  }
0x43d: {  	s4 =	simm.s32 $0x4180  }
0x43e: {  	[tilespmem:s4], [sflag:$0x4] =	stream.indirect_vreg.gather [hbm4b:s2+s3], $0x80, v4, vm0, $0xb8;
	[tilespmem:$0x18180] =	vst v63  }
0x43f: {  	v3 =	vperm.xlane v3, v2;
	s4 =	simm.s32 $0x4980  }
0x440: {  	[tilespmem:s4], [sflag:$0x4] =	stream.indirect_vreg.gather [hbm4b:s5+s3], $0x80, v4, vm0, $0xb8;
	[tilespmem:$0x18180] =	vst v63  }
0x441: {  	v3 =	vadd.s32 v1, v3;
	s4 =	simm.s32 $0x5180  }
0x442: {  	[tilespmem:s4], [sflag:$0x4] =	stream.indirect_vreg.gather [hbm4b:s6+s3], $0x80, v4, vm0, $0xb8;
	[tilespmem:$0x18180] =	vst v63  }
0x443: {  	s4 =	simm.s32 $0x5980  }
0x444: {  	[tilespmem:s4], [sflag:$0x4] =	stream.indirect_vreg.gather [hbm4b:s7+s3], $0x80, v4, vm0, $0xb8;
	[tilespmem:$0x18180] =	vst v63  }
0x445: {  	s4 =	simm.s32 $0x6180  }
0x446: {  	[tilespmem:s4], [sflag:$0x4] =	stream.indirect_vreg.gather [hbm4b:s2+s3], $0x80, v3, vm0, $0xb8;
	[tilespmem:$0x18180] =	vst v63  }
0x447: {  	s4 =	simm.s32 $0x6980  }
0x448: {  	[tilespmem:s4], [sflag:$0x4] =	stream.indirect_vreg.gather [hbm4b:s5+s3], $0x80, v3, vm0, $0xb8;
	[tilespmem:$0x18180] =	vst v63  }
0x449: {  	s4 =	simm.s32 $0x7180  }
0x44a: {  	[tilespmem:s4], [sflag:$0x4] =	stream.indirect_vreg.gather [hbm4b:s6+s3], $0x80, v3, vm0, $0xb8;
	[tilespmem:$0x18180] =	vst v63  }
0x44b: {  	s4 =	simm.s32 $0x7980  }
0x44c: {  	[tilespmem:s4], [sflag:$0x4] =	stream.indirect_vreg.gather [hbm4b:s7+s3], $0x80, v3, vm0, $0xb8;
	[tilespmem:$0x18180] =	vst v63  }
0x44d: {  	_ =	swait.ge [sflag:s26], $0x8000  }
0x44e: {  	s0 =	sld [smem:$0x7E0]  }
0x44f: {  	[sflag:s26] =	ssyncset.done $0x0  }
0x450: {  	s4 =	sld [smem:$0x7E1];
	[sflag:s26] =	ssyncadd.s32 $0xFFFF8000  }
0x451: {  	[hbm4b:s0+s3] =	stream.linear.scatter [tilespmem:s10], [sflag:$0x8], $0x8000, $0x38;
	[tilespmem:$0x18180] =	vst v63  }
0x452: {  	s9 =	simm.s32 $0x80  }
0x453: {  	[tilespmem:s9], [sflag:$0x2] =	stream.linear.gather [hbm4b:s4+s3], $0x80, $0x38;
	[tilespmem:$0x18180] =	vst v63  }
0x454: {  	_ =	swait.ge [sflag:s28], $0x8000  }
0x455: {  	[sflag:s28] =	ssyncset.done $0x0  }
0x456: {  	[sflag:s28] =	ssyncadd.s32 $0xFFFF8000  }
0x457: {  	_ =	swait.ge [sflag:s29], $0x80  }
0x458: {  	[sflag:s29] =	ssyncset.done $0x0  }
0x459: {  	[sflag:s29] =	ssyncadd.s32 $0xFFFFFF80  }
0x45a: {  	v3 =	vld [tilespmem:$0x80];
	_ =	sdelay $0x4  }
0x45b: {  	v38 =	vshll.u32 v3, $0x3  }
0x45c: {  	v3 =	vand.u32 $0x7, v3;
	v4 =	vand.u32 $0xFFFFFFC0, v38  }
0x45d: {  	v3 =	vor.u32 v3, v4  }
0x45e: {  	v4 =	vperm.xlane v3, v0;
	_ =	sdelay $0x1  }
0x45f: {  	v4 =	vadd.s32 v1, v4;
	_ =	sdelay $0x4  }
0x460: {  	[tilespmem:s10], [sflag:$0x5] =	stream.indirect_vreg.gather [hbm4b:s2+s3], $0x80, v4, vm0, $0xb8;
	[tilespmem:$0x18180] =	vst v63  }
0x461: {  	s23 =	simm.s32 $0x8980;
	v3 =	vperm.xlane v3, v2  }
0x462: {  	[tilespmem:s23], [sflag:$0x5] =	stream.indirect_vreg.gather [hbm4b:s5+s3], $0x80, v4, vm0, $0xb8;
	[tilespmem:$0x18180] =	vst v63  }
0x463: {  	s4 =	simm.s32 $0x9180;
	v3 =	vadd.s32 v1, v3  }
0x464: {  	[tilespmem:s4], [sflag:$0x5] =	stream.indirect_vreg.gather [hbm4b:s6+s3], $0x80, v4, vm0, $0xb8;
	[tilespmem:$0x18180] =	vst v63  }
0x465: {  	s13 =	simm.s32 $0x9980  }
0x466: {  	[tilespmem:s13], [sflag:$0x5] =	stream.indirect_vreg.gather [hbm4b:s7+s3], $0x80, v4, vm0, $0xb8;
	[tilespmem:$0x18180] =	vst v63  }
0x467: {  	s14 =	simm.s32 $0xA180  }
0x468: {  	[tilespmem:s14], [sflag:$0x5] =	stream.indirect_vreg.gather [hbm4b:s2+s3], $0x80, v3, vm0, $0xb8;
	[tilespmem:$0x18180] =	vst v63  }
0x469: {  	s15 =	simm.s32 $0xA980  }
0x46a: {  	[tilespmem:s15], [sflag:$0x5] =	stream.indirect_vreg.gather [hbm4b:s5+s3], $0x80, v3, vm0, $0xb8;
	[tilespmem:$0x18180] =	vst v63  }
0x46b: {  	s16 =	simm.s32 $0xB180  }
0x46c: {  	[tilespmem:s16], [sflag:$0x5] =	stream.indirect_vreg.gather [hbm4b:s6+s3], $0x80, v3, vm0, $0xb8;
	[tilespmem:$0x18180] =	vst v63  }
0x46d: {  	s13 =	simm.s32 $0xB980  }
0x46e: {  	[tilespmem:s13], [sflag:$0x5] =	stream.indirect_vreg.gather [hbm4b:s7+s3], $0x80, v3, vm0, $0xb8;
	[tilespmem:$0x18180] =	vst v63  }
0x46f: {  	v3 =	vld [tilespmem:$0x90];
	_ =	sdelay $0x4  }
0x470: {  	v39 =	vshll.u32 v3, $0x3  }
0x471: {  	v3 =	vand.u32 $0x7, v3;
	v4 =	vand.u32 $0xFFFFFFC0, v39  }
0x472: {  	v3 =	vor.u32 v3, v4  }
0x473: {  	v4 =	vperm.xlane v3, v0;
	_ =	sdelay $0x1  }
0x474: {  	v4 =	vadd.s32 v1, v4;
	_ =	sdelay $0x3  }
0x475: {  	s4 =	simm.s32 $0xC180  }
0x476: {  	[tilespmem:s4], [sflag:$0x5] =	stream.indirect_vreg.gather [hbm4b:s2+s3], $0x80, v4, vm0, $0xb8;
	[tilespmem:$0x18180] =	vst v63  }
0x477: {  	s13 =	simm.s32 $0xC980;
	v3 =	vperm.xlane v3, v2  }
0x478: {  	[tilespmem:s13], [sflag:$0x5] =	stream.indirect_vreg.gather [hbm4b:s5+s3], $0x80, v4, vm0, $0xb8;
	[tilespmem:$0x18180] =	vst v63  }
0x479: {  	s12 =	simm.s32 $0xD180;
	v3 =	vadd.s32 v1, v3  }
0x47a: {  	[tilespmem:s12], [sflag:$0x5] =	stream.indirect_vreg.gather [hbm4b:s6+s3], $0x80, v4, vm0, $0xb8;
	[tilespmem:$0x18180] =	vst v63  }
0x47b: {  	s17 =	simm.s32 $0xD980  }
0x47c: {  	[tilespmem:s17], [sflag:$0x5] =	stream.indirect_vreg.gather [hbm4b:s7+s3], $0x80, v4, vm0, $0xb8;
	[tilespmem:$0x18180] =	vst v63  }
0x47d: {  	s18 =	simm.s32 $0xE180  }
0x47e: {  	[tilespmem:s18], [sflag:$0x5] =	stream.indirect_vreg.gather [hbm4b:s2+s3], $0x80, v3, vm0, $0xb8;
	[tilespmem:$0x18180] =	vst v63  }
0x47f: {  	s19 =	simm.s32 $0xE980  }
0x480: {  	[tilespmem:s19], [sflag:$0x5] =	stream.indirect_vreg.gather [hbm4b:s5+s3], $0x80, v3, vm0, $0xb8;
	[tilespmem:$0x18180] =	vst v63  }
0x481: {  	s20 =	simm.s32 $0xF180  }
0x482: {  	[tilespmem:s20], [sflag:$0x5] =	stream.indirect_vreg.gather [hbm4b:s6+s3], $0x80, v3, vm0, $0xb8;
	[tilespmem:$0x18180] =	vst v63  }
0x483: {  	s21 =	simm.s32 $0xF980  }
0x484: {  	[tilespmem:s21], [sflag:$0x5] =	stream.indirect_vreg.gather [hbm4b:s7+s3], $0x80, v3, vm0, $0xb8;
	[tilespmem:$0x18180] =	vst v63  }
0x485: {  	_ =	swait.ge [sflag:s31], $0x8000  }
0x486: {  	s21 =	sld [smem:$0x7E2]  }
0x487: {  	[sflag:s31] =	ssyncset.done $0x0  }
0x488: {  	s4 =	sld [smem:$0x7E3];
	[sflag:s31] =	ssyncadd.s32 $0xFFFF8000  }
0x489: {  	[hbm4b:s21+s3] =	stream.linear.scatter [tilespmem:s8], [sflag:$0x9], $0x8000, $0x38;
	[tilespmem:$0x18180] =	vst v63  }
0x48a: {  	s21 =	simm.s32 $0x100  }
0x48b: {  	[tilespmem:s21], [sflag:$0x3] =	stream.linear.gather [hbm4b:s4+s3], $0x80, $0x38;
	[tilespmem:$0x18180] =	vst v63  }
0x48c: {  	_ =	swait.ge [sflag:s1], $0x8000  }
0x48d: {  	[sflag:s1] =	ssyncset.done $0x0  }
0x48e: {  	[sflag:s1] =	ssyncadd.s32 $0xFFFF8000  }
0x48f: {  	_ =	swait.ge [sflag:s22], $0x80  }
0x490: {  	[sflag:s22] =	ssyncset.done $0x0  }
0x491: {  	[sflag:s22] =	ssyncadd.s32 $0xFFFFFF80  }
0x492: {  	v3 =	vld [tilespmem:$0x100];
	_ =	sdelay $0x4  }
0x493: {  	v40 =	vshll.u32 v3, $0x3  }
0x494: {  	v3 =	vand.u32 $0x7, v3;
	v4 =	vand.u32 $0xFFFFFFC0, v40  }
0x495: {  	v3 =	vor.u32 v3, v4  }
0x496: {  	v4 =	vperm.xlane v3, v0;
	_ =	sdelay $0x1  }
0x497: {  	v4 =	vadd.s32 v1, v4;
	_ =	sdelay $0x4  }
0x498: {  	[tilespmem:s8], [sflag:$0x6] =	stream.indirect_vreg.gather [hbm4b:s2+s3], $0x80, v4, vm0, $0xb8;
	[tilespmem:$0x18180] =	vst v63  }
0x499: {  	s21 =	simm.s32 $0x10980;
	v3 =	vperm.xlane v3, v2  }
0x49a: {  	[tilespmem:s21], [sflag:$0x6] =	stream.indirect_vreg.gather [hbm4b:s5+s3], $0x80, v4, vm0, $0xb8;
	[tilespmem:$0x18180] =	vst v63  }
0x49b: {  	s4 =	simm.s32 $0x11180;
	v3 =	vadd.s32 v1, v3  }
0x49c: {  	[tilespmem:s4], [sflag:$0x6] =	stream.indirect_vreg.gather [hbm4b:s6+s3], $0x80, v4, vm0, $0xb8;
	[tilespmem:$0x18180] =	vst v63  }
0x49d: {  	s21 =	simm.s32 $0x11980  }
0x49e: {  	[tilespmem:s21], [sflag:$0x6] =	stream.indirect_vreg.gather [hbm4b:s7+s3], $0x80, v4, vm0, $0xb8;
	[tilespmem:$0x18180] =	vst v63  }
0x49f: {  	s4 =	simm.s32 $0x12180  }
0x4a0: {  	[tilespmem:s4], [sflag:$0x6] =	stream.indirect_vreg.gather [hbm4b:s2+s3], $0x80, v3, vm0, $0xb8;
	[tilespmem:$0x18180] =	vst v63  }
0x4a1: {  	s21 =	simm.s32 $0x12980  }
0x4a2: {  	[tilespmem:s21], [sflag:$0x6] =	stream.indirect_vreg.gather [hbm4b:s5+s3], $0x80, v3, vm0, $0xb8;
	[tilespmem:$0x18180] =	vst v63  }
0x4a3: {  	s4 =	simm.s32 $0x13180  }
0x4a4: {  	[tilespmem:s4], [sflag:$0x6] =	stream.indirect_vreg.gather [hbm4b:s6+s3], $0x80, v3, vm0, $0xb8;
	[tilespmem:$0x18180] =	vst v63  }
0x4a5: {  	s21 =	simm.s32 $0x13980  }
0x4a6: {  	[tilespmem:s21], [sflag:$0x6] =	stream.indirect_vreg.gather [hbm4b:s7+s3], $0x80, v3, vm0, $0xb8;
	[tilespmem:$0x18180] =	vst v63  }
0x4a7: {  	v3 =	vld [tilespmem:$0x110];
	_ =	sdelay $0x4  }
0x4a8: {  	v41 =	vshll.u32 v3, $0x3  }
0x4a9: {  	v3 =	vand.u32 $0x7, v3;
	v4 =	vand.u32 $0xFFFFFFC0, v41  }
0x4aa: {  	v3 =	vor.u32 v3, v4  }
0x4ab: {  	v4 =	vperm.xlane v3, v0;
	_ =	sdelay $0x1  }
0x4ac: {  	v4 =	vadd.s32 v1, v4;
	_ =	sdelay $0x3  }
0x4ad: {  	s4 =	simm.s32 $0x14180  }
0x4ae: {  	[tilespmem:s4], [sflag:$0x6] =	stream.indirect_vreg.gather [hbm4b:s2+s3], $0x80, v4, vm0, $0xb8;
	[tilespmem:$0x18180] =	vst v63  }
0x4af: {  	s21 =	simm.s32 $0x14980;
	v3 =	vperm.xlane v3, v2  }
0x4b0: {  	[tilespmem:s21], [sflag:$0x6] =	stream.indirect_vreg.gather [hbm4b:s5+s3], $0x80, v4, vm0, $0xb8;
	[tilespmem:$0x18180] =	vst v63  }
0x4b1: {  	v3 =	vadd.s32 v1, v3;
	s4 =	simm.s32 $0x15180  }
0x4b2: {  	[tilespmem:s4], [sflag:$0x6] =	stream.indirect_vreg.gather [hbm4b:s6+s3], $0x80, v4, vm0, $0xb8;
	[tilespmem:$0x18180] =	vst v63  }
0x4b3: {  	s21 =	simm.s32 $0x15980  }
0x4b4: {  	[tilespmem:s21], [sflag:$0x6] =	stream.indirect_vreg.gather [hbm4b:s7+s3], $0x80, v4, vm0, $0xb8;
	[tilespmem:$0x18180] =	vst v63  }
0x4b5: {  	s4 =	simm.s32 $0x16180  }
0x4b6: {  	[tilespmem:s4], [sflag:$0x6] =	stream.indirect_vreg.gather [hbm4b:s2+s3], $0x80, v3, vm0, $0xb8;
	[tilespmem:$0x18180] =	vst v63  }
0x4b7: {  	s21 =	simm.s32 $0x16980  }
0x4b8: {  	[tilespmem:s21], [sflag:$0x6] =	stream.indirect_vreg.gather [hbm4b:s5+s3], $0x80, v3, vm0, $0xb8;
	[tilespmem:$0x18180] =	vst v63  }
0x4b9: {  	s4 =	simm.s32 $0x17180  }
0x4ba: {  	[tilespmem:s4], [sflag:$0x6] =	stream.indirect_vreg.gather [hbm4b:s6+s3], $0x80, v3, vm0, $0xb8;
	[tilespmem:$0x18180] =	vst v63  }
0x4bb: {  	s21 =	simm.s32 $0x17980  }
0x4bc: {  	[tilespmem:s21], [sflag:$0x6] =	stream.indirect_vreg.gather [hbm4b:s7+s3], $0x80, v3, vm0, $0xb8;
	[tilespmem:$0x18180] =	vst v63  }
0x4bd: {  	_ =	swait.ge [sflag:s24], $0x8000  }
0x4be: {  	s4 =	sld [smem:$0x7E4]  }
0x4bf: {  	[sflag:s24] =	ssyncset.done $0x0  }
0x4c0: {  	s21 =	sld [smem:$0x7E5];
	[sflag:s24] =	ssyncadd.s32 $0xFFFF8000  }
0x4c1: {  	[hbm4b:s4+s3] =	stream.linear.scatter [tilespmem:s30], [sflag:$0x7], $0x8000, $0x38;
	[tilespmem:$0x18180] =	vst v63  }
0x4c2: {  	_ = 	snop  }
0x4c3: {  	[tilespmem:s3], [sflag:$0x1] =	stream.linear.gather [hbm4b:s21+s3], $0x80, $0x38;
	[tilespmem:$0x18180] =	vst v63  }
0x4c4: {  	_ =	swait.ge [sflag:s25], $0x8000  }
0x4c5: {  	[sflag:s25] =	ssyncset.done $0x0  }
0x4c6: {  	[sflag:s25] =	ssyncadd.s32 $0xFFFF8000  }
0x4c7: {  	_ =	swait.ge [sflag:s11], $0x80  }
0x4c8: {  	[sflag:s11] =	ssyncset.done $0x0  }
0x4c9: {  	[sflag:s11] =	ssyncadd.s32 $0xFFFFFF80  }
0x4ca: {  	v3 =	vld [tilespmem:$0x0];
	_ =	sdelay $0x4  }
0x4cb: {  	v42 =	vshll.u32 v3, $0x3  }
0x4cc: {  	v3 =	vand.u32 $0x7, v3;
	v4 =	vand.u32 $0xFFFFFFC0, v42  }
0x4cd: {  	v3 =	vor.u32 v3, v4  }
0x4ce: {  	v4 =	vperm.xlane v3, v0;
	_ =	sdelay $0x1  }
0x4cf: {  	v4 =	vadd.s32 v1, v4;
	_ =	sdelay $0x4  }
0x4d0: {  	[tilespmem:s30], [sflag:$0x4] =	stream.indirect_vreg.gather [hbm4b:s2+s3], $0x80, v4, vm0, $0xb8;
	[tilespmem:$0x18180] =	vst v63  }
0x4d1: {  	s4 =	simm.s32 $0x980;
	v3 =	vperm.xlane v3, v2  }
0x4d2: {  	[tilespmem:s4], [sflag:$0x4] =	stream.indirect_vreg.gather [hbm4b:s5+s3], $0x80, v4, vm0, $0xb8;
	[tilespmem:$0x18180] =	vst v63  }
0x4d3: {  	s21 =	simm.s32 $0x1180;
	v3 =	vadd.s32 v1, v3  }
0x4d4: {  	[tilespmem:s21], [sflag:$0x4] =	stream.indirect_vreg.gather [hbm4b:s6+s3], $0x80, v4, vm0, $0xb8;
	[tilespmem:$0x18180] =	vst v63  }
0x4d5: {  	s4 =	simm.s32 $0x1980  }
0x4d6: {  	[tilespmem:s4], [sflag:$0x4] =	stream.indirect_vreg.gather [hbm4b:s7+s3], $0x80, v4, vm0, $0xb8;
	[tilespmem:$0x18180] =	vst v63  }
0x4d7: {  	s21 =	simm.s32 $0x2180  }
0x4d8: {  	[tilespmem:s21], [sflag:$0x4] =	stream.indirect_vreg.gather [hbm4b:s2+s3], $0x80, v3, vm0, $0xb8;
	[tilespmem:$0x18180] =	vst v63  }
0x4d9: {  	s4 =	simm.s32 $0x2980  }
0x4da: {  	[tilespmem:s4], [sflag:$0x4] =	stream.indirect_vreg.gather [hbm4b:s5+s3], $0x80, v3, vm0, $0xb8;
	[tilespmem:$0x18180] =	vst v63  }
0x4db: {  	s21 =	simm.s32 $0x3180  }
0x4dc: {  	[tilespmem:s21], [sflag:$0x4] =	stream.indirect_vreg.gather [hbm4b:s6+s3], $0x80, v3, vm0, $0xb8;
	[tilespmem:$0x18180] =	vst v63  }
0x4dd: {  	s4 =	simm.s32 $0x3980  }
0x4de: {  	[tilespmem:s4], [sflag:$0x4] =	stream.indirect_vreg.gather [hbm4b:s7+s3], $0x80, v3, vm0, $0xb8;
	[tilespmem:$0x18180] =	vst v63  }
0x4df: {  	v3 =	vld [tilespmem:$0x10];
	_ =	sdelay $0x4  }
0x4e0: {  	v43 =	vshll.u32 v3, $0x3  }
0x4e1: {  	v3 =	vand.u32 $0x7, v3;
	v4 =	vand.u32 $0xFFFFFFC0, v43  }
0x4e2: {  	v3 =	vor.u32 v3, v4  }
0x4e3: {  	v4 =	vperm.xlane v3, v0;
	_ =	sdelay $0x1  }
0x4e4: {  	v4 =	vadd.s32 v1, v4;
	_ =	sdelay $0x3  }
0x4e5: {  	s21 =	simm.s32 $0x4180  }
0x4e6: {  	[tilespmem:s21], [sflag:$0x4] =	stream.indirect_vreg.gather [hbm4b:s2+s3], $0x80, v4, vm0, $0xb8;
	[tilespmem:$0x18180] =	vst v63  }
0x4e7: {  	s4 =	simm.s32 $0x4980;
	v3 =	vperm.xlane v3, v2  }
0x4e8: {  	[tilespmem:s4], [sflag:$0x4] =	stream.indirect_vreg.gather [hbm4b:s5+s3], $0x80, v4, vm0, $0xb8;
	[tilespmem:$0x18180] =	vst v63  }
0x4e9: {  	v3 =	vadd.s32 v1, v3;
	s21 =	simm.s32 $0x5180  }
0x4ea: {  	[tilespmem:s21], [sflag:$0x4] =	stream.indirect_vreg.gather [hbm4b:s6+s3], $0x80, v4, vm0, $0xb8;
	[tilespmem:$0x18180] =	vst v63  }
0x4eb: {  	s4 =	simm.s32 $0x5980  }
0x4ec: {  	[tilespmem:s4], [sflag:$0x4] =	stream.indirect_vreg.gather [hbm4b:s7+s3], $0x80, v4, vm0, $0xb8;
	[tilespmem:$0x18180] =	vst v63  }
0x4ed: {  	s21 =	simm.s32 $0x6180  }
0x4ee: {  	[tilespmem:s21], [sflag:$0x4] =	stream.indirect_vreg.gather [hbm4b:s2+s3], $0x80, v3, vm0, $0xb8;
	[tilespmem:$0x18180] =	vst v63  }
0x4ef: {  	s4 =	simm.s32 $0x6980  }
0x4f0: {  	[tilespmem:s4], [sflag:$0x4] =	stream.indirect_vreg.gather [hbm4b:s5+s3], $0x80, v3, vm0, $0xb8;
	[tilespmem:$0x18180] =	vst v63  }
0x4f1: {  	s21 =	simm.s32 $0x7180  }
0x4f2: {  	[tilespmem:s21], [sflag:$0x4] =	stream.indirect_vreg.gather [hbm4b:s6+s3], $0x80, v3, vm0, $0xb8;
	[tilespmem:$0x18180] =	vst v63  }
0x4f3: {  	s4 =	simm.s32 $0x7980  }
0x4f4: {  	[tilespmem:s4], [sflag:$0x4] =	stream.indirect_vreg.gather [hbm4b:s7+s3], $0x80, v3, vm0, $0xb8;
	[tilespmem:$0x18180] =	vst v63  }
0x4f5: {  	_ =	swait.ge [sflag:s26], $0x8000  }
0x4f6: {  	s21 =	sld [smem:$0x7E6]  }
0x4f7: {  	[sflag:s26] =	ssyncset.done $0x0  }
0x4f8: {  	s4 =	sld [smem:$0x7E7];
	[sflag:s26] =	ssyncadd.s32 $0xFFFF8000  }
0x4f9: {  	[hbm4b:s21+s3] =	stream.linear.scatter [tilespmem:s10], [sflag:$0x8], $0x8000, $0x38;
	[tilespmem:$0x18180] =	vst v63  }
0x4fa: {  	s21 =	simm.s32 $0x80  }
0x4fb: {  	[tilespmem:s21], [sflag:$0x2] =	stream.linear.gather [hbm4b:s4+s3], $0x80, $0x38;
	[tilespmem:$0x18180] =	vst v63  }
0x4fc: {  	_ =	swait.ge [sflag:s28], $0x8000  }
0x4fd: {  	[sflag:s28] =	ssyncset.done $0x0  }
0x4fe: {  	[sflag:s28] =	ssyncadd.s32 $0xFFFF8000  }
0x4ff: {  	_ =	swait.ge [sflag:s29], $0x80  }
0x500: {  	[sflag:s29] =	ssyncset.done $0x0  }
0x501: {  	[sflag:s29] =	ssyncadd.s32 $0xFFFFFF80  }
0x502: {  	v3 =	vld [tilespmem:$0x80];
	_ =	sdelay $0x4  }
0x503: {  	v44 =	vshll.u32 v3, $0x3  }
0x504: {  	v3 =	vand.u32 $0x7, v3;
	v4 =	vand.u32 $0xFFFFFFC0, v44  }
0x505: {  	v3 =	vor.u32 v3, v4  }
0x506: {  	v4 =	vperm.xlane v3, v0;
	_ =	sdelay $0x1  }
0x507: {  	v4 =	vadd.s32 v1, v4;
	_ =	sdelay $0x4  }
0x508: {  	[tilespmem:s10], [sflag:$0x5] =	stream.indirect_vreg.gather [hbm4b:s2+s3], $0x80, v4, vm0, $0xb8;
	[tilespmem:$0x18180] =	vst v63  }
0x509: {  	s9 =	simm.s32 $0x8980;
	v3 =	vperm.xlane v3, v2  }
0x50a: {  	[tilespmem:s9], [sflag:$0x5] =	stream.indirect_vreg.gather [hbm4b:s5+s3], $0x80, v4, vm0, $0xb8;
	[tilespmem:$0x18180] =	vst v63  }
0x50b: {  	s4 =	simm.s32 $0x9180;
	v3 =	vadd.s32 v1, v3  }
0x50c: {  	[tilespmem:s4], [sflag:$0x5] =	stream.indirect_vreg.gather [hbm4b:s6+s3], $0x80, v4, vm0, $0xb8;
	[tilespmem:$0x18180] =	vst v63  }
0x50d: {  	s23 =	simm.s32 $0x9980  }
0x50e: {  	[tilespmem:s23], [sflag:$0x5] =	stream.indirect_vreg.gather [hbm4b:s7+s3], $0x80, v4, vm0, $0xb8;
	[tilespmem:$0x18180] =	vst v63  }
0x50f: {  	s14 =	simm.s32 $0xA180  }
0x510: {  	[tilespmem:s14], [sflag:$0x5] =	stream.indirect_vreg.gather [hbm4b:s2+s3], $0x80, v3, vm0, $0xb8;
	[tilespmem:$0x18180] =	vst v63  }
0x511: {  	s15 =	simm.s32 $0xA980  }
0x512: {  	[tilespmem:s15], [sflag:$0x5] =	stream.indirect_vreg.gather [hbm4b:s5+s3], $0x80, v3, vm0, $0xb8;
	[tilespmem:$0x18180] =	vst v63  }
0x513: {  	s16 =	simm.s32 $0xB180  }
0x514: {  	[tilespmem:s16], [sflag:$0x5] =	stream.indirect_vreg.gather [hbm4b:s6+s3], $0x80, v3, vm0, $0xb8;
	[tilespmem:$0x18180] =	vst v63  }
0x515: {  	s14 =	simm.s32 $0xB980  }
0x516: {  	[tilespmem:s14], [sflag:$0x5] =	stream.indirect_vreg.gather [hbm4b:s7+s3], $0x80, v3, vm0, $0xb8;
	[tilespmem:$0x18180] =	vst v63  }
0x517: {  	v3 =	vld [tilespmem:$0x90];
	_ =	sdelay $0x4  }
0x518: {  	v45 =	vshll.u32 v3, $0x3  }
0x519: {  	v3 =	vand.u32 $0x7, v3;
	v4 =	vand.u32 $0xFFFFFFC0, v45  }
0x51a: {  	v3 =	vor.u32 v3, v4  }
0x51b: {  	v4 =	vperm.xlane v3, v0;
	_ =	sdelay $0x1  }
0x51c: {  	v4 =	vadd.s32 v1, v4;
	_ =	sdelay $0x3  }
0x51d: {  	s4 =	simm.s32 $0xC180  }
0x51e: {  	[tilespmem:s4], [sflag:$0x5] =	stream.indirect_vreg.gather [hbm4b:s2+s3], $0x80, v4, vm0, $0xb8;
	[tilespmem:$0x18180] =	vst v63  }
0x51f: {  	s14 =	simm.s32 $0xC980;
	v3 =	vperm.xlane v3, v2  }
0x520: {  	[tilespmem:s14], [sflag:$0x5] =	stream.indirect_vreg.gather [hbm4b:s5+s3], $0x80, v4, vm0, $0xb8;
	[tilespmem:$0x18180] =	vst v63  }
0x521: {  	s12 =	simm.s32 $0xD180;
	v3 =	vadd.s32 v1, v3  }
0x522: {  	[tilespmem:s12], [sflag:$0x5] =	stream.indirect_vreg.gather [hbm4b:s6+s3], $0x80, v4, vm0, $0xb8;
	[tilespmem:$0x18180] =	vst v63  }
0x523: {  	s13 =	simm.s32 $0xD980  }
0x524: {  	[tilespmem:s13], [sflag:$0x5] =	stream.indirect_vreg.gather [hbm4b:s7+s3], $0x80, v4, vm0, $0xb8;
	[tilespmem:$0x18180] =	vst v63  }
0x525: {  	s17 =	simm.s32 $0xE180  }
0x526: {  	[tilespmem:s17], [sflag:$0x5] =	stream.indirect_vreg.gather [hbm4b:s2+s3], $0x80, v3, vm0, $0xb8;
	[tilespmem:$0x18180] =	vst v63  }
0x527: {  	s18 =	simm.s32 $0xE980  }
0x528: {  	[tilespmem:s18], [sflag:$0x5] =	stream.indirect_vreg.gather [hbm4b:s5+s3], $0x80, v3, vm0, $0xb8;
	[tilespmem:$0x18180] =	vst v63  }
0x529: {  	s19 =	simm.s32 $0xF180  }
0x52a: {  	[tilespmem:s19], [sflag:$0x5] =	stream.indirect_vreg.gather [hbm4b:s6+s3], $0x80, v3, vm0, $0xb8;
	[tilespmem:$0x18180] =	vst v63  }
0x52b: {  	s20 =	simm.s32 $0xF980  }
0x52c: {  	[tilespmem:s20], [sflag:$0x5] =	stream.indirect_vreg.gather [hbm4b:s7+s3], $0x80, v3, vm0, $0xb8;
	[tilespmem:$0x18180] =	vst v63  }
0x52d: {  	_ =	swait.ge [sflag:s31], $0x8000  }
0x52e: {  	s19 =	sld [smem:$0x7E8]  }
0x52f: {  	[sflag:s31] =	ssyncset.done $0x0  }
0x530: {  	s20 =	sld [smem:$0x7E9];
	[sflag:s31] =	ssyncadd.s32 $0xFFFF8000  }
0x531: {  	[hbm4b:s19+s3] =	stream.linear.scatter [tilespmem:s8], [sflag:$0x9], $0x8000, $0x38;
	[tilespmem:$0x18180] =	vst v63  }
0x532: {  	s19 =	simm.s32 $0x100  }
0x533: {  	[tilespmem:s19], [sflag:$0x3] =	stream.linear.gather [hbm4b:s20+s3], $0x80, $0x38;
	[tilespmem:$0x18180] =	vst v63  }
0x534: {  	_ =	swait.ge [sflag:s1], $0x8000  }
0x535: {  	[sflag:s1] =	ssyncset.done $0x0  }
0x536: {  	[sflag:s1] =	ssyncadd.s32 $0xFFFF8000  }
0x537: {  	_ =	swait.ge [sflag:s22], $0x80  }
0x538: {  	[sflag:s22] =	ssyncset.done $0x0  }
0x539: {  	[sflag:s22] =	ssyncadd.s32 $0xFFFFFF80  }
0x53a: {  	v3 =	vld [tilespmem:$0x100];
	_ =	sdelay $0x4  }
0x53b: {  	v46 =	vshll.u32 v3, $0x3  }
0x53c: {  	v3 =	vand.u32 $0x7, v3;
	v4 =	vand.u32 $0xFFFFFFC0, v46  }
0x53d: {  	v3 =	vor.u32 v3, v4  }
0x53e: {  	v4 =	vperm.xlane v3, v0;
	_ =	sdelay $0x1  }
0x53f: {  	v4 =	vadd.s32 v1, v4;
	_ =	sdelay $0x4  }
0x540: {  	[tilespmem:s8], [sflag:$0x6] =	stream.indirect_vreg.gather [hbm4b:s2+s3], $0x80, v4, vm0, $0xb8;
	[tilespmem:$0x18180] =	vst v63  }
0x541: {  	s20 =	simm.s32 $0x10980;
	v3 =	vperm.xlane v3, v2  }
0x542: {  	[tilespmem:s20], [sflag:$0x6] =	stream.indirect_vreg.gather [hbm4b:s5+s3], $0x80, v4, vm0, $0xb8;
	[tilespmem:$0x18180] =	vst v63  }
0x543: {  	s4 =	simm.s32 $0x11180;
	v3 =	vadd.s32 v1, v3  }
0x544: {  	[tilespmem:s4], [sflag:$0x6] =	stream.indirect_vreg.gather [hbm4b:s6+s3], $0x80, v4, vm0, $0xb8;
	[tilespmem:$0x18180] =	vst v63  }
0x545: {  	s20 =	simm.s32 $0x11980  }
0x546: {  	[tilespmem:s20], [sflag:$0x6] =	stream.indirect_vreg.gather [hbm4b:s7+s3], $0x80, v4, vm0, $0xb8;
	[tilespmem:$0x18180] =	vst v63  }
0x547: {  	s4 =	simm.s32 $0x12180  }
0x548: {  	[tilespmem:s4], [sflag:$0x6] =	stream.indirect_vreg.gather [hbm4b:s2+s3], $0x80, v3, vm0, $0xb8;
	[tilespmem:$0x18180] =	vst v63  }
0x549: {  	s20 =	simm.s32 $0x12980  }
0x54a: {  	[tilespmem:s20], [sflag:$0x6] =	stream.indirect_vreg.gather [hbm4b:s5+s3], $0x80, v3, vm0, $0xb8;
	[tilespmem:$0x18180] =	vst v63  }
0x54b: {  	s4 =	simm.s32 $0x13180  }
0x54c: {  	[tilespmem:s4], [sflag:$0x6] =	stream.indirect_vreg.gather [hbm4b:s6+s3], $0x80, v3, vm0, $0xb8;
	[tilespmem:$0x18180] =	vst v63  }
0x54d: {  	s20 =	simm.s32 $0x13980  }
0x54e: {  	[tilespmem:s20], [sflag:$0x6] =	stream.indirect_vreg.gather [hbm4b:s7+s3], $0x80, v3, vm0, $0xb8;
	[tilespmem:$0x18180] =	vst v63  }
0x54f: {  	v3 =	vld [tilespmem:$0x110];
	_ =	sdelay $0x4  }
0x550: {  	v47 =	vshll.u32 v3, $0x3  }
0x551: {  	v3 =	vand.u32 $0x7, v3;
	v4 =	vand.u32 $0xFFFFFFC0, v47  }
0x552: {  	v3 =	vor.u32 v3, v4  }
0x553: {  	v4 =	vperm.xlane v3, v0;
	_ =	sdelay $0x1  }
0x554: {  	v4 =	vadd.s32 v1, v4;
	_ =	sdelay $0x3  }
0x555: {  	s4 =	simm.s32 $0x14180  }
0x556: {  	[tilespmem:s4], [sflag:$0x6] =	stream.indirect_vreg.gather [hbm4b:s2+s3], $0x80, v4, vm0, $0xb8;
	[tilespmem:$0x18180] =	vst v63  }
0x557: {  	s20 =	simm.s32 $0x14980;
	v3 =	vperm.xlane v3, v2  }
0x558: {  	[tilespmem:s20], [sflag:$0x6] =	stream.indirect_vreg.gather [hbm4b:s5+s3], $0x80, v4, vm0, $0xb8;
	[tilespmem:$0x18180] =	vst v63  }
0x559: {  	v3 =	vadd.s32 v1, v3;
	s4 =	simm.s32 $0x15180  }
0x55a: {  	[tilespmem:s4], [sflag:$0x6] =	stream.indirect_vreg.gather [hbm4b:s6+s3], $0x80, v4, vm0, $0xb8;
	[tilespmem:$0x18180] =	vst v63  }
0x55b: {  	s20 =	simm.s32 $0x15980  }
0x55c: {  	[tilespmem:s20], [sflag:$0x6] =	stream.indirect_vreg.gather [hbm4b:s7+s3], $0x80, v4, vm0, $0xb8;
	[tilespmem:$0x18180] =	vst v63  }
0x55d: {  	s4 =	simm.s32 $0x16180  }
0x55e: {  	[tilespmem:s4], [sflag:$0x6] =	stream.indirect_vreg.gather [hbm4b:s2+s3], $0x80, v3, vm0, $0xb8;
	[tilespmem:$0x18180] =	vst v63  }
0x55f: {  	s20 =	simm.s32 $0x16980  }
0x560: {  	[tilespmem:s20], [sflag:$0x6] =	stream.indirect_vreg.gather [hbm4b:s5+s3], $0x80, v3, vm0, $0xb8;
	[tilespmem:$0x18180] =	vst v63  }
0x561: {  	s4 =	simm.s32 $0x17180  }
0x562: {  	[tilespmem:s4], [sflag:$0x6] =	stream.indirect_vreg.gather [hbm4b:s6+s3], $0x80, v3, vm0, $0xb8;
	[tilespmem:$0x18180] =	vst v63  }
0x563: {  	s20 =	simm.s32 $0x17980  }
0x564: {  	[tilespmem:s20], [sflag:$0x6] =	stream.indirect_vreg.gather [hbm4b:s7+s3], $0x80, v3, vm0, $0xb8;
	[tilespmem:$0x18180] =	vst v63  }
0x565: {  	_ =	swait.ge [sflag:s24], $0x8000  }
0x566: {  	s4 =	sld [smem:$0x7EA]  }
0x567: {  	[sflag:s24] =	ssyncset.done $0x0  }
0x568: {  	s20 =	sld [smem:$0x7EB];
	[sflag:s24] =	ssyncadd.s32 $0xFFFF8000  }
0x569: {  	[hbm4b:s4+s3] =	stream.linear.scatter [tilespmem:s30], [sflag:$0x7], $0x8000, $0x38;
	[tilespmem:$0x18180] =	vst v63  }
0x56a: {  	_ = 	snop  }
0x56b: {  	[tilespmem:s3], [sflag:$0x1] =	stream.linear.gather [hbm4b:s20+s3], $0x80, $0x38;
	[tilespmem:$0x18180] =	vst v63  }
0x56c: {  	_ =	swait.ge [sflag:s25], $0x8000  }
0x56d: {  	[sflag:s25] =	ssyncset.done $0x0  }
0x56e: {  	[sflag:s25] =	ssyncadd.s32 $0xFFFF8000  }
0x56f: {  	_ =	swait.ge [sflag:s11], $0x80  }
0x570: {  	[sflag:s11] =	ssyncset.done $0x0  }
0x571: {  	[sflag:s11] =	ssyncadd.s32 $0xFFFFFF80  }
0x572: {  	v3 =	vld [tilespmem:$0x0];
	_ =	sdelay $0x4  }
0x573: {  	v48 =	vshll.u32 v3, $0x3  }
0x574: {  	v3 =	vand.u32 $0x7, v3;
	v4 =	vand.u32 $0xFFFFFFC0, v48  }
0x575: {  	v3 =	vor.u32 v3, v4  }
0x576: {  	v4 =	vperm.xlane v3, v0;
	_ =	sdelay $0x1  }
0x577: {  	v4 =	vadd.s32 v1, v4;
	_ =	sdelay $0x4  }
0x578: {  	[tilespmem:s30], [sflag:$0x4] =	stream.indirect_vreg.gather [hbm4b:s2+s3], $0x80, v4, vm0, $0xb8;
	[tilespmem:$0x18180] =	vst v63  }
0x579: {  	s20 =	simm.s32 $0x980;
	v3 =	vperm.xlane v3, v2  }
0x57a: {  	[tilespmem:s20], [sflag:$0x4] =	stream.indirect_vreg.gather [hbm4b:s5+s3], $0x80, v4, vm0, $0xb8;
	[tilespmem:$0x18180] =	vst v63  }
0x57b: {  	s4 =	simm.s32 $0x1180;
	v3 =	vadd.s32 v1, v3  }
0x57c: {  	[tilespmem:s4], [sflag:$0x4] =	stream.indirect_vreg.gather [hbm4b:s6+s3], $0x80, v4, vm0, $0xb8;
	[tilespmem:$0x18180] =	vst v63  }
0x57d: {  	s20 =	simm.s32 $0x1980  }
0x57e: {  	[tilespmem:s20], [sflag:$0x4] =	stream.indirect_vreg.gather [hbm4b:s7+s3], $0x80, v4, vm0, $0xb8;
	[tilespmem:$0x18180] =	vst v63  }
0x57f: {  	s4 =	simm.s32 $0x2180  }
0x580: {  	[tilespmem:s4], [sflag:$0x4] =	stream.indirect_vreg.gather [hbm4b:s2+s3], $0x80, v3, vm0, $0xb8;
	[tilespmem:$0x18180] =	vst v63  }
0x581: {  	s20 =	simm.s32 $0x2980  }
0x582: {  	[tilespmem:s20], [sflag:$0x4] =	stream.indirect_vreg.gather [hbm4b:s5+s3], $0x80, v3, vm0, $0xb8;
	[tilespmem:$0x18180] =	vst v63  }
0x583: {  	s4 =	simm.s32 $0x3180  }
0x584: {  	[tilespmem:s4], [sflag:$0x4] =	stream.indirect_vreg.gather [hbm4b:s6+s3], $0x80, v3, vm0, $0xb8;
	[tilespmem:$0x18180] =	vst v63  }
0x585: {  	s20 =	simm.s32 $0x3980  }
0x586: {  	[tilespmem:s20], [sflag:$0x4] =	stream.indirect_vreg.gather [hbm4b:s7+s3], $0x80, v3, vm0, $0xb8;
	[tilespmem:$0x18180] =	vst v63  }
0x587: {  	v3 =	vld [tilespmem:$0x10];
	_ =	sdelay $0x4  }
0x588: {  	v49 =	vshll.u32 v3, $0x3  }
0x589: {  	v3 =	vand.u32 $0x7, v3;
	v4 =	vand.u32 $0xFFFFFFC0, v49  }
0x58a: {  	v3 =	vor.u32 v3, v4  }
0x58b: {  	v4 =	vperm.xlane v3, v0;
	_ =	sdelay $0x1  }
0x58c: {  	v4 =	vadd.s32 v1, v4;
	_ =	sdelay $0x3  }
0x58d: {  	s4 =	simm.s32 $0x4180  }
0x58e: {  	[tilespmem:s4], [sflag:$0x4] =	stream.indirect_vreg.gather [hbm4b:s2+s3], $0x80, v4, vm0, $0xb8;
	[tilespmem:$0x18180] =	vst v63  }
0x58f: {  	s20 =	simm.s32 $0x4980;
	v3 =	vperm.xlane v3, v2  }
0x590: {  	[tilespmem:s20], [sflag:$0x4] =	stream.indirect_vreg.gather [hbm4b:s5+s3], $0x80, v4, vm0, $0xb8;
	[tilespmem:$0x18180] =	vst v63  }
0x591: {  	v3 =	vadd.s32 v1, v3;
	s4 =	simm.s32 $0x5180  }
0x592: {  	[tilespmem:s4], [sflag:$0x4] =	stream.indirect_vreg.gather [hbm4b:s6+s3], $0x80, v4, vm0, $0xb8;
	[tilespmem:$0x18180] =	vst v63  }
0x593: {  	s20 =	simm.s32 $0x5980  }
0x594: {  	[tilespmem:s20], [sflag:$0x4] =	stream.indirect_vreg.gather [hbm4b:s7+s3], $0x80, v4, vm0, $0xb8;
	[tilespmem:$0x18180] =	vst v63  }
0x595: {  	s4 =	simm.s32 $0x6180  }
0x596: {  	[tilespmem:s4], [sflag:$0x4] =	stream.indirect_vreg.gather [hbm4b:s2+s3], $0x80, v3, vm0, $0xb8;
	[tilespmem:$0x18180] =	vst v63  }
0x597: {  	s20 =	simm.s32 $0x6980  }
0x598: {  	[tilespmem:s20], [sflag:$0x4] =	stream.indirect_vreg.gather [hbm4b:s5+s3], $0x80, v3, vm0, $0xb8;
	[tilespmem:$0x18180] =	vst v63  }
0x599: {  	s4 =	simm.s32 $0x7180  }
0x59a: {  	[tilespmem:s4], [sflag:$0x4] =	stream.indirect_vreg.gather [hbm4b:s6+s3], $0x80, v3, vm0, $0xb8;
	[tilespmem:$0x18180] =	vst v63  }
0x59b: {  	s20 =	simm.s32 $0x7980  }
0x59c: {  	[tilespmem:s20], [sflag:$0x4] =	stream.indirect_vreg.gather [hbm4b:s7+s3], $0x80, v3, vm0, $0xb8;
	[tilespmem:$0x18180] =	vst v63  }
0x59d: {  	_ =	swait.ge [sflag:s26], $0x8000  }
0x59e: {  	s4 =	sld [smem:$0x7EC]  }
0x59f: {  	[sflag:s26] =	ssyncset.done $0x0  }
0x5a0: {  	s20 =	sld [smem:$0x7ED];
	[sflag:s26] =	ssyncadd.s32 $0xFFFF8000  }
0x5a1: {  	[hbm4b:s4+s3] =	stream.linear.scatter [tilespmem:s10], [sflag:$0x8], $0x8000, $0x38;
	[tilespmem:$0x18180] =	vst v63  }
0x5a2: {  	s21 =	simm.s32 $0x80  }
0x5a3: {  	[tilespmem:s21], [sflag:$0x2] =	stream.linear.gather [hbm4b:s20+s3], $0x80, $0x38;
	[tilespmem:$0x18180] =	vst v63  }
0x5a4: {  	_ =	swait.ge [sflag:s28], $0x8000  }
0x5a5: {  	[sflag:s28] =	ssyncset.done $0x0  }
0x5a6: {  	[sflag:s28] =	ssyncadd.s32 $0xFFFF8000  }
0x5a7: {  	_ =	swait.ge [sflag:s29], $0x80  }
0x5a8: {  	[sflag:s29] =	ssyncset.done $0x0  }
0x5a9: {  	[sflag:s29] =	ssyncadd.s32 $0xFFFFFF80  }
0x5aa: {  	v3 =	vld [tilespmem:$0x80];
	_ =	sdelay $0x4  }
0x5ab: {  	v50 =	vshll.u32 v3, $0x3  }
0x5ac: {  	v3 =	vand.u32 $0x7, v3;
	v4 =	vand.u32 $0xFFFFFFC0, v50  }
0x5ad: {  	v3 =	vor.u32 v3, v4  }
0x5ae: {  	v4 =	vperm.xlane v3, v0;
	_ =	sdelay $0x1  }
0x5af: {  	v4 =	vadd.s32 v1, v4;
	_ =	sdelay $0x4  }
0x5b0: {  	[tilespmem:s10], [sflag:$0x5] =	stream.indirect_vreg.gather [hbm4b:s2+s3], $0x80, v4, vm0, $0xb8;
	[tilespmem:$0x18180] =	vst v63  }
0x5b1: {  	s9 =	simm.s32 $0x8980;
	v3 =	vperm.xlane v3, v2  }
0x5b2: {  	[tilespmem:s9], [sflag:$0x5] =	stream.indirect_vreg.gather [hbm4b:s5+s3], $0x80, v4, vm0, $0xb8;
	[tilespmem:$0x18180] =	vst v63  }
0x5b3: {  	s4 =	simm.s32 $0x9180;
	v3 =	vadd.s32 v1, v3  }
0x5b4: {  	[tilespmem:s4], [sflag:$0x5] =	stream.indirect_vreg.gather [hbm4b:s6+s3], $0x80, v4, vm0, $0xb8;
	[tilespmem:$0x18180] =	vst v63  }
0x5b5: {  	s9 =	simm.s32 $0x9980  }
0x5b6: {  	[tilespmem:s9], [sflag:$0x5] =	stream.indirect_vreg.gather [hbm4b:s7+s3], $0x80, v4, vm0, $0xb8;
	[tilespmem:$0x18180] =	vst v63  }
0x5b7: {  	s23 =	simm.s32 $0xA180  }
0x5b8: {  	[tilespmem:s23], [sflag:$0x5] =	stream.indirect_vreg.gather [hbm4b:s2+s3], $0x80, v3, vm0, $0xb8;
	[tilespmem:$0x18180] =	vst v63  }
0x5b9: {  	s15 =	simm.s32 $0xA980  }
0x5ba: {  	[tilespmem:s15], [sflag:$0x5] =	stream.indirect_vreg.gather [hbm4b:s5+s3], $0x80, v3, vm0, $0xb8;
	[tilespmem:$0x18180] =	vst v63  }
0x5bb: {  	s16 =	simm.s32 $0xB180  }
0x5bc: {  	[tilespmem:s16], [sflag:$0x5] =	stream.indirect_vreg.gather [hbm4b:s6+s3], $0x80, v3, vm0, $0xb8;
	[tilespmem:$0x18180] =	vst v63  }
0x5bd: {  	s20 =	simm.s32 $0xB980  }
0x5be: {  	[tilespmem:s20], [sflag:$0x5] =	stream.indirect_vreg.gather [hbm4b:s7+s3], $0x80, v3, vm0, $0xb8;
	[tilespmem:$0x18180] =	vst v63  }
0x5bf: {  	v3 =	vld [tilespmem:$0x90];
	_ =	sdelay $0x4  }
0x5c0: {  	v51 =	vshll.u32 v3, $0x3  }
0x5c1: {  	v3 =	vand.u32 $0x7, v3;
	v4 =	vand.u32 $0xFFFFFFC0, v51  }
0x5c2: {  	v3 =	vor.u32 v3, v4  }
0x5c3: {  	v4 =	vperm.xlane v3, v0;
	_ =	sdelay $0x1  }
0x5c4: {  	v4 =	vadd.s32 v1, v4;
	_ =	sdelay $0x3  }
0x5c5: {  	s23 =	simm.s32 $0xC180  }
0x5c6: {  	[tilespmem:s23], [sflag:$0x5] =	stream.indirect_vreg.gather [hbm4b:s2+s3], $0x80, v4, vm0, $0xb8;
	[tilespmem:$0x18180] =	vst v63  }
0x5c7: {  	s4 =	simm.s32 $0xC980;
	v3 =	vperm.xlane v3, v2  }
0x5c8: {  	[tilespmem:s4], [sflag:$0x5] =	stream.indirect_vreg.gather [hbm4b:s5+s3], $0x80, v4, vm0, $0xb8;
	[tilespmem:$0x18180] =	vst v63  }
0x5c9: {  	s15 =	simm.s32 $0xD180;
	v3 =	vadd.s32 v1, v3  }
0x5ca: {  	[tilespmem:s15], [sflag:$0x5] =	stream.indirect_vreg.gather [hbm4b:s6+s3], $0x80, v4, vm0, $0xb8;
	[tilespmem:$0x18180] =	vst v63  }
0x5cb: {  	s14 =	simm.s32 $0xD980  }
0x5cc: {  	[tilespmem:s14], [sflag:$0x5] =	stream.indirect_vreg.gather [hbm4b:s7+s3], $0x80, v4, vm0, $0xb8;
	[tilespmem:$0x18180] =	vst v63  }
0x5cd: {  	s12 =	simm.s32 $0xE180  }
0x5ce: {  	[tilespmem:s12], [sflag:$0x5] =	stream.indirect_vreg.gather [hbm4b:s2+s3], $0x80, v3, vm0, $0xb8;
	[tilespmem:$0x18180] =	vst v63  }
0x5cf: {  	s13 =	simm.s32 $0xE980  }
0x5d0: {  	[tilespmem:s13], [sflag:$0x5] =	stream.indirect_vreg.gather [hbm4b:s5+s3], $0x80, v3, vm0, $0xb8;
	[tilespmem:$0x18180] =	vst v63  }
0x5d1: {  	s17 =	simm.s32 $0xF180  }
0x5d2: {  	[tilespmem:s17], [sflag:$0x5] =	stream.indirect_vreg.gather [hbm4b:s6+s3], $0x80, v3, vm0, $0xb8;
	[tilespmem:$0x18180] =	vst v63  }
0x5d3: {  	s18 =	simm.s32 $0xF980  }
0x5d4: {  	[tilespmem:s18], [sflag:$0x5] =	stream.indirect_vreg.gather [hbm4b:s7+s3], $0x80, v3, vm0, $0xb8;
	[tilespmem:$0x18180] =	vst v63  }
0x5d5: {  	_ =	swait.ge [sflag:s31], $0x8000  }
0x5d6: {  	s17 =	sld [smem:$0x7EE]  }
0x5d7: {  	[sflag:s31] =	ssyncset.done $0x0  }
0x5d8: {  	s18 =	sld [smem:$0x7EF];
	[sflag:s31] =	ssyncadd.s32 $0xFFFF8000  }
0x5d9: {  	[hbm4b:s17+s3] =	stream.linear.scatter [tilespmem:s8], [sflag:$0x9], $0x8000, $0x38;
	[tilespmem:$0x18180] =	vst v63  }
0x5da: {  	s19 =	simm.s32 $0x100  }
0x5db: {  	[tilespmem:s19], [sflag:$0x3] =	stream.linear.gather [hbm4b:s18+s3], $0x80, $0x38;
	[tilespmem:$0x18180] =	vst v63  }
0x5dc: {  	_ =	swait.ge [sflag:s1], $0x8000  }
0x5dd: {  	[sflag:s1] =	ssyncset.done $0x0  }
0x5de: {  	[sflag:s1] =	ssyncadd.s32 $0xFFFF8000  }
0x5df: {  	_ =	swait.ge [sflag:s22], $0x80  }
0x5e0: {  	[sflag:s22] =	ssyncset.done $0x0  }
0x5e1: {  	[sflag:s22] =	ssyncadd.s32 $0xFFFFFF80  }
0x5e2: {  	v3 =	vld [tilespmem:$0x100];
	_ =	sdelay $0x4  }
0x5e3: {  	v52 =	vshll.u32 v3, $0x3  }
0x5e4: {  	v3 =	vand.u32 $0x7, v3;
	v4 =	vand.u32 $0xFFFFFFC0, v52  }
0x5e5: {  	v3 =	vor.u32 v3, v4  }
0x5e6: {  	v4 =	vperm.xlane v3, v0;
	_ =	sdelay $0x1  }
0x5e7: {  	v4 =	vadd.s32 v1, v4;
	_ =	sdelay $0x4  }
0x5e8: {  	[tilespmem:s8], [sflag:$0x6] =	stream.indirect_vreg.gather [hbm4b:s2+s3], $0x80, v4, vm0, $0xb8;
	[tilespmem:$0x18180] =	vst v63  }
0x5e9: {  	s19 =	simm.s32 $0x10980;
	v3 =	vperm.xlane v3, v2  }
0x5ea: {  	[tilespmem:s19], [sflag:$0x6] =	stream.indirect_vreg.gather [hbm4b:s5+s3], $0x80, v4, vm0, $0xb8;
	[tilespmem:$0x18180] =	vst v63  }
0x5eb: {  	s23 =	simm.s32 $0x11180;
	v3 =	vadd.s32 v1, v3  }
0x5ec: {  	[tilespmem:s23], [sflag:$0x6] =	stream.indirect_vreg.gather [hbm4b:s6+s3], $0x80, v4, vm0, $0xb8;
	[tilespmem:$0x18180] =	vst v63  }
0x5ed: {  	s4 =	simm.s32 $0x11980  }
0x5ee: {  	[tilespmem:s4], [sflag:$0x6] =	stream.indirect_vreg.gather [hbm4b:s7+s3], $0x80, v4, vm0, $0xb8;
	[tilespmem:$0x18180] =	vst v63  }
0x5ef: {  	s17 =	simm.s32 $0x12180  }
0x5f0: {  	[tilespmem:s17], [sflag:$0x6] =	stream.indirect_vreg.gather [hbm4b:s2+s3], $0x80, v3, vm0, $0xb8;
	[tilespmem:$0x18180] =	vst v63  }
0x5f1: {  	s19 =	simm.s32 $0x12980  }
0x5f2: {  	[tilespmem:s19], [sflag:$0x6] =	stream.indirect_vreg.gather [hbm4b:s5+s3], $0x80, v3, vm0, $0xb8;
	[tilespmem:$0x18180] =	vst v63  }
0x5f3: {  	s23 =	simm.s32 $0x13180  }
0x5f4: {  	[tilespmem:s23], [sflag:$0x6] =	stream.indirect_vreg.gather [hbm4b:s6+s3], $0x80, v3, vm0, $0xb8;
	[tilespmem:$0x18180] =	vst v63  }
0x5f5: {  	s4 =	simm.s32 $0x13980  }
0x5f6: {  	[tilespmem:s4], [sflag:$0x6] =	stream.indirect_vreg.gather [hbm4b:s7+s3], $0x80, v3, vm0, $0xb8;
	[tilespmem:$0x18180] =	vst v63  }
0x5f7: {  	v3 =	vld [tilespmem:$0x110];
	_ =	sdelay $0x4  }
0x5f8: {  	v53 =	vshll.u32 v3, $0x3  }
0x5f9: {  	v3 =	vand.u32 $0x7, v3;
	v4 =	vand.u32 $0xFFFFFFC0, v53  }
0x5fa: {  	v3 =	vor.u32 v3, v4  }
0x5fb: {  	v4 =	vperm.xlane v3, v0;
	_ =	sdelay $0x1  }
0x5fc: {  	v4 =	vadd.s32 v1, v4;
	_ =	sdelay $0x3  }
0x5fd: {  	s17 =	simm.s32 $0x14180  }
0x5fe: {  	[tilespmem:s17], [sflag:$0x6] =	stream.indirect_vreg.gather [hbm4b:s2+s3], $0x80, v4, vm0, $0xb8;
	[tilespmem:$0x18180] =	vst v63  }
0x5ff: {  	s19 =	simm.s32 $0x14980;
	v3 =	vperm.xlane v3, v2  }
0x600: {  	[tilespmem:s19], [sflag:$0x6] =	stream.indirect_vreg.gather [hbm4b:s5+s3], $0x80, v4, vm0, $0xb8;
	[tilespmem:$0x18180] =	vst v63  }
0x601: {  	s23 =	simm.s32 $0x15180;
	v3 =	vadd.s32 v1, v3  }
0x602: {  	[tilespmem:s23], [sflag:$0x6] =	stream.indirect_vreg.gather [hbm4b:s6+s3], $0x80, v4, vm0, $0xb8;
	[tilespmem:$0x18180] =	vst v63  }
0x603: {  	s4 =	simm.s32 $0x15980  }
0x604: {  	[tilespmem:s4], [sflag:$0x6] =	stream.indirect_vreg.gather [hbm4b:s7+s3], $0x80, v4, vm0, $0xb8;
	[tilespmem:$0x18180] =	vst v63  }
0x605: {  	s17 =	simm.s32 $0x16180  }
0x606: {  	[tilespmem:s17], [sflag:$0x6] =	stream.indirect_vreg.gather [hbm4b:s2+s3], $0x80, v3, vm0, $0xb8;
	[tilespmem:$0x18180] =	vst v63  }
0x607: {  	s19 =	simm.s32 $0x16980  }
0x608: {  	[tilespmem:s19], [sflag:$0x6] =	stream.indirect_vreg.gather [hbm4b:s5+s3], $0x80, v3, vm0, $0xb8;
	[tilespmem:$0x18180] =	vst v63  }
0x609: {  	s23 =	simm.s32 $0x17180  }
0x60a: {  	[tilespmem:s23], [sflag:$0x6] =	stream.indirect_vreg.gather [hbm4b:s6+s3], $0x80, v3, vm0, $0xb8;
	[tilespmem:$0x18180] =	vst v63  }
0x60b: {  	s4 =	simm.s32 $0x17980  }
0x60c: {  	[tilespmem:s4], [sflag:$0x6] =	stream.indirect_vreg.gather [hbm4b:s7+s3], $0x80, v3, vm0, $0xb8;
	[tilespmem:$0x18180] =	vst v63  }
0x60d: {  	_ =	swait.ge [sflag:s24], $0x8000  }
0x60e: {  	s17 =	sld [smem:$0x7F0]  }
0x60f: {  	[sflag:s24] =	ssyncset.done $0x0  }
0x610: {  	s19 =	sld [smem:$0x7F1];
	[sflag:s24] =	ssyncadd.s32 $0xFFFF8000  }
0x611: {  	[hbm4b:s17+s3] =	stream.linear.scatter [tilespmem:s30], [sflag:$0x7], $0x8000, $0x38;
	[tilespmem:$0x18180] =	vst v63  }
0x612: {  	_ = 	snop  }
0x613: {  	[tilespmem:s3], [sflag:$0x1] =	stream.linear.gather [hbm4b:s19+s3], $0x80, $0x38;
	[tilespmem:$0x18180] =	vst v63  }
0x614: {  	_ =	swait.ge [sflag:s25], $0x8000  }
0x615: {  	[sflag:s25] =	ssyncset.done $0x0  }
0x616: {  	[sflag:s25] =	ssyncadd.s32 $0xFFFF8000  }
0x617: {  	_ =	swait.ge [sflag:s11], $0x80  }
0x618: {  	[sflag:s11] =	ssyncset.done $0x0  }
0x619: {  	[sflag:s11] =	ssyncadd.s32 $0xFFFFFF80  }
0x61a: {  	v3 =	vld [tilespmem:$0x0];
	_ =	sdelay $0x4  }
0x61b: {  	v54 =	vshll.u32 v3, $0x3  }
0x61c: {  	v3 =	vand.u32 $0x7, v3;
	v4 =	vand.u32 $0xFFFFFFC0, v54  }
0x61d: {  	v3 =	vor.u32 v3, v4  }
0x61e: {  	v4 =	vperm.xlane v3, v0;
	_ =	sdelay $0x1  }
0x61f: {  	v4 =	vadd.s32 v1, v4;
	_ =	sdelay $0x4  }
0x620: {  	[tilespmem:s30], [sflag:$0x4] =	stream.indirect_vreg.gather [hbm4b:s2+s3], $0x80, v4, vm0, $0xb8;
	[tilespmem:$0x18180] =	vst v63  }
0x621: {  	s23 =	simm.s32 $0x980;
	v3 =	vperm.xlane v3, v2  }
0x622: {  	[tilespmem:s23], [sflag:$0x4] =	stream.indirect_vreg.gather [hbm4b:s5+s3], $0x80, v4, vm0, $0xb8;
	[tilespmem:$0x18180] =	vst v63  }
0x623: {  	s4 =	simm.s32 $0x1180;
	v3 =	vadd.s32 v1, v3  }
0x624: {  	[tilespmem:s4], [sflag:$0x4] =	stream.indirect_vreg.gather [hbm4b:s6+s3], $0x80, v4, vm0, $0xb8;
	[tilespmem:$0x18180] =	vst v63  }
0x625: {  	s17 =	simm.s32 $0x1980  }
0x626: {  	[tilespmem:s17], [sflag:$0x4] =	stream.indirect_vreg.gather [hbm4b:s7+s3], $0x80, v4, vm0, $0xb8;
	[tilespmem:$0x18180] =	vst v63  }
0x627: {  	s19 =	simm.s32 $0x2180  }
0x628: {  	[tilespmem:s19], [sflag:$0x4] =	stream.indirect_vreg.gather [hbm4b:s2+s3], $0x80, v3, vm0, $0xb8;
	[tilespmem:$0x18180] =	vst v63  }
0x629: {  	s23 =	simm.s32 $0x2980  }
0x62a: {  	[tilespmem:s23], [sflag:$0x4] =	stream.indirect_vreg.gather [hbm4b:s5+s3], $0x80, v3, vm0, $0xb8;
	[tilespmem:$0x18180] =	vst v63  }
0x62b: {  	s4 =	simm.s32 $0x3180  }
0x62c: {  	[tilespmem:s4], [sflag:$0x4] =	stream.indirect_vreg.gather [hbm4b:s6+s3], $0x80, v3, vm0, $0xb8;
	[tilespmem:$0x18180] =	vst v63  }
0x62d: {  	s17 =	simm.s32 $0x3980  }
0x62e: {  	[tilespmem:s17], [sflag:$0x4] =	stream.indirect_vreg.gather [hbm4b:s7+s3], $0x80, v3, vm0, $0xb8;
	[tilespmem:$0x18180] =	vst v63  }
0x62f: {  	v3 =	vld [tilespmem:$0x10];
	_ =	sdelay $0x4  }
0x630: {  	v55 =	vshll.u32 v3, $0x3  }
0x631: {  	v3 =	vand.u32 $0x7, v3;
	v4 =	vand.u32 $0xFFFFFFC0, v55  }
0x632: {  	v3 =	vor.u32 v3, v4  }
0x633: {  	v4 =	vperm.xlane v3, v0;
	_ =	sdelay $0x1  }
0x634: {  	v4 =	vadd.s32 v1, v4;
	_ =	sdelay $0x3  }
0x635: {  	s19 =	simm.s32 $0x4180  }
0x636: {  	[tilespmem:s19], [sflag:$0x4] =	stream.indirect_vreg.gather [hbm4b:s2+s3], $0x80, v4, vm0, $0xb8;
	[tilespmem:$0x18180] =	vst v63  }
0x637: {  	s23 =	simm.s32 $0x4980;
	v3 =	vperm.xlane v3, v2  }
0x638: {  	[tilespmem:s23], [sflag:$0x4] =	stream.indirect_vreg.gather [hbm4b:s5+s3], $0x80, v4, vm0, $0xb8;
	[tilespmem:$0x18180] =	vst v63  }
0x639: {  	s4 =	simm.s32 $0x5180;
	v3 =	vadd.s32 v1, v3  }
0x63a: {  	[tilespmem:s4], [sflag:$0x4] =	stream.indirect_vreg.gather [hbm4b:s6+s3], $0x80, v4, vm0, $0xb8;
	[tilespmem:$0x18180] =	vst v63  }
0x63b: {  	s17 =	simm.s32 $0x5980  }
0x63c: {  	[tilespmem:s17], [sflag:$0x4] =	stream.indirect_vreg.gather [hbm4b:s7+s3], $0x80, v4, vm0, $0xb8;
	[tilespmem:$0x18180] =	vst v63  }
0x63d: {  	s19 =	simm.s32 $0x6180  }
0x63e: {  	[tilespmem:s19], [sflag:$0x4] =	stream.indirect_vreg.gather [hbm4b:s2+s3], $0x80, v3, vm0, $0xb8;
	[tilespmem:$0x18180] =	vst v63  }
0x63f: {  	s23 =	simm.s32 $0x6980  }
0x640: {  	[tilespmem:s23], [sflag:$0x4] =	stream.indirect_vreg.gather [hbm4b:s5+s3], $0x80, v3, vm0, $0xb8;
	[tilespmem:$0x18180] =	vst v63  }
0x641: {  	s4 =	simm.s32 $0x7180  }
0x642: {  	[tilespmem:s4], [sflag:$0x4] =	stream.indirect_vreg.gather [hbm4b:s6+s3], $0x80, v3, vm0, $0xb8;
	[tilespmem:$0x18180] =	vst v63  }
0x643: {  	s17 =	simm.s32 $0x7980  }
0x644: {  	[tilespmem:s17], [sflag:$0x4] =	stream.indirect_vreg.gather [hbm4b:s7+s3], $0x80, v3, vm0, $0xb8;
	[tilespmem:$0x18180] =	vst v63  }
0x645: {  	_ =	swait.ge [sflag:s26], $0x8000  }
0x646: {  	s19 =	sld [smem:$0x7F2]  }
0x647: {  	[sflag:s26] =	ssyncset.done $0x0  }
0x648: {  	s23 =	sld [smem:$0x7F3];
	[sflag:s26] =	ssyncadd.s32 $0xFFFF8000  }
0x649: {  	[hbm4b:s19+s3] =	stream.linear.scatter [tilespmem:s10], [sflag:$0x8], $0x8000, $0x38;
	[tilespmem:$0x18180] =	vst v63  }
0x64a: {  	s21 =	simm.s32 $0x80  }
0x64b: {  	[tilespmem:s21], [sflag:$0x2] =	stream.linear.gather [hbm4b:s23+s3], $0x80, $0x38;
	[tilespmem:$0x18180] =	vst v63  }
0x64c: {  	_ =	swait.ge [sflag:s28], $0x8000  }
0x64d: {  	[sflag:s28] =	ssyncset.done $0x0  }
0x64e: {  	[sflag:s28] =	ssyncadd.s32 $0xFFFF8000  }
0x64f: {  	_ =	swait.ge [sflag:s29], $0x80  }
0x650: {  	[sflag:s29] =	ssyncset.done $0x0  }
0x651: {  	[sflag:s29] =	ssyncadd.s32 $0xFFFFFF80  }
0x652: {  	v3 =	vld [tilespmem:$0x80];
	_ =	sdelay $0x4  }
0x653: {  	v56 =	vshll.u32 v3, $0x3  }
0x654: {  	v3 =	vand.u32 $0x7, v3;
	v4 =	vand.u32 $0xFFFFFFC0, v56  }
0x655: {  	v3 =	vor.u32 v3, v4  }
0x656: {  	v4 =	vperm.xlane v3, v0;
	_ =	sdelay $0x1  }
0x657: {  	v4 =	vadd.s32 v1, v4;
	_ =	sdelay $0x4  }
0x658: {  	[tilespmem:s10], [sflag:$0x5] =	stream.indirect_vreg.gather [hbm4b:s2+s3], $0x80, v4, vm0, $0xb8;
	[tilespmem:$0x18180] =	vst v63  }
0x659: {  	s17 =	simm.s32 $0x8980;
	v3 =	vperm.xlane v3, v2  }
0x65a: {  	[tilespmem:s17], [sflag:$0x5] =	stream.indirect_vreg.gather [hbm4b:s5+s3], $0x80, v4, vm0, $0xb8;
	[tilespmem:$0x18180] =	vst v63  }
0x65b: {  	s19 =	simm.s32 $0x9180;
	v3 =	vadd.s32 v1, v3  }
0x65c: {  	[tilespmem:s19], [sflag:$0x5] =	stream.indirect_vreg.gather [hbm4b:s6+s3], $0x80, v4, vm0, $0xb8;
	[tilespmem:$0x18180] =	vst v63  }
0x65d: {  	s4 =	simm.s32 $0x9980  }
0x65e: {  	[tilespmem:s4], [sflag:$0x5] =	stream.indirect_vreg.gather [hbm4b:s7+s3], $0x80, v4, vm0, $0xb8;
	[tilespmem:$0x18180] =	vst v63  }
0x65f: {  	s9 =	simm.s32 $0xA180  }
0x660: {  	[tilespmem:s9], [sflag:$0x5] =	stream.indirect_vreg.gather [hbm4b:s2+s3], $0x80, v3, vm0, $0xb8;
	[tilespmem:$0x18180] =	vst v63  }
0x661: {  	s17 =	simm.s32 $0xA980  }
0x662: {  	[tilespmem:s17], [sflag:$0x5] =	stream.indirect_vreg.gather [hbm4b:s5+s3], $0x80, v3, vm0, $0xb8;
	[tilespmem:$0x18180] =	vst v63  }
0x663: {  	s16 =	simm.s32 $0xB180  }
0x664: {  	[tilespmem:s16], [sflag:$0x5] =	stream.indirect_vreg.gather [hbm4b:s6+s3], $0x80, v3, vm0, $0xb8;
	[tilespmem:$0x18180] =	vst v63  }
0x665: {  	s4 =	simm.s32 $0xB980  }
0x666: {  	[tilespmem:s4], [sflag:$0x5] =	stream.indirect_vreg.gather [hbm4b:s7+s3], $0x80, v3, vm0, $0xb8;
	[tilespmem:$0x18180] =	vst v63  }
0x667: {  	v3 =	vld [tilespmem:$0x90];
	_ =	sdelay $0x4  }
0x668: {  	v57 =	vshll.u32 v3, $0x3  }
0x669: {  	v3 =	vand.u32 $0x7, v3;
	v4 =	vand.u32 $0xFFFFFFC0, v57  }
0x66a: {  	v3 =	vor.u32 v3, v4  }
0x66b: {  	v4 =	vperm.xlane v3, v0;
	_ =	sdelay $0x1  }
0x66c: {  	v4 =	vadd.s32 v1, v4;
	_ =	sdelay $0x3  }
0x66d: {  	s9 =	simm.s32 $0xC180  }
0x66e: {  	[tilespmem:s9], [sflag:$0x5] =	stream.indirect_vreg.gather [hbm4b:s2+s3], $0x80, v4, vm0, $0xb8;
	[tilespmem:$0x18180] =	vst v63  }
0x66f: {  	s17 =	simm.s32 $0xC980;
	v3 =	vperm.xlane v3, v2  }
0x670: {  	[tilespmem:s17], [sflag:$0x5] =	stream.indirect_vreg.gather [hbm4b:s5+s3], $0x80, v4, vm0, $0xb8;
	[tilespmem:$0x18180] =	vst v63  }
0x671: {  	s20 =	simm.s32 $0xD180;
	v3 =	vadd.s32 v1, v3  }
0x672: {  	[tilespmem:s20], [sflag:$0x5] =	stream.indirect_vreg.gather [hbm4b:s6+s3], $0x80, v4, vm0, $0xb8;
	[tilespmem:$0x18180] =	vst v63  }
0x673: {  	s15 =	simm.s32 $0xD980  }
0x674: {  	[tilespmem:s15], [sflag:$0x5] =	stream.indirect_vreg.gather [hbm4b:s7+s3], $0x80, v4, vm0, $0xb8;
	[tilespmem:$0x18180] =	vst v63  }
0x675: {  	s12 =	simm.s32 $0xE180  }
0x676: {  	[tilespmem:s12], [sflag:$0x5] =	stream.indirect_vreg.gather [hbm4b:s2+s3], $0x80, v3, vm0, $0xb8;
	[tilespmem:$0x18180] =	vst v63  }
0x677: {  	s13 =	simm.s32 $0xE980  }
0x678: {  	[tilespmem:s13], [sflag:$0x5] =	stream.indirect_vreg.gather [hbm4b:s5+s3], $0x80, v3, vm0, $0xb8;
	[tilespmem:$0x18180] =	vst v63  }
0x679: {  	s14 =	simm.s32 $0xF180  }
0x67a: {  	[tilespmem:s14], [sflag:$0x5] =	stream.indirect_vreg.gather [hbm4b:s6+s3], $0x80, v3, vm0, $0xb8;
	[tilespmem:$0x18180] =	vst v63  }
0x67b: {  	s20 =	simm.s32 $0xF980  }
0x67c: {  	[tilespmem:s20], [sflag:$0x5] =	stream.indirect_vreg.gather [hbm4b:s7+s3], $0x80, v3, vm0, $0xb8;
	[tilespmem:$0x18180] =	vst v63  }
0x67d: {  	_ =	swait.ge [sflag:s31], $0x8000  }
0x67e: {  	s4 =	sld [smem:$0x7F4]  }
0x67f: {  	[sflag:s31] =	ssyncset.done $0x0  }
0x680: {  	s20 =	sld [smem:$0x7F5];
	[sflag:s31] =	ssyncadd.s32 $0xFFFF8000  }
0x681: {  	[hbm4b:s4+s3] =	stream.linear.scatter [tilespmem:s8], [sflag:$0x9], $0x8000, $0x38;
	[tilespmem:$0x18180] =	vst v63  }
0x682: {  	s18 =	simm.s32 $0x100  }
0x683: {  	[tilespmem:s18], [sflag:$0x3] =	stream.linear.gather [hbm4b:s20+s3], $0x80, $0x38;
	[tilespmem:$0x18180] =	vst v63  }
0x684: {  	_ =	swait.ge [sflag:s1], $0x8000  }
0x685: {  	[sflag:s1] =	ssyncset.done $0x0  }
0x686: {  	[sflag:s1] =	ssyncadd.s32 $0xFFFF8000  }
0x687: {  	_ =	swait.ge [sflag:s22], $0x80  }
0x688: {  	[sflag:s22] =	ssyncset.done $0x0  }
0x689: {  	[sflag:s22] =	ssyncadd.s32 $0xFFFFFF80  }
0x68a: {  	v3 =	vld [tilespmem:$0x100];
	_ =	sdelay $0x4  }
0x68b: {  	v58 =	vshll.u32 v3, $0x3  }
0x68c: {  	v3 =	vand.u32 $0x7, v3;
	v4 =	vand.u32 $0xFFFFFFC0, v58  }
0x68d: {  	v3 =	vor.u32 v3, v4  }
0x68e: {  	v4 =	vperm.xlane v3, v0;
	_ =	sdelay $0x1  }
0x68f: {  	v4 =	vadd.s32 v1, v4;
	_ =	sdelay $0x4  }
0x690: {  	[tilespmem:s8], [sflag:$0x6] =	stream.indirect_vreg.gather [hbm4b:s2+s3], $0x80, v4, vm0, $0xb8;
	[tilespmem:$0x18180] =	vst v63  }
0x691: {  	s18 =	simm.s32 $0x10980;
	v3 =	vperm.xlane v3, v2  }
0x692: {  	[tilespmem:s18], [sflag:$0x6] =	stream.indirect_vreg.gather [hbm4b:s5+s3], $0x80, v4, vm0, $0xb8;
	[tilespmem:$0x18180] =	vst v63  }
0x693: {  	s20 =	simm.s32 $0x11180;
	v3 =	vadd.s32 v1, v3  }
0x694: {  	[tilespmem:s20], [sflag:$0x6] =	stream.indirect_vreg.gather [hbm4b:s6+s3], $0x80, v4, vm0, $0xb8;
	[tilespmem:$0x18180] =	vst v63  }
0x695: {  	s4 =	simm.s32 $0x11980  }
0x696: {  	[tilespmem:s4], [sflag:$0x6] =	stream.indirect_vreg.gather [hbm4b:s7+s3], $0x80, v4, vm0, $0xb8;
	[tilespmem:$0x18180] =	vst v63  }
0x697: {  	s18 =	simm.s32 $0x12180  }
0x698: {  	[tilespmem:s18], [sflag:$0x6] =	stream.indirect_vreg.gather [hbm4b:s2+s3], $0x80, v3, vm0, $0xb8;
	[tilespmem:$0x18180] =	vst v63  }
0x699: {  	s20 =	simm.s32 $0x12980  }
0x69a: {  	[tilespmem:s20], [sflag:$0x6] =	stream.indirect_vreg.gather [hbm4b:s5+s3], $0x80, v3, vm0, $0xb8;
	[tilespmem:$0x18180] =	vst v63  }
0x69b: {  	s4 =	simm.s32 $0x13180  }
0x69c: {  	[tilespmem:s4], [sflag:$0x6] =	stream.indirect_vreg.gather [hbm4b:s6+s3], $0x80, v3, vm0, $0xb8;
	[tilespmem:$0x18180] =	vst v63  }
0x69d: {  	s18 =	simm.s32 $0x13980  }
0x69e: {  	[tilespmem:s18], [sflag:$0x6] =	stream.indirect_vreg.gather [hbm4b:s7+s3], $0x80, v3, vm0, $0xb8;
	[tilespmem:$0x18180] =	vst v63  }
0x69f: {  	v3 =	vld [tilespmem:$0x110];
	_ =	sdelay $0x4  }
0x6a0: {  	v59 =	vshll.u32 v3, $0x3  }
0x6a1: {  	v3 =	vand.u32 $0x7, v3;
	v4 =	vand.u32 $0xFFFFFFC0, v59  }
0x6a2: {  	v3 =	vor.u32 v3, v4  }
0x6a3: {  	v4 =	vperm.xlane v3, v0;
	_ =	sdelay $0x1  }
0x6a4: {  	v4 =	vadd.s32 v1, v4;
	_ =	sdelay $0x3  }
0x6a5: {  	s20 =	simm.s32 $0x14180  }
0x6a6: {  	[tilespmem:s20], [sflag:$0x6] =	stream.indirect_vreg.gather [hbm4b:s2+s3], $0x80, v4, vm0, $0xb8;
	[tilespmem:$0x18180] =	vst v63  }
0x6a7: {  	s4 =	simm.s32 $0x14980;
	v3 =	vperm.xlane v3, v2  }
0x6a8: {  	[tilespmem:s4], [sflag:$0x6] =	stream.indirect_vreg.gather [hbm4b:s5+s3], $0x80, v4, vm0, $0xb8;
	[tilespmem:$0x18180] =	vst v63  }
0x6a9: {  	s18 =	simm.s32 $0x15180;
	v3 =	vadd.s32 v1, v3  }
0x6aa: {  	[tilespmem:s18], [sflag:$0x6] =	stream.indirect_vreg.gather [hbm4b:s6+s3], $0x80, v4, vm0, $0xb8;
	[tilespmem:$0x18180] =	vst v63  }
0x6ab: {  	s20 =	simm.s32 $0x15980  }
0x6ac: {  	[tilespmem:s20], [sflag:$0x6] =	stream.indirect_vreg.gather [hbm4b:s7+s3], $0x80, v4, vm0, $0xb8;
	[tilespmem:$0x18180] =	vst v63  }
0x6ad: {  	s4 =	simm.s32 $0x16180  }
0x6ae: {  	[tilespmem:s4], [sflag:$0x6] =	stream.indirect_vreg.gather [hbm4b:s2+s3], $0x80, v3, vm0, $0xb8;
	[tilespmem:$0x18180] =	vst v63  }
0x6af: {  	s18 =	simm.s32 $0x16980  }
0x6b0: {  	[tilespmem:s18], [sflag:$0x6] =	stream.indirect_vreg.gather [hbm4b:s5+s3], $0x80, v3, vm0, $0xb8;
	[tilespmem:$0x18180] =	vst v63  }
0x6b1: {  	s20 =	simm.s32 $0x17180  }
0x6b2: {  	[tilespmem:s20], [sflag:$0x6] =	stream.indirect_vreg.gather [hbm4b:s6+s3], $0x80, v3, vm0, $0xb8;
	[tilespmem:$0x18180] =	vst v63  }
0x6b3: {  	s4 =	simm.s32 $0x17980  }
0x6b4: {  	[tilespmem:s4], [sflag:$0x6] =	stream.indirect_vreg.gather [hbm4b:s7+s3], $0x80, v3, vm0, $0xb8;
	[tilespmem:$0x18180] =	vst v63  }
0x6b5: {  	_ =	swait.ge [sflag:s24], $0x8000  }
0x6b6: {  	s18 =	sld [smem:$0x7F6]  }
0x6b7: {  	[sflag:s24] =	ssyncset.done $0x0  }
0x6b8: {  	s20 =	sld [smem:$0x7F7];
	[sflag:s24] =	ssyncadd.s32 $0xFFFF8000  }
0x6b9: {  	[hbm4b:s18+s3] =	stream.linear.scatter [tilespmem:s30], [sflag:$0x7], $0x8000, $0x38;
	[tilespmem:$0x18180] =	vst v63  }
0x6ba: {  	_ = 	snop  }
0x6bb: {  	[tilespmem:s3], [sflag:$0x1] =	stream.linear.gather [hbm4b:s20+s3], $0x80, $0x38;
	[tilespmem:$0x18180] =	vst v63  }
0x6bc: {  	_ =	swait.ge [sflag:s25], $0x8000  }
0x6bd: {  	[sflag:s25] =	ssyncset.done $0x0  }
0x6be: {  	[sflag:s25] =	ssyncadd.s32 $0xFFFF8000  }
0x6bf: {  	_ =	swait.ge [sflag:s11], $0x80  }
0x6c0: {  	[sflag:s11] =	ssyncset.done $0x0  }
0x6c1: {  	[sflag:s11] =	ssyncadd.s32 $0xFFFFFF80  }
0x6c2: {  	v3 =	vld [tilespmem:$0x0];
	_ =	sdelay $0x4  }
0x6c3: {  	v60 =	vshll.u32 v3, $0x3  }
0x6c4: {  	v3 =	vand.u32 $0x7, v3;
	v4 =	vand.u32 $0xFFFFFFC0, v60  }
0x6c5: {  	v3 =	vor.u32 v3, v4  }
0x6c6: {  	v4 =	vperm.xlane v3, v0;
	_ =	sdelay $0x1  }
0x6c7: {  	v4 =	vadd.s32 v1, v4;
	_ =	sdelay $0x4  }
0x6c8: {  	[tilespmem:s30], [sflag:$0x4] =	stream.indirect_vreg.gather [hbm4b:s2+s3], $0x80, v4, vm0, $0xb8;
	[tilespmem:$0x18180] =	vst v63  }
0x6c9: {  	s4 =	simm.s32 $0x980;
	v3 =	vperm.xlane v3, v2  }
0x6ca: {  	[tilespmem:s4], [sflag:$0x4] =	stream.indirect_vreg.gather [hbm4b:s5+s3], $0x80, v4, vm0, $0xb8;
	[tilespmem:$0x18180] =	vst v63  }
0x6cb: {  	s18 =	simm.s32 $0x1180;
	v3 =	vadd.s32 v1, v3  }
0x6cc: {  	[tilespmem:s18], [sflag:$0x4] =	stream.indirect_vreg.gather [hbm4b:s6+s3], $0x80, v4, vm0, $0xb8;
	[tilespmem:$0x18180] =	vst v63  }
0x6cd: {  	s20 =	simm.s32 $0x1980  }
0x6ce: {  	[tilespmem:s20], [sflag:$0x4] =	stream.indirect_vreg.gather [hbm4b:s7+s3], $0x80, v4, vm0, $0xb8;
	[tilespmem:$0x18180] =	vst v63  }
0x6cf: {  	s4 =	simm.s32 $0x2180  }
0x6d0: {  	[tilespmem:s4], [sflag:$0x4] =	stream.indirect_vreg.gather [hbm4b:s2+s3], $0x80, v3, vm0, $0xb8;
	[tilespmem:$0x18180] =	vst v63  }
0x6d1: {  	s18 =	simm.s32 $0x2980  }
0x6d2: {  	[tilespmem:s18], [sflag:$0x4] =	stream.indirect_vreg.gather [hbm4b:s5+s3], $0x80, v3, vm0, $0xb8;
	[tilespmem:$0x18180] =	vst v63  }
0x6d3: {  	s20 =	simm.s32 $0x3180  }
0x6d4: {  	[tilespmem:s20], [sflag:$0x4] =	stream.indirect_vreg.gather [hbm4b:s6+s3], $0x80, v3, vm0, $0xb8;
	[tilespmem:$0x18180] =	vst v63  }
0x6d5: {  	s4 =	simm.s32 $0x3980  }
0x6d6: {  	[tilespmem:s4], [sflag:$0x4] =	stream.indirect_vreg.gather [hbm4b:s7+s3], $0x80, v3, vm0, $0xb8;
	[tilespmem:$0x18180] =	vst v63  }
0x6d7: {  	v3 =	vld [tilespmem:$0x10];
	_ =	sdelay $0x4  }
0x6d8: {  	v61 =	vshll.u32 v3, $0x3  }
0x6d9: {  	v3 =	vand.u32 $0x7, v3;
	v4 =	vand.u32 $0xFFFFFFC0, v61  }
0x6da: {  	v3 =	vor.u32 v3, v4  }
0x6db: {  	v4 =	vperm.xlane v3, v0;
	_ =	sdelay $0x1  }
0x6dc: {  	v4 =	vadd.s32 v1, v4;
	_ =	sdelay $0x3  }
0x6dd: {  	s18 =	simm.s32 $0x4180  }
0x6de: {  	[tilespmem:s18], [sflag:$0x4] =	stream.indirect_vreg.gather [hbm4b:s2+s3], $0x80, v4, vm0, $0xb8;
	[tilespmem:$0x18180] =	vst v63  }
0x6df: {  	s20 =	simm.s32 $0x4980;
	v3 =	vperm.xlane v3, v2  }
0x6e0: {  	[tilespmem:s20], [sflag:$0x4] =	stream.indirect_vreg.gather [hbm4b:s5+s3], $0x80, v4, vm0, $0xb8;
	[tilespmem:$0x18180] =	vst v63  }
0x6e1: {  	s4 =	simm.s32 $0x5180;
	v3 =	vadd.s32 v1, v3  }
0x6e2: {  	[tilespmem:s4], [sflag:$0x4] =	stream.indirect_vreg.gather [hbm4b:s6+s3], $0x80, v4, vm0, $0xb8;
	[tilespmem:$0x18180] =	vst v63  }
0x6e3: {  	s18 =	simm.s32 $0x5980  }
0x6e4: {  	[tilespmem:s18], [sflag:$0x4] =	stream.indirect_vreg.gather [hbm4b:s7+s3], $0x80, v4, vm0, $0xb8;
	[tilespmem:$0x18180] =	vst v63  }
0x6e5: {  	s20 =	simm.s32 $0x6180  }
0x6e6: {  	[tilespmem:s20], [sflag:$0x4] =	stream.indirect_vreg.gather [hbm4b:s2+s3], $0x80, v3, vm0, $0xb8;
	[tilespmem:$0x18180] =	vst v63  }
0x6e7: {  	s4 =	simm.s32 $0x6980  }
0x6e8: {  	[tilespmem:s4], [sflag:$0x4] =	stream.indirect_vreg.gather [hbm4b:s5+s3], $0x80, v3, vm0, $0xb8;
	[tilespmem:$0x18180] =	vst v63  }
0x6e9: {  	s18 =	simm.s32 $0x7180  }
0x6ea: {  	[tilespmem:s18], [sflag:$0x4] =	stream.indirect_vreg.gather [hbm4b:s6+s3], $0x80, v3, vm0, $0xb8;
	[tilespmem:$0x18180] =	vst v63  }
0x6eb: {  	s20 =	simm.s32 $0x7980  }
0x6ec: {  	[tilespmem:s20], [sflag:$0x4] =	stream.indirect_vreg.gather [hbm4b:s7+s3], $0x80, v3, vm0, $0xb8;
	[tilespmem:$0x18180] =	vst v63  }
0x6ed: {  	_ =	swait.ge [sflag:s26], $0x8000  }
0x6ee: {  	s4 =	sld [smem:$0x7F8]  }
0x6ef: {  	[sflag:s26] =	ssyncset.done $0x0  }
0x6f0: {  	s18 =	sld [smem:$0x7F9];
	[sflag:s26] =	ssyncadd.s32 $0xFFFF8000  }
0x6f1: {  	[hbm4b:s4+s3] =	stream.linear.scatter [tilespmem:s10], [sflag:$0x8], $0x8000, $0x38;
	[tilespmem:$0x18180] =	vst v63  }
0x6f2: {  	s21 =	simm.s32 $0x80  }
0x6f3: {  	[tilespmem:s21], [sflag:$0x2] =	stream.linear.gather [hbm4b:s18+s3], $0x80, $0x38;
	[tilespmem:$0x18180] =	vst v63  }
0x6f4: {  	_ =	swait.ge [sflag:s28], $0x8000  }
0x6f5: {  	[sflag:s28] =	ssyncset.done $0x0  }
0x6f6: {  	[sflag:s28] =	ssyncadd.s32 $0xFFFF8000  }
0x6f7: {  	_ =	swait.ge [sflag:s29], $0x80  }
0x6f8: {  	[sflag:s29] =	ssyncset.done $0x0  }
0x6f9: {  	[sflag:s29] =	ssyncadd.s32 $0xFFFFFF80  }
0x6fa: {  	v3 =	vld [tilespmem:$0x80];
	_ =	sdelay $0x4  }
0x6fb: {  	v62 =	vshll.u32 v3, $0x3  }
0x6fc: {  	v3 =	vand.u32 $0x7, v3;
	v4 =	vand.u32 $0xFFFFFFC0, v62  }
0x6fd: {  	v3 =	vor.u32 v3, v4  }
0x6fe: {  	v4 =	vperm.xlane v3, v0;
	_ =	sdelay $0x1  }
0x6ff: {  	v4 =	vadd.s32 v1, v4;
	_ =	sdelay $0x4  }
0x700: {  	[tilespmem:s10], [sflag:$0x5] =	stream.indirect_vreg.gather [hbm4b:s2+s3], $0x80, v4, vm0, $0xb8;
	[tilespmem:$0x18180] =	vst v63  }
0x701: {  	s23 =	simm.s32 $0x8980;
	v3 =	vperm.xlane v3, v2  }
0x702: {  	[tilespmem:s23], [sflag:$0x5] =	stream.indirect_vreg.gather [hbm4b:s5+s3], $0x80, v4, vm0, $0xb8;
	[tilespmem:$0x18180] =	vst v63  }
0x703: {  	s20 =	simm.s32 $0x9180;
	v3 =	vadd.s32 v1, v3  }
0x704: {  	[tilespmem:s20], [sflag:$0x5] =	stream.indirect_vreg.gather [hbm4b:s6+s3], $0x80, v4, vm0, $0xb8;
	[tilespmem:$0x18180] =	vst v63  }
0x705: {  	s21 =	simm.s32 $0x9980  }
0x706: {  	[tilespmem:s21], [sflag:$0x5] =	stream.indirect_vreg.gather [hbm4b:s7+s3], $0x80, v4, vm0, $0xb8;
	[tilespmem:$0x18180] =	vst v63  }
0x707: {  	s19 =	simm.s32 $0xA180  }
0x708: {  	[tilespmem:s19], [sflag:$0x5] =	stream.indirect_vreg.gather [hbm4b:s2+s3], $0x80, v3, vm0, $0xb8;
	[tilespmem:$0x18180] =	vst v63  }
0x709: {  	s23 =	simm.s32 $0xA980  }
0x70a: {  	[tilespmem:s23], [sflag:$0x5] =	stream.indirect_vreg.gather [hbm4b:s5+s3], $0x80, v3, vm0, $0xb8;
	[tilespmem:$0x18180] =	vst v63  }
0x70b: {  	s16 =	simm.s32 $0xB180  }
0x70c: {  	[tilespmem:s16], [sflag:$0x5] =	stream.indirect_vreg.gather [hbm4b:s6+s3], $0x80, v3, vm0, $0xb8;
	[tilespmem:$0x18180] =	vst v63  }
0x70d: {  	s4 =	simm.s32 $0xB980  }
0x70e: {  	[tilespmem:s4], [sflag:$0x5] =	stream.indirect_vreg.gather [hbm4b:s7+s3], $0x80, v3, vm0, $0xb8;
	[tilespmem:$0x18180] =	vst v63  }
0x70f: {  	v3 =	vld [tilespmem:$0x90];
	_ =	sdelay $0x4  }
0x710: {  	v63 =	vshll.u32 v3, $0x3  }
0x711: {  	v3 =	vand.u32 $0x7, v3;
	v4 =	vand.u32 $0xFFFFFFC0, v63  }
0x712: {  	v3 =	vor.u32 v3, v4  }
0x713: {  	v4 =	vperm.xlane v3, v0;
	_ =	sdelay $0x1  }
0x714: {  	v4 =	vadd.s32 v1, v4;
	_ =	sdelay $0x3  }
0x715: {  	s16 =	simm.s32 $0xC180  }
0x716: {  	[tilespmem:s16], [sflag:$0x5] =	stream.indirect_vreg.gather [hbm4b:s2+s3], $0x80, v4, vm0, $0xb8;
	[tilespmem:$0x18180] =	vst v63  }
0x717: {  	s18 =	simm.s32 $0xC980;
	v3 =	vperm.xlane v3, v2  }
0x718: {  	[tilespmem:s18], [sflag:$0x5] =	stream.indirect_vreg.gather [hbm4b:s5+s3], $0x80, v4, vm0, $0xb8;
	[tilespmem:$0x18180] =	vst v63  }
0x719: {  	s17 =	simm.s32 $0xD180;
	v3 =	vadd.s32 v1, v3  }
0x71a: {  	[tilespmem:s17], [sflag:$0x5] =	stream.indirect_vreg.gather [hbm4b:s6+s3], $0x80, v4, vm0, $0xb8;
	[tilespmem:$0x18180] =	vst v63  }
0x71b: {  	s15 =	simm.s32 $0xD980  }
0x71c: {  	[tilespmem:s15], [sflag:$0x5] =	stream.indirect_vreg.gather [hbm4b:s7+s3], $0x80, v4, vm0, $0xb8;
	[tilespmem:$0x18180] =	vst v63  }
0x71d: {  	s9 =	simm.s32 $0xE180  }
0x71e: {  	[tilespmem:s9], [sflag:$0x5] =	stream.indirect_vreg.gather [hbm4b:s2+s3], $0x80, v3, vm0, $0xb8;
	[tilespmem:$0x18180] =	vst v63  }
0x71f: {  	s12 =	simm.s32 $0xE980  }
0x720: {  	[tilespmem:s12], [sflag:$0x5] =	stream.indirect_vreg.gather [hbm4b:s5+s3], $0x80, v3, vm0, $0xb8;
	[tilespmem:$0x18180] =	vst v63  }
0x721: {  	s13 =	simm.s32 $0xF180  }
0x722: {  	[tilespmem:s13], [sflag:$0x5] =	stream.indirect_vreg.gather [hbm4b:s6+s3], $0x80, v3, vm0, $0xb8;
	[tilespmem:$0x18180] =	vst v63  }
0x723: {  	s14 =	simm.s32 $0xF980  }
0x724: {  	[tilespmem:s14], [sflag:$0x5] =	stream.indirect_vreg.gather [hbm4b:s7+s3], $0x80, v3, vm0, $0xb8;
	[tilespmem:$0x18180] =	vst v63  }
0x725: {  	_ =	swait.ge [sflag:s31], $0x8000  }
0x726: {  	s19 =	sld [smem:$0x7FA]  }
0x727: {  	[sflag:s31] =	ssyncset.done $0x0  }
0x728: {  	[sflag:s31] =	ssyncadd.s32 $0xFFFF8000  }
0x729: {  	[hbm4b:s19+s3] =	stream.linear.scatter [tilespmem:s8], [sflag:$0x9], $0x8000, $0x38;
	[tilespmem:$0x18180] =	vst v63  }
0x72a: {  	_ =	swait.ge [sflag:s24], $0x8000  }
0x72b: {  	s20 =	sld [smem:$0x7FB]  }
0x72c: {  	[sflag:s24] =	ssyncset.done $0x0  }
0x72d: {  	[sflag:s24] =	ssyncadd.s32 $0xFFFF8000  }
0x72e: {  	[hbm4b:s20+s3] =	stream.linear.scatter [tilespmem:s30], [sflag:$0x7], $0x8000, $0x38;
	[tilespmem:$0x18180] =	vst v63  }
0x72f: {  	_ =	swait.ge [sflag:s26], $0x8000  }
0x730: {  	s21 =	sld [smem:$0x7FD]  }
0x731: {  	[sflag:s26] =	ssyncset.done $0x0  }
0x732: {  	[sflag:s26] =	ssyncadd.s32 $0xFFFF8000  }
0x733: {  	[hbm4b:s21+s3] =	stream.linear.scatter [tilespmem:s10], [sflag:$0x8], $0x8000, $0x38;
	[tilespmem:$0x18180] =	vst v63  }
0x734: {  	s23 =	sld [smem:$0x7D9];
	_ =	swait.ge [sflag:s1], $0x8000  }
0x735: {  	[sflag:s1] =	ssyncset.done $0x0  }
0x736: {  	[sflag:s1] =	ssyncadd.s32 $0xFFFF8000  }
0x737: {  	p0 =	sne.s32 s23, $0x1;
	_ =	swait.ge [sflag:s25], $0x8000  }
.Ltmp0:
0x738: {  	[sflag:s25] =	ssyncset.done $0x0;
	(pc) =	sbr.rel @p0 .LBB2_1-.Ltmp0, $4  }
0x739: {  	[sflag:s25] =	ssyncadd.s32 $0xFFFF8000  }
0x73a: {  	_ =	swait.ge [sflag:s28], $0x8000  }
0x73b: {  	[sflag:s28] =	ssyncset.done $0x0  }
0x73c: {  	s0 =	sadd.s32 $0xFFFFFFFF, s23;
	[sflag:s28] =	ssyncadd.s32 $0xFFFF8000  }
0x73d: {  	_ =	sfence.sel $0x180000  }
0x73e: {  	[bflag:$0x0] =	sbarrier.arrive $0xFFFF  }
0x73f: {  	_ =	strace $0x90000047  }
0x740: {  	s0 =	stileid.u32;
	[bflag:$0x2] =	sbarrier.arrive $0xFFFF  }
0x741: {  	p0 =	sne.s32 s0, $0x0;
	s0 =	rddreg [dreg:$0x3]  }
0x742: {  	s0 =	sadd.s32 @!p0 $0x100000, s0  }
0x743: {  	[sflag:s0] =	ssyncadd.tile.s32 @!p0 $0x1;
	_ =	shalt  }
.Lfunc_end2:
_tile_overlayer_lowered:
.L_overlay_start_2:
0x744: {  	(tag) =	ssettag $0x2  }
0x745: {  	s0 =	rddreg [dreg:$0x0];
	s2 =	stileid.u32  }
0x746: {  	s1 =	rddreg [dreg:$0x1];
	p0 =	sne.s32 s2, $0x0  }
0x747: {  	s3 =	rddreg [dreg:$0x2];
	[bflag:$0x3] =	sbarrier.arrive $0xFFFF;
	s2 =	simm.s32 @!p0 $0x1C0A  }
0x748: {  	[timem:s3], [sflag:s2] =	dma.local @!p0 [hbm:s0], s1  }
0x749: {  	s0 =	simm.s32 @!p0 $0xA  }
0x74a: {  	_ =	swait.ge @!p0 [sflag:s0], s1  }
0x74b: {  	s1 =	ssub.s32 @!p0 $0x0, s1;
	[sflag:s0] =	ssyncset.done @!p0 $0x0  }
0x74c: {  	[sflag:s0] =	ssyncadd.s32 @!p0 s1  }
0x74d: {  	[bflag:$0x3] =	sbarrier.arrive $0xFFFF  }
0x74e: {  	_ =	shalt  }

</sc_bundles>
